<compile_context>
chip_gen: v7x
topology: tpu7x:2x2x1
jax: 0.10.2.dev20260603
libtpu: 0.0.44.dev20260713+nightly
codegen_flags: <defaults>
</compile_context>

<pallas_src>
import functools

import jax
import jax.numpy as jnp
from jax import lax
from jax.experimental import pallas as pl
from jax.experimental.pallas import tpu as pltpu
from jax.experimental.pallas import tpu_sc as plsc

N_NODES = 10000
N_EDGES = 320000
D = 128

NC = 2
NS = 16
B = 128
BH = 64
MCHT = 158
MC0_CNT = 103
MC0_PLAIN = 110
E_PAD = NS * MCHT * B
N_PAD = 10240
RPS = N_PAD // NS
ZCH = 64
CHUNKS = [(k * ZCH, ZCH) for k in range(RPS // ZCH)]
CW = 8


def _sc_agg_body(with_count, mc0, *refs):
    if with_count:
        (x_hbm, src_hbm, dst_hbm, z128_hbm, z8_hbm, ones_hbm,
         part_hbm, cntp_hbm,
         agg_sh, cnt_sh, idxs_v, idxd_v, rows_v, ones_v,
         sem, sem2, sem3, sem4) = refs
    else:
        (x_hbm, src_hbm, dst_hbm, z128_hbm,
         part_hbm,
         agg_sh, idxs_v, idxd_v, rows_v, ones_v,
         sem, sem2, sem3, sem4) = refs

    c = lax.axis_index("c")
    s = lax.axis_index("s")

    pltpu.sync_copy(z128_hbm, rows_v.at[0])
    for off, n in CHUNKS:
        pltpu.sync_copy(rows_v.at[0], agg_sh.at[pl.ds(s * RPS + off, n)])
    if with_count:
        pltpu.sync_copy(z8_hbm, ones_v)
        for off, n in CHUNKS:
            pltpu.sync_copy(ones_v, cnt_sh.at[pl.ds(s * RPS + off, n)])
        pltpu.sync_copy(ones_hbm, ones_v)

    mc1 = MCHT - mc0

    @pl.when(c == 0)
    def _():
        pltpu.sync_copy(src_hbm.at[s, pl.ds(0, 2 * mc0)],
                        idxs_v.at[pl.ds(0, 2 * mc0)])
        pltpu.sync_copy(dst_hbm.at[s, pl.ds(0, 2 * mc0)],
                        idxd_v.at[pl.ds(0, 2 * mc0)])

    @pl.when(c == 1)
    def _():
        pltpu.sync_copy(src_hbm.at[s, pl.ds(2 * mc0, 2 * mc1)],
                        idxs_v.at[pl.ds(0, 2 * mc1)])
        pltpu.sync_copy(dst_hbm.at[s, pl.ds(2 * mc0, 2 * mc1)],
                        idxd_v.at[pl.ds(0, 2 * mc1)])

    nch = lax.select(c == 0, mc0, mc1)

    plsc.subcore_barrier()

    def chunk(j, carry):
        h0 = 2 * j
        d0 = pltpu.async_copy(x_hbm.at[idxs_v.at[h0]], rows_v.at[0], sem)
        d1 = pltpu.async_copy(x_hbm.at[idxs_v.at[h0 + 1]], rows_v.at[1], sem2)
        d0.wait()
        d1.wait()
        e0 = pltpu.async_copy(
            rows_v.at[0], agg_sh.at[idxd_v.at[h0]], sem3, add=True)
        e1 = pltpu.async_copy(
            rows_v.at[1], agg_sh.at[idxd_v.at[h0 + 1]], sem4, add=True)
        e0.wait()
        e1.wait()
        if with_count:
            pltpu.sync_copy(ones_v, cnt_sh.at[idxd_v.at[h0]], add=True)
            pltpu.sync_copy(ones_v, cnt_sh.at[idxd_v.at[h0 + 1]], add=True)
        return carry

    lax.fori_loop(0, nch, chunk, 0)

    plsc.subcore_barrier()

    for off, n in CHUNKS:
        r0 = s * RPS + off
        pltpu.sync_copy(agg_sh.at[pl.ds(r0, n)], rows_v.at[0])
        pltpu.sync_copy(rows_v.at[0], part_hbm.at[c, pl.ds(r0, n)])
        if with_count:
            pltpu.sync_copy(cnt_sh.at[pl.ds(r0, n)], ones_v)
            pltpu.sync_copy(ones_v, cntp_hbm.at[c, pl.ds(r0, n)])


def _make_sc_agg(with_count):
    mesh = plsc.VectorSubcoreMesh(
        core_axis_name="c", subcore_axis_name="s",
        num_cores=NC, num_subcores=NS)
    mc0 = MC0_CNT if with_count else MC0_PLAIN
    mcx = max(mc0, MCHT - mc0)
    if with_count:
        out_type = (
            jax.ShapeDtypeStruct((NC, N_PAD, D), jnp.float32),
            jax.ShapeDtypeStruct((NC, N_PAD, CW), jnp.float32),
        )
        scratch = [
            pltpu.VMEM_SHARED((N_PAD, D), jnp.float32),
            pltpu.VMEM_SHARED((N_PAD, CW), jnp.float32),
            pltpu.VMEM((2 * mcx, BH), jnp.int32),
            pltpu.VMEM((2 * mcx, BH), jnp.int32),
            pltpu.VMEM((2, BH, D), jnp.float32),
            pltpu.VMEM((ZCH, CW), jnp.float32),
        ] + [pltpu.SemaphoreType.DMA] * 4
    else:
        out_type = jax.ShapeDtypeStruct((NC, N_PAD, D), jnp.float32)
        scratch = [
            pltpu.VMEM_SHARED((N_PAD, D), jnp.float32),
            pltpu.VMEM((2 * mcx, BH), jnp.int32),
            pltpu.VMEM((2 * mcx, BH), jnp.int32),
            pltpu.VMEM((2, BH, D), jnp.float32),
            pltpu.VMEM((ZCH, CW), jnp.float32),
        ] + [pltpu.SemaphoreType.DMA] * 4
    return pl.kernel(
        functools.partial(_sc_agg_body, with_count, mc0),
        out_type=out_type, mesh=mesh, scratch_types=scratch,
        compiler_params=pltpu.CompilerParams(use_tc_tiling_on_sc=False),
        name=f"sage_sc_agg_cnt{int(with_count)}")


_R = 1000


def _tc_dense_body(p0, p1, c0, c1, x, wl, wr, b, o):
    agg = p0[0] + p1[0]
    cnt = c0[0][:, 0:1] + c1[0][:, 0:1]
    inv = 1.0 / jnp.maximum(cnt, 1.0)
    g = jnp.dot(agg, wl[...], preferred_element_type=jnp.float32)
    h = jnp.dot(x[...], wr[...], preferred_element_type=jnp.float32)
    o[...] = jnp.maximum(g * inv + h + b[...], 0.0)


def _tc_dense(part, cntp, x, wl, wr, b):
    grid = (N_NODES // _R,)
    p0 = pl.BlockSpec((1, _R, D), lambda i: (0, i, 0))
    p1 = pl.BlockSpec((1, _R, D), lambda i: (1, i, 0))
    c0 = pl.BlockSpec((1, _R, CW), lambda i: (0, i, 0))
    c1 = pl.BlockSpec((1, _R, CW), lambda i: (1, i, 0))
    row = pl.BlockSpec((_R, D), lambda i: (i, 0))
    full = pl.BlockSpec((D, D), lambda i: (0, 0))
    bias = pl.BlockSpec((1, D), lambda i: (0, 0))
    return pl.pallas_call(
        _tc_dense_body,
        grid=grid,
        in_specs=[p0, p1, c0, c1, row, full, full, bias],
        out_specs=row,
        out_shape=jax.ShapeDtypeStruct((N_NODES, D), jnp.float32),
    )(part, part, cntp, cntp, x, wl, wr, b.reshape(1, D))


def kernel(x, edge_index, Wl1, Wr1, b1, Wl2, Wr2, b2):
    n_extra = E_PAD - N_EDGES
    src = edge_index[0].astype(jnp.int32)
    dst = edge_index[1].astype(jnp.int32)
    src = jnp.concatenate([src, jnp.zeros((n_extra,), jnp.int32)])
    pad_dst = N_NODES + (jnp.arange(n_extra, dtype=jnp.int32) % (N_PAD - N_NODES))
    dst = jnp.concatenate([dst, pad_dst])
    src = src.reshape(NS, 2 * MCHT, BH)
    dst = dst.reshape(NS, 2 * MCHT, BH)
    x = x.astype(jnp.float32)
    z128 = jnp.zeros((ZCH, D), jnp.float32)
    z8 = jnp.zeros((ZCH, CW), jnp.float32)
    ones = jnp.ones((BH, CW), jnp.float32)

    part1, cntp = _make_sc_agg(True)(x, src, dst, z128, z8, ones)
    h = _tc_dense(part1, cntp, x, Wl1, Wr1, b1)
    part2 = _make_sc_agg(False)(h, src, dst, z128)
    out = _tc_dense(part2, cntp, h, Wl2, Wr2, b2)
    return out

# --- scband reference (transcript-rebuilt; emitter-appended) ---
"""Pipeline reference for scband-sage-backbone-52312701665403 (READ-ONLY COPY).

The authoritative reference and input builder live on the scoring server;
editing this copy changes nothing except your own understanding.
"""

import jax, jax.numpy as jnp
import numpy as np

N_NODES = 10000
N_EDGES = 320000
D_IN = 128
D_HID = 128


def sage_conv(x, src, dst, Wl, Wr, b, n_nodes):
    # PyG SAGEConv (mean aggr): out = lin_l(mean_{j in N(i)} x_j) + lin_r(x_i)
    msg = x[src]  # gather source node features per edge
    agg = jax.ops.segment_sum(msg, dst, num_segments=n_nodes)
    cnt = jax.ops.segment_sum(jnp.ones((src.shape[0], 1), dtype=x.dtype), dst, num_segments=n_nodes)
    mean = agg / jnp.maximum(cnt, 1.0)
    return mean @ Wl + x @ Wr + b


def setup_inputs(seed: int = 0) -> dict:
    key = jax.random.key(seed)
    k1, k2, k3, k4, k5, k6, k7, k8 = jax.random.split(key, 8)
    x = jax.random.normal(k1, (N_NODES, D_IN), dtype=jnp.float32)
    edge_index = jax.random.randint(k2, (2, N_EDGES), 0, N_NODES, dtype=jnp.int64)
    Wl1 = jax.random.normal(k3, (D_IN, D_HID), dtype=jnp.float32) * 0.05
    Wr1 = jax.random.normal(k4, (D_IN, D_HID), dtype=jnp.float32) * 0.05
    b1 = jax.random.normal(k5, (D_HID,), dtype=jnp.float32) * 0.05
    Wl2 = jax.random.normal(k6, (D_HID, D_HID), dtype=jnp.float32) * 0.05
    Wr2 = jax.random.normal(k7, (D_HID, D_HID), dtype=jnp.float32) * 0.05
    b2 = jax.random.normal(k8, (D_HID,), dtype=jnp.float32) * 0.05
    return {"x": x, "edge_index": edge_index, "Wl1": Wl1, "Wr1": Wr1, "b1": b1, "Wl2": Wl2, "Wr2": Wr2, "b2": b2}


def reference(x, edge_index, Wl1, Wr1, b1, Wl2, Wr2, b2):
    src = edge_index[0]
    dst = edge_index[1]
    h = sage_conv(x.astype(jnp.float32), src, dst, Wl1, Wr1, b1, N_NODES)
    h = jax.nn.relu(h)
    h = sage_conv(h, src, dst, Wl2, Wr2, b2, N_NODES)
    h = jax.nn.relu(h)
    return h

if __name__ == "__main__":
    import jax
    _d = setup_inputs()
    print(jax.jit(kernel)(*tuple(_d.values())))

</pallas_src>

<mosaic_0001>
#map = affine_map<(d0, d1) -> (0, 0)>
#map1 = affine_map<(d0, d1) -> (0, 0, 0)>
module attributes {stable_mosaic.version = 14 : i64} {
  func.func @sage_sc_agg_cnt0(%arg0: i32, %arg1: i32, %arg2: memref<10000x128xf32, #tpu.memory_space<hbm>>, %arg3: memref<16x316x64xi32, #tpu.memory_space<hbm>>, %arg4: memref<16x316x64xi32, #tpu.memory_space<hbm>>, %arg5: memref<64x128xf32, #tpu.memory_space<hbm>>, %arg6: memref<2x10240x128xf32, #tpu.memory_space<hbm>>, %arg7: memref<10240x128xf32, #tpu.memory_space<vmem_shared>>, %arg8: memref<220x64xi32, #tpu.memory_space<vmem>>, %arg9: memref<220x64xi32, #tpu.memory_space<vmem>>, %arg10: memref<2x64x128xf32, #tpu.memory_space<vmem>>, %arg11: memref<64x8xf32, #tpu.memory_space<vmem>>, %arg12: memref<!tpu.dma_semaphore, #tpu.memory_space<semaphore_mem>>, %arg13: memref<!tpu.dma_semaphore, #tpu.memory_space<semaphore_mem>>, %arg14: memref<!tpu.dma_semaphore, #tpu.memory_space<semaphore_mem>>, %arg15: memref<!tpu.dma_semaphore, #tpu.memory_space<semaphore_mem>>) attributes {dimension_semantics = [#tpu.dimension_semantics<core_parallel>, #tpu.dimension_semantics<subcore_parallel>], iteration_bounds = array<i64: 2, 16>, scalar_prefetch = 0 : i64, scratch_operands = 9 : i64, tpu.core_type = #tpu.core_type<sc_vector_subcore>, window_params = [{transform_indices = #map}, {transform_indices = #map1}, {transform_indices = #map1}, {transform_indices = #map}, {transform_indices = #map1}]} {
    %run_scoped3A = arith.constant 0 : i32
    "tpu.region"() ({
      %run_scoped3A_129 = tpu.sem_alloc : memref<!tpu.dma_semaphore, #tpu.memory_space<semaphore_mem>>
      %dma_start3A = arith.constant 0 : i32
      %dma_start3A_130 = arith.constant 0 : i32
      %dma_start3A_131 = tpu.memref_slice %arg10[%run_scoped3A, %dma_start3A, %dma_start3A_130] : memref<2x64x128xf32, #tpu.memory_space<vmem>> -> memref<1x64x128xf32, #tpu.memory_space<vmem>>
      %dma_start3A_132 = tpu.memref_squeeze %dma_start3A_131 : memref<1x64x128xf32, #tpu.memory_space<vmem>> -> memref<64x128xf32, #tpu.memory_space<vmem>>
      %dma_start3A_133 = arith.constant 0 : i32
      %dma_start3A_134 = arith.constant 0 : i32
      %dma_start3A_135 = tpu.memref_slice %arg10[%run_scoped3A, %dma_start3A_133, %dma_start3A_134] : memref<2x64x128xf32, #tpu.memory_space<vmem>> -> memref<1x64x128xf32, #tpu.memory_space<vmem>>
      %dma_start3A_136 = tpu.memref_squeeze %dma_start3A_135 : memref<1x64x128xf32, #tpu.memory_space<vmem>> -> memref<64x128xf32, #tpu.memory_space<vmem>>
      tpu.enqueue_dma source(%arg5 : memref<64x128xf32, #tpu.memory_space<hbm>>) target(%dma_start3A_136 : memref<64x128xf32, #tpu.memory_space<vmem>>) target_semaphore(%run_scoped3A_129 : memref<!tpu.dma_semaphore, #tpu.memory_space<semaphore_mem>>)
      %dma_wait3A = arith.constant 0 : i32
      %dma_wait3A_137 = arith.constant 0 : i32
      %dma_wait3A_138 = tpu.memref_slice %arg10[%run_scoped3A, %dma_wait3A, %dma_wait3A_137] : memref<2x64x128xf32, #tpu.memory_space<vmem>> -> memref<1x64x128xf32, #tpu.memory_space<vmem>>
      %dma_wait3A_139 = tpu.memref_squeeze %dma_wait3A_138 : memref<1x64x128xf32, #tpu.memory_space<vmem>> -> memref<64x128xf32, #tpu.memory_space<vmem>>
      %dma_wait3A_140 = arith.constant 0 : i32
      %dma_wait3A_141 = arith.constant 0 : i32
      %dma_wait3A_142 = tpu.memref_slice %arg10[%run_scoped3A, %dma_wait3A_140, %dma_wait3A_141] : memref<2x64x128xf32, #tpu.memory_space<vmem>> -> memref<1x64x128xf32, #tpu.memory_space<vmem>>
      %dma_wait3A_143 = tpu.memref_squeeze %dma_wait3A_142 : memref<1x64x128xf32, #tpu.memory_space<vmem>> -> memref<64x128xf32, #tpu.memory_space<vmem>>
      tpu.wait_dma2 semaphore(%run_scoped3A_129 : memref<!tpu.dma_semaphore, #tpu.memory_space<semaphore_mem>>) src(%arg5 : memref<64x128xf32, #tpu.memory_space<hbm>>) dst(%dma_wait3A_143 : memref<64x128xf32, #tpu.memory_space<vmem>>)
      tpu.yield
    }) : () -> ()
    %mul3A = arith.constant 640 : i32
    %mul3A_0 = arith.muli %arg1, %mul3A : i32
    %add3A = arith.constant 0 : i32
    %add3A_1 = arith.addi %mul3A_0, %add3A : i32
    %run_scoped3A_2 = arith.constant 0 : i32
    "tpu.region"() ({
      %run_scoped3A_129 = tpu.sem_alloc : memref<!tpu.dma_semaphore, #tpu.memory_space<semaphore_mem>>
      %dma_start3A = arith.constant 0 : i32
      %dma_start3A_130 = arith.constant 0 : i32
      %dma_start3A_131 = tpu.memref_slice %arg10[%run_scoped3A_2, %dma_start3A, %dma_start3A_130] : memref<2x64x128xf32, #tpu.memory_space<vmem>> -> memref<1x64x128xf32, #tpu.memory_space<vmem>>
      %dma_start3A_132 = tpu.memref_squeeze %dma_start3A_131 : memref<1x64x128xf32, #tpu.memory_space<vmem>> -> memref<64x128xf32, #tpu.memory_space<vmem>>
      %dma_start3A_133 = arith.constant 0 : i32
      %dma_start3A_134 = tpu.memref_slice %arg7[%add3A_1, %dma_start3A_133] : memref<10240x128xf32, #tpu.memory_space<vmem_shared>> -> memref<64x128xf32, #tpu.memory_space<vmem_shared>>
      %dma_start3A_135 = arith.constant 0 : i32
      %dma_start3A_136 = tpu.memref_slice %arg7[%add3A_1, %dma_start3A_135] : memref<10240x128xf32, #tpu.memory_space<vmem_shared>> -> memref<64x128xf32, #tpu.memory_space<vmem_shared>>
      %dma_start3A_137 = arith.constant 0 : i32
      %dma_start3A_138 = arith.constant 0 : i32
      %dma_start3A_139 = tpu.memref_slice %arg10[%run_scoped3A_2, %dma_start3A_137, %dma_start3A_138] : memref<2x64x128xf32, #tpu.memory_space<vmem>> -> memref<1x64x128xf32, #tpu.memory_space<vmem>>
      %dma_start3A_140 = tpu.memref_squeeze %dma_start3A_139 : memref<1x64x128xf32, #tpu.memory_space<vmem>> -> memref<64x128xf32, #tpu.memory_space<vmem>>
      tpu.enqueue_dma source(%dma_start3A_140 : memref<64x128xf32, #tpu.memory_space<vmem>>) target(%dma_start3A_136 : memref<64x128xf32, #tpu.memory_space<vmem_shared>>) target_semaphore(%run_scoped3A_129 : memref<!tpu.dma_semaphore, #tpu.memory_space<semaphore_mem>>)
      %dma_wait3A = arith.constant 0 : i32
      %dma_wait3A_141 = arith.constant 0 : i32
      %dma_wait3A_142 = tpu.memref_slice %arg10[%run_scoped3A_2, %dma_wait3A, %dma_wait3A_141] : memref<2x64x128xf32, #tpu.memory_space<vmem>> -> memref<1x64x128xf32, #tpu.memory_space<vmem>>
      %dma_wait3A_143 = tpu.memref_squeeze %dma_wait3A_142 : memref<1x64x128xf32, #tpu.memory_space<vmem>> -> memref<64x128xf32, #tpu.memory_space<vmem>>
      %dma_wait3A_144 = arith.constant 0 : i32
      %dma_wait3A_145 = tpu.memref_slice %arg7[%add3A_1, %dma_wait3A_144] : memref<10240x128xf32, #tpu.memory_space<vmem_shared>> -> memref<64x128xf32, #tpu.memory_space<vmem_shared>>
      %dma_wait3A_146 = arith.constant 0 : i32
      %dma_wait3A_147 = tpu.memref_slice %arg7[%add3A_1, %dma_wait3A_146] : memref<10240x128xf32, #tpu.memory_space<vmem_shared>> -> memref<64x128xf32, #tpu.memory_space<vmem_shared>>
      %dma_wait3A_148 = arith.constant 0 : i32
      %dma_wait3A_149 = arith.constant 0 : i32
      %dma_wait3A_150 = tpu.memref_slice %arg10[%run_scoped3A_2, %dma_wait3A_148, %dma_wait3A_149] : memref<2x64x128xf32, #tpu.memory_space<vmem>> -> memref<1x64x128xf32, #tpu.memory_space<vmem>>
      %dma_wait3A_151 = tpu.memref_squeeze %dma_wait3A_150 : memref<1x64x128xf32, #tpu.memory_space<vmem>> -> memref<64x128xf32, #tpu.memory_space<vmem>>
      tpu.wait_dma2 semaphore(%run_scoped3A_129 : memref<!tpu.dma_semaphore, #tpu.memory_space<semaphore_mem>>) src(%dma_wait3A_151 : memref<64x128xf32, #tpu.memory_space<vmem>>) dst(%dma_wait3A_147 : memref<64x128xf32, #tpu.memory_space<vmem_shared>>)
      tpu.yield
    }) : () -> ()
    %mul3A_3 = arith.constant 640 : i32
    %mul3A_4 = arith.muli %arg1, %mul3A_3 : i32
    %add3A_5 = arith.constant 64 : i32
    %add3A_6 = arith.addi %mul3A_4, %add3A_5 : i32
    %run_scoped3A_7 = arith.constant 0 : i32
    "tpu.region"() ({
      %run_scoped3A_129 = tpu.sem_alloc : memref<!tpu.dma_semaphore, #tpu.memory_space<semaphore_mem>>
      %dma_start3A = arith.constant 0 : i32
      %dma_start3A_130 = arith.constant 0 : i32
      %dma_start3A_131 = tpu.memref_slice %arg10[%run_scoped3A_7, %dma_start3A, %dma_start3A_130] : memref<2x64x128xf32, #tpu.memory_space<vmem>> -> memref<1x64x128xf32, #tpu.memory_space<vmem>>
      %dma_start3A_132 = tpu.memref_squeeze %dma_start3A_131 : memref<1x64x128xf32, #tpu.memory_space<vmem>> -> memref<64x128xf32, #tpu.memory_space<vmem>>
      %dma_start3A_133 = arith.constant 0 : i32
      %dma_start3A_134 = tpu.memref_slice %arg7[%add3A_6, %dma_start3A_133] : memref<10240x128xf32, #tpu.memory_space<vmem_shared>> -> memref<64x128xf32, #tpu.memory_space<vmem_shared>>
      %dma_start3A_135 = arith.constant 0 : i32
      %dma_start3A_136 = tpu.memref_slice %arg7[%add3A_6, %dma_start3A_135] : memref<10240x128xf32, #tpu.memory_space<vmem_shared>> -> memref<64x128xf32, #tpu.memory_space<vmem_shared>>
      %dma_start3A_137 = arith.constant 0 : i32
      %dma_start3A_138 = arith.constant 0 : i32
      %dma_start3A_139 = tpu.memref_slice %arg10[%run_scoped3A_7, %dma_start3A_137, %dma_start3A_138] : memref<2x64x128xf32, #tpu.memory_space<vmem>> -> memref<1x64x128xf32, #tpu.memory_space<vmem>>
      %dma_start3A_140 = tpu.memref_squeeze %dma_start3A_139 : memref<1x64x128xf32, #tpu.memory_space<vmem>> -> memref<64x128xf32, #tpu.memory_space<vmem>>
      tpu.enqueue_dma source(%dma_start3A_140 : memref<64x128xf32, #tpu.memory_space<vmem>>) target(%dma_start3A_136 : memref<64x128xf32, #tpu.memory_space<vmem_shared>>) target_semaphore(%run_scoped3A_129 : memref<!tpu.dma_semaphore, #tpu.memory_space<semaphore_mem>>)
      %dma_wait3A = arith.constant 0 : i32
      %dma_wait3A_141 = arith.constant 0 : i32
      %dma_wait3A_142 = tpu.memref_slice %arg10[%run_scoped3A_7, %dma_wait3A, %dma_wait3A_141] : memref<2x64x128xf32, #tpu.memory_space<vmem>> -> memref<1x64x128xf32, #tpu.memory_space<vmem>>
      %dma_wait3A_143 = tpu.memref_squeeze %dma_wait3A_142 : memref<1x64x128xf32, #tpu.memory_space<vmem>> -> memref<64x128xf32, #tpu.memory_space<vmem>>
      %dma_wait3A_144 = arith.constant 0 : i32
      %dma_wait3A_145 = tpu.memref_slice %arg7[%add3A_6, %dma_wait3A_144] : memref<10240x128xf32, #tpu.memory_space<vmem_shared>> -> memref<64x128xf32, #tpu.memory_space<vmem_shared>>
      %dma_wait3A_146 = arith.constant 0 : i32
      %dma_wait3A_147 = tpu.memref_slice %arg7[%add3A_6, %dma_wait3A_146] : memref<10240x128xf32, #tpu.memory_space<vmem_shared>> -> memref<64x128xf32, #tpu.memory_space<vmem_shared>>
      %dma_wait3A_148 = arith.constant 0 : i32
      %dma_wait3A_149 = arith.constant 0 : i32
      %dma_wait3A_150 = tpu.memref_slice %arg10[%run_scoped3A_7, %dma_wait3A_148, %dma_wait3A_149] : memref<2x64x128xf32, #tpu.memory_space<vmem>> -> memref<1x64x128xf32, #tpu.memory_space<vmem>>
      %dma_wait3A_151 = tpu.memref_squeeze %dma_wait3A_150 : memref<1x64x128xf32, #tpu.memory_space<vmem>> -> memref<64x128xf32, #tpu.memory_space<vmem>>
      tpu.wait_dma2 semaphore(%run_scoped3A_129 : memref<!tpu.dma_semaphore, #tpu.memory_space<semaphore_mem>>) src(%dma_wait3A_151 : memref<64x128xf32, #tpu.memory_space<vmem>>) dst(%dma_wait3A_147 : memref<64x128xf32, #tpu.memory_space<vmem_shared>>)
      tpu.yield
    }) : () -> ()
    %mul3A_8 = arith.constant 640 : i32
    %mul3A_9 = arith.muli %arg1, %mul3A_8 : i32
    %add3A_10 = arith.constant 128 : i32
    %add3A_11 = arith.addi %mul3A_9, %add3A_10 : i32
    %run_scoped3A_12 = arith.constant 0 : i32
    "tpu.region"() ({
      %run_scoped3A_129 = tpu.sem_alloc : memref<!tpu.dma_semaphore, #tpu.memory_space<semaphore_mem>>
      %dma_start3A = arith.constant 0 : i32
      %dma_start3A_130 = arith.constant 0 : i32
      %dma_start3A_131 = tpu.memref_slice %arg10[%run_scoped3A_12, %dma_start3A, %dma_start3A_130] : memref<2x64x128xf32, #tpu.memory_space<vmem>> -> memref<1x64x128xf32, #tpu.memory_space<vmem>>
      %dma_start3A_132 = tpu.memref_squeeze %dma_start3A_131 : memref<1x64x128xf32, #tpu.memory_space<vmem>> -> memref<64x128xf32, #tpu.memory_space<vmem>>
      %dma_start3A_133 = arith.constant 0 : i32
      %dma_start3A_134 = tpu.memref_slice %arg7[%add3A_11, %dma_start3A_133] : memref<10240x128xf32, #tpu.memory_space<vmem_shared>> -> memref<64x128xf32, #tpu.memory_space<vmem_shared>>
      %dma_start3A_135 = arith.constant 0 : i32
      %dma_start3A_136 = tpu.memref_slice %arg7[%add3A_11, %dma_start3A_135] : memref<10240x128xf32, #tpu.memory_space<vmem_shared>> -> memref<64x128xf32, #tpu.memory_space<vmem_shared>>
      %dma_start3A_137 = arith.constant 0 : i32
      %dma_start3A_138 = arith.constant 0 : i32
      %dma_start3A_139 = tpu.memref_slice %arg10[%run_scoped3A_12, %dma_start3A_137, %dma_start3A_138] : memref<2x64x128xf32, #tpu.memory_space<vmem>> -> memref<1x64x128xf32, #tpu.memory_space<vmem>>
      %dma_start3A_140 = tpu.memref_squeeze %dma_start3A_139 : memref<1x64x128xf32, #tpu.memory_space<vmem>> -> memref<64x128xf32, #tpu.memory_space<vmem>>
      tpu.enqueue_dma source(%dma_start3A_140 : memref<64x128xf32, #tpu.memory_space<vmem>>) target(%dma_start3A_136 : memref<64x128xf32, #tpu.memory_space<vmem_shared>>) target_semaphore(%run_scoped3A_129 : memref<!tpu.dma_semaphore, #tpu.memory_space<semaphore_mem>>)
      %dma_wait3A = arith.constant 0 : i32
      %dma_wait3A_141 = arith.constant 0 : i32
      %dma_wait3A_142 = tpu.memref_slice %arg10[%run_scoped3A_12, %dma_wait3A, %dma_wait3A_141] : memref<2x64x128xf32, #tpu.memory_space<vmem>> -> memref<1x64x128xf32, #tpu.memory_space<vmem>>
      %dma_wait3A_143 = tpu.memref_squeeze %dma_wait3A_142 : memref<1x64x128xf32, #tpu.memory_space<vmem>> -> memref<64x128xf32, #tpu.memory_space<vmem>>
      %dma_wait3A_144 = arith.constant 0 : i32
      %dma_wait3A_145 = tpu.memref_slice %arg7[%add3A_11, %dma_wait3A_144] : memref<10240x128xf32, #tpu.memory_space<vmem_shared>> -> memref<64x128xf32, #tpu.memory_space<vmem_shared>>
      %dma_wait3A_146 = arith.constant 0 : i32
      %dma_wait3A_147 = tpu.memref_slice %arg7[%add3A_11, %dma_wait3A_146] : memref<10240x128xf32, #tpu.memory_space<vmem_shared>> -> memref<64x128xf32, #tpu.memory_space<vmem_shared>>
      %dma_wait3A_148 = arith.constant 0 : i32
      %dma_wait3A_149 = arith.constant 0 : i32
      %dma_wait3A_150 = tpu.memref_slice %arg10[%run_scoped3A_12, %dma_wait3A_148, %dma_wait3A_149] : memref<2x64x128xf32, #tpu.memory_space<vmem>> -> memref<1x64x128xf32, #tpu.memory_space<vmem>>
      %dma_wait3A_151 = tpu.memref_squeeze %dma_wait3A_150 : memref<1x64x128xf32, #tpu.memory_space<vmem>> -> memref<64x128xf32, #tpu.memory_space<vmem>>
      tpu.wait_dma2 semaphore(%run_scoped3A_129 : memref<!tpu.dma_semaphore, #tpu.memory_space<semaphore_mem>>) src(%dma_wait3A_151 : memref<64x128xf32, #tpu.memory_space<vmem>>) dst(%dma_wait3A_147 : memref<64x128xf32, #tpu.memory_space<vmem_shared>>)
      tpu.yield
    }) : () -> ()
    %mul3A_13 = arith.constant 640 : i32
    %mul3A_14 = arith.muli %arg1, %mul3A_13 : i32
    %add3A_15 = arith.constant 192 : i32
    %add3A_16 = arith.addi %mul3A_14, %add3A_15 : i32
    %run_scoped3A_17 = arith.constant 0 : i32
    "tpu.region"() ({
      %run_scoped3A_129 = tpu.sem_alloc : memref<!tpu.dma_semaphore, #tpu.memory_space<semaphore_mem>>
      %dma_start3A = arith.constant 0 : i32
      %dma_start3A_130 = arith.constant 0 : i32
      %dma_start3A_131 = tpu.memref_slice %arg10[%run_scoped3A_17, %dma_start3A, %dma_start3A_130] : memref<2x64x128xf32, #tpu.memory_space<vmem>> -> memref<1x64x128xf32, #tpu.memory_space<vmem>>
      %dma_start3A_132 = tpu.memref_squeeze %dma_start3A_131 : memref<1x64x128xf32, #tpu.memory_space<vmem>> -> memref<64x128xf32, #tpu.memory_space<vmem>>
      %dma_start3A_133 = arith.constant 0 : i32
      %dma_start3A_134 = tpu.memref_slice %arg7[%add3A_16, %dma_start3A_133] : memref<10240x128xf32, #tpu.memory_space<vmem_shared>> -> memref<64x128xf32, #tpu.memory_space<vmem_shared>>
      %dma_start3A_135 = arith.constant 0 : i32
      %dma_start3A_136 = tpu.memref_slice %arg7[%add3A_16, %dma_start3A_135] : memref<10240x128xf32, #tpu.memory_space<vmem_shared>> -> memref<64x128xf32, #tpu.memory_space<vmem_shared>>
      %dma_start3A_137 = arith.constant 0 : i32
      %dma_start3A_138 = arith.constant 0 : i32
      %dma_start3A_139 = tpu.memref_slice %arg10[%run_scoped3A_17, %dma_start3A_137, %dma_start3A_138] : memref<2x64x128xf32, #tpu.memory_space<vmem>> -> memref<1x64x128xf32, #tpu.memory_space<vmem>>
      %dma_start3A_140 = tpu.memref_squeeze %dma_start3A_139 : memref<1x64x128xf32, #tpu.memory_space<vmem>> -> memref<64x128xf32, #tpu.memory_space<vmem>>
      tpu.enqueue_dma source(%dma_start3A_140 : memref<64x128xf32, #tpu.memory_space<vmem>>) target(%dma_start3A_136 : memref<64x128xf32, #tpu.memory_space<vmem_shared>>) target_semaphore(%run_scoped3A_129 : memref<!tpu.dma_semaphore, #tpu.memory_space<semaphore_mem>>)
      %dma_wait3A = arith.constant 0 : i32
      %dma_wait3A_141 = arith.constant 0 : i32
      %dma_wait3A_142 = tpu.memref_slice %arg10[%run_scoped3A_17, %dma_wait3A, %dma_wait3A_141] : memref<2x64x128xf32, #tpu.memory_space<vmem>> -> memref<1x64x128xf32, #tpu.memory_space<vmem>>
      %dma_wait3A_143 = tpu.memref_squeeze %dma_wait3A_142 : memref<1x64x128xf32, #tpu.memory_space<vmem>> -> memref<64x128xf32, #tpu.memory_space<vmem>>
      %dma_wait3A_144 = arith.constant 0 : i32
      %dma_wait3A_145 = tpu.memref_slice %arg7[%add3A_16, %dma_wait3A_144] : memref<10240x128xf32, #tpu.memory_space<vmem_shared>> -> memref<64x128xf32, #tpu.memory_space<vmem_shared>>
      %dma_wait3A_146 = arith.constant 0 : i32
      %dma_wait3A_147 = tpu.memref_slice %arg7[%add3A_16, %dma_wait3A_146] : memref<10240x128xf32, #tpu.memory_space<vmem_shared>> -> memref<64x128xf32, #tpu.memory_space<vmem_shared>>
      %dma_wait3A_148 = arith.constant 0 : i32
      %dma_wait3A_149 = arith.constant 0 : i32
      %dma_wait3A_150 = tpu.memref_slice %arg10[%run_scoped3A_17, %dma_wait3A_148, %dma_wait3A_149] : memref<2x64x128xf32, #tpu.memory_space<vmem>> -> memref<1x64x128xf32, #tpu.memory_space<vmem>>
      %dma_wait3A_151 = tpu.memref_squeeze %dma_wait3A_150 : memref<1x64x128xf32, #tpu.memory_space<vmem>> -> memref<64x128xf32, #tpu.memory_space<vmem>>
      tpu.wait_dma2 semaphore(%run_scoped3A_129 : memref<!tpu.dma_semaphore, #tpu.memory_space<semaphore_mem>>) src(%dma_wait3A_151 : memref<64x128xf32, #tpu.memory_space<vmem>>) dst(%dma_wait3A_147 : memref<64x128xf32, #tpu.memory_space<vmem_shared>>)
      tpu.yield
    }) : () -> ()
    %mul3A_18 = arith.constant 640 : i32
    %mul3A_19 = arith.muli %arg1, %mul3A_18 : i32
    %add3A_20 = arith.constant 256 : i32
    %add3A_21 = arith.addi %mul3A_19, %add3A_20 : i32
    %run_scoped3A_22 = arith.constant 0 : i32
    "tpu.region"() ({
      %run_scoped3A_129 = tpu.sem_alloc : memref<!tpu.dma_semaphore, #tpu.memory_space<semaphore_mem>>
      %dma_start3A = arith.constant 0 : i32
      %dma_start3A_130 = arith.constant 0 : i32
      %dma_start3A_131 = tpu.memref_slice %arg10[%run_scoped3A_22, %dma_start3A, %dma_start3A_130] : memref<2x64x128xf32, #tpu.memory_space<vmem>> -> memref<1x64x128xf32, #tpu.memory_space<vmem>>
      %dma_start3A_132 = tpu.memref_squeeze %dma_start3A_131 : memref<1x64x128xf32, #tpu.memory_space<vmem>> -> memref<64x128xf32, #tpu.memory_space<vmem>>
      %dma_start3A_133 = arith.constant 0 : i32
      %dma_start3A_134 = tpu.memref_slice %arg7[%add3A_21, %dma_start3A_133] : memref<10240x128xf32, #tpu.memory_space<vmem_shared>> -> memref<64x128xf32, #tpu.memory_space<vmem_shared>>
      %dma_start3A_135 = arith.constant 0 : i32
      %dma_start3A_136 = tpu.memref_slice %arg7[%add3A_21, %dma_start3A_135] : memref<10240x128xf32, #tpu.memory_space<vmem_shared>> -> memref<64x128xf32, #tpu.memory_space<vmem_shared>>
      %dma_start3A_137 = arith.constant 0 : i32
      %dma_start3A_138 = arith.constant 0 : i32
      %dma_start3A_139 = tpu.memref_slice %arg10[%run_scoped3A_22, %dma_start3A_137, %dma_start3A_138] : memref<2x64x128xf32, #tpu.memory_space<vmem>> -> memref<1x64x128xf32, #tpu.memory_space<vmem>>
      %dma_start3A_140 = tpu.memref_squeeze %dma_start3A_139 : memref<1x64x128xf32, #tpu.memory_space<vmem>> -> memref<64x128xf32, #tpu.memory_space<vmem>>
      tpu.enqueue_dma source(%dma_start3A_140 : memref<64x128xf32, #tpu.memory_space<vmem>>) target(%dma_start3A_136 : memref<64x128xf32, #tpu.memory_space<vmem_shared>>) target_semaphore(%run_scoped3A_129 : memref<!tpu.dma_semaphore, #tpu.memory_space<semaphore_mem>>)
      %dma_wait3A = arith.constant 0 : i32
      %dma_wait3A_141 = arith.constant 0 : i32
      %dma_wait3A_142 = tpu.memref_slice %arg10[%run_scoped3A_22, %dma_wait3A, %dma_wait3A_141] : memref<2x64x128xf32, #tpu.memory_space<vmem>> -> memref<1x64x128xf32, #tpu.memory_space<vmem>>
      %dma_wait3A_143 = tpu.memref_squeeze %dma_wait3A_142 : memref<1x64x128xf32, #tpu.memory_space<vmem>> -> memref<64x128xf32, #tpu.memory_space<vmem>>
      %dma_wait3A_144 = arith.constant 0 : i32
      %dma_wait3A_145 = tpu.memref_slice %arg7[%add3A_21, %dma_wait3A_144] : memref<10240x128xf32, #tpu.memory_space<vmem_shared>> -> memref<64x128xf32, #tpu.memory_space<vmem_shared>>
      %dma_wait3A_146 = arith.constant 0 : i32
      %dma_wait3A_147 = tpu.memref_slice %arg7[%add3A_21, %dma_wait3A_146] : memref<10240x128xf32, #tpu.memory_space<vmem_shared>> -> memref<64x128xf32, #tpu.memory_space<vmem_shared>>
      %dma_wait3A_148 = arith.constant 0 : i32
      %dma_wait3A_149 = arith.constant 0 : i32
      %dma_wait3A_150 = tpu.memref_slice %arg10[%run_scoped3A_22, %dma_wait3A_148, %dma_wait3A_149] : memref<2x64x128xf32, #tpu.memory_space<vmem>> -> memref<1x64x128xf32, #tpu.memory_space<vmem>>
      %dma_wait3A_151 = tpu.memref_squeeze %dma_wait3A_150 : memref<1x64x128xf32, #tpu.memory_space<vmem>> -> memref<64x128xf32, #tpu.memory_space<vmem>>
      tpu.wait_dma2 semaphore(%run_scoped3A_129 : memref<!tpu.dma_semaphore, #tpu.memory_space<semaphore_mem>>) src(%dma_wait3A_151 : memref<64x128xf32, #tpu.memory_space<vmem>>) dst(%dma_wait3A_147 : memref<64x128xf32, #tpu.memory_space<vmem_shared>>)
      tpu.yield
    }) : () -> ()
    %mul3A_23 = arith.constant 640 : i32
    %mul3A_24 = arith.muli %arg1, %mul3A_23 : i32
    %add3A_25 = arith.constant 320 : i32
    %add3A_26 = arith.addi %mul3A_24, %add3A_25 : i32
    %run_scoped3A_27 = arith.constant 0 : i32
    "tpu.region"() ({
      %run_scoped3A_129 = tpu.sem_alloc : memref<!tpu.dma_semaphore, #tpu.memory_space<semaphore_mem>>
      %dma_start3A = arith.constant 0 : i32
      %dma_start3A_130 = arith.constant 0 : i32
      %dma_start3A_131 = tpu.memref_slice %arg10[%run_scoped3A_27, %dma_start3A, %dma_start3A_130] : memref<2x64x128xf32, #tpu.memory_space<vmem>> -> memref<1x64x128xf32, #tpu.memory_space<vmem>>
      %dma_start3A_132 = tpu.memref_squeeze %dma_start3A_131 : memref<1x64x128xf32, #tpu.memory_space<vmem>> -> memref<64x128xf32, #tpu.memory_space<vmem>>
      %dma_start3A_133 = arith.constant 0 : i32
      %dma_start3A_134 = tpu.memref_slice %arg7[%add3A_26, %dma_start3A_133] : memref<10240x128xf32, #tpu.memory_space<vmem_shared>> -> memref<64x128xf32, #tpu.memory_space<vmem_shared>>
      %dma_start3A_135 = arith.constant 0 : i32
      %dma_start3A_136 = tpu.memref_slice %arg7[%add3A_26, %dma_start3A_135] : memref<10240x128xf32, #tpu.memory_space<vmem_shared>> -> memref<64x128xf32, #tpu.memory_space<vmem_shared>>
      %dma_start3A_137 = arith.constant 0 : i32
      %dma_start3A_138 = arith.constant 0 : i32
      %dma_start3A_139 = tpu.memref_slice %arg10[%run_scoped3A_27, %dma_start3A_137, %dma_start3A_138] : memref<2x64x128xf32, #tpu.memory_space<vmem>> -> memref<1x64x128xf32, #tpu.memory_space<vmem>>
      %dma_start3A_140 = tpu.memref_squeeze %dma_start3A_139 : memref<1x64x128xf32, #tpu.memory_space<vmem>> -> memref<64x128xf32, #tpu.memory_space<vmem>>
      tpu.enqueue_dma source(%dma_start3A_140 : memref<64x128xf32, #tpu.memory_space<vmem>>) target(%dma_start3A_136 : memref<64x128xf32, #tpu.memory_space<vmem_shared>>) target_semaphore(%run_scoped3A_129 : memref<!tpu.dma_semaphore, #tpu.memory_space<semaphore_mem>>)
      %dma_wait3A = arith.constant 0 : i32
      %dma_wait3A_141 = arith.constant 0 : i32
      %dma_wait3A_142 = tpu.memref_slice %arg10[%run_scoped3A_27, %dma_wait3A, %dma_wait3A_141] : memref<2x64x128xf32, #tpu.memory_space<vmem>> -> memref<1x64x128xf32, #tpu.memory_space<vmem>>
      %dma_wait3A_143 = tpu.memref_squeeze %dma_wait3A_142 : memref<1x64x128xf32, #tpu.memory_space<vmem>> -> memref<64x128xf32, #tpu.memory_space<vmem>>
      %dma_wait3A_144 = arith.constant 0 : i32
      %dma_wait3A_145 = tpu.memref_slice %arg7[%add3A_26, %dma_wait3A_144] : memref<10240x128xf32, #tpu.memory_space<vmem_shared>> -> memref<64x128xf32, #tpu.memory_space<vmem_shared>>
      %dma_wait3A_146 = arith.constant 0 : i32
      %dma_wait3A_147 = tpu.memref_slice %arg7[%add3A_26, %dma_wait3A_146] : memref<10240x128xf32, #tpu.memory_space<vmem_shared>> -> memref<64x128xf32, #tpu.memory_space<vmem_shared>>
      %dma_wait3A_148 = arith.constant 0 : i32
      %dma_wait3A_149 = arith.constant 0 : i32
      %dma_wait3A_150 = tpu.memref_slice %arg10[%run_scoped3A_27, %dma_wait3A_148, %dma_wait3A_149] : memref<2x64x128xf32, #tpu.memory_space<vmem>> -> memref<1x64x128xf32, #tpu.memory_space<vmem>>
      %dma_wait3A_151 = tpu.memref_squeeze %dma_wait3A_150 : memref<1x64x128xf32, #tpu.memory_space<vmem>> -> memref<64x128xf32, #tpu.memory_space<vmem>>
      tpu.wait_dma2 semaphore(%run_scoped3A_129 : memref<!tpu.dma_semaphore, #tpu.memory_space<semaphore_mem>>) src(%dma_wait3A_151 : memref<64x128xf32, #tpu.memory_space<vmem>>) dst(%dma_wait3A_147 : memref<64x128xf32, #tpu.memory_space<vmem_shared>>)
      tpu.yield
    }) : () -> ()
    %mul3A_28 = arith.constant 640 : i32
    %mul3A_29 = arith.muli %arg1, %mul3A_28 : i32
    %add3A_30 = arith.constant 384 : i32
    %add3A_31 = arith.addi %mul3A_29, %add3A_30 : i32
    %run_scoped3A_32 = arith.constant 0 : i32
    "tpu.region"() ({
      %run_scoped3A_129 = tpu.sem_alloc : memref<!tpu.dma_semaphore, #tpu.memory_space<semaphore_mem>>
      %dma_start3A = arith.constant 0 : i32
      %dma_start3A_130 = arith.constant 0 : i32
      %dma_start3A_131 = tpu.memref_slice %arg10[%run_scoped3A_32, %dma_start3A, %dma_start3A_130] : memref<2x64x128xf32, #tpu.memory_space<vmem>> -> memref<1x64x128xf32, #tpu.memory_space<vmem>>
      %dma_start3A_132 = tpu.memref_squeeze %dma_start3A_131 : memref<1x64x128xf32, #tpu.memory_space<vmem>> -> memref<64x128xf32, #tpu.memory_space<vmem>>
      %dma_start3A_133 = arith.constant 0 : i32
      %dma_start3A_134 = tpu.memref_slice %arg7[%add3A_31, %dma_start3A_133] : memref<10240x128xf32, #tpu.memory_space<vmem_shared>> -> memref<64x128xf32, #tpu.memory_space<vmem_shared>>
      %dma_start3A_135 = arith.constant 0 : i32
      %dma_start3A_136 = tpu.memref_slice %arg7[%add3A_31, %dma_start3A_135] : memref<10240x128xf32, #tpu.memory_space<vmem_shared>> -> memref<64x128xf32, #tpu.memory_space<vmem_shared>>
      %dma_start3A_137 = arith.constant 0 : i32
      %dma_start3A_138 = arith.constant 0 : i32
      %dma_start3A_139 = tpu.memref_slice %arg10[%run_scoped3A_32, %dma_start3A_137, %dma_start3A_138] : memref<2x64x128xf32, #tpu.memory_space<vmem>> -> memref<1x64x128xf32, #tpu.memory_space<vmem>>
      %dma_start3A_140 = tpu.memref_squeeze %dma_start3A_139 : memref<1x64x128xf32, #tpu.memory_space<vmem>> -> memref<64x128xf32, #tpu.memory_space<vmem>>
      tpu.enqueue_dma source(%dma_start3A_140 : memref<64x128xf32, #tpu.memory_space<vmem>>) target(%dma_start3A_136 : memref<64x128xf32, #tpu.memory_space<vmem_shared>>) target_semaphore(%run_scoped3A_129 : memref<!tpu.dma_semaphore, #tpu.memory_space<semaphore_mem>>)
      %dma_wait3A = arith.constant 0 : i32
      %dma_wait3A_141 = arith.constant 0 : i32
      %dma_wait3A_142 = tpu.memref_slice %arg10[%run_scoped3A_32, %dma_wait3A, %dma_wait3A_141] : memref<2x64x128xf32, #tpu.memory_space<vmem>> -> memref<1x64x128xf32, #tpu.memory_space<vmem>>
      %dma_wait3A_143 = tpu.memref_squeeze %dma_wait3A_142 : memref<1x64x128xf32, #tpu.memory_space<vmem>> -> memref<64x128xf32, #tpu.memory_space<vmem>>
      %dma_wait3A_144 = arith.constant 0 : i32
      %dma_wait3A_145 = tpu.memref_slice %arg7[%add3A_31, %dma_wait3A_144] : memref<10240x128xf32, #tpu.memory_space<vmem_shared>> -> memref<64x128xf32, #tpu.memory_space<vmem_shared>>
      %dma_wait3A_146 = arith.constant 0 : i32
      %dma_wait3A_147 = tpu.memref_slice %arg7[%add3A_31, %dma_wait3A_146] : memref<10240x128xf32, #tpu.memory_space<vmem_shared>> -> memref<64x128xf32, #tpu.memory_space<vmem_shared>>
      %dma_wait3A_148 = arith.constant 0 : i32
      %dma_wait3A_149 = arith.constant 0 : i32
      %dma_wait3A_150 = tpu.memref_slice %arg10[%run_scoped3A_32, %dma_wait3A_148, %dma_wait3A_149] : memref<2x64x128xf32, #tpu.memory_space<vmem>> -> memref<1x64x128xf32, #tpu.memory_space<vmem>>
      %dma_wait3A_151 = tpu.memref_squeeze %dma_wait3A_150 : memref<1x64x128xf32, #tpu.memory_space<vmem>> -> memref<64x128xf32, #tpu.memory_space<vmem>>
      tpu.wait_dma2 semaphore(%run_scoped3A_129 : memref<!tpu.dma_semaphore, #tpu.memory_space<semaphore_mem>>) src(%dma_wait3A_151 : memref<64x128xf32, #tpu.memory_space<vmem>>) dst(%dma_wait3A_147 : memref<64x128xf32, #tpu.memory_space<vmem_shared>>)
      tpu.yield
    }) : () -> ()
    %mul3A_33 = arith.constant 640 : i32
    %mul3A_34 = arith.muli %arg1, %mul3A_33 : i32
    %add3A_35 = arith.constant 448 : i32
    %add3A_36 = arith.addi %mul3A_34, %add3A_35 : i32
    %run_scoped3A_37 = arith.constant 0 : i32
    "tpu.region"() ({
      %run_scoped3A_129 = tpu.sem_alloc : memref<!tpu.dma_semaphore, #tpu.memory_space<semaphore_mem>>
      %dma_start3A = arith.constant 0 : i32
      %dma_start3A_130 = arith.constant 0 : i32
      %dma_start3A_131 = tpu.memref_slice %arg10[%run_scoped3A_37, %dma_start3A, %dma_start3A_130] : memref<2x64x128xf32, #tpu.memory_space<vmem>> -> memref<1x64x128xf32, #tpu.memory_space<vmem>>
      %dma_start3A_132 = tpu.memref_squeeze %dma_start3A_131 : memref<1x64x128xf32, #tpu.memory_space<vmem>> -> memref<64x128xf32, #tpu.memory_space<vmem>>
      %dma_start3A_133 = arith.constant 0 : i32
      %dma_start3A_134 = tpu.memref_slice %arg7[%add3A_36, %dma_start3A_133] : memref<10240x128xf32, #tpu.memory_space<vmem_shared>> -> memref<64x128xf32, #tpu.memory_space<vmem_shared>>
      %dma_start3A_135 = arith.constant 0 : i32
      %dma_start3A_136 = tpu.memref_slice %arg7[%add3A_36, %dma_start3A_135] : memref<10240x128xf32, #tpu.memory_space<vmem_shared>> -> memref<64x128xf32, #tpu.memory_space<vmem_shared>>
      %dma_start3A_137 = arith.constant 0 : i32
      %dma_start3A_138 = arith.constant 0 : i32
      %dma_start3A_139 = tpu.memref_slice %arg10[%run_scoped3A_37, %dma_start3A_137, %dma_start3A_138] : memref<2x64x128xf32, #tpu.memory_space<vmem>> -> memref<1x64x128xf32, #tpu.memory_space<vmem>>
      %dma_start3A_140 = tpu.memref_squeeze %dma_start3A_139 : memref<1x64x128xf32, #tpu.memory_space<vmem>> -> memref<64x128xf32, #tpu.memory_space<vmem>>
      tpu.enqueue_dma source(%dma_start3A_140 : memref<64x128xf32, #tpu.memory_space<vmem>>) target(%dma_start3A_136 : memref<64x128xf32, #tpu.memory_space<vmem_shared>>) target_semaphore(%run_scoped3A_129 : memref<!tpu.dma_semaphore, #tpu.memory_space<semaphore_mem>>)
      %dma_wait3A = arith.constant 0 : i32
      %dma_wait3A_141 = arith.constant 0 : i32
      %dma_wait3A_142 = tpu.memref_slice %arg10[%run_scoped3A_37, %dma_wait3A, %dma_wait3A_141] : memref<2x64x128xf32, #tpu.memory_space<vmem>> -> memref<1x64x128xf32, #tpu.memory_space<vmem>>
      %dma_wait3A_143 = tpu.memref_squeeze %dma_wait3A_142 : memref<1x64x128xf32, #tpu.memory_space<vmem>> -> memref<64x128xf32, #tpu.memory_space<vmem>>
      %dma_wait3A_144 = arith.constant 0 : i32
      %dma_wait3A_145 = tpu.memref_slice %arg7[%add3A_36, %dma_wait3A_144] : memref<10240x128xf32, #tpu.memory_space<vmem_shared>> -> memref<64x128xf32, #tpu.memory_space<vmem_shared>>
      %dma_wait3A_146 = arith.constant 0 : i32
      %dma_wait3A_147 = tpu.memref_slice %arg7[%add3A_36, %dma_wait3A_146] : memref<10240x128xf32, #tpu.memory_space<vmem_shared>> -> memref<64x128xf32, #tpu.memory_space<vmem_shared>>
      %dma_wait3A_148 = arith.constant 0 : i32
      %dma_wait3A_149 = arith.constant 0 : i32
      %dma_wait3A_150 = tpu.memref_slice %arg10[%run_scoped3A_37, %dma_wait3A_148, %dma_wait3A_149] : memref<2x64x128xf32, #tpu.memory_space<vmem>> -> memref<1x64x128xf32, #tpu.memory_space<vmem>>
      %dma_wait3A_151 = tpu.memref_squeeze %dma_wait3A_150 : memref<1x64x128xf32, #tpu.memory_space<vmem>> -> memref<64x128xf32, #tpu.memory_space<vmem>>
      tpu.wait_dma2 semaphore(%run_scoped3A_129 : memref<!tpu.dma_semaphore, #tpu.memory_space<semaphore_mem>>) src(%dma_wait3A_151 : memref<64x128xf32, #tpu.memory_space<vmem>>) dst(%dma_wait3A_147 : memref<64x128xf32, #tpu.memory_space<vmem_shared>>)
      tpu.yield
    }) : () -> ()
    %mul3A_38 = arith.constant 640 : i32
    %mul3A_39 = arith.muli %arg1, %mul3A_38 : i32
    %add3A_40 = arith.constant 512 : i32
    %add3A_41 = arith.addi %mul3A_39, %add3A_40 : i32
    %run_scoped3A_42 = arith.constant 0 : i32
    "tpu.region"() ({
      %run_scoped3A_129 = tpu.sem_alloc : memref<!tpu.dma_semaphore, #tpu.memory_space<semaphore_mem>>
      %dma_start3A = arith.constant 0 : i32
      %dma_start3A_130 = arith.constant 0 : i32
      %dma_start3A_131 = tpu.memref_slice %arg10[%run_scoped3A_42, %dma_start3A, %dma_start3A_130] : memref<2x64x128xf32, #tpu.memory_space<vmem>> -> memref<1x64x128xf32, #tpu.memory_space<vmem>>
      %dma_start3A_132 = tpu.memref_squeeze %dma_start3A_131 : memref<1x64x128xf32, #tpu.memory_space<vmem>> -> memref<64x128xf32, #tpu.memory_space<vmem>>
      %dma_start3A_133 = arith.constant 0 : i32
      %dma_start3A_134 = tpu.memref_slice %arg7[%add3A_41, %dma_start3A_133] : memref<10240x128xf32, #tpu.memory_space<vmem_shared>> -> memref<64x128xf32, #tpu.memory_space<vmem_shared>>
      %dma_start3A_135 = arith.constant 0 : i32
      %dma_start3A_136 = tpu.memref_slice %arg7[%add3A_41, %dma_start3A_135] : memref<10240x128xf32, #tpu.memory_space<vmem_shared>> -> memref<64x128xf32, #tpu.memory_space<vmem_shared>>
      %dma_start3A_137 = arith.constant 0 : i32
      %dma_start3A_138 = arith.constant 0 : i32
      %dma_start3A_139 = tpu.memref_slice %arg10[%run_scoped3A_42, %dma_start3A_137, %dma_start3A_138] : memref<2x64x128xf32, #tpu.memory_space<vmem>> -> memref<1x64x128xf32, #tpu.memory_space<vmem>>
      %dma_start3A_140 = tpu.memref_squeeze %dma_start3A_139 : memref<1x64x128xf32, #tpu.memory_space<vmem>> -> memref<64x128xf32, #tpu.memory_space<vmem>>
      tpu.enqueue_dma source(%dma_start3A_140 : memref<64x128xf32, #tpu.memory_space<vmem>>) target(%dma_start3A_136 : memref<64x128xf32, #tpu.memory_space<vmem_shared>>) target_semaphore(%run_scoped3A_129 : memref<!tpu.dma_semaphore, #tpu.memory_space<semaphore_mem>>)
      %dma_wait3A = arith.constant 0 : i32
      %dma_wait3A_141 = arith.constant 0 : i32
      %dma_wait3A_142 = tpu.memref_slice %arg10[%run_scoped3A_42, %dma_wait3A, %dma_wait3A_141] : memref<2x64x128xf32, #tpu.memory_space<vmem>> -> memref<1x64x128xf32, #tpu.memory_space<vmem>>
      %dma_wait3A_143 = tpu.memref_squeeze %dma_wait3A_142 : memref<1x64x128xf32, #tpu.memory_space<vmem>> -> memref<64x128xf32, #tpu.memory_space<vmem>>
      %dma_wait3A_144 = arith.constant 0 : i32
      %dma_wait3A_145 = tpu.memref_slice %arg7[%add3A_41, %dma_wait3A_144] : memref<10240x128xf32, #tpu.memory_space<vmem_shared>> -> memref<64x128xf32, #tpu.memory_space<vmem_shared>>
      %dma_wait3A_146 = arith.constant 0 : i32
      %dma_wait3A_147 = tpu.memref_slice %arg7[%add3A_41, %dma_wait3A_146] : memref<10240x128xf32, #tpu.memory_space<vmem_shared>> -> memref<64x128xf32, #tpu.memory_space<vmem_shared>>
      %dma_wait3A_148 = arith.constant 0 : i32
      %dma_wait3A_149 = arith.constant 0 : i32
      %dma_wait3A_150 = tpu.memref_slice %arg10[%run_scoped3A_42, %dma_wait3A_148, %dma_wait3A_149] : memref<2x64x128xf32, #tpu.memory_space<vmem>> -> memref<1x64x128xf32, #tpu.memory_space<vmem>>
      %dma_wait3A_151 = tpu.memref_squeeze %dma_wait3A_150 : memref<1x64x128xf32, #tpu.memory_space<vmem>> -> memref<64x128xf32, #tpu.memory_space<vmem>>
      tpu.wait_dma2 semaphore(%run_scoped3A_129 : memref<!tpu.dma_semaphore, #tpu.memory_space<semaphore_mem>>) src(%dma_wait3A_151 : memref<64x128xf32, #tpu.memory_space<vmem>>) dst(%dma_wait3A_147 : memref<64x128xf32, #tpu.memory_space<vmem_shared>>)
      tpu.yield
    }) : () -> ()
    %mul3A_43 = arith.constant 640 : i32
    %mul3A_44 = arith.muli %arg1, %mul3A_43 : i32
    %add3A_45 = arith.constant 576 : i32
    %add3A_46 = arith.addi %mul3A_44, %add3A_45 : i32
    %run_scoped3A_47 = arith.constant 0 : i32
    "tpu.region"() ({
      %run_scoped3A_129 = tpu.sem_alloc : memref<!tpu.dma_semaphore, #tpu.memory_space<semaphore_mem>>
      %dma_start3A = arith.constant 0 : i32
      %dma_start3A_130 = arith.constant 0 : i32
      %dma_start3A_131 = tpu.memref_slice %arg10[%run_scoped3A_47, %dma_start3A, %dma_start3A_130] : memref<2x64x128xf32, #tpu.memory_space<vmem>> -> memref<1x64x128xf32, #tpu.memory_space<vmem>>
      %dma_start3A_132 = tpu.memref_squeeze %dma_start3A_131 : memref<1x64x128xf32, #tpu.memory_space<vmem>> -> memref<64x128xf32, #tpu.memory_space<vmem>>
      %dma_start3A_133 = arith.constant 0 : i32
      %dma_start3A_134 = tpu.memref_slice %arg7[%add3A_46, %dma_start3A_133] : memref<10240x128xf32, #tpu.memory_space<vmem_shared>> -> memref<64x128xf32, #tpu.memory_space<vmem_shared>>
      %dma_start3A_135 = arith.constant 0 : i32
      %dma_start3A_136 = tpu.memref_slice %arg7[%add3A_46, %dma_start3A_135] : memref<10240x128xf32, #tpu.memory_space<vmem_shared>> -> memref<64x128xf32, #tpu.memory_space<vmem_shared>>
      %dma_start3A_137 = arith.constant 0 : i32
      %dma_start3A_138 = arith.constant 0 : i32
      %dma_start3A_139 = tpu.memref_slice %arg10[%run_scoped3A_47, %dma_start3A_137, %dma_start3A_138] : memref<2x64x128xf32, #tpu.memory_space<vmem>> -> memref<1x64x128xf32, #tpu.memory_space<vmem>>
      %dma_start3A_140 = tpu.memref_squeeze %dma_start3A_139 : memref<1x64x128xf32, #tpu.memory_space<vmem>> -> memref<64x128xf32, #tpu.memory_space<vmem>>
      tpu.enqueue_dma source(%dma_start3A_140 : memref<64x128xf32, #tpu.memory_space<vmem>>) target(%dma_start3A_136 : memref<64x128xf32, #tpu.memory_space<vmem_shared>>) target_semaphore(%run_scoped3A_129 : memref<!tpu.dma_semaphore, #tpu.memory_space<semaphore_mem>>)
      %dma_wait3A = arith.constant 0 : i32
      %dma_wait3A_141 = arith.constant 0 : i32
      %dma_wait3A_142 = tpu.memref_slice %arg10[%run_scoped3A_47, %dma_wait3A, %dma_wait3A_141] : memref<2x64x128xf32, #tpu.memory_space<vmem>> -> memref<1x64x128xf32, #tpu.memory_space<vmem>>
      %dma_wait3A_143 = tpu.memref_squeeze %dma_wait3A_142 : memref<1x64x128xf32, #tpu.memory_space<vmem>> -> memref<64x128xf32, #tpu.memory_space<vmem>>
      %dma_wait3A_144 = arith.constant 0 : i32
      %dma_wait3A_145 = tpu.memref_slice %arg7[%add3A_46, %dma_wait3A_144] : memref<10240x128xf32, #tpu.memory_space<vmem_shared>> -> memref<64x128xf32, #tpu.memory_space<vmem_shared>>
      %dma_wait3A_146 = arith.constant 0 : i32
      %dma_wait3A_147 = tpu.memref_slice %arg7[%add3A_46, %dma_wait3A_146] : memref<10240x128xf32, #tpu.memory_space<vmem_shared>> -> memref<64x128xf32, #tpu.memory_space<vmem_shared>>
      %dma_wait3A_148 = arith.constant 0 : i32
      %dma_wait3A_149 = arith.constant 0 : i32
      %dma_wait3A_150 = tpu.memref_slice %arg10[%run_scoped3A_47, %dma_wait3A_148, %dma_wait3A_149] : memref<2x64x128xf32, #tpu.memory_space<vmem>> -> memref<1x64x128xf32, #tpu.memory_space<vmem>>
      %dma_wait3A_151 = tpu.memref_squeeze %dma_wait3A_150 : memref<1x64x128xf32, #tpu.memory_space<vmem>> -> memref<64x128xf32, #tpu.memory_space<vmem>>
      tpu.wait_dma2 semaphore(%run_scoped3A_129 : memref<!tpu.dma_semaphore, #tpu.memory_space<semaphore_mem>>) src(%dma_wait3A_151 : memref<64x128xf32, #tpu.memory_space<vmem>>) dst(%dma_wait3A_147 : memref<64x128xf32, #tpu.memory_space<vmem_shared>>)
      tpu.yield
    }) : () -> ()
    %eq3A = arith.constant 0 : i32
    %eq3A_48 = arith.cmpi eq, %arg0, %eq3A : i32
    %convert_element_type3A = arith.extui %eq3A_48 : i1 to i32
    %cond3A = arith.constant 0 : i32
    %cond3A_49 = arith.cmpi ne, %convert_element_type3A, %cond3A : i32
    scf.if %cond3A_49 {
      "tpu.region"() ({
        %run_scoped3A_129 = tpu.sem_alloc : memref<!tpu.dma_semaphore, #tpu.memory_space<semaphore_mem>>
        %dma_start3A = arith.constant 0 : i32
        %dma_start3A_130 = arith.constant 0 : i32
        %dma_start3A_131 = tpu.memref_slice %arg8[%dma_start3A, %dma_start3A_130] : memref<220x64xi32, #tpu.memory_space<vmem>> -> memref<220x64xi32, #tpu.memory_space<vmem>>
        %dma_start3A_132 = arith.constant 0 : i32
        %dma_start3A_133 = arith.constant 0 : i32
        %dma_start3A_134 = tpu.memref_slice %arg3[%arg1, %dma_start3A_132, %dma_start3A_133] : memref<16x316x64xi32, #tpu.memory_space<hbm>> -> memref<1x220x64xi32, #tpu.memory_space<hbm>>
        %dma_start3A_135 = tpu.memref_squeeze %dma_start3A_134 : memref<1x220x64xi32, #tpu.memory_space<hbm>> -> memref<220x64xi32, #tpu.memory_space<hbm>>
        %dma_start3A_136 = arith.constant 0 : i32
        %dma_start3A_137 = arith.constant 0 : i32
        %dma_start3A_138 = tpu.memref_slice %arg8[%dma_start3A_136, %dma_start3A_137] : memref<220x64xi32, #tpu.memory_space<vmem>> -> memref<220x64xi32, #tpu.memory_space<vmem>>
        %dma_start3A_139 = arith.constant 0 : i32
        %dma_start3A_140 = arith.constant 0 : i32
        %dma_start3A_141 = tpu.memref_slice %arg3[%arg1, %dma_start3A_139, %dma_start3A_140] : memref<16x316x64xi32, #tpu.memory_space<hbm>> -> memref<1x220x64xi32, #tpu.memory_space<hbm>>
        %dma_start3A_142 = tpu.memref_squeeze %dma_start3A_141 : memref<1x220x64xi32, #tpu.memory_space<hbm>> -> memref<220x64xi32, #tpu.memory_space<hbm>>
        tpu.enqueue_dma source(%dma_start3A_142 : memref<220x64xi32, #tpu.memory_space<hbm>>) target(%dma_start3A_138 : memref<220x64xi32, #tpu.memory_space<vmem>>) target_semaphore(%run_scoped3A_129 : memref<!tpu.dma_semaphore, #tpu.memory_space<semaphore_mem>>)
        %dma_wait3A = arith.constant 0 : i32
        %dma_wait3A_143 = arith.constant 0 : i32
        %dma_wait3A_144 = tpu.memref_slice %arg8[%dma_wait3A, %dma_wait3A_143] : memref<220x64xi32, #tpu.memory_space<vmem>> -> memref<220x64xi32, #tpu.memory_space<vmem>>
        %dma_wait3A_145 = arith.constant 0 : i32
        %dma_wait3A_146 = arith.constant 0 : i32
        %dma_wait3A_147 = tpu.memref_slice %arg3[%arg1, %dma_wait3A_145, %dma_wait3A_146] : memref<16x316x64xi32, #tpu.memory_space<hbm>> -> memref<1x220x64xi32, #tpu.memory_space<hbm>>
        %dma_wait3A_148 = tpu.memref_squeeze %dma_wait3A_147 : memref<1x220x64xi32, #tpu.memory_space<hbm>> -> memref<220x64xi32, #tpu.memory_space<hbm>>
        %dma_wait3A_149 = arith.constant 0 : i32
        %dma_wait3A_150 = arith.constant 0 : i32
        %dma_wait3A_151 = tpu.memref_slice %arg8[%dma_wait3A_149, %dma_wait3A_150] : memref<220x64xi32, #tpu.memory_space<vmem>> -> memref<220x64xi32, #tpu.memory_space<vmem>>
        %dma_wait3A_152 = arith.constant 0 : i32
        %dma_wait3A_153 = arith.constant 0 : i32
        %dma_wait3A_154 = tpu.memref_slice %arg3[%arg1, %dma_wait3A_152, %dma_wait3A_153] : memref<16x316x64xi32, #tpu.memory_space<hbm>> -> memref<1x220x64xi32, #tpu.memory_space<hbm>>
        %dma_wait3A_155 = tpu.memref_squeeze %dma_wait3A_154 : memref<1x220x64xi32, #tpu.memory_space<hbm>> -> memref<220x64xi32, #tpu.memory_space<hbm>>
        tpu.wait_dma2 semaphore(%run_scoped3A_129 : memref<!tpu.dma_semaphore, #tpu.memory_space<semaphore_mem>>) src(%dma_wait3A_155 : memref<220x64xi32, #tpu.memory_space<hbm>>) dst(%dma_wait3A_151 : memref<220x64xi32, #tpu.memory_space<vmem>>)
        tpu.yield
      }) : () -> ()
      "tpu.region"() ({
        %run_scoped3A_129 = tpu.sem_alloc : memref<!tpu.dma_semaphore, #tpu.memory_space<semaphore_mem>>
        %dma_start3A = arith.constant 0 : i32
        %dma_start3A_130 = arith.constant 0 : i32
        %dma_start3A_131 = tpu.memref_slice %arg9[%dma_start3A, %dma_start3A_130] : memref<220x64xi32, #tpu.memory_space<vmem>> -> memref<220x64xi32, #tpu.memory_space<vmem>>
        %dma_start3A_132 = arith.constant 0 : i32
        %dma_start3A_133 = arith.constant 0 : i32
        %dma_start3A_134 = tpu.memref_slice %arg4[%arg1, %dma_start3A_132, %dma_start3A_133] : memref<16x316x64xi32, #tpu.memory_space<hbm>> -> memref<1x220x64xi32, #tpu.memory_space<hbm>>
        %dma_start3A_135 = tpu.memref_squeeze %dma_start3A_134 : memref<1x220x64xi32, #tpu.memory_space<hbm>> -> memref<220x64xi32, #tpu.memory_space<hbm>>
        %dma_start3A_136 = arith.constant 0 : i32
        %dma_start3A_137 = arith.constant 0 : i32
        %dma_start3A_138 = tpu.memref_slice %arg9[%dma_start3A_136, %dma_start3A_137] : memref<220x64xi32, #tpu.memory_space<vmem>> -> memref<220x64xi32, #tpu.memory_space<vmem>>
        %dma_start3A_139 = arith.constant 0 : i32
        %dma_start3A_140 = arith.constant 0 : i32
        %dma_start3A_141 = tpu.memref_slice %arg4[%arg1, %dma_start3A_139, %dma_start3A_140] : memref<16x316x64xi32, #tpu.memory_space<hbm>> -> memref<1x220x64xi32, #tpu.memory_space<hbm>>
        %dma_start3A_142 = tpu.memref_squeeze %dma_start3A_141 : memref<1x220x64xi32, #tpu.memory_space<hbm>> -> memref<220x64xi32, #tpu.memory_space<hbm>>
        tpu.enqueue_dma source(%dma_start3A_142 : memref<220x64xi32, #tpu.memory_space<hbm>>) target(%dma_start3A_138 : memref<220x64xi32, #tpu.memory_space<vmem>>) target_semaphore(%run_scoped3A_129 : memref<!tpu.dma_semaphore, #tpu.memory_space<semaphore_mem>>)
        %dma_wait3A = arith.constant 0 : i32
        %dma_wait3A_143 = arith.constant 0 : i32
        %dma_wait3A_144 = tpu.memref_slice %arg9[%dma_wait3A, %dma_wait3A_143] : memref<220x64xi32, #tpu.memory_space<vmem>> -> memref<220x64xi32, #tpu.memory_space<vmem>>
        %dma_wait3A_145 = arith.constant 0 : i32
        %dma_wait3A_146 = arith.constant 0 : i32
        %dma_wait3A_147 = tpu.memref_slice %arg4[%arg1, %dma_wait3A_145, %dma_wait3A_146] : memref<16x316x64xi32, #tpu.memory_space<hbm>> -> memref<1x220x64xi32, #tpu.memory_space<hbm>>
        %dma_wait3A_148 = tpu.memref_squeeze %dma_wait3A_147 : memref<1x220x64xi32, #tpu.memory_space<hbm>> -> memref<220x64xi32, #tpu.memory_space<hbm>>
        %dma_wait3A_149 = arith.constant 0 : i32
        %dma_wait3A_150 = arith.constant 0 : i32
        %dma_wait3A_151 = tpu.memref_slice %arg9[%dma_wait3A_149, %dma_wait3A_150] : memref<220x64xi32, #tpu.memory_space<vmem>> -> memref<220x64xi32, #tpu.memory_space<vmem>>
        %dma_wait3A_152 = arith.constant 0 : i32
        %dma_wait3A_153 = arith.constant 0 : i32
        %dma_wait3A_154 = tpu.memref_slice %arg4[%arg1, %dma_wait3A_152, %dma_wait3A_153] : memref<16x316x64xi32, #tpu.memory_space<hbm>> -> memref<1x220x64xi32, #tpu.memory_space<hbm>>
        %dma_wait3A_155 = tpu.memref_squeeze %dma_wait3A_154 : memref<1x220x64xi32, #tpu.memory_space<hbm>> -> memref<220x64xi32, #tpu.memory_space<hbm>>
        tpu.wait_dma2 semaphore(%run_scoped3A_129 : memref<!tpu.dma_semaphore, #tpu.memory_space<semaphore_mem>>) src(%dma_wait3A_155 : memref<220x64xi32, #tpu.memory_space<hbm>>) dst(%dma_wait3A_151 : memref<220x64xi32, #tpu.memory_space<vmem>>)
        tpu.yield
      }) : () -> ()
    } else {
    }
    %eq3A_50 = arith.constant 1 : i32
    %eq3A_51 = arith.cmpi eq, %arg0, %eq3A_50 : i32
    %convert_element_type3A_52 = arith.extui %eq3A_51 : i1 to i32
    %cond3A_53 = arith.constant 0 : i32
    %cond3A_54 = arith.cmpi ne, %convert_element_type3A_52, %cond3A_53 : i32
    scf.if %cond3A_54 {
      "tpu.region"() ({
        %run_scoped3A_129 = tpu.sem_alloc : memref<!tpu.dma_semaphore, #tpu.memory_space<semaphore_mem>>
        %dma_start3A = arith.constant 0 : i32
        %dma_start3A_130 = arith.constant 0 : i32
        %dma_start3A_131 = tpu.memref_slice %arg8[%dma_start3A, %dma_start3A_130] : memref<220x64xi32, #tpu.memory_space<vmem>> -> memref<96x64xi32, #tpu.memory_space<vmem>>
        %dma_start3A_132 = arith.constant 220 : i32
        %dma_start3A_133 = arith.constant 0 : i32
        %dma_start3A_134 = tpu.memref_slice %arg3[%arg1, %dma_start3A_132, %dma_start3A_133] : memref<16x316x64xi32, #tpu.memory_space<hbm>> -> memref<1x96x64xi32, #tpu.memory_space<hbm>>
        %dma_start3A_135 = tpu.memref_squeeze %dma_start3A_134 : memref<1x96x64xi32, #tpu.memory_space<hbm>> -> memref<96x64xi32, #tpu.memory_space<hbm>>
        %dma_start3A_136 = arith.constant 0 : i32
        %dma_start3A_137 = arith.constant 0 : i32
        %dma_start3A_138 = tpu.memref_slice %arg8[%dma_start3A_136, %dma_start3A_137] : memref<220x64xi32, #tpu.memory_space<vmem>> -> memref<96x64xi32, #tpu.memory_space<vmem>>
        %dma_start3A_139 = arith.constant 220 : i32
        %dma_start3A_140 = arith.constant 0 : i32
        %dma_start3A_141 = tpu.memref_slice %arg3[%arg1, %dma_start3A_139, %dma_start3A_140] : memref<16x316x64xi32, #tpu.memory_space<hbm>> -> memref<1x96x64xi32, #tpu.memory_space<hbm>>
        %dma_start3A_142 = tpu.memref_squeeze %dma_start3A_141 : memref<1x96x64xi32, #tpu.memory_space<hbm>> -> memref<96x64xi32, #tpu.memory_space<hbm>>
        tpu.enqueue_dma source(%dma_start3A_142 : memref<96x64xi32, #tpu.memory_space<hbm>>) target(%dma_start3A_138 : memref<96x64xi32, #tpu.memory_space<vmem>>) target_semaphore(%run_scoped3A_129 : memref<!tpu.dma_semaphore, #tpu.memory_space<semaphore_mem>>)
        %dma_wait3A = arith.constant 0 : i32
        %dma_wait3A_143 = arith.constant 0 : i32
        %dma_wait3A_144 = tpu.memref_slice %arg8[%dma_wait3A, %dma_wait3A_143] : memref<220x64xi32, #tpu.memory_space<vmem>> -> memref<96x64xi32, #tpu.memory_space<vmem>>
        %dma_wait3A_145 = arith.constant 220 : i32
        %dma_wait3A_146 = arith.constant 0 : i32
        %dma_wait3A_147 = tpu.memref_slice %arg3[%arg1, %dma_wait3A_145, %dma_wait3A_146] : memref<16x316x64xi32, #tpu.memory_space<hbm>> -> memref<1x96x64xi32, #tpu.memory_space<hbm>>
        %dma_wait3A_148 = tpu.memref_squeeze %dma_wait3A_147 : memref<1x96x64xi32, #tpu.memory_space<hbm>> -> memref<96x64xi32, #tpu.memory_space<hbm>>
        %dma_wait3A_149 = arith.constant 0 : i32
        %dma_wait3A_150 = arith.constant 0 : i32
        %dma_wait3A_151 = tpu.memref_slice %arg8[%dma_wait3A_149, %dma_wait3A_150] : memref<220x64xi32, #tpu.memory_space<vmem>> -> memref<96x64xi32, #tpu.memory_space<vmem>>
        %dma_wait3A_152 = arith.constant 220 : i32
        %dma_wait3A_153 = arith.constant 0 : i32
        %dma_wait3A_154 = tpu.memref_slice %arg3[%arg1, %dma_wait3A_152, %dma_wait3A_153] : memref<16x316x64xi32, #tpu.memory_space<hbm>> -> memref<1x96x64xi32, #tpu.memory_space<hbm>>
        %dma_wait3A_155 = tpu.memref_squeeze %dma_wait3A_154 : memref<1x96x64xi32, #tpu.memory_space<hbm>> -> memref<96x64xi32, #tpu.memory_space<hbm>>
        tpu.wait_dma2 semaphore(%run_scoped3A_129 : memref<!tpu.dma_semaphore, #tpu.memory_space<semaphore_mem>>) src(%dma_wait3A_155 : memref<96x64xi32, #tpu.memory_space<hbm>>) dst(%dma_wait3A_151 : memref<96x64xi32, #tpu.memory_space<vmem>>)
        tpu.yield
      }) : () -> ()
      "tpu.region"() ({
        %run_scoped3A_129 = tpu.sem_alloc : memref<!tpu.dma_semaphore, #tpu.memory_space<semaphore_mem>>
        %dma_start3A = arith.constant 0 : i32
        %dma_start3A_130 = arith.constant 0 : i32
        %dma_start3A_131 = tpu.memref_slice %arg9[%dma_start3A, %dma_start3A_130] : memref<220x64xi32, #tpu.memory_space<vmem>> -> memref<96x64xi32, #tpu.memory_space<vmem>>
        %dma_start3A_132 = arith.constant 220 : i32
        %dma_start3A_133 = arith.constant 0 : i32
        %dma_start3A_134 = tpu.memref_slice %arg4[%arg1, %dma_start3A_132, %dma_start3A_133] : memref<16x316x64xi32, #tpu.memory_space<hbm>> -> memref<1x96x64xi32, #tpu.memory_space<hbm>>
        %dma_start3A_135 = tpu.memref_squeeze %dma_start3A_134 : memref<1x96x64xi32, #tpu.memory_space<hbm>> -> memref<96x64xi32, #tpu.memory_space<hbm>>
        %dma_start3A_136 = arith.constant 0 : i32
        %dma_start3A_137 = arith.constant 0 : i32
        %dma_start3A_138 = tpu.memref_slice %arg9[%dma_start3A_136, %dma_start3A_137] : memref<220x64xi32, #tpu.memory_space<vmem>> -> memref<96x64xi32, #tpu.memory_space<vmem>>
        %dma_start3A_139 = arith.constant 220 : i32
        %dma_start3A_140 = arith.constant 0 : i32
        %dma_start3A_141 = tpu.memref_slice %arg4[%arg1, %dma_start3A_139, %dma_start3A_140] : memref<16x316x64xi32, #tpu.memory_space<hbm>> -> memref<1x96x64xi32, #tpu.memory_space<hbm>>
        %dma_start3A_142 = tpu.memref_squeeze %dma_start3A_141 : memref<1x96x64xi32, #tpu.memory_space<hbm>> -> memref<96x64xi32, #tpu.memory_space<hbm>>
        tpu.enqueue_dma source(%dma_start3A_142 : memref<96x64xi32, #tpu.memory_space<hbm>>) target(%dma_start3A_138 : memref<96x64xi32, #tpu.memory_space<vmem>>) target_semaphore(%run_scoped3A_129 : memref<!tpu.dma_semaphore, #tpu.memory_space<semaphore_mem>>)
        %dma_wait3A = arith.constant 0 : i32
        %dma_wait3A_143 = arith.constant 0 : i32
        %dma_wait3A_144 = tpu.memref_slice %arg9[%dma_wait3A, %dma_wait3A_143] : memref<220x64xi32, #tpu.memory_space<vmem>> -> memref<96x64xi32, #tpu.memory_space<vmem>>
        %dma_wait3A_145 = arith.constant 220 : i32
        %dma_wait3A_146 = arith.constant 0 : i32
        %dma_wait3A_147 = tpu.memref_slice %arg4[%arg1, %dma_wait3A_145, %dma_wait3A_146] : memref<16x316x64xi32, #tpu.memory_space<hbm>> -> memref<1x96x64xi32, #tpu.memory_space<hbm>>
        %dma_wait3A_148 = tpu.memref_squeeze %dma_wait3A_147 : memref<1x96x64xi32, #tpu.memory_space<hbm>> -> memref<96x64xi32, #tpu.memory_space<hbm>>
        %dma_wait3A_149 = arith.constant 0 : i32
        %dma_wait3A_150 = arith.constant 0 : i32
        %dma_wait3A_151 = tpu.memref_slice %arg9[%dma_wait3A_149, %dma_wait3A_150] : memref<220x64xi32, #tpu.memory_space<vmem>> -> memref<96x64xi32, #tpu.memory_space<vmem>>
        %dma_wait3A_152 = arith.constant 220 : i32
        %dma_wait3A_153 = arith.constant 0 : i32
        %dma_wait3A_154 = tpu.memref_slice %arg4[%arg1, %dma_wait3A_152, %dma_wait3A_153] : memref<16x316x64xi32, #tpu.memory_space<hbm>> -> memref<1x96x64xi32, #tpu.memory_space<hbm>>
        %dma_wait3A_155 = tpu.memref_squeeze %dma_wait3A_154 : memref<1x96x64xi32, #tpu.memory_space<hbm>> -> memref<96x64xi32, #tpu.memory_space<hbm>>
        tpu.wait_dma2 semaphore(%run_scoped3A_129 : memref<!tpu.dma_semaphore, #tpu.memory_space<semaphore_mem>>) src(%dma_wait3A_155 : memref<96x64xi32, #tpu.memory_space<hbm>>) dst(%dma_wait3A_151 : memref<96x64xi32, #tpu.memory_space<vmem>>)
        tpu.yield
      }) : () -> ()
    } else {
    }
    %eq3A_55 = arith.constant 0 : i32
    %eq3A_56 = arith.cmpi eq, %arg0, %eq3A_55 : i32
    %select_n3A = arith.constant 48 : i32
    %select_n3A_57 = arith.constant 110 : i32
    %select_n3A_58 = arith.select %eq3A_56, %select_n3A_57, %select_n3A : i32
    %barrier3A = arith.constant 0 : index
    tpu.barrier barrier_id(%barrier3A)
    %while3A = arith.constant 0 : i32
    %while3A_59 = arith.constant 0 : i32
    %while3A_60 = arith.subi %select_n3A_58, %while3A_59 : i32
    %while3A_61 = arith.addi %while3A_59, %while3A_60 : i32
    %while3A_62 = arith.constant 1 : i32
    %while3A_63 = arith.divsi %while3A_60, %while3A_62 : i32
    %while3A_64 = arith.muli %while3A_63, %while3A_62 : i32
    %while3A_65 = arith.addi %while3A_59, %while3A_64 : i32
    %while3A_66 = arith.constant 1 : i32
    scf.for %while3A_129 = %while3A_59 to %while3A_65 step %while3A_66  : i32 {
      %mul3A_130 = arith.constant 2 : i32
      %mul3A_131 = arith.muli %mul3A_130, %while3A_129 : i32
      %dma_start3A = arith.constant 0 : i32
      %dma_start3A_132 = arith.constant 0 : i32
      %dma_start3A_133 = arith.constant 0 : i32
      %dma_start3A_134 = tpu.memref_slice %arg10[%dma_start3A, %dma_start3A_132, %dma_start3A_133] : memref<2x64x128xf32, #tpu.memory_space<vmem>> -> memref<1x64x128xf32, #tpu.memory_space<vmem>>
      %dma_start3A_135 = tpu.memref_squeeze %dma_start3A_134 : memref<1x64x128xf32, #tpu.memory_space<vmem>> -> memref<64x128xf32, #tpu.memory_space<vmem>>
      %dma_start3A_136 = arith.constant 0 : i32
      %dma_start3A_137 = tpu.memref_slice %arg8[%mul3A_131, %dma_start3A_136] : memref<220x64xi32, #tpu.memory_space<vmem>> -> memref<1x64xi32, #tpu.memory_space<vmem>>
      %dma_start3A_138 = tpu.memref_squeeze %dma_start3A_137 : memref<1x64xi32, #tpu.memory_space<vmem>> -> memref<64xi32, #tpu.memory_space<vmem>>
      %dma_start3A_139 = arith.constant 0 : i32
      %dma_start3A_140 = arith.constant 0 : i32
      %dma_start3A_141 = tpu.memref_slice %arg2[%dma_start3A_139, %dma_start3A_140] : memref<10000x128xf32, #tpu.memory_space<hbm>> -> memref<10000x128xf32, #tpu.memory_space<hbm>>
      tpu.enqueue_indirect_dma source(%dma_start3A_141 : memref<10000x128xf32, #tpu.memory_space<hbm>>) target(%dma_start3A_135 : memref<64x128xf32, #tpu.memory_space<vmem>>) offsets(%dma_start3A_138 : memref<64xi32, #tpu.memory_space<vmem>>) semaphore(%arg12 : memref<!tpu.dma_semaphore, #tpu.memory_space<semaphore_mem>>)
      %add3A_142 = arith.constant 1 : i32
      %add3A_143 = arith.addi %mul3A_131, %add3A_142 : i32
      %dma_start3A_144 = arith.constant 1 : i32
      %dma_start3A_145 = arith.constant 0 : i32
      %dma_start3A_146 = arith.constant 0 : i32
      %dma_start3A_147 = tpu.memref_slice %arg10[%dma_start3A_144, %dma_start3A_145, %dma_start3A_146] : memref<2x64x128xf32, #tpu.memory_space<vmem>> -> memref<1x64x128xf32, #tpu.memory_space<vmem>>
      %dma_start3A_148 = tpu.memref_squeeze %dma_start3A_147 : memref<1x64x128xf32, #tpu.memory_space<vmem>> -> memref<64x128xf32, #tpu.memory_space<vmem>>
      %dma_start3A_149 = arith.constant 0 : i32
      %dma_start3A_150 = tpu.memref_slice %arg8[%add3A_143, %dma_start3A_149] : memref<220x64xi32, #tpu.memory_space<vmem>> -> memref<1x64xi32, #tpu.memory_space<vmem>>
      %dma_start3A_151 = tpu.memref_squeeze %dma_start3A_150 : memref<1x64xi32, #tpu.memory_space<vmem>> -> memref<64xi32, #tpu.memory_space<vmem>>
      %dma_start3A_152 = arith.constant 0 : i32
      %dma_start3A_153 = arith.constant 0 : i32
      %dma_start3A_154 = tpu.memref_slice %arg2[%dma_start3A_152, %dma_start3A_153] : memref<10000x128xf32, #tpu.memory_space<hbm>> -> memref<10000x128xf32, #tpu.memory_space<hbm>>
      tpu.enqueue_indirect_dma source(%dma_start3A_154 : memref<10000x128xf32, #tpu.memory_space<hbm>>) target(%dma_start3A_148 : memref<64x128xf32, #tpu.memory_space<vmem>>) offsets(%dma_start3A_151 : memref<64xi32, #tpu.memory_space<vmem>>) semaphore(%arg13 : memref<!tpu.dma_semaphore, #tpu.memory_space<semaphore_mem>>)
      %dma_wait3A = arith.constant 0 : i32
      %dma_wait3A_155 = arith.constant 0 : i32
      %dma_wait3A_156 = arith.constant 0 : i32
      %dma_wait3A_157 = tpu.memref_slice %arg10[%dma_wait3A, %dma_wait3A_155, %dma_wait3A_156] : memref<2x64x128xf32, #tpu.memory_space<vmem>> -> memref<1x64x128xf32, #tpu.memory_space<vmem>>
      %dma_wait3A_158 = tpu.memref_squeeze %dma_wait3A_157 : memref<1x64x128xf32, #tpu.memory_space<vmem>> -> memref<64x128xf32, #tpu.memory_space<vmem>>
      %dma_wait3A_159 = arith.constant 0 : i32
      %dma_wait3A_160 = tpu.memref_slice %arg8[%mul3A_131, %dma_wait3A_159] : memref<220x64xi32, #tpu.memory_space<vmem>> -> memref<1x64xi32, #tpu.memory_space<vmem>>
      %dma_wait3A_161 = tpu.memref_squeeze %dma_wait3A_160 : memref<1x64xi32, #tpu.memory_space<vmem>> -> memref<64xi32, #tpu.memory_space<vmem>>
      %dma_wait3A_162 = arith.constant 0 : i32
      %dma_wait3A_163 = arith.constant 0 : i32
      %dma_wait3A_164 = tpu.memref_slice %arg2[%dma_wait3A_162, %dma_wait3A_163] : memref<10000x128xf32, #tpu.memory_space<hbm>> -> memref<10000x128xf32, #tpu.memory_space<hbm>>
      tpu.wait_indirect_dma semaphore(%arg12 : memref<!tpu.dma_semaphore, #tpu.memory_space<semaphore_mem>>) src(%dma_wait3A_164 : memref<10000x128xf32, #tpu.memory_space<hbm>>) dst(%dma_wait3A_158 : memref<64x128xf32, #tpu.memory_space<vmem>>)
      %dma_wait3A_165 = arith.constant 1 : i32
      %dma_wait3A_166 = arith.constant 0 : i32
      %dma_wait3A_167 = arith.constant 0 : i32
      %dma_wait3A_168 = tpu.memref_slice %arg10[%dma_wait3A_165, %dma_wait3A_166, %dma_wait3A_167] : memref<2x64x128xf32, #tpu.memory_space<vmem>> -> memref<1x64x128xf32, #tpu.memory_space<vmem>>
      %dma_wait3A_169 = tpu.memref_squeeze %dma_wait3A_168 : memref<1x64x128xf32, #tpu.memory_space<vmem>> -> memref<64x128xf32, #tpu.memory_space<vmem>>
      %dma_wait3A_170 = arith.constant 0 : i32
      %dma_wait3A_171 = tpu.memref_slice %arg8[%add3A_143, %dma_wait3A_170] : memref<220x64xi32, #tpu.memory_space<vmem>> -> memref<1x64xi32, #tpu.memory_space<vmem>>
      %dma_wait3A_172 = tpu.memref_squeeze %dma_wait3A_171 : memref<1x64xi32, #tpu.memory_space<vmem>> -> memref<64xi32, #tpu.memory_space<vmem>>
      %dma_wait3A_173 = arith.constant 0 : i32
      %dma_wait3A_174 = arith.constant 0 : i32
      %dma_wait3A_175 = tpu.memref_slice %arg2[%dma_wait3A_173, %dma_wait3A_174] : memref<10000x128xf32, #tpu.memory_space<hbm>> -> memref<10000x128xf32, #tpu.memory_space<hbm>>
      tpu.wait_indirect_dma semaphore(%arg13 : memref<!tpu.dma_semaphore, #tpu.memory_space<semaphore_mem>>) src(%dma_wait3A_175 : memref<10000x128xf32, #tpu.memory_space<hbm>>) dst(%dma_wait3A_169 : memref<64x128xf32, #tpu.memory_space<vmem>>)
      %dma_start3A_176 = arith.constant 0 : i32
      %dma_start3A_177 = arith.constant 0 : i32
      %dma_start3A_178 = arith.constant 0 : i32
      %dma_start3A_179 = tpu.memref_slice %arg10[%dma_start3A_176, %dma_start3A_177, %dma_start3A_178] : memref<2x64x128xf32, #tpu.memory_space<vmem>> -> memref<1x64x128xf32, #tpu.memory_space<vmem>>
      %dma_start3A_180 = tpu.memref_squeeze %dma_start3A_179 : memref<1x64x128xf32, #tpu.memory_space<vmem>> -> memref<64x128xf32, #tpu.memory_space<vmem>>
      %dma_start3A_181 = arith.constant 0 : i32
      %dma_start3A_182 = tpu.memref_slice %arg9[%mul3A_131, %dma_start3A_181] : memref<220x64xi32, #tpu.memory_space<vmem>> -> memref<1x64xi32, #tpu.memory_space<vmem>>
      %dma_start3A_183 = tpu.memref_squeeze %dma_start3A_182 : memref<1x64xi32, #tpu.memory_space<vmem>> -> memref<64xi32, #tpu.memory_space<vmem>>
      %dma_start3A_184 = arith.constant 0 : i32
      %dma_start3A_185 = arith.constant 0 : i32
      %dma_start3A_186 = tpu.memref_slice %arg7[%dma_start3A_184, %dma_start3A_185] : memref<10240x128xf32, #tpu.memory_space<vmem_shared>> -> memref<10240x128xf32, #tpu.memory_space<vmem_shared>>
      tpu.enqueue_indirect_dma source(%dma_start3A_180 : memref<64x128xf32, #tpu.memory_space<vmem>>) target(%dma_start3A_186 : memref<10240x128xf32, #tpu.memory_space<vmem_shared>>) offsets(%dma_start3A_183 : memref<64xi32, #tpu.memory_space<vmem>>) semaphore(%arg14 : memref<!tpu.dma_semaphore, #tpu.memory_space<semaphore_mem>>) {add = true}
      %add3A_187 = arith.constant 1 : i32
      %add3A_188 = arith.addi %mul3A_131, %add3A_187 : i32
      %dma_start3A_189 = arith.constant 1 : i32
      %dma_start3A_190 = arith.constant 0 : i32
      %dma_start3A_191 = arith.constant 0 : i32
      %dma_start3A_192 = tpu.memref_slice %arg10[%dma_start3A_189, %dma_start3A_190, %dma_start3A_191] : memref<2x64x128xf32, #tpu.memory_space<vmem>> -> memref<1x64x128xf32, #tpu.memory_space<vmem>>
      %dma_start3A_193 = tpu.memref_squeeze %dma_start3A_192 : memref<1x64x128xf32, #tpu.memory_space<vmem>> -> memref<64x128xf32, #tpu.memory_space<vmem>>
      %dma_start3A_194 = arith.constant 0 : i32
      %dma_start3A_195 = tpu.memref_slice %arg9[%add3A_188, %dma_start3A_194] : memref<220x64xi32, #tpu.memory_space<vmem>> -> memref<1x64xi32, #tpu.memory_space<vmem>>
      %dma_start3A_196 = tpu.memref_squeeze %dma_start3A_195 : memref<1x64xi32, #tpu.memory_space<vmem>> -> memref<64xi32, #tpu.memory_space<vmem>>
      %dma_start3A_197 = arith.constant 0 : i32
      %dma_start3A_198 = arith.constant 0 : i32
      %dma_start3A_199 = tpu.memref_slice %arg7[%dma_start3A_197, %dma_start3A_198] : memref<10240x128xf32, #tpu.memory_space<vmem_shared>> -> memref<10240x128xf32, #tpu.memory_space<vmem_shared>>
      tpu.enqueue_indirect_dma source(%dma_start3A_193 : memref<64x128xf32, #tpu.memory_space<vmem>>) target(%dma_start3A_199 : memref<10240x128xf32, #tpu.memory_space<vmem_shared>>) offsets(%dma_start3A_196 : memref<64xi32, #tpu.memory_space<vmem>>) semaphore(%arg15 : memref<!tpu.dma_semaphore, #tpu.memory_space<semaphore_mem>>) {add = true}
      %dma_wait3A_200 = arith.constant 0 : i32
      %dma_wait3A_201 = arith.constant 0 : i32
      %dma_wait3A_202 = arith.constant 0 : i32
      %dma_wait3A_203 = tpu.memref_slice %arg10[%dma_wait3A_200, %dma_wait3A_201, %dma_wait3A_202] : memref<2x64x128xf32, #tpu.memory_space<vmem>> -> memref<1x64x128xf32, #tpu.memory_space<vmem>>
      %dma_wait3A_204 = tpu.memref_squeeze %dma_wait3A_203 : memref<1x64x128xf32, #tpu.memory_space<vmem>> -> memref<64x128xf32, #tpu.memory_space<vmem>>
      %dma_wait3A_205 = arith.constant 0 : i32
      %dma_wait3A_206 = tpu.memref_slice %arg9[%mul3A_131, %dma_wait3A_205] : memref<220x64xi32, #tpu.memory_space<vmem>> -> memref<1x64xi32, #tpu.memory_space<vmem>>
      %dma_wait3A_207 = tpu.memref_squeeze %dma_wait3A_206 : memref<1x64xi32, #tpu.memory_space<vmem>> -> memref<64xi32, #tpu.memory_space<vmem>>
      %dma_wait3A_208 = arith.constant 0 : i32
      %dma_wait3A_209 = arith.constant 0 : i32
      %dma_wait3A_210 = tpu.memref_slice %arg7[%dma_wait3A_208, %dma_wait3A_209] : memref<10240x128xf32, #tpu.memory_space<vmem_shared>> -> memref<10240x128xf32, #tpu.memory_space<vmem_shared>>
      tpu.wait_indirect_dma semaphore(%arg14 : memref<!tpu.dma_semaphore, #tpu.memory_space<semaphore_mem>>) src(%dma_wait3A_204 : memref<64x128xf32, #tpu.memory_space<vmem>>) dst(%dma_wait3A_210 : memref<10240x128xf32, #tpu.memory_space<vmem_shared>>)
      %dma_wait3A_211 = arith.constant 1 : i32
      %dma_wait3A_212 = arith.constant 0 : i32
      %dma_wait3A_213 = arith.constant 0 : i32
      %dma_wait3A_214 = tpu.memref_slice %arg10[%dma_wait3A_211, %dma_wait3A_212, %dma_wait3A_213] : memref<2x64x128xf32, #tpu.memory_space<vmem>> -> memref<1x64x128xf32, #tpu.memory_space<vmem>>
      %dma_wait3A_215 = tpu.memref_squeeze %dma_wait3A_214 : memref<1x64x128xf32, #tpu.memory_space<vmem>> -> memref<64x128xf32, #tpu.memory_space<vmem>>
      %dma_wait3A_216 = arith.constant 0 : i32
      %dma_wait3A_217 = tpu.memref_slice %arg9[%add3A_188, %dma_wait3A_216] : memref<220x64xi32, #tpu.memory_space<vmem>> -> memref<1x64xi32, #tpu.memory_space<vmem>>
      %dma_wait3A_218 = tpu.memref_squeeze %dma_wait3A_217 : memref<1x64xi32, #tpu.memory_space<vmem>> -> memref<64xi32, #tpu.memory_space<vmem>>
      %dma_wait3A_219 = arith.constant 0 : i32
      %dma_wait3A_220 = arith.constant 0 : i32
      %dma_wait3A_221 = tpu.memref_slice %arg7[%dma_wait3A_219, %dma_wait3A_220] : memref<10240x128xf32, #tpu.memory_space<vmem_shared>> -> memref<10240x128xf32, #tpu.memory_space<vmem_shared>>
      tpu.wait_indirect_dma semaphore(%arg15 : memref<!tpu.dma_semaphore, #tpu.memory_space<semaphore_mem>>) src(%dma_wait3A_215 : memref<64x128xf32, #tpu.memory_space<vmem>>) dst(%dma_wait3A_221 : memref<10240x128xf32, #tpu.memory_space<vmem_shared>>)
    }
    %while3A_67 = arith.constant 1 : i32
    scf.for %while3A_129 = %while3A_65 to %while3A_61 step %while3A_67  : i32 {
      %mul3A_130 = arith.constant 2 : i32
      %mul3A_131 = arith.muli %mul3A_130, %while3A_129 : i32
      %dma_start3A = arith.constant 0 : i32
      %dma_start3A_132 = arith.constant 0 : i32
      %dma_start3A_133 = arith.constant 0 : i32
      %dma_start3A_134 = tpu.memref_slice %arg10[%dma_start3A, %dma_start3A_132, %dma_start3A_133] : memref<2x64x128xf32, #tpu.memory_space<vmem>> -> memref<1x64x128xf32, #tpu.memory_space<vmem>>
      %dma_start3A_135 = tpu.memref_squeeze %dma_start3A_134 : memref<1x64x128xf32, #tpu.memory_space<vmem>> -> memref<64x128xf32, #tpu.memory_space<vmem>>
      %dma_start3A_136 = arith.constant 0 : i32
      %dma_start3A_137 = tpu.memref_slice %arg8[%mul3A_131, %dma_start3A_136] : memref<220x64xi32, #tpu.memory_space<vmem>> -> memref<1x64xi32, #tpu.memory_space<vmem>>
      %dma_start3A_138 = tpu.memref_squeeze %dma_start3A_137 : memref<1x64xi32, #tpu.memory_space<vmem>> -> memref<64xi32, #tpu.memory_space<vmem>>
      %dma_start3A_139 = arith.constant 0 : i32
      %dma_start3A_140 = arith.constant 0 : i32
      %dma_start3A_141 = tpu.memref_slice %arg2[%dma_start3A_139, %dma_start3A_140] : memref<10000x128xf32, #tpu.memory_space<hbm>> -> memref<10000x128xf32, #tpu.memory_space<hbm>>
      tpu.enqueue_indirect_dma source(%dma_start3A_141 : memref<10000x128xf32, #tpu.memory_space<hbm>>) target(%dma_start3A_135 : memref<64x128xf32, #tpu.memory_space<vmem>>) offsets(%dma_start3A_138 : memref<64xi32, #tpu.memory_space<vmem>>) semaphore(%arg12 : memref<!tpu.dma_semaphore, #tpu.memory_space<semaphore_mem>>)
      %add3A_142 = arith.constant 1 : i32
      %add3A_143 = arith.addi %mul3A_131, %add3A_142 : i32
      %dma_start3A_144 = arith.constant 1 : i32
      %dma_start3A_145 = arith.constant 0 : i32
      %dma_start3A_146 = arith.constant 0 : i32
      %dma_start3A_147 = tpu.memref_slice %arg10[%dma_start3A_144, %dma_start3A_145, %dma_start3A_146] : memref<2x64x128xf32, #tpu.memory_space<vmem>> -> memref<1x64x128xf32, #tpu.memory_space<vmem>>
      %dma_start3A_148 = tpu.memref_squeeze %dma_start3A_147 : memref<1x64x128xf32, #tpu.memory_space<vmem>> -> memref<64x128xf32, #tpu.memory_space<vmem>>
      %dma_start3A_149 = arith.constant 0 : i32
      %dma_start3A_150 = tpu.memref_slice %arg8[%add3A_143, %dma_start3A_149] : memref<220x64xi32, #tpu.memory_space<vmem>> -> memref<1x64xi32, #tpu.memory_space<vmem>>
      %dma_start3A_151 = tpu.memref_squeeze %dma_start3A_150 : memref<1x64xi32, #tpu.memory_space<vmem>> -> memref<64xi32, #tpu.memory_space<vmem>>
      %dma_start3A_152 = arith.constant 0 : i32
      %dma_start3A_153 = arith.constant 0 : i32
      %dma_start3A_154 = tpu.memref_slice %arg2[%dma_start3A_152, %dma_start3A_153] : memref<10000x128xf32, #tpu.memory_space<hbm>> -> memref<10000x128xf32, #tpu.memory_space<hbm>>
      tpu.enqueue_indirect_dma source(%dma_start3A_154 : memref<10000x128xf32, #tpu.memory_space<hbm>>) target(%dma_start3A_148 : memref<64x128xf32, #tpu.memory_space<vmem>>) offsets(%dma_start3A_151 : memref<64xi32, #tpu.memory_space<vmem>>) semaphore(%arg13 : memref<!tpu.dma_semaphore, #tpu.memory_space<semaphore_mem>>)
      %dma_wait3A = arith.constant 0 : i32
      %dma_wait3A_155 = arith.constant 0 : i32
      %dma_wait3A_156 = arith.constant 0 : i32
      %dma_wait3A_157 = tpu.memref_slice %arg10[%dma_wait3A, %dma_wait3A_155, %dma_wait3A_156] : memref<2x64x128xf32, #tpu.memory_space<vmem>> -> memref<1x64x128xf32, #tpu.memory_space<vmem>>
      %dma_wait3A_158 = tpu.memref_squeeze %dma_wait3A_157 : memref<1x64x128xf32, #tpu.memory_space<vmem>> -> memref<64x128xf32, #tpu.memory_space<vmem>>
      %dma_wait3A_159 = arith.constant 0 : i32
      %dma_wait3A_160 = tpu.memref_slice %arg8[%mul3A_131, %dma_wait3A_159] : memref<220x64xi32, #tpu.memory_space<vmem>> -> memref<1x64xi32, #tpu.memory_space<vmem>>
      %dma_wait3A_161 = tpu.memref_squeeze %dma_wait3A_160 : memref<1x64xi32, #tpu.memory_space<vmem>> -> memref<64xi32, #tpu.memory_space<vmem>>
      %dma_wait3A_162 = arith.constant 0 : i32
      %dma_wait3A_163 = arith.constant 0 : i32
      %dma_wait3A_164 = tpu.memref_slice %arg2[%dma_wait3A_162, %dma_wait3A_163] : memref<10000x128xf32, #tpu.memory_space<hbm>> -> memref<10000x128xf32, #tpu.memory_space<hbm>>
      tpu.wait_indirect_dma semaphore(%arg12 : memref<!tpu.dma_semaphore, #tpu.memory_space<semaphore_mem>>) src(%dma_wait3A_164 : memref<10000x128xf32, #tpu.memory_space<hbm>>) dst(%dma_wait3A_158 : memref<64x128xf32, #tpu.memory_space<vmem>>)
      %dma_wait3A_165 = arith.constant 1 : i32
      %dma_wait3A_166 = arith.constant 0 : i32
      %dma_wait3A_167 = arith.constant 0 : i32
      %dma_wait3A_168 = tpu.memref_slice %arg10[%dma_wait3A_165, %dma_wait3A_166, %dma_wait3A_167] : memref<2x64x128xf32, #tpu.memory_space<vmem>> -> memref<1x64x128xf32, #tpu.memory_space<vmem>>
      %dma_wait3A_169 = tpu.memref_squeeze %dma_wait3A_168 : memref<1x64x128xf32, #tpu.memory_space<vmem>> -> memref<64x128xf32, #tpu.memory_space<vmem>>
      %dma_wait3A_170 = arith.constant 0 : i32
      %dma_wait3A_171 = tpu.memref_slice %arg8[%add3A_143, %dma_wait3A_170] : memref<220x64xi32, #tpu.memory_space<vmem>> -> memref<1x64xi32, #tpu.memory_space<vmem>>
      %dma_wait3A_172 = tpu.memref_squeeze %dma_wait3A_171 : memref<1x64xi32, #tpu.memory_space<vmem>> -> memref<64xi32, #tpu.memory_space<vmem>>
      %dma_wait3A_173 = arith.constant 0 : i32
      %dma_wait3A_174 = arith.constant 0 : i32
      %dma_wait3A_175 = tpu.memref_slice %arg2[%dma_wait3A_173, %dma_wait3A_174] : memref<10000x128xf32, #tpu.memory_space<hbm>> -> memref<10000x128xf32, #tpu.memory_space<hbm>>
      tpu.wait_indirect_dma semaphore(%arg13 : memref<!tpu.dma_semaphore, #tpu.memory_space<semaphore_mem>>) src(%dma_wait3A_175 : memref<10000x128xf32, #tpu.memory_space<hbm>>) dst(%dma_wait3A_169 : memref<64x128xf32, #tpu.memory_space<vmem>>)
      %dma_start3A_176 = arith.constant 0 : i32
      %dma_start3A_177 = arith.constant 0 : i32
      %dma_start3A_178 = arith.constant 0 : i32
      %dma_start3A_179 = tpu.memref_slice %arg10[%dma_start3A_176, %dma_start3A_177, %dma_start3A_178] : memref<2x64x128xf32, #tpu.memory_space<vmem>> -> memref<1x64x128xf32, #tpu.memory_space<vmem>>
      %dma_start3A_180 = tpu.memref_squeeze %dma_start3A_179 : memref<1x64x128xf32, #tpu.memory_space<vmem>> -> memref<64x128xf32, #tpu.memory_space<vmem>>
      %dma_start3A_181 = arith.constant 0 : i32
      %dma_start3A_182 = tpu.memref_slice %arg9[%mul3A_131, %dma_start3A_181] : memref<220x64xi32, #tpu.memory_space<vmem>> -> memref<1x64xi32, #tpu.memory_space<vmem>>
      %dma_start3A_183 = tpu.memref_squeeze %dma_start3A_182 : memref<1x64xi32, #tpu.memory_space<vmem>> -> memref<64xi32, #tpu.memory_space<vmem>>
      %dma_start3A_184 = arith.constant 0 : i32
      %dma_start3A_185 = arith.constant 0 : i32
      %dma_start3A_186 = tpu.memref_slice %arg7[%dma_start3A_184, %dma_start3A_185] : memref<10240x128xf32, #tpu.memory_space<vmem_shared>> -> memref<10240x128xf32, #tpu.memory_space<vmem_shared>>
      tpu.enqueue_indirect_dma source(%dma_start3A_180 : memref<64x128xf32, #tpu.memory_space<vmem>>) target(%dma_start3A_186 : memref<10240x128xf32, #tpu.memory_space<vmem_shared>>) offsets(%dma_start3A_183 : memref<64xi32, #tpu.memory_space<vmem>>) semaphore(%arg14 : memref<!tpu.dma_semaphore, #tpu.memory_space<semaphore_mem>>) {add = true}
      %add3A_187 = arith.constant 1 : i32
      %add3A_188 = arith.addi %mul3A_131, %add3A_187 : i32
      %dma_start3A_189 = arith.constant 1 : i32
      %dma_start3A_190 = arith.constant 0 : i32
      %dma_start3A_191 = arith.constant 0 : i32
      %dma_start3A_192 = tpu.memref_slice %arg10[%dma_start3A_189, %dma_start3A_190, %dma_start3A_191] : memref<2x64x128xf32, #tpu.memory_space<vmem>> -> memref<1x64x128xf32, #tpu.memory_space<vmem>>
      %dma_start3A_193 = tpu.memref_squeeze %dma_start3A_192 : memref<1x64x128xf32, #tpu.memory_space<vmem>> -> memref<64x128xf32, #tpu.memory_space<vmem>>
      %dma_start3A_194 = arith.constant 0 : i32
      %dma_start3A_195 = tpu.memref_slice %arg9[%add3A_188, %dma_start3A_194] : memref<220x64xi32, #tpu.memory_space<vmem>> -> memref<1x64xi32, #tpu.memory_space<vmem>>
      %dma_start3A_196 = tpu.memref_squeeze %dma_start3A_195 : memref<1x64xi32, #tpu.memory_space<vmem>> -> memref<64xi32, #tpu.memory_space<vmem>>
      %dma_start3A_197 = arith.constant 0 : i32
      %dma_start3A_198 = arith.constant 0 : i32
      %dma_start3A_199 = tpu.memref_slice %arg7[%dma_start3A_197, %dma_start3A_198] : memref<10240x128xf32, #tpu.memory_space<vmem_shared>> -> memref<10240x128xf32, #tpu.memory_space<vmem_shared>>
      tpu.enqueue_indirect_dma source(%dma_start3A_193 : memref<64x128xf32, #tpu.memory_space<vmem>>) target(%dma_start3A_199 : memref<10240x128xf32, #tpu.memory_space<vmem_shared>>) offsets(%dma_start3A_196 : memref<64xi32, #tpu.memory_space<vmem>>) semaphore(%arg15 : memref<!tpu.dma_semaphore, #tpu.memory_space<semaphore_mem>>) {add = true}
      %dma_wait3A_200 = arith.constant 0 : i32
      %dma_wait3A_201 = arith.constant 0 : i32
      %dma_wait3A_202 = arith.constant 0 : i32
      %dma_wait3A_203 = tpu.memref_slice %arg10[%dma_wait3A_200, %dma_wait3A_201, %dma_wait3A_202] : memref<2x64x128xf32, #tpu.memory_space<vmem>> -> memref<1x64x128xf32, #tpu.memory_space<vmem>>
      %dma_wait3A_204 = tpu.memref_squeeze %dma_wait3A_203 : memref<1x64x128xf32, #tpu.memory_space<vmem>> -> memref<64x128xf32, #tpu.memory_space<vmem>>
      %dma_wait3A_205 = arith.constant 0 : i32
      %dma_wait3A_206 = tpu.memref_slice %arg9[%mul3A_131, %dma_wait3A_205] : memref<220x64xi32, #tpu.memory_space<vmem>> -> memref<1x64xi32, #tpu.memory_space<vmem>>
      %dma_wait3A_207 = tpu.memref_squeeze %dma_wait3A_206 : memref<1x64xi32, #tpu.memory_space<vmem>> -> memref<64xi32, #tpu.memory_space<vmem>>
      %dma_wait3A_208 = arith.constant 0 : i32
      %dma_wait3A_209 = arith.constant 0 : i32
      %dma_wait3A_210 = tpu.memref_slice %arg7[%dma_wait3A_208, %dma_wait3A_209] : memref<10240x128xf32, #tpu.memory_space<vmem_shared>> -> memref<10240x128xf32, #tpu.memory_space<vmem_shared>>
      tpu.wait_indirect_dma semaphore(%arg14 : memref<!tpu.dma_semaphore, #tpu.memory_space<semaphore_mem>>) src(%dma_wait3A_204 : memref<64x128xf32, #tpu.memory_space<vmem>>) dst(%dma_wait3A_210 : memref<10240x128xf32, #tpu.memory_space<vmem_shared>>)
      %dma_wait3A_211 = arith.constant 1 : i32
      %dma_wait3A_212 = arith.constant 0 : i32
      %dma_wait3A_213 = arith.constant 0 : i32
      %dma_wait3A_214 = tpu.memref_slice %arg10[%dma_wait3A_211, %dma_wait3A_212, %dma_wait3A_213] : memref<2x64x128xf32, #tpu.memory_space<vmem>> -> memref<1x64x128xf32, #tpu.memory_space<vmem>>
      %dma_wait3A_215 = tpu.memref_squeeze %dma_wait3A_214 : memref<1x64x128xf32, #tpu.memory_space<vmem>> -> memref<64x128xf32, #tpu.memory_space<vmem>>
      %dma_wait3A_216 = arith.constant 0 : i32
      %dma_wait3A_217 = tpu.memref_slice %arg9[%add3A_188, %dma_wait3A_216] : memref<220x64xi32, #tpu.memory_space<vmem>> -> memref<1x64xi32, #tpu.memory_space<vmem>>
      %dma_wait3A_218 = tpu.memref_squeeze %dma_wait3A_217 : memref<1x64xi32, #tpu.memory_space<vmem>> -> memref<64xi32, #tpu.memory_space<vmem>>
      %dma_wait3A_219 = arith.constant 0 : i32
      %dma_wait3A_220 = arith.constant 0 : i32
      %dma_wait3A_221 = tpu.memref_slice %arg7[%dma_wait3A_219, %dma_wait3A_220] : memref<10240x128xf32, #tpu.memory_space<vmem_shared>> -> memref<10240x128xf32, #tpu.memory_space<vmem_shared>>
      tpu.wait_indirect_dma semaphore(%arg15 : memref<!tpu.dma_semaphore, #tpu.memory_space<semaphore_mem>>) src(%dma_wait3A_215 : memref<64x128xf32, #tpu.memory_space<vmem>>) dst(%dma_wait3A_221 : memref<10240x128xf32, #tpu.memory_space<vmem_shared>>)
    }
    %barrier3A_68 = arith.constant 0 : index
    tpu.barrier barrier_id(%barrier3A_68)
    %mul3A_69 = arith.constant 640 : i32
    %mul3A_70 = arith.muli %arg1, %mul3A_69 : i32
    %add3A_71 = arith.constant 0 : i32
    %add3A_72 = arith.addi %mul3A_70, %add3A_71 : i32
    %run_scoped3A_73 = arith.constant 0 : i32
    "tpu.region"() ({
      %run_scoped3A_129 = tpu.sem_alloc : memref<!tpu.dma_semaphore, #tpu.memory_space<semaphore_mem>>
      %dma_start3A = arith.constant 0 : i32
      %dma_start3A_130 = arith.constant 0 : i32
      %dma_start3A_131 = tpu.memref_slice %arg10[%run_scoped3A_73, %dma_start3A, %dma_start3A_130] : memref<2x64x128xf32, #tpu.memory_space<vmem>> -> memref<1x64x128xf32, #tpu.memory_space<vmem>>
      %dma_start3A_132 = tpu.memref_squeeze %dma_start3A_131 : memref<1x64x128xf32, #tpu.memory_space<vmem>> -> memref<64x128xf32, #tpu.memory_space<vmem>>
      %dma_start3A_133 = arith.constant 0 : i32
      %dma_start3A_134 = tpu.memref_slice %arg7[%add3A_72, %dma_start3A_133] : memref<10240x128xf32, #tpu.memory_space<vmem_shared>> -> memref<64x128xf32, #tpu.memory_space<vmem_shared>>
      %dma_start3A_135 = arith.constant 0 : i32
      %dma_start3A_136 = arith.constant 0 : i32
      %dma_start3A_137 = tpu.memref_slice %arg10[%run_scoped3A_73, %dma_start3A_135, %dma_start3A_136] : memref<2x64x128xf32, #tpu.memory_space<vmem>> -> memref<1x64x128xf32, #tpu.memory_space<vmem>>
      %dma_start3A_138 = tpu.memref_squeeze %dma_start3A_137 : memref<1x64x128xf32, #tpu.memory_space<vmem>> -> memref<64x128xf32, #tpu.memory_space<vmem>>
      %dma_start3A_139 = arith.constant 0 : i32
      %dma_start3A_140 = tpu.memref_slice %arg7[%add3A_72, %dma_start3A_139] : memref<10240x128xf32, #tpu.memory_space<vmem_shared>> -> memref<64x128xf32, #tpu.memory_space<vmem_shared>>
      tpu.enqueue_dma source(%dma_start3A_140 : memref<64x128xf32, #tpu.memory_space<vmem_shared>>) target(%dma_start3A_138 : memref<64x128xf32, #tpu.memory_space<vmem>>) target_semaphore(%run_scoped3A_129 : memref<!tpu.dma_semaphore, #tpu.memory_space<semaphore_mem>>)
      %dma_wait3A = arith.constant 0 : i32
      %dma_wait3A_141 = arith.constant 0 : i32
      %dma_wait3A_142 = tpu.memref_slice %arg10[%run_scoped3A_73, %dma_wait3A, %dma_wait3A_141] : memref<2x64x128xf32, #tpu.memory_space<vmem>> -> memref<1x64x128xf32, #tpu.memory_space<vmem>>
      %dma_wait3A_143 = tpu.memref_squeeze %dma_wait3A_142 : memref<1x64x128xf32, #tpu.memory_space<vmem>> -> memref<64x128xf32, #tpu.memory_space<vmem>>
      %dma_wait3A_144 = arith.constant 0 : i32
      %dma_wait3A_145 = tpu.memref_slice %arg7[%add3A_72, %dma_wait3A_144] : memref<10240x128xf32, #tpu.memory_space<vmem_shared>> -> memref<64x128xf32, #tpu.memory_space<vmem_shared>>
      %dma_wait3A_146 = arith.constant 0 : i32
      %dma_wait3A_147 = arith.constant 0 : i32
      %dma_wait3A_148 = tpu.memref_slice %arg10[%run_scoped3A_73, %dma_wait3A_146, %dma_wait3A_147] : memref<2x64x128xf32, #tpu.memory_space<vmem>> -> memref<1x64x128xf32, #tpu.memory_space<vmem>>
      %dma_wait3A_149 = tpu.memref_squeeze %dma_wait3A_148 : memref<1x64x128xf32, #tpu.memory_space<vmem>> -> memref<64x128xf32, #tpu.memory_space<vmem>>
      %dma_wait3A_150 = arith.constant 0 : i32
      %dma_wait3A_151 = tpu.memref_slice %arg7[%add3A_72, %dma_wait3A_150] : memref<10240x128xf32, #tpu.memory_space<vmem_shared>> -> memref<64x128xf32, #tpu.memory_space<vmem_shared>>
      tpu.wait_dma2 semaphore(%run_scoped3A_129 : memref<!tpu.dma_semaphore, #tpu.memory_space<semaphore_mem>>) src(%dma_wait3A_151 : memref<64x128xf32, #tpu.memory_space<vmem_shared>>) dst(%dma_wait3A_149 : memref<64x128xf32, #tpu.memory_space<vmem>>)
      tpu.yield
    }) : () -> ()
    %run_scoped3A_74 = arith.constant 0 : i32
    "tpu.region"() ({
      %run_scoped3A_129 = tpu.sem_alloc : memref<!tpu.dma_semaphore, #tpu.memory_space<semaphore_mem>>
      %dma_start3A = arith.constant 0 : i32
      %dma_start3A_130 = arith.constant 0 : i32
      %dma_start3A_131 = tpu.memref_slice %arg10[%run_scoped3A_74, %dma_start3A, %dma_start3A_130] : memref<2x64x128xf32, #tpu.memory_space<vmem>> -> memref<1x64x128xf32, #tpu.memory_space<vmem>>
      %dma_start3A_132 = tpu.memref_squeeze %dma_start3A_131 : memref<1x64x128xf32, #tpu.memory_space<vmem>> -> memref<64x128xf32, #tpu.memory_space<vmem>>
      %dma_start3A_133 = arith.constant 0 : i32
      %dma_start3A_134 = tpu.memref_slice %arg6[%arg0, %add3A_72, %dma_start3A_133] : memref<2x10240x128xf32, #tpu.memory_space<hbm>> -> memref<1x64x128xf32, #tpu.memory_space<hbm>>
      %dma_start3A_135 = tpu.memref_squeeze %dma_start3A_134 : memref<1x64x128xf32, #tpu.memory_space<hbm>> -> memref<64x128xf32, #tpu.memory_space<hbm>>
      %dma_start3A_136 = arith.constant 0 : i32
      %dma_start3A_137 = tpu.memref_slice %arg6[%arg0, %add3A_72, %dma_start3A_136] : memref<2x10240x128xf32, #tpu.memory_space<hbm>> -> memref<1x64x128xf32, #tpu.memory_space<hbm>>
      %dma_start3A_138 = tpu.memref_squeeze %dma_start3A_137 : memref<1x64x128xf32, #tpu.memory_space<hbm>> -> memref<64x128xf32, #tpu.memory_space<hbm>>
      %dma_start3A_139 = arith.constant 0 : i32
      %dma_start3A_140 = arith.constant 0 : i32
      %dma_start3A_141 = tpu.memref_slice %arg10[%run_scoped3A_74, %dma_start3A_139, %dma_start3A_140] : memref<2x64x128xf32, #tpu.memory_space<vmem>> -> memref<1x64x128xf32, #tpu.memory_space<vmem>>
      %dma_start3A_142 = tpu.memref_squeeze %dma_start3A_141 : memref<1x64x128xf32, #tpu.memory_space<vmem>> -> memref<64x128xf32, #tpu.memory_space<vmem>>
      tpu.enqueue_dma source(%dma_start3A_142 : memref<64x128xf32, #tpu.memory_space<vmem>>) target(%dma_start3A_138 : memref<64x128xf32, #tpu.memory_space<hbm>>) target_semaphore(%run_scoped3A_129 : memref<!tpu.dma_semaphore, #tpu.memory_space<semaphore_mem>>)
      %dma_wait3A = arith.constant 0 : i32
      %dma_wait3A_143 = arith.constant 0 : i32
      %dma_wait3A_144 = tpu.memref_slice %arg10[%run_scoped3A_74, %dma_wait3A, %dma_wait3A_143] : memref<2x64x128xf32, #tpu.memory_space<vmem>> -> memref<1x64x128xf32, #tpu.memory_space<vmem>>
      %dma_wait3A_145 = tpu.memref_squeeze %dma_wait3A_144 : memref<1x64x128xf32, #tpu.memory_space<vmem>> -> memref<64x128xf32, #tpu.memory_space<vmem>>
      %dma_wait3A_146 = arith.constant 0 : i32
      %dma_wait3A_147 = tpu.memref_slice %arg6[%arg0, %add3A_72, %dma_wait3A_146] : memref<2x10240x128xf32, #tpu.memory_space<hbm>> -> memref<1x64x128xf32, #tpu.memory_space<hbm>>
      %dma_wait3A_148 = tpu.memref_squeeze %dma_wait3A_147 : memref<1x64x128xf32, #tpu.memory_space<hbm>> -> memref<64x128xf32, #tpu.memory_space<hbm>>
      %dma_wait3A_149 = arith.constant 0 : i32
      %dma_wait3A_150 = tpu.memref_slice %arg6[%arg0, %add3A_72, %dma_wait3A_149] : memref<2x10240x128xf32, #tpu.memory_space<hbm>> -> memref<1x64x128xf32, #tpu.memory_space<hbm>>
      %dma_wait3A_151 = tpu.memref_squeeze %dma_wait3A_150 : memref<1x64x128xf32, #tpu.memory_space<hbm>> -> memref<64x128xf32, #tpu.memory_space<hbm>>
      %dma_wait3A_152 = arith.constant 0 : i32
      %dma_wait3A_153 = arith.constant 0 : i32
      %dma_wait3A_154 = tpu.memref_slice %arg10[%run_scoped3A_74, %dma_wait3A_152, %dma_wait3A_153] : memref<2x64x128xf32, #tpu.memory_space<vmem>> -> memref<1x64x128xf32, #tpu.memory_space<vmem>>
      %dma_wait3A_155 = tpu.memref_squeeze %dma_wait3A_154 : memref<1x64x128xf32, #tpu.memory_space<vmem>> -> memref<64x128xf32, #tpu.memory_space<vmem>>
      tpu.wait_dma2 semaphore(%run_scoped3A_129 : memref<!tpu.dma_semaphore, #tpu.memory_space<semaphore_mem>>) src(%dma_wait3A_155 : memref<64x128xf32, #tpu.memory_space<vmem>>) dst(%dma_wait3A_151 : memref<64x128xf32, #tpu.memory_space<hbm>>)
      tpu.yield
    }) : () -> ()
    %mul3A_75 = arith.constant 640 : i32
    %mul3A_76 = arith.muli %arg1, %mul3A_75 : i32
    %add3A_77 = arith.constant 64 : i32
    %add3A_78 = arith.addi %mul3A_76, %add3A_77 : i32
    %run_scoped3A_79 = arith.constant 0 : i32
    "tpu.region"() ({
      %run_scoped3A_129 = tpu.sem_alloc : memref<!tpu.dma_semaphore, #tpu.memory_space<semaphore_mem>>
      %dma_start3A = arith.constant 0 : i32
      %dma_start3A_130 = arith.constant 0 : i32
      %dma_start3A_131 = tpu.memref_slice %arg10[%run_scoped3A_79, %dma_start3A, %dma_start3A_130] : memref<2x64x128xf32, #tpu.memory_space<vmem>> -> memref<1x64x128xf32, #tpu.memory_space<vmem>>
      %dma_start3A_132 = tpu.memref_squeeze %dma_start3A_131 : memref<1x64x128xf32, #tpu.memory_space<vmem>> -> memref<64x128xf32, #tpu.memory_space<vmem>>
      %dma_start3A_133 = arith.constant 0 : i32
      %dma_start3A_134 = tpu.memref_slice %arg7[%add3A_78, %dma_start3A_133] : memref<10240x128xf32, #tpu.memory_space<vmem_shared>> -> memref<64x128xf32, #tpu.memory_space<vmem_shared>>
      %dma_start3A_135 = arith.constant 0 : i32
      %dma_start3A_136 = arith.constant 0 : i32
      %dma_start3A_137 = tpu.memref_slice %arg10[%run_scoped3A_79, %dma_start3A_135, %dma_start3A_136] : memref<2x64x128xf32, #tpu.memory_space<vmem>> -> memref<1x64x128xf32, #tpu.memory_space<vmem>>
      %dma_start3A_138 = tpu.memref_squeeze %dma_start3A_137 : memref<1x64x128xf32, #tpu.memory_space<vmem>> -> memref<64x128xf32, #tpu.memory_space<vmem>>
      %dma_start3A_139 = arith.constant 0 : i32
      %dma_start3A_140 = tpu.memref_slice %arg7[%add3A_78, %dma_start3A_139] : memref<10240x128xf32, #tpu.memory_space<vmem_shared>> -> memref<64x128xf32, #tpu.memory_space<vmem_shared>>
      tpu.enqueue_dma source(%dma_start3A_140 : memref<64x128xf32, #tpu.memory_space<vmem_shared>>) target(%dma_start3A_138 : memref<64x128xf32, #tpu.memory_space<vmem>>) target_semaphore(%run_scoped3A_129 : memref<!tpu.dma_semaphore, #tpu.memory_space<semaphore_mem>>)
      %dma_wait3A = arith.constant 0 : i32
      %dma_wait3A_141 = arith.constant 0 : i32
      %dma_wait3A_142 = tpu.memref_slice %arg10[%run_scoped3A_79, %dma_wait3A, %dma_wait3A_141] : memref<2x64x128xf32, #tpu.memory_space<vmem>> -> memref<1x64x128xf32, #tpu.memory_space<vmem>>
      %dma_wait3A_143 = tpu.memref_squeeze %dma_wait3A_142 : memref<1x64x128xf32, #tpu.memory_space<vmem>> -> memref<64x128xf32, #tpu.memory_space<vmem>>
      %dma_wait3A_144 = arith.constant 0 : i32
      %dma_wait3A_145 = tpu.memref_slice %arg7[%add3A_78, %dma_wait3A_144] : memref<10240x128xf32, #tpu.memory_space<vmem_shared>> -> memref<64x128xf32, #tpu.memory_space<vmem_shared>>
      %dma_wait3A_146 = arith.constant 0 : i32
      %dma_wait3A_147 = arith.constant 0 : i32
      %dma_wait3A_148 = tpu.memref_slice %arg10[%run_scoped3A_79, %dma_wait3A_146, %dma_wait3A_147] : memref<2x64x128xf32, #tpu.memory_space<vmem>> -> memref<1x64x128xf32, #tpu.memory_space<vmem>>
      %dma_wait3A_149 = tpu.memref_squeeze %dma_wait3A_148 : memref<1x64x128xf32, #tpu.memory_space<vmem>> -> memref<64x128xf32, #tpu.memory_space<vmem>>
      %dma_wait3A_150 = arith.constant 0 : i32
      %dma_wait3A_151 = tpu.memref_slice %arg7[%add3A_78, %dma_wait3A_150] : memref<10240x128xf32, #tpu.memory_space<vmem_shared>> -> memref<64x128xf32, #tpu.memory_space<vmem_shared>>
      tpu.wait_dma2 semaphore(%run_scoped3A_129 : memref<!tpu.dma_semaphore, #tpu.memory_space<semaphore_mem>>) src(%dma_wait3A_151 : memref<64x128xf32, #tpu.memory_space<vmem_shared>>) dst(%dma_wait3A_149 : memref<64x128xf32, #tpu.memory_space<vmem>>)
      tpu.yield
    }) : () -> ()
    %run_scoped3A_80 = arith.constant 0 : i32
    "tpu.region"() ({
      %run_scoped3A_129 = tpu.sem_alloc : memref<!tpu.dma_semaphore, #tpu.memory_space<semaphore_mem>>
      %dma_start3A = arith.constant 0 : i32
      %dma_start3A_130 = arith.constant 0 : i32
      %dma_start3A_131 = tpu.memref_slice %arg10[%run_scoped3A_80, %dma_start3A, %dma_start3A_130] : memref<2x64x128xf32, #tpu.memory_space<vmem>> -> memref<1x64x128xf32, #tpu.memory_space<vmem>>
      %dma_start3A_132 = tpu.memref_squeeze %dma_start3A_131 : memref<1x64x128xf32, #tpu.memory_space<vmem>> -> memref<64x128xf32, #tpu.memory_space<vmem>>
      %dma_start3A_133 = arith.constant 0 : i32
      %dma_start3A_134 = tpu.memref_slice %arg6[%arg0, %add3A_78, %dma_start3A_133] : memref<2x10240x128xf32, #tpu.memory_space<hbm>> -> memref<1x64x128xf32, #tpu.memory_space<hbm>>
      %dma_start3A_135 = tpu.memref_squeeze %dma_start3A_134 : memref<1x64x128xf32, #tpu.memory_space<hbm>> -> memref<64x128xf32, #tpu.memory_space<hbm>>
      %dma_start3A_136 = arith.constant 0 : i32
      %dma_start3A_137 = tpu.memref_slice %arg6[%arg0, %add3A_78, %dma_start3A_136] : memref<2x10240x128xf32, #tpu.memory_space<hbm>> -> memref<1x64x128xf32, #tpu.memory_space<hbm>>
      %dma_start3A_138 = tpu.memref_squeeze %dma_start3A_137 : memref<1x64x128xf32, #tpu.memory_space<hbm>> -> memref<64x128xf32, #tpu.memory_space<hbm>>
      %dma_start3A_139 = arith.constant 0 : i32
      %dma_start3A_140 = arith.constant 0 : i32
      %dma_start3A_141 = tpu.memref_slice %arg10[%run_scoped3A_80, %dma_start3A_139, %dma_start3A_140] : memref<2x64x128xf32, #tpu.memory_space<vmem>> -> memref<1x64x128xf32, #tpu.memory_space<vmem>>
      %dma_start3A_142 = tpu.memref_squeeze %dma_start3A_141 : memref<1x64x128xf32, #tpu.memory_space<vmem>> -> memref<64x128xf32, #tpu.memory_space<vmem>>
      tpu.enqueue_dma source(%dma_start3A_142 : memref<64x128xf32, #tpu.memory_space<vmem>>) target(%dma_start3A_138 : memref<64x128xf32, #tpu.memory_space<hbm>>) target_semaphore(%run_scoped3A_129 : memref<!tpu.dma_semaphore, #tpu.memory_space<semaphore_mem>>)
      %dma_wait3A = arith.constant 0 : i32
      %dma_wait3A_143 = arith.constant 0 : i32
      %dma_wait3A_144 = tpu.memref_slice %arg10[%run_scoped3A_80, %dma_wait3A, %dma_wait3A_143] : memref<2x64x128xf32, #tpu.memory_space<vmem>> -> memref<1x64x128xf32, #tpu.memory_space<vmem>>
      %dma_wait3A_145 = tpu.memref_squeeze %dma_wait3A_144 : memref<1x64x128xf32, #tpu.memory_space<vmem>> -> memref<64x128xf32, #tpu.memory_space<vmem>>
      %dma_wait3A_146 = arith.constant 0 : i32
      %dma_wait3A_147 = tpu.memref_slice %arg6[%arg0, %add3A_78, %dma_wait3A_146] : memref<2x10240x128xf32, #tpu.memory_space<hbm>> -> memref<1x64x128xf32, #tpu.memory_space<hbm>>
      %dma_wait3A_148 = tpu.memref_squeeze %dma_wait3A_147 : memref<1x64x128xf32, #tpu.memory_space<hbm>> -> memref<64x128xf32, #tpu.memory_space<hbm>>
      %dma_wait3A_149 = arith.constant 0 : i32
      %dma_wait3A_150 = tpu.memref_slice %arg6[%arg0, %add3A_78, %dma_wait3A_149] : memref<2x10240x128xf32, #tpu.memory_space<hbm>> -> memref<1x64x128xf32, #tpu.memory_space<hbm>>
      %dma_wait3A_151 = tpu.memref_squeeze %dma_wait3A_150 : memref<1x64x128xf32, #tpu.memory_space<hbm>> -> memref<64x128xf32, #tpu.memory_space<hbm>>
      %dma_wait3A_152 = arith.constant 0 : i32
      %dma_wait3A_153 = arith.constant 0 : i32
      %dma_wait3A_154 = tpu.memref_slice %arg10[%run_scoped3A_80, %dma_wait3A_152, %dma_wait3A_153] : memref<2x64x128xf32, #tpu.memory_space<vmem>> -> memref<1x64x128xf32, #tpu.memory_space<vmem>>
      %dma_wait3A_155 = tpu.memref_squeeze %dma_wait3A_154 : memref<1x64x128xf32, #tpu.memory_space<vmem>> -> memref<64x128xf32, #tpu.memory_space<vmem>>
      tpu.wait_dma2 semaphore(%run_scoped3A_129 : memref<!tpu.dma_semaphore, #tpu.memory_space<semaphore_mem>>) src(%dma_wait3A_155 : memref<64x128xf32, #tpu.memory_space<vmem>>) dst(%dma_wait3A_151 : memref<64x128xf32, #tpu.memory_space<hbm>>)
      tpu.yield
    }) : () -> ()
    %mul3A_81 = arith.constant 640 : i32
    %mul3A_82 = arith.muli %arg1, %mul3A_81 : i32
    %add3A_83 = arith.constant 128 : i32
    %add3A_84 = arith.addi %mul3A_82, %add3A_83 : i32
    %run_scoped3A_85 = arith.constant 0 : i32
    "tpu.region"() ({
      %run_scoped3A_129 = tpu.sem_alloc : memref<!tpu.dma_semaphore, #tpu.memory_space<semaphore_mem>>
      %dma_start3A = arith.constant 0 : i32
      %dma_start3A_130 = arith.constant 0 : i32
      %dma_start3A_131 = tpu.memref_slice %arg10[%run_scoped3A_85, %dma_start3A, %dma_start3A_130] : memref<2x64x128xf32, #tpu.memory_space<vmem>> -> memref<1x64x128xf32, #tpu.memory_space<vmem>>
      %dma_start3A_132 = tpu.memref_squeeze %dma_start3A_131 : memref<1x64x128xf32, #tpu.memory_space<vmem>> -> memref<64x128xf32, #tpu.memory_space<vmem>>
      %dma_start3A_133 = arith.constant 0 : i32
      %dma_start3A_134 = tpu.memref_slice %arg7[%add3A_84, %dma_start3A_133] : memref<10240x128xf32, #tpu.memory_space<vmem_shared>> -> memref<64x128xf32, #tpu.memory_space<vmem_shared>>
      %dma_start3A_135 = arith.constant 0 : i32
      %dma_start3A_136 = arith.constant 0 : i32
      %dma_start3A_137 = tpu.memref_slice %arg10[%run_scoped3A_85, %dma_start3A_135, %dma_start3A_136] : memref<2x64x128xf32, #tpu.memory_space<vmem>> -> memref<1x64x128xf32, #tpu.memory_space<vmem>>
      %dma_start3A_138 = tpu.memref_squeeze %dma_start3A_137 : memref<1x64x128xf32, #tpu.memory_space<vmem>> -> memref<64x128xf32, #tpu.memory_space<vmem>>
      %dma_start3A_139 = arith.constant 0 : i32
      %dma_start3A_140 = tpu.memref_slice %arg7[%add3A_84, %dma_start3A_139] : memref<10240x128xf32, #tpu.memory_space<vmem_shared>> -> memref<64x128xf32, #tpu.memory_space<vmem_shared>>
      tpu.enqueue_dma source(%dma_start3A_140 : memref<64x128xf32, #tpu.memory_space<vmem_shared>>) target(%dma_start3A_138 : memref<64x128xf32, #tpu.memory_space<vmem>>) target_semaphore(%run_scoped3A_129 : memref<!tpu.dma_semaphore, #tpu.memory_space<semaphore_mem>>)
      %dma_wait3A = arith.constant 0 : i32
      %dma_wait3A_141 = arith.constant 0 : i32
      %dma_wait3A_142 = tpu.memref_slice %arg10[%run_scoped3A_85, %dma_wait3A, %dma_wait3A_141] : memref<2x64x128xf32, #tpu.memory_space<vmem>> -> memref<1x64x128xf32, #tpu.memory_space<vmem>>
      %dma_wait3A_143 = tpu.memref_squeeze %dma_wait3A_142 : memref<1x64x128xf32, #tpu.memory_space<vmem>> -> memref<64x128xf32, #tpu.memory_space<vmem>>
      %dma_wait3A_144 = arith.constant 0 : i32
      %dma_wait3A_145 = tpu.memref_slice %arg7[%add3A_84, %dma_wait3A_144] : memref<10240x128xf32, #tpu.memory_space<vmem_shared>> -> memref<64x128xf32, #tpu.memory_space<vmem_shared>>
      %dma_wait3A_146 = arith.constant 0 : i32
      %dma_wait3A_147 = arith.constant 0 : i32
      %dma_wait3A_148 = tpu.memref_slice %arg10[%run_scoped3A_85, %dma_wait3A_146, %dma_wait3A_147] : memref<2x64x128xf32, #tpu.memory_space<vmem>> -> memref<1x64x128xf32, #tpu.memory_space<vmem>>
      %dma_wait3A_149 = tpu.memref_squeeze %dma_wait3A_148 : memref<1x64x128xf32, #tpu.memory_space<vmem>> -> memref<64x128xf32, #tpu.memory_space<vmem>>
      %dma_wait3A_150 = arith.constant 0 : i32
      %dma_wait3A_151 = tpu.memref_slice %arg7[%add3A_84, %dma_wait3A_150] : memref<10240x128xf32, #tpu.memory_space<vmem_shared>> -> memref<64x128xf32, #tpu.memory_space<vmem_shared>>
      tpu.wait_dma2 semaphore(%run_scoped3A_129 : memref<!tpu.dma_semaphore, #tpu.memory_space<semaphore_mem>>) src(%dma_wait3A_151 : memref<64x128xf32, #tpu.memory_space<vmem_shared>>) dst(%dma_wait3A_149 : memref<64x128xf32, #tpu.memory_space<vmem>>)
      tpu.yield
    }) : () -> ()
    %run_scoped3A_86 = arith.constant 0 : i32
    "tpu.region"() ({
      %run_scoped3A_129 = tpu.sem_alloc : memref<!tpu.dma_semaphore, #tpu.memory_space<semaphore_mem>>
      %dma_start3A = arith.constant 0 : i32
      %dma_start3A_130 = arith.constant 0 : i32
      %dma_start3A_131 = tpu.memref_slice %arg10[%run_scoped3A_86, %dma_start3A, %dma_start3A_130] : memref<2x64x128xf32, #tpu.memory_space<vmem>> -> memref<1x64x128xf32, #tpu.memory_space<vmem>>
      %dma_start3A_132 = tpu.memref_squeeze %dma_start3A_131 : memref<1x64x128xf32, #tpu.memory_space<vmem>> -> memref<64x128xf32, #tpu.memory_space<vmem>>
      %dma_start3A_133 = arith.constant 0 : i32
      %dma_start3A_134 = tpu.memref_slice %arg6[%arg0, %add3A_84, %dma_start3A_133] : memref<2x10240x128xf32, #tpu.memory_space<hbm>> -> memref<1x64x128xf32, #tpu.memory_space<hbm>>
      %dma_start3A_135 = tpu.memref_squeeze %dma_start3A_134 : memref<1x64x128xf32, #tpu.memory_space<hbm>> -> memref<64x128xf32, #tpu.memory_space<hbm>>
      %dma_start3A_136 = arith.constant 0 : i32
      %dma_start3A_137 = tpu.memref_slice %arg6[%arg0, %add3A_84, %dma_start3A_136] : memref<2x10240x128xf32, #tpu.memory_space<hbm>> -> memref<1x64x128xf32, #tpu.memory_space<hbm>>
      %dma_start3A_138 = tpu.memref_squeeze %dma_start3A_137 : memref<1x64x128xf32, #tpu.memory_space<hbm>> -> memref<64x128xf32, #tpu.memory_space<hbm>>
      %dma_start3A_139 = arith.constant 0 : i32
      %dma_start3A_140 = arith.constant 0 : i32
      %dma_start3A_141 = tpu.memref_slice %arg10[%run_scoped3A_86, %dma_start3A_139, %dma_start3A_140] : memref<2x64x128xf32, #tpu.memory_space<vmem>> -> memref<1x64x128xf32, #tpu.memory_space<vmem>>
      %dma_start3A_142 = tpu.memref_squeeze %dma_start3A_141 : memref<1x64x128xf32, #tpu.memory_space<vmem>> -> memref<64x128xf32, #tpu.memory_space<vmem>>
      tpu.enqueue_dma source(%dma_start3A_142 : memref<64x128xf32, #tpu.memory_space<vmem>>) target(%dma_start3A_138 : memref<64x128xf32, #tpu.memory_space<hbm>>) target_semaphore(%run_scoped3A_129 : memref<!tpu.dma_semaphore, #tpu.memory_space<semaphore_mem>>)
      %dma_wait3A = arith.constant 0 : i32
      %dma_wait3A_143 = arith.constant 0 : i32
      %dma_wait3A_144 = tpu.memref_slice %arg10[%run_scoped3A_86, %dma_wait3A, %dma_wait3A_143] : memref<2x64x128xf32, #tpu.memory_space<vmem>> -> memref<1x64x128xf32, #tpu.memory_space<vmem>>
      %dma_wait3A_145 = tpu.memref_squeeze %dma_wait3A_144 : memref<1x64x128xf32, #tpu.memory_space<vmem>> -> memref<64x128xf32, #tpu.memory_space<vmem>>
      %dma_wait3A_146 = arith.constant 0 : i32
      %dma_wait3A_147 = tpu.memref_slice %arg6[%arg0, %add3A_84, %dma_wait3A_146] : memref<2x10240x128xf32, #tpu.memory_space<hbm>> -> memref<1x64x128xf32, #tpu.memory_space<hbm>>
      %dma_wait3A_148 = tpu.memref_squeeze %dma_wait3A_147 : memref<1x64x128xf32, #tpu.memory_space<hbm>> -> memref<64x128xf32, #tpu.memory_space<hbm>>
      %dma_wait3A_149 = arith.constant 0 : i32
      %dma_wait3A_150 = tpu.memref_slice %arg6[%arg0, %add3A_84, %dma_wait3A_149] : memref<2x10240x128xf32, #tpu.memory_space<hbm>> -> memref<1x64x128xf32, #tpu.memory_space<hbm>>
      %dma_wait3A_151 = tpu.memref_squeeze %dma_wait3A_150 : memref<1x64x128xf32, #tpu.memory_space<hbm>> -> memref<64x128xf32, #tpu.memory_space<hbm>>
      %dma_wait3A_152 = arith.constant 0 : i32
      %dma_wait3A_153 = arith.constant 0 : i32
      %dma_wait3A_154 = tpu.memref_slice %arg10[%run_scoped3A_86, %dma_wait3A_152, %dma_wait3A_153] : memref<2x64x128xf32, #tpu.memory_space<vmem>> -> memref<1x64x128xf32, #tpu.memory_space<vmem>>
      %dma_wait3A_155 = tpu.memref_squeeze %dma_wait3A_154 : memref<1x64x128xf32, #tpu.memory_space<vmem>> -> memref<64x128xf32, #tpu.memory_space<vmem>>
      tpu.wait_dma2 semaphore(%run_scoped3A_129 : memref<!tpu.dma_semaphore, #tpu.memory_space<semaphore_mem>>) src(%dma_wait3A_155 : memref<64x128xf32, #tpu.memory_space<vmem>>) dst(%dma_wait3A_151 : memref<64x128xf32, #tpu.memory_space<hbm>>)
      tpu.yield
    }) : () -> ()
    %mul3A_87 = arith.constant 640 : i32
    %mul3A_88 = arith.muli %arg1, %mul3A_87 : i32
    %add3A_89 = arith.constant 192 : i32
    %add3A_90 = arith.addi %mul3A_88, %add3A_89 : i32
    %run_scoped3A_91 = arith.constant 0 : i32
    "tpu.region"() ({
      %run_scoped3A_129 = tpu.sem_alloc : memref<!tpu.dma_semaphore, #tpu.memory_space<semaphore_mem>>
      %dma_start3A = arith.constant 0 : i32
      %dma_start3A_130 = arith.constant 0 : i32
      %dma_start3A_131 = tpu.memref_slice %arg10[%run_scoped3A_91, %dma_start3A, %dma_start3A_130] : memref<2x64x128xf32, #tpu.memory_space<vmem>> -> memref<1x64x128xf32, #tpu.memory_space<vmem>>
      %dma_start3A_132 = tpu.memref_squeeze %dma_start3A_131 : memref<1x64x128xf32, #tpu.memory_space<vmem>> -> memref<64x128xf32, #tpu.memory_space<vmem>>
      %dma_start3A_133 = arith.constant 0 : i32
      %dma_start3A_134 = tpu.memref_slice %arg7[%add3A_90, %dma_start3A_133] : memref<10240x128xf32, #tpu.memory_space<vmem_shared>> -> memref<64x128xf32, #tpu.memory_space<vmem_shared>>
      %dma_start3A_135 = arith.constant 0 : i32
      %dma_start3A_136 = arith.constant 0 : i32
      %dma_start3A_137 = tpu.memref_slice %arg10[%run_scoped3A_91, %dma_start3A_135, %dma_start3A_136] : memref<2x64x128xf32, #tpu.memory_space<vmem>> -> memref<1x64x128xf32, #tpu.memory_space<vmem>>
      %dma_start3A_138 = tpu.memref_squeeze %dma_start3A_137 : memref<1x64x128xf32, #tpu.memory_space<vmem>> -> memref<64x128xf32, #tpu.memory_space<vmem>>
      %dma_start3A_139 = arith.constant 0 : i32
      %dma_start3A_140 = tpu.memref_slice %arg7[%add3A_90, %dma_start3A_139] : memref<10240x128xf32, #tpu.memory_space<vmem_shared>> -> memref<64x128xf32, #tpu.memory_space<vmem_shared>>
      tpu.enqueue_dma source(%dma_start3A_140 : memref<64x128xf32, #tpu.memory_space<vmem_shared>>) target(%dma_start3A_138 : memref<64x128xf32, #tpu.memory_space<vmem>>) target_semaphore(%run_scoped3A_129 : memref<!tpu.dma_semaphore, #tpu.memory_space<semaphore_mem>>)
      %dma_wait3A = arith.constant 0 : i32
      %dma_wait3A_141 = arith.constant 0 : i32
      %dma_wait3A_142 = tpu.memref_slice %arg10[%run_scoped3A_91, %dma_wait3A, %dma_wait3A_141] : memref<2x64x128xf32, #tpu.memory_space<vmem>> -> memref<1x64x128xf32, #tpu.memory_space<vmem>>
      %dma_wait3A_143 = tpu.memref_squeeze %dma_wait3A_142 : memref<1x64x128xf32, #tpu.memory_space<vmem>> -> memref<64x128xf32, #tpu.memory_space<vmem>>
      %dma_wait3A_144 = arith.constant 0 : i32
      %dma_wait3A_145 = tpu.memref_slice %arg7[%add3A_90, %dma_wait3A_144] : memref<10240x128xf32, #tpu.memory_space<vmem_shared>> -> memref<64x128xf32, #tpu.memory_space<vmem_shared>>
      %dma_wait3A_146 = arith.constant 0 : i32
      %dma_wait3A_147 = arith.constant 0 : i32
      %dma_wait3A_148 = tpu.memref_slice %arg10[%run_scoped3A_91, %dma_wait3A_146, %dma_wait3A_147] : memref<2x64x128xf32, #tpu.memory_space<vmem>> -> memref<1x64x128xf32, #tpu.memory_space<vmem>>
      %dma_wait3A_149 = tpu.memref_squeeze %dma_wait3A_148 : memref<1x64x128xf32, #tpu.memory_space<vmem>> -> memref<64x128xf32, #tpu.memory_space<vmem>>
      %dma_wait3A_150 = arith.constant 0 : i32
      %dma_wait3A_151 = tpu.memref_slice %arg7[%add3A_90, %dma_wait3A_150] : memref<10240x128xf32, #tpu.memory_space<vmem_shared>> -> memref<64x128xf32, #tpu.memory_space<vmem_shared>>
      tpu.wait_dma2 semaphore(%run_scoped3A_129 : memref<!tpu.dma_semaphore, #tpu.memory_space<semaphore_mem>>) src(%dma_wait3A_151 : memref<64x128xf32, #tpu.memory_space<vmem_shared>>) dst(%dma_wait3A_149 : memref<64x128xf32, #tpu.memory_space<vmem>>)
      tpu.yield
    }) : () -> ()
    %run_scoped3A_92 = arith.constant 0 : i32
    "tpu.region"() ({
      %run_scoped3A_129 = tpu.sem_alloc : memref<!tpu.dma_semaphore, #tpu.memory_space<semaphore_mem>>
      %dma_start3A = arith.constant 0 : i32
      %dma_start3A_130 = arith.constant 0 : i32
      %dma_start3A_131 = tpu.memref_slice %arg10[%run_scoped3A_92, %dma_start3A, %dma_start3A_130] : memref<2x64x128xf32, #tpu.memory_space<vmem>> -> memref<1x64x128xf32, #tpu.memory_space<vmem>>
      %dma_start3A_132 = tpu.memref_squeeze %dma_start3A_131 : memref<1x64x128xf32, #tpu.memory_space<vmem>> -> memref<64x128xf32, #tpu.memory_space<vmem>>
      %dma_start3A_133 = arith.constant 0 : i32
      %dma_start3A_134 = tpu.memref_slice %arg6[%arg0, %add3A_90, %dma_start3A_133] : memref<2x10240x128xf32, #tpu.memory_space<hbm>> -> memref<1x64x128xf32, #tpu.memory_space<hbm>>
      %dma_start3A_135 = tpu.memref_squeeze %dma_start3A_134 : memref<1x64x128xf32, #tpu.memory_space<hbm>> -> memref<64x128xf32, #tpu.memory_space<hbm>>
      %dma_start3A_136 = arith.constant 0 : i32
      %dma_start3A_137 = tpu.memref_slice %arg6[%arg0, %add3A_90, %dma_start3A_136] : memref<2x10240x128xf32, #tpu.memory_space<hbm>> -> memref<1x64x128xf32, #tpu.memory_space<hbm>>
      %dma_start3A_138 = tpu.memref_squeeze %dma_start3A_137 : memref<1x64x128xf32, #tpu.memory_space<hbm>> -> memref<64x128xf32, #tpu.memory_space<hbm>>
      %dma_start3A_139 = arith.constant 0 : i32
      %dma_start3A_140 = arith.constant 0 : i32
      %dma_start3A_141 = tpu.memref_slice %arg10[%run_scoped3A_92, %dma_start3A_139, %dma_start3A_140] : memref<2x64x128xf32, #tpu.memory_space<vmem>> -> memref<1x64x128xf32, #tpu.memory_space<vmem>>
      %dma_start3A_142 = tpu.memref_squeeze %dma_start3A_141 : memref<1x64x128xf32, #tpu.memory_space<vmem>> -> memref<64x128xf32, #tpu.memory_space<vmem>>
      tpu.enqueue_dma source(%dma_start3A_142 : memref<64x128xf32, #tpu.memory_space<vmem>>) target(%dma_start3A_138 : memref<64x128xf32, #tpu.memory_space<hbm>>) target_semaphore(%run_scoped3A_129 : memref<!tpu.dma_semaphore, #tpu.memory_space<semaphore_mem>>)
      %dma_wait3A = arith.constant 0 : i32
      %dma_wait3A_143 = arith.constant 0 : i32
      %dma_wait3A_144 = tpu.memref_slice %arg10[%run_scoped3A_92, %dma_wait3A, %dma_wait3A_143] : memref<2x64x128xf32, #tpu.memory_space<vmem>> -> memref<1x64x128xf32, #tpu.memory_space<vmem>>
      %dma_wait3A_145 = tpu.memref_squeeze %dma_wait3A_144 : memref<1x64x128xf32, #tpu.memory_space<vmem>> -> memref<64x128xf32, #tpu.memory_space<vmem>>
      %dma_wait3A_146 = arith.constant 0 : i32
      %dma_wait3A_147 = tpu.memref_slice %arg6[%arg0, %add3A_90, %dma_wait3A_146] : memref<2x10240x128xf32, #tpu.memory_space<hbm>> -> memref<1x64x128xf32, #tpu.memory_space<hbm>>
      %dma_wait3A_148 = tpu.memref_squeeze %dma_wait3A_147 : memref<1x64x128xf32, #tpu.memory_space<hbm>> -> memref<64x128xf32, #tpu.memory_space<hbm>>
      %dma_wait3A_149 = arith.constant 0 : i32
      %dma_wait3A_150 = tpu.memref_slice %arg6[%arg0, %add3A_90, %dma_wait3A_149] : memref<2x10240x128xf32, #tpu.memory_space<hbm>> -> memref<1x64x128xf32, #tpu.memory_space<hbm>>
      %dma_wait3A_151 = tpu.memref_squeeze %dma_wait3A_150 : memref<1x64x128xf32, #tpu.memory_space<hbm>> -> memref<64x128xf32, #tpu.memory_space<hbm>>
      %dma_wait3A_152 = arith.constant 0 : i32
      %dma_wait3A_153 = arith.constant 0 : i32
      %dma_wait3A_154 = tpu.memref_slice %arg10[%run_scoped3A_92, %dma_wait3A_152, %dma_wait3A_153] : memref<2x64x128xf32, #tpu.memory_space<vmem>> -> memref<1x64x128xf32, #tpu.memory_space<vmem>>
      %dma_wait3A_155 = tpu.memref_squeeze %dma_wait3A_154 : memref<1x64x128xf32, #tpu.memory_space<vmem>> -> memref<64x128xf32, #tpu.memory_space<vmem>>
      tpu.wait_dma2 semaphore(%run_scoped3A_129 : memref<!tpu.dma_semaphore, #tpu.memory_space<semaphore_mem>>) src(%dma_wait3A_155 : memref<64x128xf32, #tpu.memory_space<vmem>>) dst(%dma_wait3A_151 : memref<64x128xf32, #tpu.memory_space<hbm>>)
      tpu.yield
    }) : () -> ()
    %mul3A_93 = arith.constant 640 : i32
    %mul3A_94 = arith.muli %arg1, %mul3A_93 : i32
    %add3A_95 = arith.constant 256 : i32
    %add3A_96 = arith.addi %mul3A_94, %add3A_95 : i32
    %run_scoped3A_97 = arith.constant 0 : i32
    "tpu.region"() ({
      %run_scoped3A_129 = tpu.sem_alloc : memref<!tpu.dma_semaphore, #tpu.memory_space<semaphore_mem>>
      %dma_start3A = arith.constant 0 : i32
      %dma_start3A_130 = arith.constant 0 : i32
      %dma_start3A_131 = tpu.memref_slice %arg10[%run_scoped3A_97, %dma_start3A, %dma_start3A_130] : memref<2x64x128xf32, #tpu.memory_space<vmem>> -> memref<1x64x128xf32, #tpu.memory_space<vmem>>
      %dma_start3A_132 = tpu.memref_squeeze %dma_start3A_131 : memref<1x64x128xf32, #tpu.memory_space<vmem>> -> memref<64x128xf32, #tpu.memory_space<vmem>>
      %dma_start3A_133 = arith.constant 0 : i32
      %dma_start3A_134 = tpu.memref_slice %arg7[%add3A_96, %dma_start3A_133] : memref<10240x128xf32, #tpu.memory_space<vmem_shared>> -> memref<64x128xf32, #tpu.memory_space<vmem_shared>>
      %dma_start3A_135 = arith.constant 0 : i32
      %dma_start3A_136 = arith.constant 0 : i32
      %dma_start3A_137 = tpu.memref_slice %arg10[%run_scoped3A_97, %dma_start3A_135, %dma_start3A_136] : memref<2x64x128xf32, #tpu.memory_space<vmem>> -> memref<1x64x128xf32, #tpu.memory_space<vmem>>
      %dma_start3A_138 = tpu.memref_squeeze %dma_start3A_137 : memref<1x64x128xf32, #tpu.memory_space<vmem>> -> memref<64x128xf32, #tpu.memory_space<vmem>>
      %dma_start3A_139 = arith.constant 0 : i32
      %dma_start3A_140 = tpu.memref_slice %arg7[%add3A_96, %dma_start3A_139] : memref<10240x128xf32, #tpu.memory_space<vmem_shared>> -> memref<64x128xf32, #tpu.memory_space<vmem_shared>>
      tpu.enqueue_dma source(%dma_start3A_140 : memref<64x128xf32, #tpu.memory_space<vmem_shared>>) target(%dma_start3A_138 : memref<64x128xf32, #tpu.memory_space<vmem>>) target_semaphore(%run_scoped3A_129 : memref<!tpu.dma_semaphore, #tpu.memory_space<semaphore_mem>>)
      %dma_wait3A = arith.constant 0 : i32
      %dma_wait3A_141 = arith.constant 0 : i32
      %dma_wait3A_142 = tpu.memref_slice %arg10[%run_scoped3A_97, %dma_wait3A, %dma_wait3A_141] : memref<2x64x128xf32, #tpu.memory_space<vmem>> -> memref<1x64x128xf32, #tpu.memory_space<vmem>>
      %dma_wait3A_143 = tpu.memref_squeeze %dma_wait3A_142 : memref<1x64x128xf32, #tpu.memory_space<vmem>> -> memref<64x128xf32, #tpu.memory_space<vmem>>
      %dma_wait3A_144 = arith.constant 0 : i32
      %dma_wait3A_145 = tpu.memref_slice %arg7[%add3A_96, %dma_wait3A_144] : memref<10240x128xf32, #tpu.memory_space<vmem_shared>> -> memref<64x128xf32, #tpu.memory_space<vmem_shared>>
      %dma_wait3A_146 = arith.constant 0 : i32
      %dma_wait3A_147 = arith.constant 0 : i32
      %dma_wait3A_148 = tpu.memref_slice %arg10[%run_scoped3A_97, %dma_wait3A_146, %dma_wait3A_147] : memref<2x64x128xf32, #tpu.memory_space<vmem>> -> memref<1x64x128xf32, #tpu.memory_space<vmem>>
      %dma_wait3A_149 = tpu.memref_squeeze %dma_wait3A_148 : memref<1x64x128xf32, #tpu.memory_space<vmem>> -> memref<64x128xf32, #tpu.memory_space<vmem>>
      %dma_wait3A_150 = arith.constant 0 : i32
      %dma_wait3A_151 = tpu.memref_slice %arg7[%add3A_96, %dma_wait3A_150] : memref<10240x128xf32, #tpu.memory_space<vmem_shared>> -> memref<64x128xf32, #tpu.memory_space<vmem_shared>>
      tpu.wait_dma2 semaphore(%run_scoped3A_129 : memref<!tpu.dma_semaphore, #tpu.memory_space<semaphore_mem>>) src(%dma_wait3A_151 : memref<64x128xf32, #tpu.memory_space<vmem_shared>>) dst(%dma_wait3A_149 : memref<64x128xf32, #tpu.memory_space<vmem>>)
      tpu.yield
    }) : () -> ()
    %run_scoped3A_98 = arith.constant 0 : i32
    "tpu.region"() ({
      %run_scoped3A_129 = tpu.sem_alloc : memref<!tpu.dma_semaphore, #tpu.memory_space<semaphore_mem>>
      %dma_start3A = arith.constant 0 : i32
      %dma_start3A_130 = arith.constant 0 : i32
      %dma_start3A_131 = tpu.memref_slice %arg10[%run_scoped3A_98, %dma_start3A, %dma_start3A_130] : memref<2x64x128xf32, #tpu.memory_space<vmem>> -> memref<1x64x128xf32, #tpu.memory_space<vmem>>
      %dma_start3A_132 = tpu.memref_squeeze %dma_start3A_131 : memref<1x64x128xf32, #tpu.memory_space<vmem>> -> memref<64x128xf32, #tpu.memory_space<vmem>>
      %dma_start3A_133 = arith.constant 0 : i32
      %dma_start3A_134 = tpu.memref_slice %arg6[%arg0, %add3A_96, %dma_start3A_133] : memref<2x10240x128xf32, #tpu.memory_space<hbm>> -> memref<1x64x128xf32, #tpu.memory_space<hbm>>
      %dma_start3A_135 = tpu.memref_squeeze %dma_start3A_134 : memref<1x64x128xf32, #tpu.memory_space<hbm>> -> memref<64x128xf32, #tpu.memory_space<hbm>>
      %dma_start3A_136 = arith.constant 0 : i32
      %dma_start3A_137 = tpu.memref_slice %arg6[%arg0, %add3A_96, %dma_start3A_136] : memref<2x10240x128xf32, #tpu.memory_space<hbm>> -> memref<1x64x128xf32, #tpu.memory_space<hbm>>
      %dma_start3A_138 = tpu.memref_squeeze %dma_start3A_137 : memref<1x64x128xf32, #tpu.memory_space<hbm>> -> memref<64x128xf32, #tpu.memory_space<hbm>>
      %dma_start3A_139 = arith.constant 0 : i32
      %dma_start3A_140 = arith.constant 0 : i32
      %dma_start3A_141 = tpu.memref_slice %arg10[%run_scoped3A_98, %dma_start3A_139, %dma_start3A_140] : memref<2x64x128xf32, #tpu.memory_space<vmem>> -> memref<1x64x128xf32, #tpu.memory_space<vmem>>
      %dma_start3A_142 = tpu.memref_squeeze %dma_start3A_141 : memref<1x64x128xf32, #tpu.memory_space<vmem>> -> memref<64x128xf32, #tpu.memory_space<vmem>>
      tpu.enqueue_dma source(%dma_start3A_142 : memref<64x128xf32, #tpu.memory_space<vmem>>) target(%dma_start3A_138 : memref<64x128xf32, #tpu.memory_space<hbm>>) target_semaphore(%run_scoped3A_129 : memref<!tpu.dma_semaphore, #tpu.memory_space<semaphore_mem>>)
      %dma_wait3A = arith.constant 0 : i32
      %dma_wait3A_143 = arith.constant 0 : i32
      %dma_wait3A_144 = tpu.memref_slice %arg10[%run_scoped3A_98, %dma_wait3A, %dma_wait3A_143] : memref<2x64x128xf32, #tpu.memory_space<vmem>> -> memref<1x64x128xf32, #tpu.memory_space<vmem>>
      %dma_wait3A_145 = tpu.memref_squeeze %dma_wait3A_144 : memref<1x64x128xf32, #tpu.memory_space<vmem>> -> memref<64x128xf32, #tpu.memory_space<vmem>>
      %dma_wait3A_146 = arith.constant 0 : i32
      %dma_wait3A_147 = tpu.memref_slice %arg6[%arg0, %add3A_96, %dma_wait3A_146] : memref<2x10240x128xf32, #tpu.memory_space<hbm>> -> memref<1x64x128xf32, #tpu.memory_space<hbm>>
      %dma_wait3A_148 = tpu.memref_squeeze %dma_wait3A_147 : memref<1x64x128xf32, #tpu.memory_space<hbm>> -> memref<64x128xf32, #tpu.memory_space<hbm>>
      %dma_wait3A_149 = arith.constant 0 : i32
      %dma_wait3A_150 = tpu.memref_slice %arg6[%arg0, %add3A_96, %dma_wait3A_149] : memref<2x10240x128xf32, #tpu.memory_space<hbm>> -> memref<1x64x128xf32, #tpu.memory_space<hbm>>
      %dma_wait3A_151 = tpu.memref_squeeze %dma_wait3A_150 : memref<1x64x128xf32, #tpu.memory_space<hbm>> -> memref<64x128xf32, #tpu.memory_space<hbm>>
      %dma_wait3A_152 = arith.constant 0 : i32
      %dma_wait3A_153 = arith.constant 0 : i32
      %dma_wait3A_154 = tpu.memref_slice %arg10[%run_scoped3A_98, %dma_wait3A_152, %dma_wait3A_153] : memref<2x64x128xf32, #tpu.memory_space<vmem>> -> memref<1x64x128xf32, #tpu.memory_space<vmem>>
      %dma_wait3A_155 = tpu.memref_squeeze %dma_wait3A_154 : memref<1x64x128xf32, #tpu.memory_space<vmem>> -> memref<64x128xf32, #tpu.memory_space<vmem>>
      tpu.wait_dma2 semaphore(%run_scoped3A_129 : memref<!tpu.dma_semaphore, #tpu.memory_space<semaphore_mem>>) src(%dma_wait3A_155 : memref<64x128xf32, #tpu.memory_space<vmem>>) dst(%dma_wait3A_151 : memref<64x128xf32, #tpu.memory_space<hbm>>)
      tpu.yield
    }) : () -> ()
    %mul3A_99 = arith.constant 640 : i32
    %mul3A_100 = arith.muli %arg1, %mul3A_99 : i32
    %add3A_101 = arith.constant 320 : i32
    %add3A_102 = arith.addi %mul3A_100, %add3A_101 : i32
    %run_scoped3A_103 = arith.constant 0 : i32
    "tpu.region"() ({
      %run_scoped3A_129 = tpu.sem_alloc : memref<!tpu.dma_semaphore, #tpu.memory_space<semaphore_mem>>
      %dma_start3A = arith.constant 0 : i32
      %dma_start3A_130 = arith.constant 0 : i32
      %dma_start3A_131 = tpu.memref_slice %arg10[%run_scoped3A_103, %dma_start3A, %dma_start3A_130] : memref<2x64x128xf32, #tpu.memory_space<vmem>> -> memref<1x64x128xf32, #tpu.memory_space<vmem>>
      %dma_start3A_132 = tpu.memref_squeeze %dma_start3A_131 : memref<1x64x128xf32, #tpu.memory_space<vmem>> -> memref<64x128xf32, #tpu.memory_space<vmem>>
      %dma_start3A_133 = arith.constant 0 : i32
      %dma_start3A_134 = tpu.memref_slice %arg7[%add3A_102, %dma_start3A_133] : memref<10240x128xf32, #tpu.memory_space<vmem_shared>> -> memref<64x128xf32, #tpu.memory_space<vmem_shared>>
      %dma_start3A_135 = arith.constant 0 : i32
      %dma_start3A_136 = arith.constant 0 : i32
      %dma_start3A_137 = tpu.memref_slice %arg10[%run_scoped3A_103, %dma_start3A_135, %dma_start3A_136] : memref<2x64x128xf32, #tpu.memory_space<vmem>> -> memref<1x64x128xf32, #tpu.memory_space<vmem>>
      %dma_start3A_138 = tpu.memref_squeeze %dma_start3A_137 : memref<1x64x128xf32, #tpu.memory_space<vmem>> -> memref<64x128xf32, #tpu.memory_space<vmem>>
      %dma_start3A_139 = arith.constant 0 : i32
      %dma_start3A_140 = tpu.memref_slice %arg7[%add3A_102, %dma_start3A_139] : memref<10240x128xf32, #tpu.memory_space<vmem_shared>> -> memref<64x128xf32, #tpu.memory_space<vmem_shared>>
      tpu.enqueue_dma source(%dma_start3A_140 : memref<64x128xf32, #tpu.memory_space<vmem_shared>>) target(%dma_start3A_138 : memref<64x128xf32, #tpu.memory_space<vmem>>) target_semaphore(%run_scoped3A_129 : memref<!tpu.dma_semaphore, #tpu.memory_space<semaphore_mem>>)
      %dma_wait3A = arith.constant 0 : i32
      %dma_wait3A_141 = arith.constant 0 : i32
      %dma_wait3A_142 = tpu.memref_slice %arg10[%run_scoped3A_103, %dma_wait3A, %dma_wait3A_141] : memref<2x64x128xf32, #tpu.memory_space<vmem>> -> memref<1x64x128xf32, #tpu.memory_space<vmem>>
      %dma_wait3A_143 = tpu.memref_squeeze %dma_wait3A_142 : memref<1x64x128xf32, #tpu.memory_space<vmem>> -> memref<64x128xf32, #tpu.memory_space<vmem>>
      %dma_wait3A_144 = arith.constant 0 : i32
      %dma_wait3A_145 = tpu.memref_slice %arg7[%add3A_102, %dma_wait3A_144] : memref<10240x128xf32, #tpu.memory_space<vmem_shared>> -> memref<64x128xf32, #tpu.memory_space<vmem_shared>>
      %dma_wait3A_146 = arith.constant 0 : i32
      %dma_wait3A_147 = arith.constant 0 : i32
      %dma_wait3A_148 = tpu.memref_slice %arg10[%run_scoped3A_103, %dma_wait3A_146, %dma_wait3A_147] : memref<2x64x128xf32, #tpu.memory_space<vmem>> -> memref<1x64x128xf32, #tpu.memory_space<vmem>>
      %dma_wait3A_149 = tpu.memref_squeeze %dma_wait3A_148 : memref<1x64x128xf32, #tpu.memory_space<vmem>> -> memref<64x128xf32, #tpu.memory_space<vmem>>
      %dma_wait3A_150 = arith.constant 0 : i32
      %dma_wait3A_151 = tpu.memref_slice %arg7[%add3A_102, %dma_wait3A_150] : memref<10240x128xf32, #tpu.memory_space<vmem_shared>> -> memref<64x128xf32, #tpu.memory_space<vmem_shared>>
      tpu.wait_dma2 semaphore(%run_scoped3A_129 : memref<!tpu.dma_semaphore, #tpu.memory_space<semaphore_mem>>) src(%dma_wait3A_151 : memref<64x128xf32, #tpu.memory_space<vmem_shared>>) dst(%dma_wait3A_149 : memref<64x128xf32, #tpu.memory_space<vmem>>)
      tpu.yield
    }) : () -> ()
    %run_scoped3A_104 = arith.constant 0 : i32
    "tpu.region"() ({
      %run_scoped3A_129 = tpu.sem_alloc : memref<!tpu.dma_semaphore, #tpu.memory_space<semaphore_mem>>
      %dma_start3A = arith.constant 0 : i32
      %dma_start3A_130 = arith.constant 0 : i32
      %dma_start3A_131 = tpu.memref_slice %arg10[%run_scoped3A_104, %dma_start3A, %dma_start3A_130] : memref<2x64x128xf32, #tpu.memory_space<vmem>> -> memref<1x64x128xf32, #tpu.memory_space<vmem>>
      %dma_start3A_132 = tpu.memref_squeeze %dma_start3A_131 : memref<1x64x128xf32, #tpu.memory_space<vmem>> -> memref<64x128xf32, #tpu.memory_space<vmem>>
      %dma_start3A_133 = arith.constant 0 : i32
      %dma_start3A_134 = tpu.memref_slice %arg6[%arg0, %add3A_102, %dma_start3A_133] : memref<2x10240x128xf32, #tpu.memory_space<hbm>> -> memref<1x64x128xf32, #tpu.memory_space<hbm>>
      %dma_start3A_135 = tpu.memref_squeeze %dma_start3A_134 : memref<1x64x128xf32, #tpu.memory_space<hbm>> -> memref<64x128xf32, #tpu.memory_space<hbm>>
      %dma_start3A_136 = arith.constant 0 : i32
      %dma_start3A_137 = tpu.memref_slice %arg6[%arg0, %add3A_102, %dma_start3A_136] : memref<2x10240x128xf32, #tpu.memory_space<hbm>> -> memref<1x64x128xf32, #tpu.memory_space<hbm>>
      %dma_start3A_138 = tpu.memref_squeeze %dma_start3A_137 : memref<1x64x128xf32, #tpu.memory_space<hbm>> -> memref<64x128xf32, #tpu.memory_space<hbm>>
      %dma_start3A_139 = arith.constant 0 : i32
      %dma_start3A_140 = arith.constant 0 : i32
      %dma_start3A_141 = tpu.memref_slice %arg10[%run_scoped3A_104, %dma_start3A_139, %dma_start3A_140] : memref<2x64x128xf32, #tpu.memory_space<vmem>> -> memref<1x64x128xf32, #tpu.memory_space<vmem>>
      %dma_start3A_142 = tpu.memref_squeeze %dma_start3A_141 : memref<1x64x128xf32, #tpu.memory_space<vmem>> -> memref<64x128xf32, #tpu.memory_space<vmem>>
      tpu.enqueue_dma source(%dma_start3A_142 : memref<64x128xf32, #tpu.memory_space<vmem>>) target(%dma_start3A_138 : memref<64x128xf32, #tpu.memory_space<hbm>>) target_semaphore(%run_scoped3A_129 : memref<!tpu.dma_semaphore, #tpu.memory_space<semaphore_mem>>)
      %dma_wait3A = arith.constant 0 : i32
      %dma_wait3A_143 = arith.constant 0 : i32
      %dma_wait3A_144 = tpu.memref_slice %arg10[%run_scoped3A_104, %dma_wait3A, %dma_wait3A_143] : memref<2x64x128xf32, #tpu.memory_space<vmem>> -> memref<1x64x128xf32, #tpu.memory_space<vmem>>
      %dma_wait3A_145 = tpu.memref_squeeze %dma_wait3A_144 : memref<1x64x128xf32, #tpu.memory_space<vmem>> -> memref<64x128xf32, #tpu.memory_space<vmem>>
      %dma_wait3A_146 = arith.constant 0 : i32
      %dma_wait3A_147 = tpu.memref_slice %arg6[%arg0, %add3A_102, %dma_wait3A_146] : memref<2x10240x128xf32, #tpu.memory_space<hbm>> -> memref<1x64x128xf32, #tpu.memory_space<hbm>>
      %dma_wait3A_148 = tpu.memref_squeeze %dma_wait3A_147 : memref<1x64x128xf32, #tpu.memory_space<hbm>> -> memref<64x128xf32, #tpu.memory_space<hbm>>
      %dma_wait3A_149 = arith.constant 0 : i32
      %dma_wait3A_150 = tpu.memref_slice %arg6[%arg0, %add3A_102, %dma_wait3A_149] : memref<2x10240x128xf32, #tpu.memory_space<hbm>> -> memref<1x64x128xf32, #tpu.memory_space<hbm>>
      %dma_wait3A_151 = tpu.memref_squeeze %dma_wait3A_150 : memref<1x64x128xf32, #tpu.memory_space<hbm>> -> memref<64x128xf32, #tpu.memory_space<hbm>>
      %dma_wait3A_152 = arith.constant 0 : i32
      %dma_wait3A_153 = arith.constant 0 : i32
      %dma_wait3A_154 = tpu.memref_slice %arg10[%run_scoped3A_104, %dma_wait3A_152, %dma_wait3A_153] : memref<2x64x128xf32, #tpu.memory_space<vmem>> -> memref<1x64x128xf32, #tpu.memory_space<vmem>>
      %dma_wait3A_155 = tpu.memref_squeeze %dma_wait3A_154 : memref<1x64x128xf32, #tpu.memory_space<vmem>> -> memref<64x128xf32, #tpu.memory_space<vmem>>
      tpu.wait_dma2 semaphore(%run_scoped3A_129 : memref<!tpu.dma_semaphore, #tpu.memory_space<semaphore_mem>>) src(%dma_wait3A_155 : memref<64x128xf32, #tpu.memory_space<vmem>>) dst(%dma_wait3A_151 : memref<64x128xf32, #tpu.memory_space<hbm>>)
      tpu.yield
    }) : () -> ()
    %mul3A_105 = arith.constant 640 : i32
    %mul3A_106 = arith.muli %arg1, %mul3A_105 : i32
    %add3A_107 = arith.constant 384 : i32
    %add3A_108 = arith.addi %mul3A_106, %add3A_107 : i32
    %run_scoped3A_109 = arith.constant 0 : i32
    "tpu.region"() ({
      %run_scoped3A_129 = tpu.sem_alloc : memref<!tpu.dma_semaphore, #tpu.memory_space<semaphore_mem>>
      %dma_start3A = arith.constant 0 : i32
      %dma_start3A_130 = arith.constant 0 : i32
      %dma_start3A_131 = tpu.memref_slice %arg10[%run_scoped3A_109, %dma_start3A, %dma_start3A_130] : memref<2x64x128xf32, #tpu.memory_space<vmem>> -> memref<1x64x128xf32, #tpu.memory_space<vmem>>
      %dma_start3A_132 = tpu.memref_squeeze %dma_start3A_131 : memref<1x64x128xf32, #tpu.memory_space<vmem>> -> memref<64x128xf32, #tpu.memory_space<vmem>>
      %dma_start3A_133 = arith.constant 0 : i32
      %dma_start3A_134 = tpu.memref_slice %arg7[%add3A_108, %dma_start3A_133] : memref<10240x128xf32, #tpu.memory_space<vmem_shared>> -> memref<64x128xf32, #tpu.memory_space<vmem_shared>>
      %dma_start3A_135 = arith.constant 0 : i32
      %dma_start3A_136 = arith.constant 0 : i32
      %dma_start3A_137 = tpu.memref_slice %arg10[%run_scoped3A_109, %dma_start3A_135, %dma_start3A_136] : memref<2x64x128xf32, #tpu.memory_space<vmem>> -> memref<1x64x128xf32, #tpu.memory_space<vmem>>
      %dma_start3A_138 = tpu.memref_squeeze %dma_start3A_137 : memref<1x64x128xf32, #tpu.memory_space<vmem>> -> memref<64x128xf32, #tpu.memory_space<vmem>>
      %dma_start3A_139 = arith.constant 0 : i32
      %dma_start3A_140 = tpu.memref_slice %arg7[%add3A_108, %dma_start3A_139] : memref<10240x128xf32, #tpu.memory_space<vmem_shared>> -> memref<64x128xf32, #tpu.memory_space<vmem_shared>>
      tpu.enqueue_dma source(%dma_start3A_140 : memref<64x128xf32, #tpu.memory_space<vmem_shared>>) target(%dma_start3A_138 : memref<64x128xf32, #tpu.memory_space<vmem>>) target_semaphore(%run_scoped3A_129 : memref<!tpu.dma_semaphore, #tpu.memory_space<semaphore_mem>>)
      %dma_wait3A = arith.constant 0 : i32
      %dma_wait3A_141 = arith.constant 0 : i32
      %dma_wait3A_142 = tpu.memref_slice %arg10[%run_scoped3A_109, %dma_wait3A, %dma_wait3A_141] : memref<2x64x128xf32, #tpu.memory_space<vmem>> -> memref<1x64x128xf32, #tpu.memory_space<vmem>>
      %dma_wait3A_143 = tpu.memref_squeeze %dma_wait3A_142 : memref<1x64x128xf32, #tpu.memory_space<vmem>> -> memref<64x128xf32, #tpu.memory_space<vmem>>
      %dma_wait3A_144 = arith.constant 0 : i32
      %dma_wait3A_145 = tpu.memref_slice %arg7[%add3A_108, %dma_wait3A_144] : memref<10240x128xf32, #tpu.memory_space<vmem_shared>> -> memref<64x128xf32, #tpu.memory_space<vmem_shared>>
      %dma_wait3A_146 = arith.constant 0 : i32
      %dma_wait3A_147 = arith.constant 0 : i32
      %dma_wait3A_148 = tpu.memref_slice %arg10[%run_scoped3A_109, %dma_wait3A_146, %dma_wait3A_147] : memref<2x64x128xf32, #tpu.memory_space<vmem>> -> memref<1x64x128xf32, #tpu.memory_space<vmem>>
      %dma_wait3A_149 = tpu.memref_squeeze %dma_wait3A_148 : memref<1x64x128xf32, #tpu.memory_space<vmem>> -> memref<64x128xf32, #tpu.memory_space<vmem>>
      %dma_wait3A_150 = arith.constant 0 : i32
      %dma_wait3A_151 = tpu.memref_slice %arg7[%add3A_108, %dma_wait3A_150] : memref<10240x128xf32, #tpu.memory_space<vmem_shared>> -> memref<64x128xf32, #tpu.memory_space<vmem_shared>>
      tpu.wait_dma2 semaphore(%run_scoped3A_129 : memref<!tpu.dma_semaphore, #tpu.memory_space<semaphore_mem>>) src(%dma_wait3A_151 : memref<64x128xf32, #tpu.memory_space<vmem_shared>>) dst(%dma_wait3A_149 : memref<64x128xf32, #tpu.memory_space<vmem>>)
      tpu.yield
    }) : () -> ()
    %run_scoped3A_110 = arith.constant 0 : i32
    "tpu.region"() ({
      %run_scoped3A_129 = tpu.sem_alloc : memref<!tpu.dma_semaphore, #tpu.memory_space<semaphore_mem>>
      %dma_start3A = arith.constant 0 : i32
      %dma_start3A_130 = arith.constant 0 : i32
      %dma_start3A_131 = tpu.memref_slice %arg10[%run_scoped3A_110, %dma_start3A, %dma_start3A_130] : memref<2x64x128xf32, #tpu.memory_space<vmem>> -> memref<1x64x128xf32, #tpu.memory_space<vmem>>
      %dma_start3A_132 = tpu.memref_squeeze %dma_start3A_131 : memref<1x64x128xf32, #tpu.memory_space<vmem>> -> memref<64x128xf32, #tpu.memory_space<vmem>>
      %dma_start3A_133 = arith.constant 0 : i32
      %dma_start3A_134 = tpu.memref_slice %arg6[%arg0, %add3A_108, %dma_start3A_133] : memref<2x10240x128xf32, #tpu.memory_space<hbm>> -> memref<1x64x128xf32, #tpu.memory_space<hbm>>
      %dma_start3A_135 = tpu.memref_squeeze %dma_start3A_134 : memref<1x64x128xf32, #tpu.memory_space<hbm>> -> memref<64x128xf32, #tpu.memory_space<hbm>>
      %dma_start3A_136 = arith.constant 0 : i32
      %dma_start3A_137 = tpu.memref_slice %arg6[%arg0, %add3A_108, %dma_start3A_136] : memref<2x10240x128xf32, #tpu.memory_space<hbm>> -> memref<1x64x128xf32, #tpu.memory_space<hbm>>
      %dma_start3A_138 = tpu.memref_squeeze %dma_start3A_137 : memref<1x64x128xf32, #tpu.memory_space<hbm>> -> memref<64x128xf32, #tpu.memory_space<hbm>>
      %dma_start3A_139 = arith.constant 0 : i32
      %dma_start3A_140 = arith.constant 0 : i32
      %dma_start3A_141 = tpu.memref_slice %arg10[%run_scoped3A_110, %dma_start3A_139, %dma_start3A_140] : memref<2x64x128xf32, #tpu.memory_space<vmem>> -> memref<1x64x128xf32, #tpu.memory_space<vmem>>
      %dma_start3A_142 = tpu.memref_squeeze %dma_start3A_141 : memref<1x64x128xf32, #tpu.memory_space<vmem>> -> memref<64x128xf32, #tpu.memory_space<vmem>>
      tpu.enqueue_dma source(%dma_start3A_142 : memref<64x128xf32, #tpu.memory_space<vmem>>) target(%dma_start3A_138 : memref<64x128xf32, #tpu.memory_space<hbm>>) target_semaphore(%run_scoped3A_129 : memref<!tpu.dma_semaphore, #tpu.memory_space<semaphore_mem>>)
      %dma_wait3A = arith.constant 0 : i32
      %dma_wait3A_143 = arith.constant 0 : i32
      %dma_wait3A_144 = tpu.memref_slice %arg10[%run_scoped3A_110, %dma_wait3A, %dma_wait3A_143] : memref<2x64x128xf32, #tpu.memory_space<vmem>> -> memref<1x64x128xf32, #tpu.memory_space<vmem>>
      %dma_wait3A_145 = tpu.memref_squeeze %dma_wait3A_144 : memref<1x64x128xf32, #tpu.memory_space<vmem>> -> memref<64x128xf32, #tpu.memory_space<vmem>>
      %dma_wait3A_146 = arith.constant 0 : i32
      %dma_wait3A_147 = tpu.memref_slice %arg6[%arg0, %add3A_108, %dma_wait3A_146] : memref<2x10240x128xf32, #tpu.memory_space<hbm>> -> memref<1x64x128xf32, #tpu.memory_space<hbm>>
      %dma_wait3A_148 = tpu.memref_squeeze %dma_wait3A_147 : memref<1x64x128xf32, #tpu.memory_space<hbm>> -> memref<64x128xf32, #tpu.memory_space<hbm>>
      %dma_wait3A_149 = arith.constant 0 : i32
      %dma_wait3A_150 = tpu.memref_slice %arg6[%arg0, %add3A_108, %dma_wait3A_149] : memref<2x10240x128xf32, #tpu.memory_space<hbm>> -> memref<1x64x128xf32, #tpu.memory_space<hbm>>
      %dma_wait3A_151 = tpu.memref_squeeze %dma_wait3A_150 : memref<1x64x128xf32, #tpu.memory_space<hbm>> -> memref<64x128xf32, #tpu.memory_space<hbm>>
      %dma_wait3A_152 = arith.constant 0 : i32
      %dma_wait3A_153 = arith.constant 0 : i32
      %dma_wait3A_154 = tpu.memref_slice %arg10[%run_scoped3A_110, %dma_wait3A_152, %dma_wait3A_153] : memref<2x64x128xf32, #tpu.memory_space<vmem>> -> memref<1x64x128xf32, #tpu.memory_space<vmem>>
      %dma_wait3A_155 = tpu.memref_squeeze %dma_wait3A_154 : memref<1x64x128xf32, #tpu.memory_space<vmem>> -> memref<64x128xf32, #tpu.memory_space<vmem>>
      tpu.wait_dma2 semaphore(%run_scoped3A_129 : memref<!tpu.dma_semaphore, #tpu.memory_space<semaphore_mem>>) src(%dma_wait3A_155 : memref<64x128xf32, #tpu.memory_space<vmem>>) dst(%dma_wait3A_151 : memref<64x128xf32, #tpu.memory_space<hbm>>)
      tpu.yield
    }) : () -> ()
    %mul3A_111 = arith.constant 640 : i32
    %mul3A_112 = arith.muli %arg1, %mul3A_111 : i32
    %add3A_113 = arith.constant 448 : i32
    %add3A_114 = arith.addi %mul3A_112, %add3A_113 : i32
    %run_scoped3A_115 = arith.constant 0 : i32
    "tpu.region"() ({
      %run_scoped3A_129 = tpu.sem_alloc : memref<!tpu.dma_semaphore, #tpu.memory_space<semaphore_mem>>
      %dma_start3A = arith.constant 0 : i32
      %dma_start3A_130 = arith.constant 0 : i32
      %dma_start3A_131 = tpu.memref_slice %arg10[%run_scoped3A_115, %dma_start3A, %dma_start3A_130] : memref<2x64x128xf32, #tpu.memory_space<vmem>> -> memref<1x64x128xf32, #tpu.memory_space<vmem>>
      %dma_start3A_132 = tpu.memref_squeeze %dma_start3A_131 : memref<1x64x128xf32, #tpu.memory_space<vmem>> -> memref<64x128xf32, #tpu.memory_space<vmem>>
      %dma_start3A_133 = arith.constant 0 : i32
      %dma_start3A_134 = tpu.memref_slice %arg7[%add3A_114, %dma_start3A_133] : memref<10240x128xf32, #tpu.memory_space<vmem_shared>> -> memref<64x128xf32, #tpu.memory_space<vmem_shared>>
      %dma_start3A_135 = arith.constant 0 : i32
      %dma_start3A_136 = arith.constant 0 : i32
      %dma_start3A_137 = tpu.memref_slice %arg10[%run_scoped3A_115, %dma_start3A_135, %dma_start3A_136] : memref<2x64x128xf32, #tpu.memory_space<vmem>> -> memref<1x64x128xf32, #tpu.memory_space<vmem>>
      %dma_start3A_138 = tpu.memref_squeeze %dma_start3A_137 : memref<1x64x128xf32, #tpu.memory_space<vmem>> -> memref<64x128xf32, #tpu.memory_space<vmem>>
      %dma_start3A_139 = arith.constant 0 : i32
      %dma_start3A_140 = tpu.memref_slice %arg7[%add3A_114, %dma_start3A_139] : memref<10240x128xf32, #tpu.memory_space<vmem_shared>> -> memref<64x128xf32, #tpu.memory_space<vmem_shared>>
      tpu.enqueue_dma source(%dma_start3A_140 : memref<64x128xf32, #tpu.memory_space<vmem_shared>>) target(%dma_start3A_138 : memref<64x128xf32, #tpu.memory_space<vmem>>) target_semaphore(%run_scoped3A_129 : memref<!tpu.dma_semaphore, #tpu.memory_space<semaphore_mem>>)
      %dma_wait3A = arith.constant 0 : i32
      %dma_wait3A_141 = arith.constant 0 : i32
      %dma_wait3A_142 = tpu.memref_slice %arg10[%run_scoped3A_115, %dma_wait3A, %dma_wait3A_141] : memref<2x64x128xf32, #tpu.memory_space<vmem>> -> memref<1x64x128xf32, #tpu.memory_space<vmem>>
      %dma_wait3A_143 = tpu.memref_squeeze %dma_wait3A_142 : memref<1x64x128xf32, #tpu.memory_space<vmem>> -> memref<64x128xf32, #tpu.memory_space<vmem>>
      %dma_wait3A_144 = arith.constant 0 : i32
      %dma_wait3A_145 = tpu.memref_slice %arg7[%add3A_114, %dma_wait3A_144] : memref<10240x128xf32, #tpu.memory_space<vmem_shared>> -> memref<64x128xf32, #tpu.memory_space<vmem_shared>>
      %dma_wait3A_146 = arith.constant 0 : i32
      %dma_wait3A_147 = arith.constant 0 : i32
      %dma_wait3A_148 = tpu.memref_slice %arg10[%run_scoped3A_115, %dma_wait3A_146, %dma_wait3A_147] : memref<2x64x128xf32, #tpu.memory_space<vmem>> -> memref<1x64x128xf32, #tpu.memory_space<vmem>>
      %dma_wait3A_149 = tpu.memref_squeeze %dma_wait3A_148 : memref<1x64x128xf32, #tpu.memory_space<vmem>> -> memref<64x128xf32, #tpu.memory_space<vmem>>
      %dma_wait3A_150 = arith.constant 0 : i32
      %dma_wait3A_151 = tpu.memref_slice %arg7[%add3A_114, %dma_wait3A_150] : memref<10240x128xf32, #tpu.memory_space<vmem_shared>> -> memref<64x128xf32, #tpu.memory_space<vmem_shared>>
      tpu.wait_dma2 semaphore(%run_scoped3A_129 : memref<!tpu.dma_semaphore, #tpu.memory_space<semaphore_mem>>) src(%dma_wait3A_151 : memref<64x128xf32, #tpu.memory_space<vmem_shared>>) dst(%dma_wait3A_149 : memref<64x128xf32, #tpu.memory_space<vmem>>)
      tpu.yield
    }) : () -> ()
    %run_scoped3A_116 = arith.constant 0 : i32
    "tpu.region"() ({
      %run_scoped3A_129 = tpu.sem_alloc : memref<!tpu.dma_semaphore, #tpu.memory_space<semaphore_mem>>
      %dma_start3A = arith.constant 0 : i32
      %dma_start3A_130 = arith.constant 0 : i32
      %dma_start3A_131 = tpu.memref_slice %arg10[%run_scoped3A_116, %dma_start3A, %dma_start3A_130] : memref<2x64x128xf32, #tpu.memory_space<vmem>> -> memref<1x64x128xf32, #tpu.memory_space<vmem>>
      %dma_start3A_132 = tpu.memref_squeeze %dma_start3A_131 : memref<1x64x128xf32, #tpu.memory_space<vmem>> -> memref<64x128xf32, #tpu.memory_space<vmem>>
      %dma_start3A_133 = arith.constant 0 : i32
      %dma_start3A_134 = tpu.memref_slice %arg6[%arg0, %add3A_114, %dma_start3A_133] : memref<2x10240x128xf32, #tpu.memory_space<hbm>> -> memref<1x64x128xf32, #tpu.memory_space<hbm>>
      %dma_start3A_135 = tpu.memref_squeeze %dma_start3A_134 : memref<1x64x128xf32, #tpu.memory_space<hbm>> -> memref<64x128xf32, #tpu.memory_space<hbm>>
      %dma_start3A_136 = arith.constant 0 : i32
      %dma_start3A_137 = tpu.memref_slice %arg6[%arg0, %add3A_114, %dma_start3A_136] : memref<2x10240x128xf32, #tpu.memory_space<hbm>> -> memref<1x64x128xf32, #tpu.memory_space<hbm>>
      %dma_start3A_138 = tpu.memref_squeeze %dma_start3A_137 : memref<1x64x128xf32, #tpu.memory_space<hbm>> -> memref<64x128xf32, #tpu.memory_space<hbm>>
      %dma_start3A_139 = arith.constant 0 : i32
      %dma_start3A_140 = arith.constant 0 : i32
      %dma_start3A_141 = tpu.memref_slice %arg10[%run_scoped3A_116, %dma_start3A_139, %dma_start3A_140] : memref<2x64x128xf32, #tpu.memory_space<vmem>> -> memref<1x64x128xf32, #tpu.memory_space<vmem>>
      %dma_start3A_142 = tpu.memref_squeeze %dma_start3A_141 : memref<1x64x128xf32, #tpu.memory_space<vmem>> -> memref<64x128xf32, #tpu.memory_space<vmem>>
      tpu.enqueue_dma source(%dma_start3A_142 : memref<64x128xf32, #tpu.memory_space<vmem>>) target(%dma_start3A_138 : memref<64x128xf32, #tpu.memory_space<hbm>>) target_semaphore(%run_scoped3A_129 : memref<!tpu.dma_semaphore, #tpu.memory_space<semaphore_mem>>)
      %dma_wait3A = arith.constant 0 : i32
      %dma_wait3A_143 = arith.constant 0 : i32
      %dma_wait3A_144 = tpu.memref_slice %arg10[%run_scoped3A_116, %dma_wait3A, %dma_wait3A_143] : memref<2x64x128xf32, #tpu.memory_space<vmem>> -> memref<1x64x128xf32, #tpu.memory_space<vmem>>
      %dma_wait3A_145 = tpu.memref_squeeze %dma_wait3A_144 : memref<1x64x128xf32, #tpu.memory_space<vmem>> -> memref<64x128xf32, #tpu.memory_space<vmem>>
      %dma_wait3A_146 = arith.constant 0 : i32
      %dma_wait3A_147 = tpu.memref_slice %arg6[%arg0, %add3A_114, %dma_wait3A_146] : memref<2x10240x128xf32, #tpu.memory_space<hbm>> -> memref<1x64x128xf32, #tpu.memory_space<hbm>>
      %dma_wait3A_148 = tpu.memref_squeeze %dma_wait3A_147 : memref<1x64x128xf32, #tpu.memory_space<hbm>> -> memref<64x128xf32, #tpu.memory_space<hbm>>
      %dma_wait3A_149 = arith.constant 0 : i32
      %dma_wait3A_150 = tpu.memref_slice %arg6[%arg0, %add3A_114, %dma_wait3A_149] : memref<2x10240x128xf32, #tpu.memory_space<hbm>> -> memref<1x64x128xf32, #tpu.memory_space<hbm>>
      %dma_wait3A_151 = tpu.memref_squeeze %dma_wait3A_150 : memref<1x64x128xf32, #tpu.memory_space<hbm>> -> memref<64x128xf32, #tpu.memory_space<hbm>>
      %dma_wait3A_152 = arith.constant 0 : i32
      %dma_wait3A_153 = arith.constant 0 : i32
      %dma_wait3A_154 = tpu.memref_slice %arg10[%run_scoped3A_116, %dma_wait3A_152, %dma_wait3A_153] : memref<2x64x128xf32, #tpu.memory_space<vmem>> -> memref<1x64x128xf32, #tpu.memory_space<vmem>>
      %dma_wait3A_155 = tpu.memref_squeeze %dma_wait3A_154 : memref<1x64x128xf32, #tpu.memory_space<vmem>> -> memref<64x128xf32, #tpu.memory_space<vmem>>
      tpu.wait_dma2 semaphore(%run_scoped3A_129 : memref<!tpu.dma_semaphore, #tpu.memory_space<semaphore_mem>>) src(%dma_wait3A_155 : memref<64x128xf32, #tpu.memory_space<vmem>>) dst(%dma_wait3A_151 : memref<64x128xf32, #tpu.memory_space<hbm>>)
      tpu.yield
    }) : () -> ()
    %mul3A_117 = arith.constant 640 : i32
    %mul3A_118 = arith.muli %arg1, %mul3A_117 : i32
    %add3A_119 = arith.constant 512 : i32
    %add3A_120 = arith.addi %mul3A_118, %add3A_119 : i32
    %run_scoped3A_121 = arith.constant 0 : i32
    "tpu.region"() ({
      %run_scoped3A_129 = tpu.sem_alloc : memref<!tpu.dma_semaphore, #tpu.memory_space<semaphore_mem>>
      %dma_start3A = arith.constant 0 : i32
      %dma_start3A_130 = arith.constant 0 : i32
      %dma_start3A_131 = tpu.memref_slice %arg10[%run_scoped3A_121, %dma_start3A, %dma_start3A_130] : memref<2x64x128xf32, #tpu.memory_space<vmem>> -> memref<1x64x128xf32, #tpu.memory_space<vmem>>
      %dma_start3A_132 = tpu.memref_squeeze %dma_start3A_131 : memref<1x64x128xf32, #tpu.memory_space<vmem>> -> memref<64x128xf32, #tpu.memory_space<vmem>>
      %dma_start3A_133 = arith.constant 0 : i32
      %dma_start3A_134 = tpu.memref_slice %arg7[%add3A_120, %dma_start3A_133] : memref<10240x128xf32, #tpu.memory_space<vmem_shared>> -> memref<64x128xf32, #tpu.memory_space<vmem_shared>>
      %dma_start3A_135 = arith.constant 0 : i32
      %dma_start3A_136 = arith.constant 0 : i32
      %dma_start3A_137 = tpu.memref_slice %arg10[%run_scoped3A_121, %dma_start3A_135, %dma_start3A_136] : memref<2x64x128xf32, #tpu.memory_space<vmem>> -> memref<1x64x128xf32, #tpu.memory_space<vmem>>
      %dma_start3A_138 = tpu.memref_squeeze %dma_start3A_137 : memref<1x64x128xf32, #tpu.memory_space<vmem>> -> memref<64x128xf32, #tpu.memory_space<vmem>>
      %dma_start3A_139 = arith.constant 0 : i32
      %dma_start3A_140 = tpu.memref_slice %arg7[%add3A_120, %dma_start3A_139] : memref<10240x128xf32, #tpu.memory_space<vmem_shared>> -> memref<64x128xf32, #tpu.memory_space<vmem_shared>>
      tpu.enqueue_dma source(%dma_start3A_140 : memref<64x128xf32, #tpu.memory_space<vmem_shared>>) target(%dma_start3A_138 : memref<64x128xf32, #tpu.memory_space<vmem>>) target_semaphore(%run_scoped3A_129 : memref<!tpu.dma_semaphore, #tpu.memory_space<semaphore_mem>>)
      %dma_wait3A = arith.constant 0 : i32
      %dma_wait3A_141 = arith.constant 0 : i32
      %dma_wait3A_142 = tpu.memref_slice %arg10[%run_scoped3A_121, %dma_wait3A, %dma_wait3A_141] : memref<2x64x128xf32, #tpu.memory_space<vmem>> -> memref<1x64x128xf32, #tpu.memory_space<vmem>>
      %dma_wait3A_143 = tpu.memref_squeeze %dma_wait3A_142 : memref<1x64x128xf32, #tpu.memory_space<vmem>> -> memref<64x128xf32, #tpu.memory_space<vmem>>
      %dma_wait3A_144 = arith.constant 0 : i32
      %dma_wait3A_145 = tpu.memref_slice %arg7[%add3A_120, %dma_wait3A_144] : memref<10240x128xf32, #tpu.memory_space<vmem_shared>> -> memref<64x128xf32, #tpu.memory_space<vmem_shared>>
      %dma_wait3A_146 = arith.constant 0 : i32
      %dma_wait3A_147 = arith.constant 0 : i32
      %dma_wait3A_148 = tpu.memref_slice %arg10[%run_scoped3A_121, %dma_wait3A_146, %dma_wait3A_147] : memref<2x64x128xf32, #tpu.memory_space<vmem>> -> memref<1x64x128xf32, #tpu.memory_space<vmem>>
      %dma_wait3A_149 = tpu.memref_squeeze %dma_wait3A_148 : memref<1x64x128xf32, #tpu.memory_space<vmem>> -> memref<64x128xf32, #tpu.memory_space<vmem>>
      %dma_wait3A_150 = arith.constant 0 : i32
      %dma_wait3A_151 = tpu.memref_slice %arg7[%add3A_120, %dma_wait3A_150] : memref<10240x128xf32, #tpu.memory_space<vmem_shared>> -> memref<64x128xf32, #tpu.memory_space<vmem_shared>>
      tpu.wait_dma2 semaphore(%run_scoped3A_129 : memref<!tpu.dma_semaphore, #tpu.memory_space<semaphore_mem>>) src(%dma_wait3A_151 : memref<64x128xf32, #tpu.memory_space<vmem_shared>>) dst(%dma_wait3A_149 : memref<64x128xf32, #tpu.memory_space<vmem>>)
      tpu.yield
    }) : () -> ()
    %run_scoped3A_122 = arith.constant 0 : i32
    "tpu.region"() ({
      %run_scoped3A_129 = tpu.sem_alloc : memref<!tpu.dma_semaphore, #tpu.memory_space<semaphore_mem>>
      %dma_start3A = arith.constant 0 : i32
      %dma_start3A_130 = arith.constant 0 : i32
      %dma_start3A_131 = tpu.memref_slice %arg10[%run_scoped3A_122, %dma_start3A, %dma_start3A_130] : memref<2x64x128xf32, #tpu.memory_space<vmem>> -> memref<1x64x128xf32, #tpu.memory_space<vmem>>
      %dma_start3A_132 = tpu.memref_squeeze %dma_start3A_131 : memref<1x64x128xf32, #tpu.memory_space<vmem>> -> memref<64x128xf32, #tpu.memory_space<vmem>>
      %dma_start3A_133 = arith.constant 0 : i32
      %dma_start3A_134 = tpu.memref_slice %arg6[%arg0, %add3A_120, %dma_start3A_133] : memref<2x10240x128xf32, #tpu.memory_space<hbm>> -> memref<1x64x128xf32, #tpu.memory_space<hbm>>
      %dma_start3A_135 = tpu.memref_squeeze %dma_start3A_134 : memref<1x64x128xf32, #tpu.memory_space<hbm>> -> memref<64x128xf32, #tpu.memory_space<hbm>>
      %dma_start3A_136 = arith.constant 0 : i32
      %dma_start3A_137 = tpu.memref_slice %arg6[%arg0, %add3A_120, %dma_start3A_136] : memref<2x10240x128xf32, #tpu.memory_space<hbm>> -> memref<1x64x128xf32, #tpu.memory_space<hbm>>
      %dma_start3A_138 = tpu.memref_squeeze %dma_start3A_137 : memref<1x64x128xf32, #tpu.memory_space<hbm>> -> memref<64x128xf32, #tpu.memory_space<hbm>>
      %dma_start3A_139 = arith.constant 0 : i32
      %dma_start3A_140 = arith.constant 0 : i32
      %dma_start3A_141 = tpu.memref_slice %arg10[%run_scoped3A_122, %dma_start3A_139, %dma_start3A_140] : memref<2x64x128xf32, #tpu.memory_space<vmem>> -> memref<1x64x128xf32, #tpu.memory_space<vmem>>
      %dma_start3A_142 = tpu.memref_squeeze %dma_start3A_141 : memref<1x64x128xf32, #tpu.memory_space<vmem>> -> memref<64x128xf32, #tpu.memory_space<vmem>>
      tpu.enqueue_dma source(%dma_start3A_142 : memref<64x128xf32, #tpu.memory_space<vmem>>) target(%dma_start3A_138 : memref<64x128xf32, #tpu.memory_space<hbm>>) target_semaphore(%run_scoped3A_129 : memref<!tpu.dma_semaphore, #tpu.memory_space<semaphore_mem>>)
      %dma_wait3A = arith.constant 0 : i32
      %dma_wait3A_143 = arith.constant 0 : i32
      %dma_wait3A_144 = tpu.memref_slice %arg10[%run_scoped3A_122, %dma_wait3A, %dma_wait3A_143] : memref<2x64x128xf32, #tpu.memory_space<vmem>> -> memref<1x64x128xf32, #tpu.memory_space<vmem>>
      %dma_wait3A_145 = tpu.memref_squeeze %dma_wait3A_144 : memref<1x64x128xf32, #tpu.memory_space<vmem>> -> memref<64x128xf32, #tpu.memory_space<vmem>>
      %dma_wait3A_146 = arith.constant 0 : i32
      %dma_wait3A_147 = tpu.memref_slice %arg6[%arg0, %add3A_120, %dma_wait3A_146] : memref<2x10240x128xf32, #tpu.memory_space<hbm>> -> memref<1x64x128xf32, #tpu.memory_space<hbm>>
      %dma_wait3A_148 = tpu.memref_squeeze %dma_wait3A_147 : memref<1x64x128xf32, #tpu.memory_space<hbm>> -> memref<64x128xf32, #tpu.memory_space<hbm>>
      %dma_wait3A_149 = arith.constant 0 : i32
      %dma_wait3A_150 = tpu.memref_slice %arg6[%arg0, %add3A_120, %dma_wait3A_149] : memref<2x10240x128xf32, #tpu.memory_space<hbm>> -> memref<1x64x128xf32, #tpu.memory_space<hbm>>
      %dma_wait3A_151 = tpu.memref_squeeze %dma_wait3A_150 : memref<1x64x128xf32, #tpu.memory_space<hbm>> -> memref<64x128xf32, #tpu.memory_space<hbm>>
      %dma_wait3A_152 = arith.constant 0 : i32
      %dma_wait3A_153 = arith.constant 0 : i32
      %dma_wait3A_154 = tpu.memref_slice %arg10[%run_scoped3A_122, %dma_wait3A_152, %dma_wait3A_153] : memref<2x64x128xf32, #tpu.memory_space<vmem>> -> memref<1x64x128xf32, #tpu.memory_space<vmem>>
      %dma_wait3A_155 = tpu.memref_squeeze %dma_wait3A_154 : memref<1x64x128xf32, #tpu.memory_space<vmem>> -> memref<64x128xf32, #tpu.memory_space<vmem>>
      tpu.wait_dma2 semaphore(%run_scoped3A_129 : memref<!tpu.dma_semaphore, #tpu.memory_space<semaphore_mem>>) src(%dma_wait3A_155 : memref<64x128xf32, #tpu.memory_space<vmem>>) dst(%dma_wait3A_151 : memref<64x128xf32, #tpu.memory_space<hbm>>)
      tpu.yield
    }) : () -> ()
    %mul3A_123 = arith.constant 640 : i32
    %mul3A_124 = arith.muli %arg1, %mul3A_123 : i32
    %add3A_125 = arith.constant 576 : i32
    %add3A_126 = arith.addi %mul3A_124, %add3A_125 : i32
    %run_scoped3A_127 = arith.constant 0 : i32
    "tpu.region"() ({
      %run_scoped3A_129 = tpu.sem_alloc : memref<!tpu.dma_semaphore, #tpu.memory_space<semaphore_mem>>
      %dma_start3A = arith.constant 0 : i32
      %dma_start3A_130 = arith.constant 0 : i32
      %dma_start3A_131 = tpu.memref_slice %arg10[%run_scoped3A_127, %dma_start3A, %dma_start3A_130] : memref<2x64x128xf32, #tpu.memory_space<vmem>> -> memref<1x64x128xf32, #tpu.memory_space<vmem>>
      %dma_start3A_132 = tpu.memref_squeeze %dma_start3A_131 : memref<1x64x128xf32, #tpu.memory_space<vmem>> -> memref<64x128xf32, #tpu.memory_space<vmem>>
      %dma_start3A_133 = arith.constant 0 : i32
      %dma_start3A_134 = tpu.memref_slice %arg7[%add3A_126, %dma_start3A_133] : memref<10240x128xf32, #tpu.memory_space<vmem_shared>> -> memref<64x128xf32, #tpu.memory_space<vmem_shared>>
      %dma_start3A_135 = arith.constant 0 : i32
      %dma_start3A_136 = arith.constant 0 : i32
      %dma_start3A_137 = tpu.memref_slice %arg10[%run_scoped3A_127, %dma_start3A_135, %dma_start3A_136] : memref<2x64x128xf32, #tpu.memory_space<vmem>> -> memref<1x64x128xf32, #tpu.memory_space<vmem>>
      %dma_start3A_138 = tpu.memref_squeeze %dma_start3A_137 : memref<1x64x128xf32, #tpu.memory_space<vmem>> -> memref<64x128xf32, #tpu.memory_space<vmem>>
      %dma_start3A_139 = arith.constant 0 : i32
      %dma_start3A_140 = tpu.memref_slice %arg7[%add3A_126, %dma_start3A_139] : memref<10240x128xf32, #tpu.memory_space<vmem_shared>> -> memref<64x128xf32, #tpu.memory_space<vmem_shared>>
      tpu.enqueue_dma source(%dma_start3A_140 : memref<64x128xf32, #tpu.memory_space<vmem_shared>>) target(%dma_start3A_138 : memref<64x128xf32, #tpu.memory_space<vmem>>) target_semaphore(%run_scoped3A_129 : memref<!tpu.dma_semaphore, #tpu.memory_space<semaphore_mem>>)
      %dma_wait3A = arith.constant 0 : i32
      %dma_wait3A_141 = arith.constant 0 : i32
      %dma_wait3A_142 = tpu.memref_slice %arg10[%run_scoped3A_127, %dma_wait3A, %dma_wait3A_141] : memref<2x64x128xf32, #tpu.memory_space<vmem>> -> memref<1x64x128xf32, #tpu.memory_space<vmem>>
      %dma_wait3A_143 = tpu.memref_squeeze %dma_wait3A_142 : memref<1x64x128xf32, #tpu.memory_space<vmem>> -> memref<64x128xf32, #tpu.memory_space<vmem>>
      %dma_wait3A_144 = arith.constant 0 : i32
      %dma_wait3A_145 = tpu.memref_slice %arg7[%add3A_126, %dma_wait3A_144] : memref<10240x128xf32, #tpu.memory_space<vmem_shared>> -> memref<64x128xf32, #tpu.memory_space<vmem_shared>>
      %dma_wait3A_146 = arith.constant 0 : i32
      %dma_wait3A_147 = arith.constant 0 : i32
      %dma_wait3A_148 = tpu.memref_slice %arg10[%run_scoped3A_127, %dma_wait3A_146, %dma_wait3A_147] : memref<2x64x128xf32, #tpu.memory_space<vmem>> -> memref<1x64x128xf32, #tpu.memory_space<vmem>>
      %dma_wait3A_149 = tpu.memref_squeeze %dma_wait3A_148 : memref<1x64x128xf32, #tpu.memory_space<vmem>> -> memref<64x128xf32, #tpu.memory_space<vmem>>
      %dma_wait3A_150 = arith.constant 0 : i32
      %dma_wait3A_151 = tpu.memref_slice %arg7[%add3A_126, %dma_wait3A_150] : memref<10240x128xf32, #tpu.memory_space<vmem_shared>> -> memref<64x128xf32, #tpu.memory_space<vmem_shared>>
      tpu.wait_dma2 semaphore(%run_scoped3A_129 : memref<!tpu.dma_semaphore, #tpu.memory_space<semaphore_mem>>) src(%dma_wait3A_151 : memref<64x128xf32, #tpu.memory_space<vmem_shared>>) dst(%dma_wait3A_149 : memref<64x128xf32, #tpu.memory_space<vmem>>)
      tpu.yield
    }) : () -> ()
    %run_scoped3A_128 = arith.constant 0 : i32
    "tpu.region"() ({
      %run_scoped3A_129 = tpu.sem_alloc : memref<!tpu.dma_semaphore, #tpu.memory_space<semaphore_mem>>
      %dma_start3A = arith.constant 0 : i32
      %dma_start3A_130 = arith.constant 0 : i32
      %dma_start3A_131 = tpu.memref_slice %arg10[%run_scoped3A_128, %dma_start3A, %dma_start3A_130] : memref<2x64x128xf32, #tpu.memory_space<vmem>> -> memref<1x64x128xf32, #tpu.memory_space<vmem>>
      %dma_start3A_132 = tpu.memref_squeeze %dma_start3A_131 : memref<1x64x128xf32, #tpu.memory_space<vmem>> -> memref<64x128xf32, #tpu.memory_space<vmem>>
      %dma_start3A_133 = arith.constant 0 : i32
      %dma_start3A_134 = tpu.memref_slice %arg6[%arg0, %add3A_126, %dma_start3A_133] : memref<2x10240x128xf32, #tpu.memory_space<hbm>> -> memref<1x64x128xf32, #tpu.memory_space<hbm>>
      %dma_start3A_135 = tpu.memref_squeeze %dma_start3A_134 : memref<1x64x128xf32, #tpu.memory_space<hbm>> -> memref<64x128xf32, #tpu.memory_space<hbm>>
      %dma_start3A_136 = arith.constant 0 : i32
      %dma_start3A_137 = tpu.memref_slice %arg6[%arg0, %add3A_126, %dma_start3A_136] : memref<2x10240x128xf32, #tpu.memory_space<hbm>> -> memref<1x64x128xf32, #tpu.memory_space<hbm>>
      %dma_start3A_138 = tpu.memref_squeeze %dma_start3A_137 : memref<1x64x128xf32, #tpu.memory_space<hbm>> -> memref<64x128xf32, #tpu.memory_space<hbm>>
      %dma_start3A_139 = arith.constant 0 : i32
      %dma_start3A_140 = arith.constant 0 : i32
      %dma_start3A_141 = tpu.memref_slice %arg10[%run_scoped3A_128, %dma_start3A_139, %dma_start3A_140] : memref<2x64x128xf32, #tpu.memory_space<vmem>> -> memref<1x64x128xf32, #tpu.memory_space<vmem>>
      %dma_start3A_142 = tpu.memref_squeeze %dma_start3A_141 : memref<1x64x128xf32, #tpu.memory_space<vmem>> -> memref<64x128xf32, #tpu.memory_space<vmem>>
      tpu.enqueue_dma source(%dma_start3A_142 : memref<64x128xf32, #tpu.memory_space<vmem>>) target(%dma_start3A_138 : memref<64x128xf32, #tpu.memory_space<hbm>>) target_semaphore(%run_scoped3A_129 : memref<!tpu.dma_semaphore, #tpu.memory_space<semaphore_mem>>)
      %dma_wait3A = arith.constant 0 : i32
      %dma_wait3A_143 = arith.constant 0 : i32
      %dma_wait3A_144 = tpu.memref_slice %arg10[%run_scoped3A_128, %dma_wait3A, %dma_wait3A_143] : memref<2x64x128xf32, #tpu.memory_space<vmem>> -> memref<1x64x128xf32, #tpu.memory_space<vmem>>
      %dma_wait3A_145 = tpu.memref_squeeze %dma_wait3A_144 : memref<1x64x128xf32, #tpu.memory_space<vmem>> -> memref<64x128xf32, #tpu.memory_space<vmem>>
      %dma_wait3A_146 = arith.constant 0 : i32
      %dma_wait3A_147 = tpu.memref_slice %arg6[%arg0, %add3A_126, %dma_wait3A_146] : memref<2x10240x128xf32, #tpu.memory_space<hbm>> -> memref<1x64x128xf32, #tpu.memory_space<hbm>>
      %dma_wait3A_148 = tpu.memref_squeeze %dma_wait3A_147 : memref<1x64x128xf32, #tpu.memory_space<hbm>> -> memref<64x128xf32, #tpu.memory_space<hbm>>
      %dma_wait3A_149 = arith.constant 0 : i32
      %dma_wait3A_150 = tpu.memref_slice %arg6[%arg0, %add3A_126, %dma_wait3A_149] : memref<2x10240x128xf32, #tpu.memory_space<hbm>> -> memref<1x64x128xf32, #tpu.memory_space<hbm>>
      %dma_wait3A_151 = tpu.memref_squeeze %dma_wait3A_150 : memref<1x64x128xf32, #tpu.memory_space<hbm>> -> memref<64x128xf32, #tpu.memory_space<hbm>>
      %dma_wait3A_152 = arith.constant 0 : i32
      %dma_wait3A_153 = arith.constant 0 : i32
      %dma_wait3A_154 = tpu.memref_slice %arg10[%run_scoped3A_128, %dma_wait3A_152, %dma_wait3A_153] : memref<2x64x128xf32, #tpu.memory_space<vmem>> -> memref<1x64x128xf32, #tpu.memory_space<vmem>>
      %dma_wait3A_155 = tpu.memref_squeeze %dma_wait3A_154 : memref<1x64x128xf32, #tpu.memory_space<vmem>> -> memref<64x128xf32, #tpu.memory_space<vmem>>
      tpu.wait_dma2 semaphore(%run_scoped3A_129 : memref<!tpu.dma_semaphore, #tpu.memory_space<semaphore_mem>>) src(%dma_wait3A_155 : memref<64x128xf32, #tpu.memory_space<vmem>>) dst(%dma_wait3A_151 : memref<64x128xf32, #tpu.memory_space<hbm>>)
      tpu.yield
    }) : () -> ()
    return
  }
}

#map = affine_map<(d0, d1) -> (0, 0)>
#map1 = affine_map<(d0, d1) -> (0, 0, 0)>
module attributes {stable_mosaic.version = 14 : i64} {
  func.func @sage_sc_agg_cnt1(%arg0: i32, %arg1: i32, %arg2: memref<10000x128xf32, #tpu.memory_space<hbm>>, %arg3: memref<16x316x64xi32, #tpu.memory_space<hbm>>, %arg4: memref<16x316x64xi32, #tpu.memory_space<hbm>>, %arg5: memref<64x128xf32, #tpu.memory_space<hbm>>, %arg6: memref<64x8xf32, #tpu.memory_space<hbm>>, %arg7: memref<64x8xf32, #tpu.memory_space<hbm>>, %arg8: memref<2x10240x128xf32, #tpu.memory_space<hbm>>, %arg9: memref<2x10240x8xf32, #tpu.memory_space<hbm>>, %arg10: memref<10240x128xf32, #tpu.memory_space<vmem_shared>>, %arg11: memref<10240x8xf32, #tpu.memory_space<vmem_shared>>, %arg12: memref<206x64xi32, #tpu.memory_space<vmem>>, %arg13: memref<206x64xi32, #tpu.memory_space<vmem>>, %arg14: memref<2x64x128xf32, #tpu.memory_space<vmem>>, %arg15: memref<64x8xf32, #tpu.memory_space<vmem>>, %arg16: memref<!tpu.dma_semaphore, #tpu.memory_space<semaphore_mem>>, %arg17: memref<!tpu.dma_semaphore, #tpu.memory_space<semaphore_mem>>, %arg18: memref<!tpu.dma_semaphore, #tpu.memory_space<semaphore_mem>>, %arg19: memref<!tpu.dma_semaphore, #tpu.memory_space<semaphore_mem>>) attributes {dimension_semantics = [#tpu.dimension_semantics<core_parallel>, #tpu.dimension_semantics<subcore_parallel>], iteration_bounds = array<i64: 2, 16>, scalar_prefetch = 0 : i64, scratch_operands = 10 : i64, tpu.core_type = #tpu.core_type<sc_vector_subcore>, window_params = [{transform_indices = #map}, {transform_indices = #map1}, {transform_indices = #map1}, {transform_indices = #map}, {transform_indices = #map}, {transform_indices = #map}, {transform_indices = #map1}, {transform_indices = #map1}]} {
    %run_scoped3A = arith.constant 0 : i32
    "tpu.region"() ({
      %run_scoped3A_169 = tpu.sem_alloc : memref<!tpu.dma_semaphore, #tpu.memory_space<semaphore_mem>>
      %dma_start3A = arith.constant 0 : i32
      %dma_start3A_170 = arith.constant 0 : i32
      %dma_start3A_171 = tpu.memref_slice %arg14[%run_scoped3A, %dma_start3A, %dma_start3A_170] : memref<2x64x128xf32, #tpu.memory_space<vmem>> -> memref<1x64x128xf32, #tpu.memory_space<vmem>>
      %dma_start3A_172 = tpu.memref_squeeze %dma_start3A_171 : memref<1x64x128xf32, #tpu.memory_space<vmem>> -> memref<64x128xf32, #tpu.memory_space<vmem>>
      %dma_start3A_173 = arith.constant 0 : i32
      %dma_start3A_174 = arith.constant 0 : i32
      %dma_start3A_175 = tpu.memref_slice %arg14[%run_scoped3A, %dma_start3A_173, %dma_start3A_174] : memref<2x64x128xf32, #tpu.memory_space<vmem>> -> memref<1x64x128xf32, #tpu.memory_space<vmem>>
      %dma_start3A_176 = tpu.memref_squeeze %dma_start3A_175 : memref<1x64x128xf32, #tpu.memory_space<vmem>> -> memref<64x128xf32, #tpu.memory_space<vmem>>
      tpu.enqueue_dma source(%arg5 : memref<64x128xf32, #tpu.memory_space<hbm>>) target(%dma_start3A_176 : memref<64x128xf32, #tpu.memory_space<vmem>>) target_semaphore(%run_scoped3A_169 : memref<!tpu.dma_semaphore, #tpu.memory_space<semaphore_mem>>)
      %dma_wait3A = arith.constant 0 : i32
      %dma_wait3A_177 = arith.constant 0 : i32
      %dma_wait3A_178 = tpu.memref_slice %arg14[%run_scoped3A, %dma_wait3A, %dma_wait3A_177] : memref<2x64x128xf32, #tpu.memory_space<vmem>> -> memref<1x64x128xf32, #tpu.memory_space<vmem>>
      %dma_wait3A_179 = tpu.memref_squeeze %dma_wait3A_178 : memref<1x64x128xf32, #tpu.memory_space<vmem>> -> memref<64x128xf32, #tpu.memory_space<vmem>>
      %dma_wait3A_180 = arith.constant 0 : i32
      %dma_wait3A_181 = arith.constant 0 : i32
      %dma_wait3A_182 = tpu.memref_slice %arg14[%run_scoped3A, %dma_wait3A_180, %dma_wait3A_181] : memref<2x64x128xf32, #tpu.memory_space<vmem>> -> memref<1x64x128xf32, #tpu.memory_space<vmem>>
      %dma_wait3A_183 = tpu.memref_squeeze %dma_wait3A_182 : memref<1x64x128xf32, #tpu.memory_space<vmem>> -> memref<64x128xf32, #tpu.memory_space<vmem>>
      tpu.wait_dma2 semaphore(%run_scoped3A_169 : memref<!tpu.dma_semaphore, #tpu.memory_space<semaphore_mem>>) src(%arg5 : memref<64x128xf32, #tpu.memory_space<hbm>>) dst(%dma_wait3A_183 : memref<64x128xf32, #tpu.memory_space<vmem>>)
      tpu.yield
    }) : () -> ()
    %mul3A = arith.constant 640 : i32
    %mul3A_0 = arith.muli %arg1, %mul3A : i32
    %add3A = arith.constant 0 : i32
    %add3A_1 = arith.addi %mul3A_0, %add3A : i32
    %run_scoped3A_2 = arith.constant 0 : i32
    "tpu.region"() ({
      %run_scoped3A_169 = tpu.sem_alloc : memref<!tpu.dma_semaphore, #tpu.memory_space<semaphore_mem>>
      %dma_start3A = arith.constant 0 : i32
      %dma_start3A_170 = arith.constant 0 : i32
      %dma_start3A_171 = tpu.memref_slice %arg14[%run_scoped3A_2, %dma_start3A, %dma_start3A_170] : memref<2x64x128xf32, #tpu.memory_space<vmem>> -> memref<1x64x128xf32, #tpu.memory_space<vmem>>
      %dma_start3A_172 = tpu.memref_squeeze %dma_start3A_171 : memref<1x64x128xf32, #tpu.memory_space<vmem>> -> memref<64x128xf32, #tpu.memory_space<vmem>>
      %dma_start3A_173 = arith.constant 0 : i32
      %dma_start3A_174 = tpu.memref_slice %arg10[%add3A_1, %dma_start3A_173] : memref<10240x128xf32, #tpu.memory_space<vmem_shared>> -> memref<64x128xf32, #tpu.memory_space<vmem_shared>>
      %dma_start3A_175 = arith.constant 0 : i32
      %dma_start3A_176 = tpu.memref_slice %arg10[%add3A_1, %dma_start3A_175] : memref<10240x128xf32, #tpu.memory_space<vmem_shared>> -> memref<64x128xf32, #tpu.memory_space<vmem_shared>>
      %dma_start3A_177 = arith.constant 0 : i32
      %dma_start3A_178 = arith.constant 0 : i32
      %dma_start3A_179 = tpu.memref_slice %arg14[%run_scoped3A_2, %dma_start3A_177, %dma_start3A_178] : memref<2x64x128xf32, #tpu.memory_space<vmem>> -> memref<1x64x128xf32, #tpu.memory_space<vmem>>
      %dma_start3A_180 = tpu.memref_squeeze %dma_start3A_179 : memref<1x64x128xf32, #tpu.memory_space<vmem>> -> memref<64x128xf32, #tpu.memory_space<vmem>>
      tpu.enqueue_dma source(%dma_start3A_180 : memref<64x128xf32, #tpu.memory_space<vmem>>) target(%dma_start3A_176 : memref<64x128xf32, #tpu.memory_space<vmem_shared>>) target_semaphore(%run_scoped3A_169 : memref<!tpu.dma_semaphore, #tpu.memory_space<semaphore_mem>>)
      %dma_wait3A = arith.constant 0 : i32
      %dma_wait3A_181 = arith.constant 0 : i32
      %dma_wait3A_182 = tpu.memref_slice %arg14[%run_scoped3A_2, %dma_wait3A, %dma_wait3A_181] : memref<2x64x128xf32, #tpu.memory_space<vmem>> -> memref<1x64x128xf32, #tpu.memory_space<vmem>>
      %dma_wait3A_183 = tpu.memref_squeeze %dma_wait3A_182 : memref<1x64x128xf32, #tpu.memory_space<vmem>> -> memref<64x128xf32, #tpu.memory_space<vmem>>
      %dma_wait3A_184 = arith.constant 0 : i32
      %dma_wait3A_185 = tpu.memref_slice %arg10[%add3A_1, %dma_wait3A_184] : memref<10240x128xf32, #tpu.memory_space<vmem_shared>> -> memref<64x128xf32, #tpu.memory_space<vmem_shared>>
      %dma_wait3A_186 = arith.constant 0 : i32
      %dma_wait3A_187 = tpu.memref_slice %arg10[%add3A_1, %dma_wait3A_186] : memref<10240x128xf32, #tpu.memory_space<vmem_shared>> -> memref<64x128xf32, #tpu.memory_space<vmem_shared>>
      %dma_wait3A_188 = arith.constant 0 : i32
      %dma_wait3A_189 = arith.constant 0 : i32
      %dma_wait3A_190 = tpu.memref_slice %arg14[%run_scoped3A_2, %dma_wait3A_188, %dma_wait3A_189] : memref<2x64x128xf32, #tpu.memory_space<vmem>> -> memref<1x64x128xf32, #tpu.memory_space<vmem>>
      %dma_wait3A_191 = tpu.memref_squeeze %dma_wait3A_190 : memref<1x64x128xf32, #tpu.memory_space<vmem>> -> memref<64x128xf32, #tpu.memory_space<vmem>>
      tpu.wait_dma2 semaphore(%run_scoped3A_169 : memref<!tpu.dma_semaphore, #tpu.memory_space<semaphore_mem>>) src(%dma_wait3A_191 : memref<64x128xf32, #tpu.memory_space<vmem>>) dst(%dma_wait3A_187 : memref<64x128xf32, #tpu.memory_space<vmem_shared>>)
      tpu.yield
    }) : () -> ()
    %mul3A_3 = arith.constant 640 : i32
    %mul3A_4 = arith.muli %arg1, %mul3A_3 : i32
    %add3A_5 = arith.constant 64 : i32
    %add3A_6 = arith.addi %mul3A_4, %add3A_5 : i32
    %run_scoped3A_7 = arith.constant 0 : i32
    "tpu.region"() ({
      %run_scoped3A_169 = tpu.sem_alloc : memref<!tpu.dma_semaphore, #tpu.memory_space<semaphore_mem>>
      %dma_start3A = arith.constant 0 : i32
      %dma_start3A_170 = arith.constant 0 : i32
      %dma_start3A_171 = tpu.memref_slice %arg14[%run_scoped3A_7, %dma_start3A, %dma_start3A_170] : memref<2x64x128xf32, #tpu.memory_space<vmem>> -> memref<1x64x128xf32, #tpu.memory_space<vmem>>
      %dma_start3A_172 = tpu.memref_squeeze %dma_start3A_171 : memref<1x64x128xf32, #tpu.memory_space<vmem>> -> memref<64x128xf32, #tpu.memory_space<vmem>>
      %dma_start3A_173 = arith.constant 0 : i32
      %dma_start3A_174 = tpu.memref_slice %arg10[%add3A_6, %dma_start3A_173] : memref<10240x128xf32, #tpu.memory_space<vmem_shared>> -> memref<64x128xf32, #tpu.memory_space<vmem_shared>>
      %dma_start3A_175 = arith.constant 0 : i32
      %dma_start3A_176 = tpu.memref_slice %arg10[%add3A_6, %dma_start3A_175] : memref<10240x128xf32, #tpu.memory_space<vmem_shared>> -> memref<64x128xf32, #tpu.memory_space<vmem_shared>>
      %dma_start3A_177 = arith.constant 0 : i32
      %dma_start3A_178 = arith.constant 0 : i32
      %dma_start3A_179 = tpu.memref_slice %arg14[%run_scoped3A_7, %dma_start3A_177, %dma_start3A_178] : memref<2x64x128xf32, #tpu.memory_space<vmem>> -> memref<1x64x128xf32, #tpu.memory_space<vmem>>
      %dma_start3A_180 = tpu.memref_squeeze %dma_start3A_179 : memref<1x64x128xf32, #tpu.memory_space<vmem>> -> memref<64x128xf32, #tpu.memory_space<vmem>>
      tpu.enqueue_dma source(%dma_start3A_180 : memref<64x128xf32, #tpu.memory_space<vmem>>) target(%dma_start3A_176 : memref<64x128xf32, #tpu.memory_space<vmem_shared>>) target_semaphore(%run_scoped3A_169 : memref<!tpu.dma_semaphore, #tpu.memory_space<semaphore_mem>>)
      %dma_wait3A = arith.constant 0 : i32
      %dma_wait3A_181 = arith.constant 0 : i32
      %dma_wait3A_182 = tpu.memref_slice %arg14[%run_scoped3A_7, %dma_wait3A, %dma_wait3A_181] : memref<2x64x128xf32, #tpu.memory_space<vmem>> -> memref<1x64x128xf32, #tpu.memory_space<vmem>>
      %dma_wait3A_183 = tpu.memref_squeeze %dma_wait3A_182 : memref<1x64x128xf32, #tpu.memory_space<vmem>> -> memref<64x128xf32, #tpu.memory_space<vmem>>
      %dma_wait3A_184 = arith.constant 0 : i32
      %dma_wait3A_185 = tpu.memref_slice %arg10[%add3A_6, %dma_wait3A_184] : memref<10240x128xf32, #tpu.memory_space<vmem_shared>> -> memref<64x128xf32, #tpu.memory_space<vmem_shared>>
      %dma_wait3A_186 = arith.constant 0 : i32
      %dma_wait3A_187 = tpu.memref_slice %arg10[%add3A_6, %dma_wait3A_186] : memref<10240x128xf32, #tpu.memory_space<vmem_shared>> -> memref<64x128xf32, #tpu.memory_space<vmem_shared>>
      %dma_wait3A_188 = arith.constant 0 : i32
      %dma_wait3A_189 = arith.constant 0 : i32
      %dma_wait3A_190 = tpu.memref_slice %arg14[%run_scoped3A_7, %dma_wait3A_188, %dma_wait3A_189] : memref<2x64x128xf32, #tpu.memory_space<vmem>> -> memref<1x64x128xf32, #tpu.memory_space<vmem>>
      %dma_wait3A_191 = tpu.memref_squeeze %dma_wait3A_190 : memref<1x64x128xf32, #tpu.memory_space<vmem>> -> memref<64x128xf32, #tpu.memory_space<vmem>>
      tpu.wait_dma2 semaphore(%run_scoped3A_169 : memref<!tpu.dma_semaphore, #tpu.memory_space<semaphore_mem>>) src(%dma_wait3A_191 : memref<64x128xf32, #tpu.memory_space<vmem>>) dst(%dma_wait3A_187 : memref<64x128xf32, #tpu.memory_space<vmem_shared>>)
      tpu.yield
    }) : () -> ()
    %mul3A_8 = arith.constant 640 : i32
    %mul3A_9 = arith.muli %arg1, %mul3A_8 : i32
    %add3A_10 = arith.constant 128 : i32
    %add3A_11 = arith.addi %mul3A_9, %add3A_10 : i32
    %run_scoped3A_12 = arith.constant 0 : i32
    "tpu.region"() ({
      %run_scoped3A_169 = tpu.sem_alloc : memref<!tpu.dma_semaphore, #tpu.memory_space<semaphore_mem>>
      %dma_start3A = arith.constant 0 : i32
      %dma_start3A_170 = arith.constant 0 : i32
      %dma_start3A_171 = tpu.memref_slice %arg14[%run_scoped3A_12, %dma_start3A, %dma_start3A_170] : memref<2x64x128xf32, #tpu.memory_space<vmem>> -> memref<1x64x128xf32, #tpu.memory_space<vmem>>
      %dma_start3A_172 = tpu.memref_squeeze %dma_start3A_171 : memref<1x64x128xf32, #tpu.memory_space<vmem>> -> memref<64x128xf32, #tpu.memory_space<vmem>>
      %dma_start3A_173 = arith.constant 0 : i32
      %dma_start3A_174 = tpu.memref_slice %arg10[%add3A_11, %dma_start3A_173] : memref<10240x128xf32, #tpu.memory_space<vmem_shared>> -> memref<64x128xf32, #tpu.memory_space<vmem_shared>>
      %dma_start3A_175 = arith.constant 0 : i32
      %dma_start3A_176 = tpu.memref_slice %arg10[%add3A_11, %dma_start3A_175] : memref<10240x128xf32, #tpu.memory_space<vmem_shared>> -> memref<64x128xf32, #tpu.memory_space<vmem_shared>>
      %dma_start3A_177 = arith.constant 0 : i32
      %dma_start3A_178 = arith.constant 0 : i32
      %dma_start3A_179 = tpu.memref_slice %arg14[%run_scoped3A_12, %dma_start3A_177, %dma_start3A_178] : memref<2x64x128xf32, #tpu.memory_space<vmem>> -> memref<1x64x128xf32, #tpu.memory_space<vmem>>
      %dma_start3A_180 = tpu.memref_squeeze %dma_start3A_179 : memref<1x64x128xf32, #tpu.memory_space<vmem>> -> memref<64x128xf32, #tpu.memory_space<vmem>>
      tpu.enqueue_dma source(%dma_start3A_180 : memref<64x128xf32, #tpu.memory_space<vmem>>) target(%dma_start3A_176 : memref<64x128xf32, #tpu.memory_space<vmem_shared>>) target_semaphore(%run_scoped3A_169 : memref<!tpu.dma_semaphore, #tpu.memory_space<semaphore_mem>>)
      %dma_wait3A = arith.constant 0 : i32
      %dma_wait3A_181 = arith.constant 0 : i32
      %dma_wait3A_182 = tpu.memref_slice %arg14[%run_scoped3A_12, %dma_wait3A, %dma_wait3A_181] : memref<2x64x128xf32, #tpu.memory_space<vmem>> -> memref<1x64x128xf32, #tpu.memory_space<vmem>>
      %dma_wait3A_183 = tpu.memref_squeeze %dma_wait3A_182 : memref<1x64x128xf32, #tpu.memory_space<vmem>> -> memref<64x128xf32, #tpu.memory_space<vmem>>
      %dma_wait3A_184 = arith.constant 0 : i32
      %dma_wait3A_185 = tpu.memref_slice %arg10[%add3A_11, %dma_wait3A_184] : memref<10240x128xf32, #tpu.memory_space<vmem_shared>> -> memref<64x128xf32, #tpu.memory_space<vmem_shared>>
      %dma_wait3A_186 = arith.constant 0 : i32
      %dma_wait3A_187 = tpu.memref_slice %arg10[%add3A_11, %dma_wait3A_186] : memref<10240x128xf32, #tpu.memory_space<vmem_shared>> -> memref<64x128xf32, #tpu.memory_space<vmem_shared>>
      %dma_wait3A_188 = arith.constant 0 : i32
      %dma_wait3A_189 = arith.constant 0 : i32
      %dma_wait3A_190 = tpu.memref_slice %arg14[%run_scoped3A_12, %dma_wait3A_188, %dma_wait3A_189] : memref<2x64x128xf32, #tpu.memory_space<vmem>> -> memref<1x64x128xf32, #tpu.memory_space<vmem>>
      %dma_wait3A_191 = tpu.memref_squeeze %dma_wait3A_190 : memref<1x64x128xf32, #tpu.memory_space<vmem>> -> memref<64x128xf32, #tpu.memory_space<vmem>>
      tpu.wait_dma2 semaphore(%run_scoped3A_169 : memref<!tpu.dma_semaphore, #tpu.memory_space<semaphore_mem>>) src(%dma_wait3A_191 : memref<64x128xf32, #tpu.memory_space<vmem>>) dst(%dma_wait3A_187 : memref<64x128xf32, #tpu.memory_space<vmem_shared>>)
      tpu.yield
    }) : () -> ()
    %mul3A_13 = arith.constant 640 : i32
    %mul3A_14 = arith.muli %arg1, %mul3A_13 : i32
    %add3A_15 = arith.constant 192 : i32
    %add3A_16 = arith.addi %mul3A_14, %add3A_15 : i32
    %run_scoped3A_17 = arith.constant 0 : i32
    "tpu.region"() ({
      %run_scoped3A_169 = tpu.sem_alloc : memref<!tpu.dma_semaphore, #tpu.memory_space<semaphore_mem>>
      %dma_start3A = arith.constant 0 : i32
      %dma_start3A_170 = arith.constant 0 : i32
      %dma_start3A_171 = tpu.memref_slice %arg14[%run_scoped3A_17, %dma_start3A, %dma_start3A_170] : memref<2x64x128xf32, #tpu.memory_space<vmem>> -> memref<1x64x128xf32, #tpu.memory_space<vmem>>
      %dma_start3A_172 = tpu.memref_squeeze %dma_start3A_171 : memref<1x64x128xf32, #tpu.memory_space<vmem>> -> memref<64x128xf32, #tpu.memory_space<vmem>>
      %dma_start3A_173 = arith.constant 0 : i32
      %dma_start3A_174 = tpu.memref_slice %arg10[%add3A_16, %dma_start3A_173] : memref<10240x128xf32, #tpu.memory_space<vmem_shared>> -> memref<64x128xf32, #tpu.memory_space<vmem_shared>>
      %dma_start3A_175 = arith.constant 0 : i32
      %dma_start3A_176 = tpu.memref_slice %arg10[%add3A_16, %dma_start3A_175] : memref<10240x128xf32, #tpu.memory_space<vmem_shared>> -> memref<64x128xf32, #tpu.memory_space<vmem_shared>>
      %dma_start3A_177 = arith.constant 0 : i32
      %dma_start3A_178 = arith.constant 0 : i32
      %dma_start3A_179 = tpu.memref_slice %arg14[%run_scoped3A_17, %dma_start3A_177, %dma_start3A_178] : memref<2x64x128xf32, #tpu.memory_space<vmem>> -> memref<1x64x128xf32, #tpu.memory_space<vmem>>
      %dma_start3A_180 = tpu.memref_squeeze %dma_start3A_179 : memref<1x64x128xf32, #tpu.memory_space<vmem>> -> memref<64x128xf32, #tpu.memory_space<vmem>>
      tpu.enqueue_dma source(%dma_start3A_180 : memref<64x128xf32, #tpu.memory_space<vmem>>) target(%dma_start3A_176 : memref<64x128xf32, #tpu.memory_space<vmem_shared>>) target_semaphore(%run_scoped3A_169 : memref<!tpu.dma_semaphore, #tpu.memory_space<semaphore_mem>>)
      %dma_wait3A = arith.constant 0 : i32
      %dma_wait3A_181 = arith.constant 0 : i32
      %dma_wait3A_182 = tpu.memref_slice %arg14[%run_scoped3A_17, %dma_wait3A, %dma_wait3A_181] : memref<2x64x128xf32, #tpu.memory_space<vmem>> -> memref<1x64x128xf32, #tpu.memory_space<vmem>>
      %dma_wait3A_183 = tpu.memref_squeeze %dma_wait3A_182 : memref<1x64x128xf32, #tpu.memory_space<vmem>> -> memref<64x128xf32, #tpu.memory_space<vmem>>
      %dma_wait3A_184 = arith.constant 0 : i32
      %dma_wait3A_185 = tpu.memref_slice %arg10[%add3A_16, %dma_wait3A_184] : memref<10240x128xf32, #tpu.memory_space<vmem_shared>> -> memref<64x128xf32, #tpu.memory_space<vmem_shared>>
      %dma_wait3A_186 = arith.constant 0 : i32
      %dma_wait3A_187 = tpu.memref_slice %arg10[%add3A_16, %dma_wait3A_186] : memref<10240x128xf32, #tpu.memory_space<vmem_shared>> -> memref<64x128xf32, #tpu.memory_space<vmem_shared>>
      %dma_wait3A_188 = arith.constant 0 : i32
      %dma_wait3A_189 = arith.constant 0 : i32
      %dma_wait3A_190 = tpu.memref_slice %arg14[%run_scoped3A_17, %dma_wait3A_188, %dma_wait3A_189] : memref<2x64x128xf32, #tpu.memory_space<vmem>> -> memref<1x64x128xf32, #tpu.memory_space<vmem>>
      %dma_wait3A_191 = tpu.memref_squeeze %dma_wait3A_190 : memref<1x64x128xf32, #tpu.memory_space<vmem>> -> memref<64x128xf32, #tpu.memory_space<vmem>>
      tpu.wait_dma2 semaphore(%run_scoped3A_169 : memref<!tpu.dma_semaphore, #tpu.memory_space<semaphore_mem>>) src(%dma_wait3A_191 : memref<64x128xf32, #tpu.memory_space<vmem>>) dst(%dma_wait3A_187 : memref<64x128xf32, #tpu.memory_space<vmem_shared>>)
      tpu.yield
    }) : () -> ()
    %mul3A_18 = arith.constant 640 : i32
    %mul3A_19 = arith.muli %arg1, %mul3A_18 : i32
    %add3A_20 = arith.constant 256 : i32
    %add3A_21 = arith.addi %mul3A_19, %add3A_20 : i32
    %run_scoped3A_22 = arith.constant 0 : i32
    "tpu.region"() ({
      %run_scoped3A_169 = tpu.sem_alloc : memref<!tpu.dma_semaphore, #tpu.memory_space<semaphore_mem>>
      %dma_start3A = arith.constant 0 : i32
      %dma_start3A_170 = arith.constant 0 : i32
      %dma_start3A_171 = tpu.memref_slice %arg14[%run_scoped3A_22, %dma_start3A, %dma_start3A_170] : memref<2x64x128xf32, #tpu.memory_space<vmem>> -> memref<1x64x128xf32, #tpu.memory_space<vmem>>
      %dma_start3A_172 = tpu.memref_squeeze %dma_start3A_171 : memref<1x64x128xf32, #tpu.memory_space<vmem>> -> memref<64x128xf32, #tpu.memory_space<vmem>>
      %dma_start3A_173 = arith.constant 0 : i32
      %dma_start3A_174 = tpu.memref_slice %arg10[%add3A_21, %dma_start3A_173] : memref<10240x128xf32, #tpu.memory_space<vmem_shared>> -> memref<64x128xf32, #tpu.memory_space<vmem_shared>>
      %dma_start3A_175 = arith.constant 0 : i32
      %dma_start3A_176 = tpu.memref_slice %arg10[%add3A_21, %dma_start3A_175] : memref<10240x128xf32, #tpu.memory_space<vmem_shared>> -> memref<64x128xf32, #tpu.memory_space<vmem_shared>>
      %dma_start3A_177 = arith.constant 0 : i32
      %dma_start3A_178 = arith.constant 0 : i32
      %dma_start3A_179 = tpu.memref_slice %arg14[%run_scoped3A_22, %dma_start3A_177, %dma_start3A_178] : memref<2x64x128xf32, #tpu.memory_space<vmem>> -> memref<1x64x128xf32, #tpu.memory_space<vmem>>
      %dma_start3A_180 = tpu.memref_squeeze %dma_start3A_179 : memref<1x64x128xf32, #tpu.memory_space<vmem>> -> memref<64x128xf32, #tpu.memory_space<vmem>>
      tpu.enqueue_dma source(%dma_start3A_180 : memref<64x128xf32, #tpu.memory_space<vmem>>) target(%dma_start3A_176 : memref<64x128xf32, #tpu.memory_space<vmem_shared>>) target_semaphore(%run_scoped3A_169 : memref<!tpu.dma_semaphore, #tpu.memory_space<semaphore_mem>>)
      %dma_wait3A = arith.constant 0 : i32
      %dma_wait3A_181 = arith.constant 0 : i32
      %dma_wait3A_182 = tpu.memref_slice %arg14[%run_scoped3A_22, %dma_wait3A, %dma_wait3A_181] : memref<2x64x128xf32, #tpu.memory_space<vmem>> -> memref<1x64x128xf32, #tpu.memory_space<vmem>>
      %dma_wait3A_183 = tpu.memref_squeeze %dma_wait3A_182 : memref<1x64x128xf32, #tpu.memory_space<vmem>> -> memref<64x128xf32, #tpu.memory_space<vmem>>
      %dma_wait3A_184 = arith.constant 0 : i32
      %dma_wait3A_185 = tpu.memref_slice %arg10[%add3A_21, %dma_wait3A_184] : memref<10240x128xf32, #tpu.memory_space<vmem_shared>> -> memref<64x128xf32, #tpu.memory_space<vmem_shared>>
      %dma_wait3A_186 = arith.constant 0 : i32
      %dma_wait3A_187 = tpu.memref_slice %arg10[%add3A_21, %dma_wait3A_186] : memref<10240x128xf32, #tpu.memory_space<vmem_shared>> -> memref<64x128xf32, #tpu.memory_space<vmem_shared>>
      %dma_wait3A_188 = arith.constant 0 : i32
      %dma_wait3A_189 = arith.constant 0 : i32
      %dma_wait3A_190 = tpu.memref_slice %arg14[%run_scoped3A_22, %dma_wait3A_188, %dma_wait3A_189] : memref<2x64x128xf32, #tpu.memory_space<vmem>> -> memref<1x64x128xf32, #tpu.memory_space<vmem>>
      %dma_wait3A_191 = tpu.memref_squeeze %dma_wait3A_190 : memref<1x64x128xf32, #tpu.memory_space<vmem>> -> memref<64x128xf32, #tpu.memory_space<vmem>>
      tpu.wait_dma2 semaphore(%run_scoped3A_169 : memref<!tpu.dma_semaphore, #tpu.memory_space<semaphore_mem>>) src(%dma_wait3A_191 : memref<64x128xf32, #tpu.memory_space<vmem>>) dst(%dma_wait3A_187 : memref<64x128xf32, #tpu.memory_space<vmem_shared>>)
      tpu.yield
    }) : () -> ()
    %mul3A_23 = arith.constant 640 : i32
    %mul3A_24 = arith.muli %arg1, %mul3A_23 : i32
    %add3A_25 = arith.constant 320 : i32
    %add3A_26 = arith.addi %mul3A_24, %add3A_25 : i32
    %run_scoped3A_27 = arith.constant 0 : i32
    "tpu.region"() ({
      %run_scoped3A_169 = tpu.sem_alloc : memref<!tpu.dma_semaphore, #tpu.memory_space<semaphore_mem>>
      %dma_start3A = arith.constant 0 : i32
      %dma_start3A_170 = arith.constant 0 : i32
      %dma_start3A_171 = tpu.memref_slice %arg14[%run_scoped3A_27, %dma_start3A, %dma_start3A_170] : memref<2x64x128xf32, #tpu.memory_space<vmem>> -> memref<1x64x128xf32, #tpu.memory_space<vmem>>
      %dma_start3A_172 = tpu.memref_squeeze %dma_start3A_171 : memref<1x64x128xf32, #tpu.memory_space<vmem>> -> memref<64x128xf32, #tpu.memory_space<vmem>>
      %dma_start3A_173 = arith.constant 0 : i32
      %dma_start3A_174 = tpu.memref_slice %arg10[%add3A_26, %dma_start3A_173] : memref<10240x128xf32, #tpu.memory_space<vmem_shared>> -> memref<64x128xf32, #tpu.memory_space<vmem_shared>>
      %dma_start3A_175 = arith.constant 0 : i32
      %dma_start3A_176 = tpu.memref_slice %arg10[%add3A_26, %dma_start3A_175] : memref<10240x128xf32, #tpu.memory_space<vmem_shared>> -> memref<64x128xf32, #tpu.memory_space<vmem_shared>>
      %dma_start3A_177 = arith.constant 0 : i32
      %dma_start3A_178 = arith.constant 0 : i32
      %dma_start3A_179 = tpu.memref_slice %arg14[%run_scoped3A_27, %dma_start3A_177, %dma_start3A_178] : memref<2x64x128xf32, #tpu.memory_space<vmem>> -> memref<1x64x128xf32, #tpu.memory_space<vmem>>
      %dma_start3A_180 = tpu.memref_squeeze %dma_start3A_179 : memref<1x64x128xf32, #tpu.memory_space<vmem>> -> memref<64x128xf32, #tpu.memory_space<vmem>>
      tpu.enqueue_dma source(%dma_start3A_180 : memref<64x128xf32, #tpu.memory_space<vmem>>) target(%dma_start3A_176 : memref<64x128xf32, #tpu.memory_space<vmem_shared>>) target_semaphore(%run_scoped3A_169 : memref<!tpu.dma_semaphore, #tpu.memory_space<semaphore_mem>>)
      %dma_wait3A = arith.constant 0 : i32
      %dma_wait3A_181 = arith.constant 0 : i32
      %dma_wait3A_182 = tpu.memref_slice %arg14[%run_scoped3A_27, %dma_wait3A, %dma_wait3A_181] : memref<2x64x128xf32, #tpu.memory_space<vmem>> -> memref<1x64x128xf32, #tpu.memory_space<vmem>>
      %dma_wait3A_183 = tpu.memref_squeeze %dma_wait3A_182 : memref<1x64x128xf32, #tpu.memory_space<vmem>> -> memref<64x128xf32, #tpu.memory_space<vmem>>
      %dma_wait3A_184 = arith.constant 0 : i32
      %dma_wait3A_185 = tpu.memref_slice %arg10[%add3A_26, %dma_wait3A_184] : memref<10240x128xf32, #tpu.memory_space<vmem_shared>> -> memref<64x128xf32, #tpu.memory_space<vmem_shared>>
      %dma_wait3A_186 = arith.constant 0 : i32
      %dma_wait3A_187 = tpu.memref_slice %arg10[%add3A_26, %dma_wait3A_186] : memref<10240x128xf32, #tpu.memory_space<vmem_shared>> -> memref<64x128xf32, #tpu.memory_space<vmem_shared>>
      %dma_wait3A_188 = arith.constant 0 : i32
      %dma_wait3A_189 = arith.constant 0 : i32
      %dma_wait3A_190 = tpu.memref_slice %arg14[%run_scoped3A_27, %dma_wait3A_188, %dma_wait3A_189] : memref<2x64x128xf32, #tpu.memory_space<vmem>> -> memref<1x64x128xf32, #tpu.memory_space<vmem>>
      %dma_wait3A_191 = tpu.memref_squeeze %dma_wait3A_190 : memref<1x64x128xf32, #tpu.memory_space<vmem>> -> memref<64x128xf32, #tpu.memory_space<vmem>>
      tpu.wait_dma2 semaphore(%run_scoped3A_169 : memref<!tpu.dma_semaphore, #tpu.memory_space<semaphore_mem>>) src(%dma_wait3A_191 : memref<64x128xf32, #tpu.memory_space<vmem>>) dst(%dma_wait3A_187 : memref<64x128xf32, #tpu.memory_space<vmem_shared>>)
      tpu.yield
    }) : () -> ()
    %mul3A_28 = arith.constant 640 : i32
    %mul3A_29 = arith.muli %arg1, %mul3A_28 : i32
    %add3A_30 = arith.constant 384 : i32
    %add3A_31 = arith.addi %mul3A_29, %add3A_30 : i32
    %run_scoped3A_32 = arith.constant 0 : i32
    "tpu.region"() ({
      %run_scoped3A_169 = tpu.sem_alloc : memref<!tpu.dma_semaphore, #tpu.memory_space<semaphore_mem>>
      %dma_start3A = arith.constant 0 : i32
      %dma_start3A_170 = arith.constant 0 : i32
      %dma_start3A_171 = tpu.memref_slice %arg14[%run_scoped3A_32, %dma_start3A, %dma_start3A_170] : memref<2x64x128xf32, #tpu.memory_space<vmem>> -> memref<1x64x128xf32, #tpu.memory_space<vmem>>
      %dma_start3A_172 = tpu.memref_squeeze %dma_start3A_171 : memref<1x64x128xf32, #tpu.memory_space<vmem>> -> memref<64x128xf32, #tpu.memory_space<vmem>>
      %dma_start3A_173 = arith.constant 0 : i32
      %dma_start3A_174 = tpu.memref_slice %arg10[%add3A_31, %dma_start3A_173] : memref<10240x128xf32, #tpu.memory_space<vmem_shared>> -> memref<64x128xf32, #tpu.memory_space<vmem_shared>>
      %dma_start3A_175 = arith.constant 0 : i32
      %dma_start3A_176 = tpu.memref_slice %arg10[%add3A_31, %dma_start3A_175] : memref<10240x128xf32, #tpu.memory_space<vmem_shared>> -> memref<64x128xf32, #tpu.memory_space<vmem_shared>>
      %dma_start3A_177 = arith.constant 0 : i32
      %dma_start3A_178 = arith.constant 0 : i32
      %dma_start3A_179 = tpu.memref_slice %arg14[%run_scoped3A_32, %dma_start3A_177, %dma_start3A_178] : memref<2x64x128xf32, #tpu.memory_space<vmem>> -> memref<1x64x128xf32, #tpu.memory_space<vmem>>
      %dma_start3A_180 = tpu.memref_squeeze %dma_start3A_179 : memref<1x64x128xf32, #tpu.memory_space<vmem>> -> memref<64x128xf32, #tpu.memory_space<vmem>>
      tpu.enqueue_dma source(%dma_start3A_180 : memref<64x128xf32, #tpu.memory_space<vmem>>) target(%dma_start3A_176 : memref<64x128xf32, #tpu.memory_space<vmem_shared>>) target_semaphore(%run_scoped3A_169 : memref<!tpu.dma_semaphore, #tpu.memory_space<semaphore_mem>>)
      %dma_wait3A = arith.constant 0 : i32
      %dma_wait3A_181 = arith.constant 0 : i32
      %dma_wait3A_182 = tpu.memref_slice %arg14[%run_scoped3A_32, %dma_wait3A, %dma_wait3A_181] : memref<2x64x128xf32, #tpu.memory_space<vmem>> -> memref<1x64x128xf32, #tpu.memory_space<vmem>>
      %dma_wait3A_183 = tpu.memref_squeeze %dma_wait3A_182 : memref<1x64x128xf32, #tpu.memory_space<vmem>> -> memref<64x128xf32, #tpu.memory_space<vmem>>
      %dma_wait3A_184 = arith.constant 0 : i32
      %dma_wait3A_185 = tpu.memref_slice %arg10[%add3A_31, %dma_wait3A_184] : memref<10240x128xf32, #tpu.memory_space<vmem_shared>> -> memref<64x128xf32, #tpu.memory_space<vmem_shared>>
      %dma_wait3A_186 = arith.constant 0 : i32
      %dma_wait3A_187 = tpu.memref_slice %arg10[%add3A_31, %dma_wait3A_186] : memref<10240x128xf32, #tpu.memory_space<vmem_shared>> -> memref<64x128xf32, #tpu.memory_space<vmem_shared>>
      %dma_wait3A_188 = arith.constant 0 : i32
      %dma_wait3A_189 = arith.constant 0 : i32
      %dma_wait3A_190 = tpu.memref_slice %arg14[%run_scoped3A_32, %dma_wait3A_188, %dma_wait3A_189] : memref<2x64x128xf32, #tpu.memory_space<vmem>> -> memref<1x64x128xf32, #tpu.memory_space<vmem>>
      %dma_wait3A_191 = tpu.memref_squeeze %dma_wait3A_190 : memref<1x64x128xf32, #tpu.memory_space<vmem>> -> memref<64x128xf32, #tpu.memory_space<vmem>>
      tpu.wait_dma2 semaphore(%run_scoped3A_169 : memref<!tpu.dma_semaphore, #tpu.memory_space<semaphore_mem>>) src(%dma_wait3A_191 : memref<64x128xf32, #tpu.memory_space<vmem>>) dst(%dma_wait3A_187 : memref<64x128xf32, #tpu.memory_space<vmem_shared>>)
      tpu.yield
    }) : () -> ()
    %mul3A_33 = arith.constant 640 : i32
    %mul3A_34 = arith.muli %arg1, %mul3A_33 : i32
    %add3A_35 = arith.constant 448 : i32
    %add3A_36 = arith.addi %mul3A_34, %add3A_35 : i32
    %run_scoped3A_37 = arith.constant 0 : i32
    "tpu.region"() ({
      %run_scoped3A_169 = tpu.sem_alloc : memref<!tpu.dma_semaphore, #tpu.memory_space<semaphore_mem>>
      %dma_start3A = arith.constant 0 : i32
      %dma_start3A_170 = arith.constant 0 : i32
      %dma_start3A_171 = tpu.memref_slice %arg14[%run_scoped3A_37, %dma_start3A, %dma_start3A_170] : memref<2x64x128xf32, #tpu.memory_space<vmem>> -> memref<1x64x128xf32, #tpu.memory_space<vmem>>
      %dma_start3A_172 = tpu.memref_squeeze %dma_start3A_171 : memref<1x64x128xf32, #tpu.memory_space<vmem>> -> memref<64x128xf32, #tpu.memory_space<vmem>>
      %dma_start3A_173 = arith.constant 0 : i32
      %dma_start3A_174 = tpu.memref_slice %arg10[%add3A_36, %dma_start3A_173] : memref<10240x128xf32, #tpu.memory_space<vmem_shared>> -> memref<64x128xf32, #tpu.memory_space<vmem_shared>>
      %dma_start3A_175 = arith.constant 0 : i32
      %dma_start3A_176 = tpu.memref_slice %arg10[%add3A_36, %dma_start3A_175] : memref<10240x128xf32, #tpu.memory_space<vmem_shared>> -> memref<64x128xf32, #tpu.memory_space<vmem_shared>>
      %dma_start3A_177 = arith.constant 0 : i32
      %dma_start3A_178 = arith.constant 0 : i32
      %dma_start3A_179 = tpu.memref_slice %arg14[%run_scoped3A_37, %dma_start3A_177, %dma_start3A_178] : memref<2x64x128xf32, #tpu.memory_space<vmem>> -> memref<1x64x128xf32, #tpu.memory_space<vmem>>
      %dma_start3A_180 = tpu.memref_squeeze %dma_start3A_179 : memref<1x64x128xf32, #tpu.memory_space<vmem>> -> memref<64x128xf32, #tpu.memory_space<vmem>>
      tpu.enqueue_dma source(%dma_start3A_180 : memref<64x128xf32, #tpu.memory_space<vmem>>) target(%dma_start3A_176 : memref<64x128xf32, #tpu.memory_space<vmem_shared>>) target_semaphore(%run_scoped3A_169 : memref<!tpu.dma_semaphore, #tpu.memory_space<semaphore_mem>>)
      %dma_wait3A = arith.constant 0 : i32
      %dma_wait3A_181 = arith.constant 0 : i32
      %dma_wait3A_182 = tpu.memref_slice %arg14[%run_scoped3A_37, %dma_wait3A, %dma_wait3A_181] : memref<2x64x128xf32, #tpu.memory_space<vmem>> -> memref<1x64x128xf32, #tpu.memory_space<vmem>>
      %dma_wait3A_183 = tpu.memref_squeeze %dma_wait3A_182 : memref<1x64x128xf32, #tpu.memory_space<vmem>> -> memref<64x128xf32, #tpu.memory_space<vmem>>
      %dma_wait3A_184 = arith.constant 0 : i32
      %dma_wait3A_185 = tpu.memref_slice %arg10[%add3A_36, %dma_wait3A_184] : memref<10240x128xf32, #tpu.memory_space<vmem_shared>> -> memref<64x128xf32, #tpu.memory_space<vmem_shared>>
      %dma_wait3A_186 = arith.constant 0 : i32
      %dma_wait3A_187 = tpu.memref_slice %arg10[%add3A_36, %dma_wait3A_186] : memref<10240x128xf32, #tpu.memory_space<vmem_shared>> -> memref<64x128xf32, #tpu.memory_space<vmem_shared>>
      %dma_wait3A_188 = arith.constant 0 : i32
      %dma_wait3A_189 = arith.constant 0 : i32
      %dma_wait3A_190 = tpu.memref_slice %arg14[%run_scoped3A_37, %dma_wait3A_188, %dma_wait3A_189] : memref<2x64x128xf32, #tpu.memory_space<vmem>> -> memref<1x64x128xf32, #tpu.memory_space<vmem>>
      %dma_wait3A_191 = tpu.memref_squeeze %dma_wait3A_190 : memref<1x64x128xf32, #tpu.memory_space<vmem>> -> memref<64x128xf32, #tpu.memory_space<vmem>>
      tpu.wait_dma2 semaphore(%run_scoped3A_169 : memref<!tpu.dma_semaphore, #tpu.memory_space<semaphore_mem>>) src(%dma_wait3A_191 : memref<64x128xf32, #tpu.memory_space<vmem>>) dst(%dma_wait3A_187 : memref<64x128xf32, #tpu.memory_space<vmem_shared>>)
      tpu.yield
    }) : () -> ()
    %mul3A_38 = arith.constant 640 : i32
    %mul3A_39 = arith.muli %arg1, %mul3A_38 : i32
    %add3A_40 = arith.constant 512 : i32
    %add3A_41 = arith.addi %mul3A_39, %add3A_40 : i32
    %run_scoped3A_42 = arith.constant 0 : i32
    "tpu.region"() ({
      %run_scoped3A_169 = tpu.sem_alloc : memref<!tpu.dma_semaphore, #tpu.memory_space<semaphore_mem>>
      %dma_start3A = arith.constant 0 : i32
      %dma_start3A_170 = arith.constant 0 : i32
      %dma_start3A_171 = tpu.memref_slice %arg14[%run_scoped3A_42, %dma_start3A, %dma_start3A_170] : memref<2x64x128xf32, #tpu.memory_space<vmem>> -> memref<1x64x128xf32, #tpu.memory_space<vmem>>
      %dma_start3A_172 = tpu.memref_squeeze %dma_start3A_171 : memref<1x64x128xf32, #tpu.memory_space<vmem>> -> memref<64x128xf32, #tpu.memory_space<vmem>>
      %dma_start3A_173 = arith.constant 0 : i32
      %dma_start3A_174 = tpu.memref_slice %arg10[%add3A_41, %dma_start3A_173] : memref<10240x128xf32, #tpu.memory_space<vmem_shared>> -> memref<64x128xf32, #tpu.memory_space<vmem_shared>>
      %dma_start3A_175 = arith.constant 0 : i32
      %dma_start3A_176 = tpu.memref_slice %arg10[%add3A_41, %dma_start3A_175] : memref<10240x128xf32, #tpu.memory_space<vmem_shared>> -> memref<64x128xf32, #tpu.memory_space<vmem_shared>>
      %dma_start3A_177 = arith.constant 0 : i32
      %dma_start3A_178 = arith.constant 0 : i32
      %dma_start3A_179 = tpu.memref_slice %arg14[%run_scoped3A_42, %dma_start3A_177, %dma_start3A_178] : memref<2x64x128xf32, #tpu.memory_space<vmem>> -> memref<1x64x128xf32, #tpu.memory_space<vmem>>
      %dma_start3A_180 = tpu.memref_squeeze %dma_start3A_179 : memref<1x64x128xf32, #tpu.memory_space<vmem>> -> memref<64x128xf32, #tpu.memory_space<vmem>>
      tpu.enqueue_dma source(%dma_start3A_180 : memref<64x128xf32, #tpu.memory_space<vmem>>) target(%dma_start3A_176 : memref<64x128xf32, #tpu.memory_space<vmem_shared>>) target_semaphore(%run_scoped3A_169 : memref<!tpu.dma_semaphore, #tpu.memory_space<semaphore_mem>>)
      %dma_wait3A = arith.constant 0 : i32
      %dma_wait3A_181 = arith.constant 0 : i32
      %dma_wait3A_182 = tpu.memref_slice %arg14[%run_scoped3A_42, %dma_wait3A, %dma_wait3A_181] : memref<2x64x128xf32, #tpu.memory_space<vmem>> -> memref<1x64x128xf32, #tpu.memory_space<vmem>>
      %dma_wait3A_183 = tpu.memref_squeeze %dma_wait3A_182 : memref<1x64x128xf32, #tpu.memory_space<vmem>> -> memref<64x128xf32, #tpu.memory_space<vmem>>
      %dma_wait3A_184 = arith.constant 0 : i32
      %dma_wait3A_185 = tpu.memref_slice %arg10[%add3A_41, %dma_wait3A_184] : memref<10240x128xf32, #tpu.memory_space<vmem_shared>> -> memref<64x128xf32, #tpu.memory_space<vmem_shared>>
      %dma_wait3A_186 = arith.constant 0 : i32
      %dma_wait3A_187 = tpu.memref_slice %arg10[%add3A_41, %dma_wait3A_186] : memref<10240x128xf32, #tpu.memory_space<vmem_shared>> -> memref<64x128xf32, #tpu.memory_space<vmem_shared>>
      %dma_wait3A_188 = arith.constant 0 : i32
      %dma_wait3A_189 = arith.constant 0 : i32
      %dma_wait3A_190 = tpu.memref_slice %arg14[%run_scoped3A_42, %dma_wait3A_188, %dma_wait3A_189] : memref<2x64x128xf32, #tpu.memory_space<vmem>> -> memref<1x64x128xf32, #tpu.memory_space<vmem>>
      %dma_wait3A_191 = tpu.memref_squeeze %dma_wait3A_190 : memref<1x64x128xf32, #tpu.memory_space<vmem>> -> memref<64x128xf32, #tpu.memory_space<vmem>>
      tpu.wait_dma2 semaphore(%run_scoped3A_169 : memref<!tpu.dma_semaphore, #tpu.memory_space<semaphore_mem>>) src(%dma_wait3A_191 : memref<64x128xf32, #tpu.memory_space<vmem>>) dst(%dma_wait3A_187 : memref<64x128xf32, #tpu.memory_space<vmem_shared>>)
      tpu.yield
    }) : () -> ()
    %mul3A_43 = arith.constant 640 : i32
    %mul3A_44 = arith.muli %arg1, %mul3A_43 : i32
    %add3A_45 = arith.constant 576 : i32
    %add3A_46 = arith.addi %mul3A_44, %add3A_45 : i32
    %run_scoped3A_47 = arith.constant 0 : i32
    "tpu.region"() ({
      %run_scoped3A_169 = tpu.sem_alloc : memref<!tpu.dma_semaphore, #tpu.memory_space<semaphore_mem>>
      %dma_start3A = arith.constant 0 : i32
      %dma_start3A_170 = arith.constant 0 : i32
      %dma_start3A_171 = tpu.memref_slice %arg14[%run_scoped3A_47, %dma_start3A, %dma_start3A_170] : memref<2x64x128xf32, #tpu.memory_space<vmem>> -> memref<1x64x128xf32, #tpu.memory_space<vmem>>
      %dma_start3A_172 = tpu.memref_squeeze %dma_start3A_171 : memref<1x64x128xf32, #tpu.memory_space<vmem>> -> memref<64x128xf32, #tpu.memory_space<vmem>>
      %dma_start3A_173 = arith.constant 0 : i32
      %dma_start3A_174 = tpu.memref_slice %arg10[%add3A_46, %dma_start3A_173] : memref<10240x128xf32, #tpu.memory_space<vmem_shared>> -> memref<64x128xf32, #tpu.memory_space<vmem_shared>>
      %dma_start3A_175 = arith.constant 0 : i32
      %dma_start3A_176 = tpu.memref_slice %arg10[%add3A_46, %dma_start3A_175] : memref<10240x128xf32, #tpu.memory_space<vmem_shared>> -> memref<64x128xf32, #tpu.memory_space<vmem_shared>>
      %dma_start3A_177 = arith.constant 0 : i32
      %dma_start3A_178 = arith.constant 0 : i32
      %dma_start3A_179 = tpu.memref_slice %arg14[%run_scoped3A_47, %dma_start3A_177, %dma_start3A_178] : memref<2x64x128xf32, #tpu.memory_space<vmem>> -> memref<1x64x128xf32, #tpu.memory_space<vmem>>
      %dma_start3A_180 = tpu.memref_squeeze %dma_start3A_179 : memref<1x64x128xf32, #tpu.memory_space<vmem>> -> memref<64x128xf32, #tpu.memory_space<vmem>>
      tpu.enqueue_dma source(%dma_start3A_180 : memref<64x128xf32, #tpu.memory_space<vmem>>) target(%dma_start3A_176 : memref<64x128xf32, #tpu.memory_space<vmem_shared>>) target_semaphore(%run_scoped3A_169 : memref<!tpu.dma_semaphore, #tpu.memory_space<semaphore_mem>>)
      %dma_wait3A = arith.constant 0 : i32
      %dma_wait3A_181 = arith.constant 0 : i32
      %dma_wait3A_182 = tpu.memref_slice %arg14[%run_scoped3A_47, %dma_wait3A, %dma_wait3A_181] : memref<2x64x128xf32, #tpu.memory_space<vmem>> -> memref<1x64x128xf32, #tpu.memory_space<vmem>>
      %dma_wait3A_183 = tpu.memref_squeeze %dma_wait3A_182 : memref<1x64x128xf32, #tpu.memory_space<vmem>> -> memref<64x128xf32, #tpu.memory_space<vmem>>
      %dma_wait3A_184 = arith.constant 0 : i32
      %dma_wait3A_185 = tpu.memref_slice %arg10[%add3A_46, %dma_wait3A_184] : memref<10240x128xf32, #tpu.memory_space<vmem_shared>> -> memref<64x128xf32, #tpu.memory_space<vmem_shared>>
      %dma_wait3A_186 = arith.constant 0 : i32
      %dma_wait3A_187 = tpu.memref_slice %arg10[%add3A_46, %dma_wait3A_186] : memref<10240x128xf32, #tpu.memory_space<vmem_shared>> -> memref<64x128xf32, #tpu.memory_space<vmem_shared>>
      %dma_wait3A_188 = arith.constant 0 : i32
      %dma_wait3A_189 = arith.constant 0 : i32
      %dma_wait3A_190 = tpu.memref_slice %arg14[%run_scoped3A_47, %dma_wait3A_188, %dma_wait3A_189] : memref<2x64x128xf32, #tpu.memory_space<vmem>> -> memref<1x64x128xf32, #tpu.memory_space<vmem>>
      %dma_wait3A_191 = tpu.memref_squeeze %dma_wait3A_190 : memref<1x64x128xf32, #tpu.memory_space<vmem>> -> memref<64x128xf32, #tpu.memory_space<vmem>>
      tpu.wait_dma2 semaphore(%run_scoped3A_169 : memref<!tpu.dma_semaphore, #tpu.memory_space<semaphore_mem>>) src(%dma_wait3A_191 : memref<64x128xf32, #tpu.memory_space<vmem>>) dst(%dma_wait3A_187 : memref<64x128xf32, #tpu.memory_space<vmem_shared>>)
      tpu.yield
    }) : () -> ()
    "tpu.region"() ({
      %run_scoped3A_169 = tpu.sem_alloc : memref<!tpu.dma_semaphore, #tpu.memory_space<semaphore_mem>>
      tpu.enqueue_dma source(%arg6 : memref<64x8xf32, #tpu.memory_space<hbm>>) target(%arg15 : memref<64x8xf32, #tpu.memory_space<vmem>>) target_semaphore(%run_scoped3A_169 : memref<!tpu.dma_semaphore, #tpu.memory_space<semaphore_mem>>)
      tpu.wait_dma2 semaphore(%run_scoped3A_169 : memref<!tpu.dma_semaphore, #tpu.memory_space<semaphore_mem>>) src(%arg6 : memref<64x8xf32, #tpu.memory_space<hbm>>) dst(%arg15 : memref<64x8xf32, #tpu.memory_space<vmem>>)
      tpu.yield
    }) : () -> ()
    %mul3A_48 = arith.constant 640 : i32
    %mul3A_49 = arith.muli %arg1, %mul3A_48 : i32
    %add3A_50 = arith.constant 0 : i32
    %add3A_51 = arith.addi %mul3A_49, %add3A_50 : i32
    "tpu.region"() ({
      %run_scoped3A_169 = tpu.sem_alloc : memref<!tpu.dma_semaphore, #tpu.memory_space<semaphore_mem>>
      %dma_start3A = arith.constant 0 : i32
      %dma_start3A_170 = tpu.memref_slice %arg11[%add3A_51, %dma_start3A] : memref<10240x8xf32, #tpu.memory_space<vmem_shared>> -> memref<64x8xf32, #tpu.memory_space<vmem_shared>>
      %dma_start3A_171 = arith.constant 0 : i32
      %dma_start3A_172 = tpu.memref_slice %arg11[%add3A_51, %dma_start3A_171] : memref<10240x8xf32, #tpu.memory_space<vmem_shared>> -> memref<64x8xf32, #tpu.memory_space<vmem_shared>>
      tpu.enqueue_dma source(%arg15 : memref<64x8xf32, #tpu.memory_space<vmem>>) target(%dma_start3A_172 : memref<64x8xf32, #tpu.memory_space<vmem_shared>>) target_semaphore(%run_scoped3A_169 : memref<!tpu.dma_semaphore, #tpu.memory_space<semaphore_mem>>)
      %dma_wait3A = arith.constant 0 : i32
      %dma_wait3A_173 = tpu.memref_slice %arg11[%add3A_51, %dma_wait3A] : memref<10240x8xf32, #tpu.memory_space<vmem_shared>> -> memref<64x8xf32, #tpu.memory_space<vmem_shared>>
      %dma_wait3A_174 = arith.constant 0 : i32
      %dma_wait3A_175 = tpu.memref_slice %arg11[%add3A_51, %dma_wait3A_174] : memref<10240x8xf32, #tpu.memory_space<vmem_shared>> -> memref<64x8xf32, #tpu.memory_space<vmem_shared>>
      tpu.wait_dma2 semaphore(%run_scoped3A_169 : memref<!tpu.dma_semaphore, #tpu.memory_space<semaphore_mem>>) src(%arg15 : memref<64x8xf32, #tpu.memory_space<vmem>>) dst(%dma_wait3A_175 : memref<64x8xf32, #tpu.memory_space<vmem_shared>>)
      tpu.yield
    }) : () -> ()
    %mul3A_52 = arith.constant 640 : i32
    %mul3A_53 = arith.muli %arg1, %mul3A_52 : i32
    %add3A_54 = arith.constant 64 : i32
    %add3A_55 = arith.addi %mul3A_53, %add3A_54 : i32
    "tpu.region"() ({
      %run_scoped3A_169 = tpu.sem_alloc : memref<!tpu.dma_semaphore, #tpu.memory_space<semaphore_mem>>
      %dma_start3A = arith.constant 0 : i32
      %dma_start3A_170 = tpu.memref_slice %arg11[%add3A_55, %dma_start3A] : memref<10240x8xf32, #tpu.memory_space<vmem_shared>> -> memref<64x8xf32, #tpu.memory_space<vmem_shared>>
      %dma_start3A_171 = arith.constant 0 : i32
      %dma_start3A_172 = tpu.memref_slice %arg11[%add3A_55, %dma_start3A_171] : memref<10240x8xf32, #tpu.memory_space<vmem_shared>> -> memref<64x8xf32, #tpu.memory_space<vmem_shared>>
      tpu.enqueue_dma source(%arg15 : memref<64x8xf32, #tpu.memory_space<vmem>>) target(%dma_start3A_172 : memref<64x8xf32, #tpu.memory_space<vmem_shared>>) target_semaphore(%run_scoped3A_169 : memref<!tpu.dma_semaphore, #tpu.memory_space<semaphore_mem>>)
      %dma_wait3A = arith.constant 0 : i32
      %dma_wait3A_173 = tpu.memref_slice %arg11[%add3A_55, %dma_wait3A] : memref<10240x8xf32, #tpu.memory_space<vmem_shared>> -> memref<64x8xf32, #tpu.memory_space<vmem_shared>>
      %dma_wait3A_174 = arith.constant 0 : i32
      %dma_wait3A_175 = tpu.memref_slice %arg11[%add3A_55, %dma_wait3A_174] : memref<10240x8xf32, #tpu.memory_space<vmem_shared>> -> memref<64x8xf32, #tpu.memory_space<vmem_shared>>
      tpu.wait_dma2 semaphore(%run_scoped3A_169 : memref<!tpu.dma_semaphore, #tpu.memory_space<semaphore_mem>>) src(%arg15 : memref<64x8xf32, #tpu.memory_space<vmem>>) dst(%dma_wait3A_175 : memref<64x8xf32, #tpu.memory_space<vmem_shared>>)
      tpu.yield
    }) : () -> ()
    %mul3A_56 = arith.constant 640 : i32
    %mul3A_57 = arith.muli %arg1, %mul3A_56 : i32
    %add3A_58 = arith.constant 128 : i32
    %add3A_59 = arith.addi %mul3A_57, %add3A_58 : i32
    "tpu.region"() ({
      %run_scoped3A_169 = tpu.sem_alloc : memref<!tpu.dma_semaphore, #tpu.memory_space<semaphore_mem>>
      %dma_start3A = arith.constant 0 : i32
      %dma_start3A_170 = tpu.memref_slice %arg11[%add3A_59, %dma_start3A] : memref<10240x8xf32, #tpu.memory_space<vmem_shared>> -> memref<64x8xf32, #tpu.memory_space<vmem_shared>>
      %dma_start3A_171 = arith.constant 0 : i32
      %dma_start3A_172 = tpu.memref_slice %arg11[%add3A_59, %dma_start3A_171] : memref<10240x8xf32, #tpu.memory_space<vmem_shared>> -> memref<64x8xf32, #tpu.memory_space<vmem_shared>>
      tpu.enqueue_dma source(%arg15 : memref<64x8xf32, #tpu.memory_space<vmem>>) target(%dma_start3A_172 : memref<64x8xf32, #tpu.memory_space<vmem_shared>>) target_semaphore(%run_scoped3A_169 : memref<!tpu.dma_semaphore, #tpu.memory_space<semaphore_mem>>)
      %dma_wait3A = arith.constant 0 : i32
      %dma_wait3A_173 = tpu.memref_slice %arg11[%add3A_59, %dma_wait3A] : memref<10240x8xf32, #tpu.memory_space<vmem_shared>> -> memref<64x8xf32, #tpu.memory_space<vmem_shared>>
      %dma_wait3A_174 = arith.constant 0 : i32
      %dma_wait3A_175 = tpu.memref_slice %arg11[%add3A_59, %dma_wait3A_174] : memref<10240x8xf32, #tpu.memory_space<vmem_shared>> -> memref<64x8xf32, #tpu.memory_space<vmem_shared>>
      tpu.wait_dma2 semaphore(%run_scoped3A_169 : memref<!tpu.dma_semaphore, #tpu.memory_space<semaphore_mem>>) src(%arg15 : memref<64x8xf32, #tpu.memory_space<vmem>>) dst(%dma_wait3A_175 : memref<64x8xf32, #tpu.memory_space<vmem_shared>>)
      tpu.yield
    }) : () -> ()
    %mul3A_60 = arith.constant 640 : i32
    %mul3A_61 = arith.muli %arg1, %mul3A_60 : i32
    %add3A_62 = arith.constant 192 : i32
    %add3A_63 = arith.addi %mul3A_61, %add3A_62 : i32
    "tpu.region"() ({
      %run_scoped3A_169 = tpu.sem_alloc : memref<!tpu.dma_semaphore, #tpu.memory_space<semaphore_mem>>
      %dma_start3A = arith.constant 0 : i32
      %dma_start3A_170 = tpu.memref_slice %arg11[%add3A_63, %dma_start3A] : memref<10240x8xf32, #tpu.memory_space<vmem_shared>> -> memref<64x8xf32, #tpu.memory_space<vmem_shared>>
      %dma_start3A_171 = arith.constant 0 : i32
      %dma_start3A_172 = tpu.memref_slice %arg11[%add3A_63, %dma_start3A_171] : memref<10240x8xf32, #tpu.memory_space<vmem_shared>> -> memref<64x8xf32, #tpu.memory_space<vmem_shared>>
      tpu.enqueue_dma source(%arg15 : memref<64x8xf32, #tpu.memory_space<vmem>>) target(%dma_start3A_172 : memref<64x8xf32, #tpu.memory_space<vmem_shared>>) target_semaphore(%run_scoped3A_169 : memref<!tpu.dma_semaphore, #tpu.memory_space<semaphore_mem>>)
      %dma_wait3A = arith.constant 0 : i32
      %dma_wait3A_173 = tpu.memref_slice %arg11[%add3A_63, %dma_wait3A] : memref<10240x8xf32, #tpu.memory_space<vmem_shared>> -> memref<64x8xf32, #tpu.memory_space<vmem_shared>>
      %dma_wait3A_174 = arith.constant 0 : i32
      %dma_wait3A_175 = tpu.memref_slice %arg11[%add3A_63, %dma_wait3A_174] : memref<10240x8xf32, #tpu.memory_space<vmem_shared>> -> memref<64x8xf32, #tpu.memory_space<vmem_shared>>
      tpu.wait_dma2 semaphore(%run_scoped3A_169 : memref<!tpu.dma_semaphore, #tpu.memory_space<semaphore_mem>>) src(%arg15 : memref<64x8xf32, #tpu.memory_space<vmem>>) dst(%dma_wait3A_175 : memref<64x8xf32, #tpu.memory_space<vmem_shared>>)
      tpu.yield
    }) : () -> ()
    %mul3A_64 = arith.constant 640 : i32
    %mul3A_65 = arith.muli %arg1, %mul3A_64 : i32
    %add3A_66 = arith.constant 256 : i32
    %add3A_67 = arith.addi %mul3A_65, %add3A_66 : i32
    "tpu.region"() ({
      %run_scoped3A_169 = tpu.sem_alloc : memref<!tpu.dma_semaphore, #tpu.memory_space<semaphore_mem>>
      %dma_start3A = arith.constant 0 : i32
      %dma_start3A_170 = tpu.memref_slice %arg11[%add3A_67, %dma_start3A] : memref<10240x8xf32, #tpu.memory_space<vmem_shared>> -> memref<64x8xf32, #tpu.memory_space<vmem_shared>>
      %dma_start3A_171 = arith.constant 0 : i32
      %dma_start3A_172 = tpu.memref_slice %arg11[%add3A_67, %dma_start3A_171] : memref<10240x8xf32, #tpu.memory_space<vmem_shared>> -> memref<64x8xf32, #tpu.memory_space<vmem_shared>>
      tpu.enqueue_dma source(%arg15 : memref<64x8xf32, #tpu.memory_space<vmem>>) target(%dma_start3A_172 : memref<64x8xf32, #tpu.memory_space<vmem_shared>>) target_semaphore(%run_scoped3A_169 : memref<!tpu.dma_semaphore, #tpu.memory_space<semaphore_mem>>)
      %dma_wait3A = arith.constant 0 : i32
      %dma_wait3A_173 = tpu.memref_slice %arg11[%add3A_67, %dma_wait3A] : memref<10240x8xf32, #tpu.memory_space<vmem_shared>> -> memref<64x8xf32, #tpu.memory_space<vmem_shared>>
      %dma_wait3A_174 = arith.constant 0 : i32
      %dma_wait3A_175 = tpu.memref_slice %arg11[%add3A_67, %dma_wait3A_174] : memref<10240x8xf32, #tpu.memory_space<vmem_shared>> -> memref<64x8xf32, #tpu.memory_space<vmem_shared>>
      tpu.wait_dma2 semaphore(%run_scoped3A_169 : memref<!tpu.dma_semaphore, #tpu.memory_space<semaphore_mem>>) src(%arg15 : memref<64x8xf32, #tpu.memory_space<vmem>>) dst(%dma_wait3A_175 : memref<64x8xf32, #tpu.memory_space<vmem_shared>>)
      tpu.yield
    }) : () -> ()
    %mul3A_68 = arith.constant 640 : i32
    %mul3A_69 = arith.muli %arg1, %mul3A_68 : i32
    %add3A_70 = arith.constant 320 : i32
    %add3A_71 = arith.addi %mul3A_69, %add3A_70 : i32
    "tpu.region"() ({
      %run_scoped3A_169 = tpu.sem_alloc : memref<!tpu.dma_semaphore, #tpu.memory_space<semaphore_mem>>
      %dma_start3A = arith.constant 0 : i32
      %dma_start3A_170 = tpu.memref_slice %arg11[%add3A_71, %dma_start3A] : memref<10240x8xf32, #tpu.memory_space<vmem_shared>> -> memref<64x8xf32, #tpu.memory_space<vmem_shared>>
      %dma_start3A_171 = arith.constant 0 : i32
      %dma_start3A_172 = tpu.memref_slice %arg11[%add3A_71, %dma_start3A_171] : memref<10240x8xf32, #tpu.memory_space<vmem_shared>> -> memref<64x8xf32, #tpu.memory_space<vmem_shared>>
      tpu.enqueue_dma source(%arg15 : memref<64x8xf32, #tpu.memory_space<vmem>>) target(%dma_start3A_172 : memref<64x8xf32, #tpu.memory_space<vmem_shared>>) target_semaphore(%run_scoped3A_169 : memref<!tpu.dma_semaphore, #tpu.memory_space<semaphore_mem>>)
      %dma_wait3A = arith.constant 0 : i32
      %dma_wait3A_173 = tpu.memref_slice %arg11[%add3A_71, %dma_wait3A] : memref<10240x8xf32, #tpu.memory_space<vmem_shared>> -> memref<64x8xf32, #tpu.memory_space<vmem_shared>>
      %dma_wait3A_174 = arith.constant 0 : i32
      %dma_wait3A_175 = tpu.memref_slice %arg11[%add3A_71, %dma_wait3A_174] : memref<10240x8xf32, #tpu.memory_space<vmem_shared>> -> memref<64x8xf32, #tpu.memory_space<vmem_shared>>
      tpu.wait_dma2 semaphore(%run_scoped3A_169 : memref<!tpu.dma_semaphore, #tpu.memory_space<semaphore_mem>>) src(%arg15 : memref<64x8xf32, #tpu.memory_space<vmem>>) dst(%dma_wait3A_175 : memref<64x8xf32, #tpu.memory_space<vmem_shared>>)
      tpu.yield
    }) : () -> ()
    %mul3A_72 = arith.constant 640 : i32
    %mul3A_73 = arith.muli %arg1, %mul3A_72 : i32
    %add3A_74 = arith.constant 384 : i32
    %add3A_75 = arith.addi %mul3A_73, %add3A_74 : i32
    "tpu.region"() ({
      %run_scoped3A_169 = tpu.sem_alloc : memref<!tpu.dma_semaphore, #tpu.memory_space<semaphore_mem>>
      %dma_start3A = arith.constant 0 : i32
      %dma_start3A_170 = tpu.memref_slice %arg11[%add3A_75, %dma_start3A] : memref<10240x8xf32, #tpu.memory_space<vmem_shared>> -> memref<64x8xf32, #tpu.memory_space<vmem_shared>>
      %dma_start3A_171 = arith.constant 0 : i32
      %dma_start3A_172 = tpu.memref_slice %arg11[%add3A_75, %dma_start3A_171] : memref<10240x8xf32, #tpu.memory_space<vmem_shared>> -> memref<64x8xf32, #tpu.memory_space<vmem_shared>>
      tpu.enqueue_dma source(%arg15 : memref<64x8xf32, #tpu.memory_space<vmem>>) target(%dma_start3A_172 : memref<64x8xf32, #tpu.memory_space<vmem_shared>>) target_semaphore(%run_scoped3A_169 : memref<!tpu.dma_semaphore, #tpu.memory_space<semaphore_mem>>)
      %dma_wait3A = arith.constant 0 : i32
      %dma_wait3A_173 = tpu.memref_slice %arg11[%add3A_75, %dma_wait3A] : memref<10240x8xf32, #tpu.memory_space<vmem_shared>> -> memref<64x8xf32, #tpu.memory_space<vmem_shared>>
      %dma_wait3A_174 = arith.constant 0 : i32
      %dma_wait3A_175 = tpu.memref_slice %arg11[%add3A_75, %dma_wait3A_174] : memref<10240x8xf32, #tpu.memory_space<vmem_shared>> -> memref<64x8xf32, #tpu.memory_space<vmem_shared>>
      tpu.wait_dma2 semaphore(%run_scoped3A_169 : memref<!tpu.dma_semaphore, #tpu.memory_space<semaphore_mem>>) src(%arg15 : memref<64x8xf32, #tpu.memory_space<vmem>>) dst(%dma_wait3A_175 : memref<64x8xf32, #tpu.memory_space<vmem_shared>>)
      tpu.yield
    }) : () -> ()
    %mul3A_76 = arith.constant 640 : i32
    %mul3A_77 = arith.muli %arg1, %mul3A_76 : i32
    %add3A_78 = arith.constant 448 : i32
    %add3A_79 = arith.addi %mul3A_77, %add3A_78 : i32
    "tpu.region"() ({
      %run_scoped3A_169 = tpu.sem_alloc : memref<!tpu.dma_semaphore, #tpu.memory_space<semaphore_mem>>
      %dma_start3A = arith.constant 0 : i32
      %dma_start3A_170 = tpu.memref_slice %arg11[%add3A_79, %dma_start3A] : memref<10240x8xf32, #tpu.memory_space<vmem_shared>> -> memref<64x8xf32, #tpu.memory_space<vmem_shared>>
      %dma_start3A_171 = arith.constant 0 : i32
      %dma_start3A_172 = tpu.memref_slice %arg11[%add3A_79, %dma_start3A_171] : memref<10240x8xf32, #tpu.memory_space<vmem_shared>> -> memref<64x8xf32, #tpu.memory_space<vmem_shared>>
      tpu.enqueue_dma source(%arg15 : memref<64x8xf32, #tpu.memory_space<vmem>>) target(%dma_start3A_172 : memref<64x8xf32, #tpu.memory_space<vmem_shared>>) target_semaphore(%run_scoped3A_169 : memref<!tpu.dma_semaphore, #tpu.memory_space<semaphore_mem>>)
      %dma_wait3A = arith.constant 0 : i32
      %dma_wait3A_173 = tpu.memref_slice %arg11[%add3A_79, %dma_wait3A] : memref<10240x8xf32, #tpu.memory_space<vmem_shared>> -> memref<64x8xf32, #tpu.memory_space<vmem_shared>>
      %dma_wait3A_174 = arith.constant 0 : i32
      %dma_wait3A_175 = tpu.memref_slice %arg11[%add3A_79, %dma_wait3A_174] : memref<10240x8xf32, #tpu.memory_space<vmem_shared>> -> memref<64x8xf32, #tpu.memory_space<vmem_shared>>
      tpu.wait_dma2 semaphore(%run_scoped3A_169 : memref<!tpu.dma_semaphore, #tpu.memory_space<semaphore_mem>>) src(%arg15 : memref<64x8xf32, #tpu.memory_space<vmem>>) dst(%dma_wait3A_175 : memref<64x8xf32, #tpu.memory_space<vmem_shared>>)
      tpu.yield
    }) : () -> ()
    %mul3A_80 = arith.constant 640 : i32
    %mul3A_81 = arith.muli %arg1, %mul3A_80 : i32
    %add3A_82 = arith.constant 512 : i32
    %add3A_83 = arith.addi %mul3A_81, %add3A_82 : i32
    "tpu.region"() ({
      %run_scoped3A_169 = tpu.sem_alloc : memref<!tpu.dma_semaphore, #tpu.memory_space<semaphore_mem>>
      %dma_start3A = arith.constant 0 : i32
      %dma_start3A_170 = tpu.memref_slice %arg11[%add3A_83, %dma_start3A] : memref<10240x8xf32, #tpu.memory_space<vmem_shared>> -> memref<64x8xf32, #tpu.memory_space<vmem_shared>>
      %dma_start3A_171 = arith.constant 0 : i32
      %dma_start3A_172 = tpu.memref_slice %arg11[%add3A_83, %dma_start3A_171] : memref<10240x8xf32, #tpu.memory_space<vmem_shared>> -> memref<64x8xf32, #tpu.memory_space<vmem_shared>>
      tpu.enqueue_dma source(%arg15 : memref<64x8xf32, #tpu.memory_space<vmem>>) target(%dma_start3A_172 : memref<64x8xf32, #tpu.memory_space<vmem_shared>>) target_semaphore(%run_scoped3A_169 : memref<!tpu.dma_semaphore, #tpu.memory_space<semaphore_mem>>)
      %dma_wait3A = arith.constant 0 : i32
      %dma_wait3A_173 = tpu.memref_slice %arg11[%add3A_83, %dma_wait3A] : memref<10240x8xf32, #tpu.memory_space<vmem_shared>> -> memref<64x8xf32, #tpu.memory_space<vmem_shared>>
      %dma_wait3A_174 = arith.constant 0 : i32
      %dma_wait3A_175 = tpu.memref_slice %arg11[%add3A_83, %dma_wait3A_174] : memref<10240x8xf32, #tpu.memory_space<vmem_shared>> -> memref<64x8xf32, #tpu.memory_space<vmem_shared>>
      tpu.wait_dma2 semaphore(%run_scoped3A_169 : memref<!tpu.dma_semaphore, #tpu.memory_space<semaphore_mem>>) src(%arg15 : memref<64x8xf32, #tpu.memory_space<vmem>>) dst(%dma_wait3A_175 : memref<64x8xf32, #tpu.memory_space<vmem_shared>>)
      tpu.yield
    }) : () -> ()
    %mul3A_84 = arith.constant 640 : i32
    %mul3A_85 = arith.muli %arg1, %mul3A_84 : i32
    %add3A_86 = arith.constant 576 : i32
    %add3A_87 = arith.addi %mul3A_85, %add3A_86 : i32
    "tpu.region"() ({
      %run_scoped3A_169 = tpu.sem_alloc : memref<!tpu.dma_semaphore, #tpu.memory_space<semaphore_mem>>
      %dma_start3A = arith.constant 0 : i32
      %dma_start3A_170 = tpu.memref_slice %arg11[%add3A_87, %dma_start3A] : memref<10240x8xf32, #tpu.memory_space<vmem_shared>> -> memref<64x8xf32, #tpu.memory_space<vmem_shared>>
      %dma_start3A_171 = arith.constant 0 : i32
      %dma_start3A_172 = tpu.memref_slice %arg11[%add3A_87, %dma_start3A_171] : memref<10240x8xf32, #tpu.memory_space<vmem_shared>> -> memref<64x8xf32, #tpu.memory_space<vmem_shared>>
      tpu.enqueue_dma source(%arg15 : memref<64x8xf32, #tpu.memory_space<vmem>>) target(%dma_start3A_172 : memref<64x8xf32, #tpu.memory_space<vmem_shared>>) target_semaphore(%run_scoped3A_169 : memref<!tpu.dma_semaphore, #tpu.memory_space<semaphore_mem>>)
      %dma_wait3A = arith.constant 0 : i32
      %dma_wait3A_173 = tpu.memref_slice %arg11[%add3A_87, %dma_wait3A] : memref<10240x8xf32, #tpu.memory_space<vmem_shared>> -> memref<64x8xf32, #tpu.memory_space<vmem_shared>>
      %dma_wait3A_174 = arith.constant 0 : i32
      %dma_wait3A_175 = tpu.memref_slice %arg11[%add3A_87, %dma_wait3A_174] : memref<10240x8xf32, #tpu.memory_space<vmem_shared>> -> memref<64x8xf32, #tpu.memory_space<vmem_shared>>
      tpu.wait_dma2 semaphore(%run_scoped3A_169 : memref<!tpu.dma_semaphore, #tpu.memory_space<semaphore_mem>>) src(%arg15 : memref<64x8xf32, #tpu.memory_space<vmem>>) dst(%dma_wait3A_175 : memref<64x8xf32, #tpu.memory_space<vmem_shared>>)
      tpu.yield
    }) : () -> ()
    "tpu.region"() ({
      %run_scoped3A_169 = tpu.sem_alloc : memref<!tpu.dma_semaphore, #tpu.memory_space<semaphore_mem>>
      tpu.enqueue_dma source(%arg7 : memref<64x8xf32, #tpu.memory_space<hbm>>) target(%arg15 : memref<64x8xf32, #tpu.memory_space<vmem>>) target_semaphore(%run_scoped3A_169 : memref<!tpu.dma_semaphore, #tpu.memory_space<semaphore_mem>>)
      tpu.wait_dma2 semaphore(%run_scoped3A_169 : memref<!tpu.dma_semaphore, #tpu.memory_space<semaphore_mem>>) src(%arg7 : memref<64x8xf32, #tpu.memory_space<hbm>>) dst(%arg15 : memref<64x8xf32, #tpu.memory_space<vmem>>)
      tpu.yield
    }) : () -> ()
    %eq3A = arith.constant 0 : i32
    %eq3A_88 = arith.cmpi eq, %arg0, %eq3A : i32
    %convert_element_type3A = arith.extui %eq3A_88 : i1 to i32
    %cond3A = arith.constant 0 : i32
    %cond3A_89 = arith.cmpi ne, %convert_element_type3A, %cond3A : i32
    scf.if %cond3A_89 {
      "tpu.region"() ({
        %run_scoped3A_169 = tpu.sem_alloc : memref<!tpu.dma_semaphore, #tpu.memory_space<semaphore_mem>>
        %dma_start3A = arith.constant 0 : i32
        %dma_start3A_170 = arith.constant 0 : i32
        %dma_start3A_171 = tpu.memref_slice %arg12[%dma_start3A, %dma_start3A_170] : memref<206x64xi32, #tpu.memory_space<vmem>> -> memref<206x64xi32, #tpu.memory_space<vmem>>
        %dma_start3A_172 = arith.constant 0 : i32
        %dma_start3A_173 = arith.constant 0 : i32
        %dma_start3A_174 = tpu.memref_slice %arg3[%arg1, %dma_start3A_172, %dma_start3A_173] : memref<16x316x64xi32, #tpu.memory_space<hbm>> -> memref<1x206x64xi32, #tpu.memory_space<hbm>>
        %dma_start3A_175 = tpu.memref_squeeze %dma_start3A_174 : memref<1x206x64xi32, #tpu.memory_space<hbm>> -> memref<206x64xi32, #tpu.memory_space<hbm>>
        %dma_start3A_176 = arith.constant 0 : i32
        %dma_start3A_177 = arith.constant 0 : i32
        %dma_start3A_178 = tpu.memref_slice %arg12[%dma_start3A_176, %dma_start3A_177] : memref<206x64xi32, #tpu.memory_space<vmem>> -> memref<206x64xi32, #tpu.memory_space<vmem>>
        %dma_start3A_179 = arith.constant 0 : i32
        %dma_start3A_180 = arith.constant 0 : i32
        %dma_start3A_181 = tpu.memref_slice %arg3[%arg1, %dma_start3A_179, %dma_start3A_180] : memref<16x316x64xi32, #tpu.memory_space<hbm>> -> memref<1x206x64xi32, #tpu.memory_space<hbm>>
        %dma_start3A_182 = tpu.memref_squeeze %dma_start3A_181 : memref<1x206x64xi32, #tpu.memory_space<hbm>> -> memref<206x64xi32, #tpu.memory_space<hbm>>
        tpu.enqueue_dma source(%dma_start3A_182 : memref<206x64xi32, #tpu.memory_space<hbm>>) target(%dma_start3A_178 : memref<206x64xi32, #tpu.memory_space<vmem>>) target_semaphore(%run_scoped3A_169 : memref<!tpu.dma_semaphore, #tpu.memory_space<semaphore_mem>>)
        %dma_wait3A = arith.constant 0 : i32
        %dma_wait3A_183 = arith.constant 0 : i32
        %dma_wait3A_184 = tpu.memref_slice %arg12[%dma_wait3A, %dma_wait3A_183] : memref<206x64xi32, #tpu.memory_space<vmem>> -> memref<206x64xi32, #tpu.memory_space<vmem>>
        %dma_wait3A_185 = arith.constant 0 : i32
        %dma_wait3A_186 = arith.constant 0 : i32
        %dma_wait3A_187 = tpu.memref_slice %arg3[%arg1, %dma_wait3A_185, %dma_wait3A_186] : memref<16x316x64xi32, #tpu.memory_space<hbm>> -> memref<1x206x64xi32, #tpu.memory_space<hbm>>
        %dma_wait3A_188 = tpu.memref_squeeze %dma_wait3A_187 : memref<1x206x64xi32, #tpu.memory_space<hbm>> -> memref<206x64xi32, #tpu.memory_space<hbm>>
        %dma_wait3A_189 = arith.constant 0 : i32
        %dma_wait3A_190 = arith.constant 0 : i32
        %dma_wait3A_191 = tpu.memref_slice %arg12[%dma_wait3A_189, %dma_wait3A_190] : memref<206x64xi32, #tpu.memory_space<vmem>> -> memref<206x64xi32, #tpu.memory_space<vmem>>
        %dma_wait3A_192 = arith.constant 0 : i32
        %dma_wait3A_193 = arith.constant 0 : i32
        %dma_wait3A_194 = tpu.memref_slice %arg3[%arg1, %dma_wait3A_192, %dma_wait3A_193] : memref<16x316x64xi32, #tpu.memory_space<hbm>> -> memref<1x206x64xi32, #tpu.memory_space<hbm>>
        %dma_wait3A_195 = tpu.memref_squeeze %dma_wait3A_194 : memref<1x206x64xi32, #tpu.memory_space<hbm>> -> memref<206x64xi32, #tpu.memory_space<hbm>>
        tpu.wait_dma2 semaphore(%run_scoped3A_169 : memref<!tpu.dma_semaphore, #tpu.memory_space<semaphore_mem>>) src(%dma_wait3A_195 : memref<206x64xi32, #tpu.memory_space<hbm>>) dst(%dma_wait3A_191 : memref<206x64xi32, #tpu.memory_space<vmem>>)
        tpu.yield
      }) : () -> ()
      "tpu.region"() ({
        %run_scoped3A_169 = tpu.sem_alloc : memref<!tpu.dma_semaphore, #tpu.memory_space<semaphore_mem>>
        %dma_start3A = arith.constant 0 : i32
        %dma_start3A_170 = arith.constant 0 : i32
        %dma_start3A_171 = tpu.memref_slice %arg13[%dma_start3A, %dma_start3A_170] : memref<206x64xi32, #tpu.memory_space<vmem>> -> memref<206x64xi32, #tpu.memory_space<vmem>>
        %dma_start3A_172 = arith.constant 0 : i32
        %dma_start3A_173 = arith.constant 0 : i32
        %dma_start3A_174 = tpu.memref_slice %arg4[%arg1, %dma_start3A_172, %dma_start3A_173] : memref<16x316x64xi32, #tpu.memory_space<hbm>> -> memref<1x206x64xi32, #tpu.memory_space<hbm>>
        %dma_start3A_175 = tpu.memref_squeeze %dma_start3A_174 : memref<1x206x64xi32, #tpu.memory_space<hbm>> -> memref<206x64xi32, #tpu.memory_space<hbm>>
        %dma_start3A_176 = arith.constant 0 : i32
        %dma_start3A_177 = arith.constant 0 : i32
        %dma_start3A_178 = tpu.memref_slice %arg13[%dma_start3A_176, %dma_start3A_177] : memref<206x64xi32, #tpu.memory_space<vmem>> -> memref<206x64xi32, #tpu.memory_space<vmem>>
        %dma_start3A_179 = arith.constant 0 : i32
        %dma_start3A_180 = arith.constant 0 : i32
        %dma_start3A_181 = tpu.memref_slice %arg4[%arg1, %dma_start3A_179, %dma_start3A_180] : memref<16x316x64xi32, #tpu.memory_space<hbm>> -> memref<1x206x64xi32, #tpu.memory_space<hbm>>
        %dma_start3A_182 = tpu.memref_squeeze %dma_start3A_181 : memref<1x206x64xi32, #tpu.memory_space<hbm>> -> memref<206x64xi32, #tpu.memory_space<hbm>>
        tpu.enqueue_dma source(%dma_start3A_182 : memref<206x64xi32, #tpu.memory_space<hbm>>) target(%dma_start3A_178 : memref<206x64xi32, #tpu.memory_space<vmem>>) target_semaphore(%run_scoped3A_169 : memref<!tpu.dma_semaphore, #tpu.memory_space<semaphore_mem>>)
        %dma_wait3A = arith.constant 0 : i32
        %dma_wait3A_183 = arith.constant 0 : i32
        %dma_wait3A_184 = tpu.memref_slice %arg13[%dma_wait3A, %dma_wait3A_183] : memref<206x64xi32, #tpu.memory_space<vmem>> -> memref<206x64xi32, #tpu.memory_space<vmem>>
        %dma_wait3A_185 = arith.constant 0 : i32
        %dma_wait3A_186 = arith.constant 0 : i32
        %dma_wait3A_187 = tpu.memref_slice %arg4[%arg1, %dma_wait3A_185, %dma_wait3A_186] : memref<16x316x64xi32, #tpu.memory_space<hbm>> -> memref<1x206x64xi32, #tpu.memory_space<hbm>>
        %dma_wait3A_188 = tpu.memref_squeeze %dma_wait3A_187 : memref<1x206x64xi32, #tpu.memory_space<hbm>> -> memref<206x64xi32, #tpu.memory_space<hbm>>
        %dma_wait3A_189 = arith.constant 0 : i32
        %dma_wait3A_190 = arith.constant 0 : i32
        %dma_wait3A_191 = tpu.memref_slice %arg13[%dma_wait3A_189, %dma_wait3A_190] : memref<206x64xi32, #tpu.memory_space<vmem>> -> memref<206x64xi32, #tpu.memory_space<vmem>>
        %dma_wait3A_192 = arith.constant 0 : i32
        %dma_wait3A_193 = arith.constant 0 : i32
        %dma_wait3A_194 = tpu.memref_slice %arg4[%arg1, %dma_wait3A_192, %dma_wait3A_193] : memref<16x316x64xi32, #tpu.memory_space<hbm>> -> memref<1x206x64xi32, #tpu.memory_space<hbm>>
        %dma_wait3A_195 = tpu.memref_squeeze %dma_wait3A_194 : memref<1x206x64xi32, #tpu.memory_space<hbm>> -> memref<206x64xi32, #tpu.memory_space<hbm>>
        tpu.wait_dma2 semaphore(%run_scoped3A_169 : memref<!tpu.dma_semaphore, #tpu.memory_space<semaphore_mem>>) src(%dma_wait3A_195 : memref<206x64xi32, #tpu.memory_space<hbm>>) dst(%dma_wait3A_191 : memref<206x64xi32, #tpu.memory_space<vmem>>)
        tpu.yield
      }) : () -> ()
    } else {
    }
    %eq3A_90 = arith.constant 1 : i32
    %eq3A_91 = arith.cmpi eq, %arg0, %eq3A_90 : i32
    %convert_element_type3A_92 = arith.extui %eq3A_91 : i1 to i32
    %cond3A_93 = arith.constant 0 : i32
    %cond3A_94 = arith.cmpi ne, %convert_element_type3A_92, %cond3A_93 : i32
    scf.if %cond3A_94 {
      "tpu.region"() ({
        %run_scoped3A_169 = tpu.sem_alloc : memref<!tpu.dma_semaphore, #tpu.memory_space<semaphore_mem>>
        %dma_start3A = arith.constant 0 : i32
        %dma_start3A_170 = arith.constant 0 : i32
        %dma_start3A_171 = tpu.memref_slice %arg12[%dma_start3A, %dma_start3A_170] : memref<206x64xi32, #tpu.memory_space<vmem>> -> memref<110x64xi32, #tpu.memory_space<vmem>>
        %dma_start3A_172 = arith.constant 206 : i32
        %dma_start3A_173 = arith.constant 0 : i32
        %dma_start3A_174 = tpu.memref_slice %arg3[%arg1, %dma_start3A_172, %dma_start3A_173] : memref<16x316x64xi32, #tpu.memory_space<hbm>> -> memref<1x110x64xi32, #tpu.memory_space<hbm>>
        %dma_start3A_175 = tpu.memref_squeeze %dma_start3A_174 : memref<1x110x64xi32, #tpu.memory_space<hbm>> -> memref<110x64xi32, #tpu.memory_space<hbm>>
        %dma_start3A_176 = arith.constant 0 : i32
        %dma_start3A_177 = arith.constant 0 : i32
        %dma_start3A_178 = tpu.memref_slice %arg12[%dma_start3A_176, %dma_start3A_177] : memref<206x64xi32, #tpu.memory_space<vmem>> -> memref<110x64xi32, #tpu.memory_space<vmem>>
        %dma_start3A_179 = arith.constant 206 : i32
        %dma_start3A_180 = arith.constant 0 : i32
        %dma_start3A_181 = tpu.memref_slice %arg3[%arg1, %dma_start3A_179, %dma_start3A_180] : memref<16x316x64xi32, #tpu.memory_space<hbm>> -> memref<1x110x64xi32, #tpu.memory_space<hbm>>
        %dma_start3A_182 = tpu.memref_squeeze %dma_start3A_181 : memref<1x110x64xi32, #tpu.memory_space<hbm>> -> memref<110x64xi32, #tpu.memory_space<hbm>>
        tpu.enqueue_dma source(%dma_start3A_182 : memref<110x64xi32, #tpu.memory_space<hbm>>) target(%dma_start3A_178 : memref<110x64xi32, #tpu.memory_space<vmem>>) target_semaphore(%run_scoped3A_169 : memref<!tpu.dma_semaphore, #tpu.memory_space<semaphore_mem>>)
        %dma_wait3A = arith.constant 0 : i32
        %dma_wait3A_183 = arith.constant 0 : i32
        %dma_wait3A_184 = tpu.memref_slice %arg12[%dma_wait3A, %dma_wait3A_183] : memref<206x64xi32, #tpu.memory_space<vmem>> -> memref<110x64xi32, #tpu.memory_space<vmem>>
        %dma_wait3A_185 = arith.constant 206 : i32
        %dma_wait3A_186 = arith.constant 0 : i32
        %dma_wait3A_187 = tpu.memref_slice %arg3[%arg1, %dma_wait3A_185, %dma_wait3A_186] : memref<16x316x64xi32, #tpu.memory_space<hbm>> -> memref<1x110x64xi32, #tpu.memory_space<hbm>>
        %dma_wait3A_188 = tpu.memref_squeeze %dma_wait3A_187 : memref<1x110x64xi32, #tpu.memory_space<hbm>> -> memref<110x64xi32, #tpu.memory_space<hbm>>
        %dma_wait3A_189 = arith.constant 0 : i32
        %dma_wait3A_190 = arith.constant 0 : i32
        %dma_wait3A_191 = tpu.memref_slice %arg12[%dma_wait3A_189, %dma_wait3A_190] : memref<206x64xi32, #tpu.memory_space<vmem>> -> memref<110x64xi32, #tpu.memory_space<vmem>>
        %dma_wait3A_192 = arith.constant 206 : i32
        %dma_wait3A_193 = arith.constant 0 : i32
        %dma_wait3A_194 = tpu.memref_slice %arg3[%arg1, %dma_wait3A_192, %dma_wait3A_193] : memref<16x316x64xi32, #tpu.memory_space<hbm>> -> memref<1x110x64xi32, #tpu.memory_space<hbm>>
        %dma_wait3A_195 = tpu.memref_squeeze %dma_wait3A_194 : memref<1x110x64xi32, #tpu.memory_space<hbm>> -> memref<110x64xi32, #tpu.memory_space<hbm>>
        tpu.wait_dma2 semaphore(%run_scoped3A_169 : memref<!tpu.dma_semaphore, #tpu.memory_space<semaphore_mem>>) src(%dma_wait3A_195 : memref<110x64xi32, #tpu.memory_space<hbm>>) dst(%dma_wait3A_191 : memref<110x64xi32, #tpu.memory_space<vmem>>)
        tpu.yield
      }) : () -> ()
      "tpu.region"() ({
        %run_scoped3A_169 = tpu.sem_alloc : memref<!tpu.dma_semaphore, #tpu.memory_space<semaphore_mem>>
        %dma_start3A = arith.constant 0 : i32
        %dma_start3A_170 = arith.constant 0 : i32
        %dma_start3A_171 = tpu.memref_slice %arg13[%dma_start3A, %dma_start3A_170] : memref<206x64xi32, #tpu.memory_space<vmem>> -> memref<110x64xi32, #tpu.memory_space<vmem>>
        %dma_start3A_172 = arith.constant 206 : i32
        %dma_start3A_173 = arith.constant 0 : i32
        %dma_start3A_174 = tpu.memref_slice %arg4[%arg1, %dma_start3A_172, %dma_start3A_173] : memref<16x316x64xi32, #tpu.memory_space<hbm>> -> memref<1x110x64xi32, #tpu.memory_space<hbm>>
        %dma_start3A_175 = tpu.memref_squeeze %dma_start3A_174 : memref<1x110x64xi32, #tpu.memory_space<hbm>> -> memref<110x64xi32, #tpu.memory_space<hbm>>
        %dma_start3A_176 = arith.constant 0 : i32
        %dma_start3A_177 = arith.constant 0 : i32
        %dma_start3A_178 = tpu.memref_slice %arg13[%dma_start3A_176, %dma_start3A_177] : memref<206x64xi32, #tpu.memory_space<vmem>> -> memref<110x64xi32, #tpu.memory_space<vmem>>
        %dma_start3A_179 = arith.constant 206 : i32
        %dma_start3A_180 = arith.constant 0 : i32
        %dma_start3A_181 = tpu.memref_slice %arg4[%arg1, %dma_start3A_179, %dma_start3A_180] : memref<16x316x64xi32, #tpu.memory_space<hbm>> -> memref<1x110x64xi32, #tpu.memory_space<hbm>>
        %dma_start3A_182 = tpu.memref_squeeze %dma_start3A_181 : memref<1x110x64xi32, #tpu.memory_space<hbm>> -> memref<110x64xi32, #tpu.memory_space<hbm>>
        tpu.enqueue_dma source(%dma_start3A_182 : memref<110x64xi32, #tpu.memory_space<hbm>>) target(%dma_start3A_178 : memref<110x64xi32, #tpu.memory_space<vmem>>) target_semaphore(%run_scoped3A_169 : memref<!tpu.dma_semaphore, #tpu.memory_space<semaphore_mem>>)
        %dma_wait3A = arith.constant 0 : i32
        %dma_wait3A_183 = arith.constant 0 : i32
        %dma_wait3A_184 = tpu.memref_slice %arg13[%dma_wait3A, %dma_wait3A_183] : memref<206x64xi32, #tpu.memory_space<vmem>> -> memref<110x64xi32, #tpu.memory_space<vmem>>
        %dma_wait3A_185 = arith.constant 206 : i32
        %dma_wait3A_186 = arith.constant 0 : i32
        %dma_wait3A_187 = tpu.memref_slice %arg4[%arg1, %dma_wait3A_185, %dma_wait3A_186] : memref<16x316x64xi32, #tpu.memory_space<hbm>> -> memref<1x110x64xi32, #tpu.memory_space<hbm>>
        %dma_wait3A_188 = tpu.memref_squeeze %dma_wait3A_187 : memref<1x110x64xi32, #tpu.memory_space<hbm>> -> memref<110x64xi32, #tpu.memory_space<hbm>>
        %dma_wait3A_189 = arith.constant 0 : i32
        %dma_wait3A_190 = arith.constant 0 : i32
        %dma_wait3A_191 = tpu.memref_slice %arg13[%dma_wait3A_189, %dma_wait3A_190] : memref<206x64xi32, #tpu.memory_space<vmem>> -> memref<110x64xi32, #tpu.memory_space<vmem>>
        %dma_wait3A_192 = arith.constant 206 : i32
        %dma_wait3A_193 = arith.constant 0 : i32
        %dma_wait3A_194 = tpu.memref_slice %arg4[%arg1, %dma_wait3A_192, %dma_wait3A_193] : memref<16x316x64xi32, #tpu.memory_space<hbm>> -> memref<1x110x64xi32, #tpu.memory_space<hbm>>
        %dma_wait3A_195 = tpu.memref_squeeze %dma_wait3A_194 : memref<1x110x64xi32, #tpu.memory_space<hbm>> -> memref<110x64xi32, #tpu.memory_space<hbm>>
        tpu.wait_dma2 semaphore(%run_scoped3A_169 : memref<!tpu.dma_semaphore, #tpu.memory_space<semaphore_mem>>) src(%dma_wait3A_195 : memref<110x64xi32, #tpu.memory_space<hbm>>) dst(%dma_wait3A_191 : memref<110x64xi32, #tpu.memory_space<vmem>>)
        tpu.yield
      }) : () -> ()
    } else {
    }
    %eq3A_95 = arith.constant 0 : i32
    %eq3A_96 = arith.cmpi eq, %arg0, %eq3A_95 : i32
    %select_n3A = arith.constant 55 : i32
    %select_n3A_97 = arith.constant 103 : i32
    %select_n3A_98 = arith.select %eq3A_96, %select_n3A_97, %select_n3A : i32
    %barrier3A = arith.constant 0 : index
    tpu.barrier barrier_id(%barrier3A)
    %while3A = arith.constant 0 : i32
    %while3A_99 = arith.constant 0 : i32
    %while3A_100 = arith.subi %select_n3A_98, %while3A_99 : i32
    %while3A_101 = arith.addi %while3A_99, %while3A_100 : i32
    %while3A_102 = arith.constant 1 : i32
    %while3A_103 = arith.divsi %while3A_100, %while3A_102 : i32
    %while3A_104 = arith.muli %while3A_103, %while3A_102 : i32
    %while3A_105 = arith.addi %while3A_99, %while3A_104 : i32
    %while3A_106 = arith.constant 1 : i32
    scf.for %while3A_169 = %while3A_99 to %while3A_105 step %while3A_106  : i32 {
      %mul3A_170 = arith.constant 2 : i32
      %mul3A_171 = arith.muli %mul3A_170, %while3A_169 : i32
      %dma_start3A = arith.constant 0 : i32
      %dma_start3A_172 = arith.constant 0 : i32
      %dma_start3A_173 = arith.constant 0 : i32
      %dma_start3A_174 = tpu.memref_slice %arg14[%dma_start3A, %dma_start3A_172, %dma_start3A_173] : memref<2x64x128xf32, #tpu.memory_space<vmem>> -> memref<1x64x128xf32, #tpu.memory_space<vmem>>
      %dma_start3A_175 = tpu.memref_squeeze %dma_start3A_174 : memref<1x64x128xf32, #tpu.memory_space<vmem>> -> memref<64x128xf32, #tpu.memory_space<vmem>>
      %dma_start3A_176 = arith.constant 0 : i32
      %dma_start3A_177 = tpu.memref_slice %arg12[%mul3A_171, %dma_start3A_176] : memref<206x64xi32, #tpu.memory_space<vmem>> -> memref<1x64xi32, #tpu.memory_space<vmem>>
      %dma_start3A_178 = tpu.memref_squeeze %dma_start3A_177 : memref<1x64xi32, #tpu.memory_space<vmem>> -> memref<64xi32, #tpu.memory_space<vmem>>
      %dma_start3A_179 = arith.constant 0 : i32
      %dma_start3A_180 = arith.constant 0 : i32
      %dma_start3A_181 = tpu.memref_slice %arg2[%dma_start3A_179, %dma_start3A_180] : memref<10000x128xf32, #tpu.memory_space<hbm>> -> memref<10000x128xf32, #tpu.memory_space<hbm>>
      tpu.enqueue_indirect_dma source(%dma_start3A_181 : memref<10000x128xf32, #tpu.memory_space<hbm>>) target(%dma_start3A_175 : memref<64x128xf32, #tpu.memory_space<vmem>>) offsets(%dma_start3A_178 : memref<64xi32, #tpu.memory_space<vmem>>) semaphore(%arg16 : memref<!tpu.dma_semaphore, #tpu.memory_space<semaphore_mem>>)
      %add3A_182 = arith.constant 1 : i32
      %add3A_183 = arith.addi %mul3A_171, %add3A_182 : i32
      %dma_start3A_184 = arith.constant 1 : i32
      %dma_start3A_185 = arith.constant 0 : i32
      %dma_start3A_186 = arith.constant 0 : i32
      %dma_start3A_187 = tpu.memref_slice %arg14[%dma_start3A_184, %dma_start3A_185, %dma_start3A_186] : memref<2x64x128xf32, #tpu.memory_space<vmem>> -> memref<1x64x128xf32, #tpu.memory_space<vmem>>
      %dma_start3A_188 = tpu.memref_squeeze %dma_start3A_187 : memref<1x64x128xf32, #tpu.memory_space<vmem>> -> memref<64x128xf32, #tpu.memory_space<vmem>>
      %dma_start3A_189 = arith.constant 0 : i32
      %dma_start3A_190 = tpu.memref_slice %arg12[%add3A_183, %dma_start3A_189] : memref<206x64xi32, #tpu.memory_space<vmem>> -> memref<1x64xi32, #tpu.memory_space<vmem>>
      %dma_start3A_191 = tpu.memref_squeeze %dma_start3A_190 : memref<1x64xi32, #tpu.memory_space<vmem>> -> memref<64xi32, #tpu.memory_space<vmem>>
      %dma_start3A_192 = arith.constant 0 : i32
      %dma_start3A_193 = arith.constant 0 : i32
      %dma_start3A_194 = tpu.memref_slice %arg2[%dma_start3A_192, %dma_start3A_193] : memref<10000x128xf32, #tpu.memory_space<hbm>> -> memref<10000x128xf32, #tpu.memory_space<hbm>>
      tpu.enqueue_indirect_dma source(%dma_start3A_194 : memref<10000x128xf32, #tpu.memory_space<hbm>>) target(%dma_start3A_188 : memref<64x128xf32, #tpu.memory_space<vmem>>) offsets(%dma_start3A_191 : memref<64xi32, #tpu.memory_space<vmem>>) semaphore(%arg17 : memref<!tpu.dma_semaphore, #tpu.memory_space<semaphore_mem>>)
      %dma_wait3A = arith.constant 0 : i32
      %dma_wait3A_195 = arith.constant 0 : i32
      %dma_wait3A_196 = arith.constant 0 : i32
      %dma_wait3A_197 = tpu.memref_slice %arg14[%dma_wait3A, %dma_wait3A_195, %dma_wait3A_196] : memref<2x64x128xf32, #tpu.memory_space<vmem>> -> memref<1x64x128xf32, #tpu.memory_space<vmem>>
      %dma_wait3A_198 = tpu.memref_squeeze %dma_wait3A_197 : memref<1x64x128xf32, #tpu.memory_space<vmem>> -> memref<64x128xf32, #tpu.memory_space<vmem>>
      %dma_wait3A_199 = arith.constant 0 : i32
      %dma_wait3A_200 = tpu.memref_slice %arg12[%mul3A_171, %dma_wait3A_199] : memref<206x64xi32, #tpu.memory_space<vmem>> -> memref<1x64xi32, #tpu.memory_space<vmem>>
      %dma_wait3A_201 = tpu.memref_squeeze %dma_wait3A_200 : memref<1x64xi32, #tpu.memory_space<vmem>> -> memref<64xi32, #tpu.memory_space<vmem>>
      %dma_wait3A_202 = arith.constant 0 : i32
      %dma_wait3A_203 = arith.constant 0 : i32
      %dma_wait3A_204 = tpu.memref_slice %arg2[%dma_wait3A_202, %dma_wait3A_203] : memref<10000x128xf32, #tpu.memory_space<hbm>> -> memref<10000x128xf32, #tpu.memory_space<hbm>>
      tpu.wait_indirect_dma semaphore(%arg16 : memref<!tpu.dma_semaphore, #tpu.memory_space<semaphore_mem>>) src(%dma_wait3A_204 : memref<10000x128xf32, #tpu.memory_space<hbm>>) dst(%dma_wait3A_198 : memref<64x128xf32, #tpu.memory_space<vmem>>)
      %dma_wait3A_205 = arith.constant 1 : i32
      %dma_wait3A_206 = arith.constant 0 : i32
      %dma_wait3A_207 = arith.constant 0 : i32
      %dma_wait3A_208 = tpu.memref_slice %arg14[%dma_wait3A_205, %dma_wait3A_206, %dma_wait3A_207] : memref<2x64x128xf32, #tpu.memory_space<vmem>> -> memref<1x64x128xf32, #tpu.memory_space<vmem>>
      %dma_wait3A_209 = tpu.memref_squeeze %dma_wait3A_208 : memref<1x64x128xf32, #tpu.memory_space<vmem>> -> memref<64x128xf32, #tpu.memory_space<vmem>>
      %dma_wait3A_210 = arith.constant 0 : i32
      %dma_wait3A_211 = tpu.memref_slice %arg12[%add3A_183, %dma_wait3A_210] : memref<206x64xi32, #tpu.memory_space<vmem>> -> memref<1x64xi32, #tpu.memory_space<vmem>>
      %dma_wait3A_212 = tpu.memref_squeeze %dma_wait3A_211 : memref<1x64xi32, #tpu.memory_space<vmem>> -> memref<64xi32, #tpu.memory_space<vmem>>
      %dma_wait3A_213 = arith.constant 0 : i32
      %dma_wait3A_214 = arith.constant 0 : i32
      %dma_wait3A_215 = tpu.memref_slice %arg2[%dma_wait3A_213, %dma_wait3A_214] : memref<10000x128xf32, #tpu.memory_space<hbm>> -> memref<10000x128xf32, #tpu.memory_space<hbm>>
      tpu.wait_indirect_dma semaphore(%arg17 : memref<!tpu.dma_semaphore, #tpu.memory_space<semaphore_mem>>) src(%dma_wait3A_215 : memref<10000x128xf32, #tpu.memory_space<hbm>>) dst(%dma_wait3A_209 : memref<64x128xf32, #tpu.memory_space<vmem>>)
      %dma_start3A_216 = arith.constant 0 : i32
      %dma_start3A_217 = arith.constant 0 : i32
      %dma_start3A_218 = arith.constant 0 : i32
      %dma_start3A_219 = tpu.memref_slice %arg14[%dma_start3A_216, %dma_start3A_217, %dma_start3A_218] : memref<2x64x128xf32, #tpu.memory_space<vmem>> -> memref<1x64x128xf32, #tpu.memory_space<vmem>>
      %dma_start3A_220 = tpu.memref_squeeze %dma_start3A_219 : memref<1x64x128xf32, #tpu.memory_space<vmem>> -> memref<64x128xf32, #tpu.memory_space<vmem>>
      %dma_start3A_221 = arith.constant 0 : i32
      %dma_start3A_222 = tpu.memref_slice %arg13[%mul3A_171, %dma_start3A_221] : memref<206x64xi32, #tpu.memory_space<vmem>> -> memref<1x64xi32, #tpu.memory_space<vmem>>
      %dma_start3A_223 = tpu.memref_squeeze %dma_start3A_222 : memref<1x64xi32, #tpu.memory_space<vmem>> -> memref<64xi32, #tpu.memory_space<vmem>>
      %dma_start3A_224 = arith.constant 0 : i32
      %dma_start3A_225 = arith.constant 0 : i32
      %dma_start3A_226 = tpu.memref_slice %arg10[%dma_start3A_224, %dma_start3A_225] : memref<10240x128xf32, #tpu.memory_space<vmem_shared>> -> memref<10240x128xf32, #tpu.memory_space<vmem_shared>>
      tpu.enqueue_indirect_dma source(%dma_start3A_220 : memref<64x128xf32, #tpu.memory_space<vmem>>) target(%dma_start3A_226 : memref<10240x128xf32, #tpu.memory_space<vmem_shared>>) offsets(%dma_start3A_223 : memref<64xi32, #tpu.memory_space<vmem>>) semaphore(%arg18 : memref<!tpu.dma_semaphore, #tpu.memory_space<semaphore_mem>>) {add = true}
      %add3A_227 = arith.constant 1 : i32
      %add3A_228 = arith.addi %mul3A_171, %add3A_227 : i32
      %dma_start3A_229 = arith.constant 1 : i32
      %dma_start3A_230 = arith.constant 0 : i32
      %dma_start3A_231 = arith.constant 0 : i32
      %dma_start3A_232 = tpu.memref_slice %arg14[%dma_start3A_229, %dma_start3A_230, %dma_start3A_231] : memref<2x64x128xf32, #tpu.memory_space<vmem>> -> memref<1x64x128xf32, #tpu.memory_space<vmem>>
      %dma_start3A_233 = tpu.memref_squeeze %dma_start3A_232 : memref<1x64x128xf32, #tpu.memory_space<vmem>> -> memref<64x128xf32, #tpu.memory_space<vmem>>
      %dma_start3A_234 = arith.constant 0 : i32
      %dma_start3A_235 = tpu.memref_slice %arg13[%add3A_228, %dma_start3A_234] : memref<206x64xi32, #tpu.memory_space<vmem>> -> memref<1x64xi32, #tpu.memory_space<vmem>>
      %dma_start3A_236 = tpu.memref_squeeze %dma_start3A_235 : memref<1x64xi32, #tpu.memory_space<vmem>> -> memref<64xi32, #tpu.memory_space<vmem>>
      %dma_start3A_237 = arith.constant 0 : i32
      %dma_start3A_238 = arith.constant 0 : i32
      %dma_start3A_239 = tpu.memref_slice %arg10[%dma_start3A_237, %dma_start3A_238] : memref<10240x128xf32, #tpu.memory_space<vmem_shared>> -> memref<10240x128xf32, #tpu.memory_space<vmem_shared>>
      tpu.enqueue_indirect_dma source(%dma_start3A_233 : memref<64x128xf32, #tpu.memory_space<vmem>>) target(%dma_start3A_239 : memref<10240x128xf32, #tpu.memory_space<vmem_shared>>) offsets(%dma_start3A_236 : memref<64xi32, #tpu.memory_space<vmem>>) semaphore(%arg19 : memref<!tpu.dma_semaphore, #tpu.memory_space<semaphore_mem>>) {add = true}
      %dma_wait3A_240 = arith.constant 0 : i32
      %dma_wait3A_241 = arith.constant 0 : i32
      %dma_wait3A_242 = arith.constant 0 : i32
      %dma_wait3A_243 = tpu.memref_slice %arg14[%dma_wait3A_240, %dma_wait3A_241, %dma_wait3A_242] : memref<2x64x128xf32, #tpu.memory_space<vmem>> -> memref<1x64x128xf32, #tpu.memory_space<vmem>>
      %dma_wait3A_244 = tpu.memref_squeeze %dma_wait3A_243 : memref<1x64x128xf32, #tpu.memory_space<vmem>> -> memref<64x128xf32, #tpu.memory_space<vmem>>
      %dma_wait3A_245 = arith.constant 0 : i32
      %dma_wait3A_246 = tpu.memref_slice %arg13[%mul3A_171, %dma_wait3A_245] : memref<206x64xi32, #tpu.memory_space<vmem>> -> memref<1x64xi32, #tpu.memory_space<vmem>>
      %dma_wait3A_247 = tpu.memref_squeeze %dma_wait3A_246 : memref<1x64xi32, #tpu.memory_space<vmem>> -> memref<64xi32, #tpu.memory_space<vmem>>
      %dma_wait3A_248 = arith.constant 0 : i32
      %dma_wait3A_249 = arith.constant 0 : i32
      %dma_wait3A_250 = tpu.memref_slice %arg10[%dma_wait3A_248, %dma_wait3A_249] : memref<10240x128xf32, #tpu.memory_space<vmem_shared>> -> memref<10240x128xf32, #tpu.memory_space<vmem_shared>>
      tpu.wait_indirect_dma semaphore(%arg18 : memref<!tpu.dma_semaphore, #tpu.memory_space<semaphore_mem>>) src(%dma_wait3A_244 : memref<64x128xf32, #tpu.memory_space<vmem>>) dst(%dma_wait3A_250 : memref<10240x128xf32, #tpu.memory_space<vmem_shared>>)
      %dma_wait3A_251 = arith.constant 1 : i32
      %dma_wait3A_252 = arith.constant 0 : i32
      %dma_wait3A_253 = arith.constant 0 : i32
      %dma_wait3A_254 = tpu.memref_slice %arg14[%dma_wait3A_251, %dma_wait3A_252, %dma_wait3A_253] : memref<2x64x128xf32, #tpu.memory_space<vmem>> -> memref<1x64x128xf32, #tpu.memory_space<vmem>>
      %dma_wait3A_255 = tpu.memref_squeeze %dma_wait3A_254 : memref<1x64x128xf32, #tpu.memory_space<vmem>> -> memref<64x128xf32, #tpu.memory_space<vmem>>
      %dma_wait3A_256 = arith.constant 0 : i32
      %dma_wait3A_257 = tpu.memref_slice %arg13[%add3A_228, %dma_wait3A_256] : memref<206x64xi32, #tpu.memory_space<vmem>> -> memref<1x64xi32, #tpu.memory_space<vmem>>
      %dma_wait3A_258 = tpu.memref_squeeze %dma_wait3A_257 : memref<1x64xi32, #tpu.memory_space<vmem>> -> memref<64xi32, #tpu.memory_space<vmem>>
      %dma_wait3A_259 = arith.constant 0 : i32
      %dma_wait3A_260 = arith.constant 0 : i32
      %dma_wait3A_261 = tpu.memref_slice %arg10[%dma_wait3A_259, %dma_wait3A_260] : memref<10240x128xf32, #tpu.memory_space<vmem_shared>> -> memref<10240x128xf32, #tpu.memory_space<vmem_shared>>
      tpu.wait_indirect_dma semaphore(%arg19 : memref<!tpu.dma_semaphore, #tpu.memory_space<semaphore_mem>>) src(%dma_wait3A_255 : memref<64x128xf32, #tpu.memory_space<vmem>>) dst(%dma_wait3A_261 : memref<10240x128xf32, #tpu.memory_space<vmem_shared>>)
      "tpu.region"() ({
        %run_scoped3A_264 = tpu.sem_alloc : memref<!tpu.dma_semaphore, #tpu.memory_space<semaphore_mem>>
        %dma_start3A_265 = arith.constant 0 : i32
        %dma_start3A_266 = tpu.memref_slice %arg13[%mul3A_171, %dma_start3A_265] : memref<206x64xi32, #tpu.memory_space<vmem>> -> memref<1x64xi32, #tpu.memory_space<vmem>>
        %dma_start3A_267 = tpu.memref_squeeze %dma_start3A_266 : memref<1x64xi32, #tpu.memory_space<vmem>> -> memref<64xi32, #tpu.memory_space<vmem>>
        %dma_start3A_268 = arith.constant 0 : i32
        %dma_start3A_269 = arith.constant 0 : i32
        %dma_start3A_270 = tpu.memref_slice %arg11[%dma_start3A_268, %dma_start3A_269] : memref<10240x8xf32, #tpu.memory_space<vmem_shared>> -> memref<10240x8xf32, #tpu.memory_space<vmem_shared>>
        tpu.enqueue_indirect_dma source(%arg15 : memref<64x8xf32, #tpu.memory_space<vmem>>) target(%dma_start3A_270 : memref<10240x8xf32, #tpu.memory_space<vmem_shared>>) offsets(%dma_start3A_267 : memref<64xi32, #tpu.memory_space<vmem>>) semaphore(%run_scoped3A_264 : memref<!tpu.dma_semaphore, #tpu.memory_space<semaphore_mem>>) {add = true}
        %dma_wait3A_271 = arith.constant 0 : i32
        %dma_wait3A_272 = tpu.memref_slice %arg13[%mul3A_171, %dma_wait3A_271] : memref<206x64xi32, #tpu.memory_space<vmem>> -> memref<1x64xi32, #tpu.memory_space<vmem>>
        %dma_wait3A_273 = tpu.memref_squeeze %dma_wait3A_272 : memref<1x64xi32, #tpu.memory_space<vmem>> -> memref<64xi32, #tpu.memory_space<vmem>>
        %dma_wait3A_274 = arith.constant 0 : i32
        %dma_wait3A_275 = arith.constant 0 : i32
        %dma_wait3A_276 = tpu.memref_slice %arg11[%dma_wait3A_274, %dma_wait3A_275] : memref<10240x8xf32, #tpu.memory_space<vmem_shared>> -> memref<10240x8xf32, #tpu.memory_space<vmem_shared>>
        tpu.wait_indirect_dma semaphore(%run_scoped3A_264 : memref<!tpu.dma_semaphore, #tpu.memory_space<semaphore_mem>>) src(%arg15 : memref<64x8xf32, #tpu.memory_space<vmem>>) dst(%dma_wait3A_276 : memref<10240x8xf32, #tpu.memory_space<vmem_shared>>)
        tpu.yield
      }) : () -> ()
      %add3A_262 = arith.constant 1 : i32
      %add3A_263 = arith.addi %mul3A_171, %add3A_262 : i32
      "tpu.region"() ({
        %run_scoped3A_264 = tpu.sem_alloc : memref<!tpu.dma_semaphore, #tpu.memory_space<semaphore_mem>>
        %dma_start3A_265 = arith.constant 0 : i32
        %dma_start3A_266 = tpu.memref_slice %arg13[%add3A_263, %dma_start3A_265] : memref<206x64xi32, #tpu.memory_space<vmem>> -> memref<1x64xi32, #tpu.memory_space<vmem>>
        %dma_start3A_267 = tpu.memref_squeeze %dma_start3A_266 : memref<1x64xi32, #tpu.memory_space<vmem>> -> memref<64xi32, #tpu.memory_space<vmem>>
        %dma_start3A_268 = arith.constant 0 : i32
        %dma_start3A_269 = arith.constant 0 : i32
        %dma_start3A_270 = tpu.memref_slice %arg11[%dma_start3A_268, %dma_start3A_269] : memref<10240x8xf32, #tpu.memory_space<vmem_shared>> -> memref<10240x8xf32, #tpu.memory_space<vmem_shared>>
        tpu.enqueue_indirect_dma source(%arg15 : memref<64x8xf32, #tpu.memory_space<vmem>>) target(%dma_start3A_270 : memref<10240x8xf32, #tpu.memory_space<vmem_shared>>) offsets(%dma_start3A_267 : memref<64xi32, #tpu.memory_space<vmem>>) semaphore(%run_scoped3A_264 : memref<!tpu.dma_semaphore, #tpu.memory_space<semaphore_mem>>) {add = true}
        %dma_wait3A_271 = arith.constant 0 : i32
        %dma_wait3A_272 = tpu.memref_slice %arg13[%add3A_263, %dma_wait3A_271] : memref<206x64xi32, #tpu.memory_space<vmem>> -> memref<1x64xi32, #tpu.memory_space<vmem>>
        %dma_wait3A_273 = tpu.memref_squeeze %dma_wait3A_272 : memref<1x64xi32, #tpu.memory_space<vmem>> -> memref<64xi32, #tpu.memory_space<vmem>>
        %dma_wait3A_274 = arith.constant 0 : i32
        %dma_wait3A_275 = arith.constant 0 : i32
        %dma_wait3A_276 = tpu.memref_slice %arg11[%dma_wait3A_274, %dma_wait3A_275] : memref<10240x8xf32, #tpu.memory_space<vmem_shared>> -> memref<10240x8xf32, #tpu.memory_space<vmem_shared>>
        tpu.wait_indirect_dma semaphore(%run_scoped3A_264 : memref<!tpu.dma_semaphore, #tpu.memory_space<semaphore_mem>>) src(%arg15 : memref<64x8xf32, #tpu.memory_space<vmem>>) dst(%dma_wait3A_276 : memref<10240x8xf32, #tpu.memory_space<vmem_shared>>)
        tpu.yield
      }) : () -> ()
    }
    %while3A_107 = arith.constant 1 : i32
    scf.for %while3A_169 = %while3A_105 to %while3A_101 step %while3A_107  : i32 {
      %mul3A_170 = arith.constant 2 : i32
      %mul3A_171 = arith.muli %mul3A_170, %while3A_169 : i32
      %dma_start3A = arith.constant 0 : i32
      %dma_start3A_172 = arith.constant 0 : i32
      %dma_start3A_173 = arith.constant 0 : i32
      %dma_start3A_174 = tpu.memref_slice %arg14[%dma_start3A, %dma_start3A_172, %dma_start3A_173] : memref<2x64x128xf32, #tpu.memory_space<vmem>> -> memref<1x64x128xf32, #tpu.memory_space<vmem>>
      %dma_start3A_175 = tpu.memref_squeeze %dma_start3A_174 : memref<1x64x128xf32, #tpu.memory_space<vmem>> -> memref<64x128xf32, #tpu.memory_space<vmem>>
      %dma_start3A_176 = arith.constant 0 : i32
      %dma_start3A_177 = tpu.memref_slice %arg12[%mul3A_171, %dma_start3A_176] : memref<206x64xi32, #tpu.memory_space<vmem>> -> memref<1x64xi32, #tpu.memory_space<vmem>>
      %dma_start3A_178 = tpu.memref_squeeze %dma_start3A_177 : memref<1x64xi32, #tpu.memory_space<vmem>> -> memref<64xi32, #tpu.memory_space<vmem>>
      %dma_start3A_179 = arith.constant 0 : i32
      %dma_start3A_180 = arith.constant 0 : i32
      %dma_start3A_181 = tpu.memref_slice %arg2[%dma_start3A_179, %dma_start3A_180] : memref<10000x128xf32, #tpu.memory_space<hbm>> -> memref<10000x128xf32, #tpu.memory_space<hbm>>
      tpu.enqueue_indirect_dma source(%dma_start3A_181 : memref<10000x128xf32, #tpu.memory_space<hbm>>) target(%dma_start3A_175 : memref<64x128xf32, #tpu.memory_space<vmem>>) offsets(%dma_start3A_178 : memref<64xi32, #tpu.memory_space<vmem>>) semaphore(%arg16 : memref<!tpu.dma_semaphore, #tpu.memory_space<semaphore_mem>>)
      %add3A_182 = arith.constant 1 : i32
      %add3A_183 = arith.addi %mul3A_171, %add3A_182 : i32
      %dma_start3A_184 = arith.constant 1 : i32
      %dma_start3A_185 = arith.constant 0 : i32
      %dma_start3A_186 = arith.constant 0 : i32
      %dma_start3A_187 = tpu.memref_slice %arg14[%dma_start3A_184, %dma_start3A_185, %dma_start3A_186] : memref<2x64x128xf32, #tpu.memory_space<vmem>> -> memref<1x64x128xf32, #tpu.memory_space<vmem>>
      %dma_start3A_188 = tpu.memref_squeeze %dma_start3A_187 : memref<1x64x128xf32, #tpu.memory_space<vmem>> -> memref<64x128xf32, #tpu.memory_space<vmem>>
      %dma_start3A_189 = arith.constant 0 : i32
      %dma_start3A_190 = tpu.memref_slice %arg12[%add3A_183, %dma_start3A_189] : memref<206x64xi32, #tpu.memory_space<vmem>> -> memref<1x64xi32, #tpu.memory_space<vmem>>
      %dma_start3A_191 = tpu.memref_squeeze %dma_start3A_190 : memref<1x64xi32, #tpu.memory_space<vmem>> -> memref<64xi32, #tpu.memory_space<vmem>>
      %dma_start3A_192 = arith.constant 0 : i32
      %dma_start3A_193 = arith.constant 0 : i32
      %dma_start3A_194 = tpu.memref_slice %arg2[%dma_start3A_192, %dma_start3A_193] : memref<10000x128xf32, #tpu.memory_space<hbm>> -> memref<10000x128xf32, #tpu.memory_space<hbm>>
      tpu.enqueue_indirect_dma source(%dma_start3A_194 : memref<10000x128xf32, #tpu.memory_space<hbm>>) target(%dma_start3A_188 : memref<64x128xf32, #tpu.memory_space<vmem>>) offsets(%dma_start3A_191 : memref<64xi32, #tpu.memory_space<vmem>>) semaphore(%arg17 : memref<!tpu.dma_semaphore, #tpu.memory_space<semaphore_mem>>)
      %dma_wait3A = arith.constant 0 : i32
      %dma_wait3A_195 = arith.constant 0 : i32
      %dma_wait3A_196 = arith.constant 0 : i32
      %dma_wait3A_197 = tpu.memref_slice %arg14[%dma_wait3A, %dma_wait3A_195, %dma_wait3A_196] : memref<2x64x128xf32, #tpu.memory_space<vmem>> -> memref<1x64x128xf32, #tpu.memory_space<vmem>>
      %dma_wait3A_198 = tpu.memref_squeeze %dma_wait3A_197 : memref<1x64x128xf32, #tpu.memory_space<vmem>> -> memref<64x128xf32, #tpu.memory_space<vmem>>
      %dma_wait3A_199 = arith.constant 0 : i32
      %dma_wait3A_200 = tpu.memref_slice %arg12[%mul3A_171, %dma_wait3A_199] : memref<206x64xi32, #tpu.memory_space<vmem>> -> memref<1x64xi32, #tpu.memory_space<vmem>>
      %dma_wait3A_201 = tpu.memref_squeeze %dma_wait3A_200 : memref<1x64xi32, #tpu.memory_space<vmem>> -> memref<64xi32, #tpu.memory_space<vmem>>
      %dma_wait3A_202 = arith.constant 0 : i32
      %dma_wait3A_203 = arith.constant 0 : i32
      %dma_wait3A_204 = tpu.memref_slice %arg2[%dma_wait3A_202, %dma_wait3A_203] : memref<10000x128xf32, #tpu.memory_space<hbm>> -> memref<10000x128xf32, #tpu.memory_space<hbm>>
      tpu.wait_indirect_dma semaphore(%arg16 : memref<!tpu.dma_semaphore, #tpu.memory_space<semaphore_mem>>) src(%dma_wait3A_204 : memref<10000x128xf32, #tpu.memory_space<hbm>>) dst(%dma_wait3A_198 : memref<64x128xf32, #tpu.memory_space<vmem>>)
      %dma_wait3A_205 = arith.constant 1 : i32
      %dma_wait3A_206 = arith.constant 0 : i32
      %dma_wait3A_207 = arith.constant 0 : i32
      %dma_wait3A_208 = tpu.memref_slice %arg14[%dma_wait3A_205, %dma_wait3A_206, %dma_wait3A_207] : memref<2x64x128xf32, #tpu.memory_space<vmem>> -> memref<1x64x128xf32, #tpu.memory_space<vmem>>
      %dma_wait3A_209 = tpu.memref_squeeze %dma_wait3A_208 : memref<1x64x128xf32, #tpu.memory_space<vmem>> -> memref<64x128xf32, #tpu.memory_space<vmem>>
      %dma_wait3A_210 = arith.constant 0 : i32
      %dma_wait3A_211 = tpu.memref_slice %arg12[%add3A_183, %dma_wait3A_210] : memref<206x64xi32, #tpu.memory_space<vmem>> -> memref<1x64xi32, #tpu.memory_space<vmem>>
      %dma_wait3A_212 = tpu.memref_squeeze %dma_wait3A_211 : memref<1x64xi32, #tpu.memory_space<vmem>> -> memref<64xi32, #tpu.memory_space<vmem>>
      %dma_wait3A_213 = arith.constant 0 : i32
      %dma_wait3A_214 = arith.constant 0 : i32
      %dma_wait3A_215 = tpu.memref_slice %arg2[%dma_wait3A_213, %dma_wait3A_214] : memref<10000x128xf32, #tpu.memory_space<hbm>> -> memref<10000x128xf32, #tpu.memory_space<hbm>>
      tpu.wait_indirect_dma semaphore(%arg17 : memref<!tpu.dma_semaphore, #tpu.memory_space<semaphore_mem>>) src(%dma_wait3A_215 : memref<10000x128xf32, #tpu.memory_space<hbm>>) dst(%dma_wait3A_209 : memref<64x128xf32, #tpu.memory_space<vmem>>)
      %dma_start3A_216 = arith.constant 0 : i32
      %dma_start3A_217 = arith.constant 0 : i32
      %dma_start3A_218 = arith.constant 0 : i32
      %dma_start3A_219 = tpu.memref_slice %arg14[%dma_start3A_216, %dma_start3A_217, %dma_start3A_218] : memref<2x64x128xf32, #tpu.memory_space<vmem>> -> memref<1x64x128xf32, #tpu.memory_space<vmem>>
      %dma_start3A_220 = tpu.memref_squeeze %dma_start3A_219 : memref<1x64x128xf32, #tpu.memory_space<vmem>> -> memref<64x128xf32, #tpu.memory_space<vmem>>
      %dma_start3A_221 = arith.constant 0 : i32
      %dma_start3A_222 = tpu.memref_slice %arg13[%mul3A_171, %dma_start3A_221] : memref<206x64xi32, #tpu.memory_space<vmem>> -> memref<1x64xi32, #tpu.memory_space<vmem>>
      %dma_start3A_223 = tpu.memref_squeeze %dma_start3A_222 : memref<1x64xi32, #tpu.memory_space<vmem>> -> memref<64xi32, #tpu.memory_space<vmem>>
      %dma_start3A_224 = arith.constant 0 : i32
      %dma_start3A_225 = arith.constant 0 : i32
      %dma_start3A_226 = tpu.memref_slice %arg10[%dma_start3A_224, %dma_start3A_225] : memref<10240x128xf32, #tpu.memory_space<vmem_shared>> -> memref<10240x128xf32, #tpu.memory_space<vmem_shared>>
      tpu.enqueue_indirect_dma source(%dma_start3A_220 : memref<64x128xf32, #tpu.memory_space<vmem>>) target(%dma_start3A_226 : memref<10240x128xf32, #tpu.memory_space<vmem_shared>>) offsets(%dma_start3A_223 : memref<64xi32, #tpu.memory_space<vmem>>) semaphore(%arg18 : memref<!tpu.dma_semaphore, #tpu.memory_space<semaphore_mem>>) {add = true}
      %add3A_227 = arith.constant 1 : i32
      %add3A_228 = arith.addi %mul3A_171, %add3A_227 : i32
      %dma_start3A_229 = arith.constant 1 : i32
      %dma_start3A_230 = arith.constant 0 : i32
      %dma_start3A_231 = arith.constant 0 : i32
      %dma_start3A_232 = tpu.memref_slice %arg14[%dma_start3A_229, %dma_start3A_230, %dma_start3A_231] : memref<2x64x128xf32, #tpu.memory_space<vmem>> -> memref<1x64x128xf32, #tpu.memory_space<vmem>>
      %dma_start3A_233 = tpu.memref_squeeze %dma_start3A_232 : memref<1x64x128xf32, #tpu.memory_space<vmem>> -> memref<64x128xf32, #tpu.memory_space<vmem>>
      %dma_start3A_234 = arith.constant 0 : i32
      %dma_start3A_235 = tpu.memref_slice %arg13[%add3A_228, %dma_start3A_234] : memref<206x64xi32, #tpu.memory_space<vmem>> -> memref<1x64xi32, #tpu.memory_space<vmem>>
      %dma_start3A_236 = tpu.memref_squeeze %dma_start3A_235 : memref<1x64xi32, #tpu.memory_space<vmem>> -> memref<64xi32, #tpu.memory_space<vmem>>
      %dma_start3A_237 = arith.constant 0 : i32
      %dma_start3A_238 = arith.constant 0 : i32
      %dma_start3A_239 = tpu.memref_slice %arg10[%dma_start3A_237, %dma_start3A_238] : memref<10240x128xf32, #tpu.memory_space<vmem_shared>> -> memref<10240x128xf32, #tpu.memory_space<vmem_shared>>
      tpu.enqueue_indirect_dma source(%dma_start3A_233 : memref<64x128xf32, #tpu.memory_space<vmem>>) target(%dma_start3A_239 : memref<10240x128xf32, #tpu.memory_space<vmem_shared>>) offsets(%dma_start3A_236 : memref<64xi32, #tpu.memory_space<vmem>>) semaphore(%arg19 : memref<!tpu.dma_semaphore, #tpu.memory_space<semaphore_mem>>) {add = true}
      %dma_wait3A_240 = arith.constant 0 : i32
      %dma_wait3A_241 = arith.constant 0 : i32
      %dma_wait3A_242 = arith.constant 0 : i32
      %dma_wait3A_243 = tpu.memref_slice %arg14[%dma_wait3A_240, %dma_wait3A_241, %dma_wait3A_242] : memref<2x64x128xf32, #tpu.memory_space<vmem>> -> memref<1x64x128xf32, #tpu.memory_space<vmem>>
      %dma_wait3A_244 = tpu.memref_squeeze %dma_wait3A_243 : memref<1x64x128xf32, #tpu.memory_space<vmem>> -> memref<64x128xf32, #tpu.memory_space<vmem>>
      %dma_wait3A_245 = arith.constant 0 : i32
      %dma_wait3A_246 = tpu.memref_slice %arg13[%mul3A_171, %dma_wait3A_245] : memref<206x64xi32, #tpu.memory_space<vmem>> -> memref<1x64xi32, #tpu.memory_space<vmem>>
      %dma_wait3A_247 = tpu.memref_squeeze %dma_wait3A_246 : memref<1x64xi32, #tpu.memory_space<vmem>> -> memref<64xi32, #tpu.memory_space<vmem>>
      %dma_wait3A_248 = arith.constant 0 : i32
      %dma_wait3A_249 = arith.constant 0 : i32
      %dma_wait3A_250 = tpu.memref_slice %arg10[%dma_wait3A_248, %dma_wait3A_249] : memref<10240x128xf32, #tpu.memory_space<vmem_shared>> -> memref<10240x128xf32, #tpu.memory_space<vmem_shared>>
      tpu.wait_indirect_dma semaphore(%arg18 : memref<!tpu.dma_semaphore, #tpu.memory_space<semaphore_mem>>) src(%dma_wait3A_244 : memref<64x128xf32, #tpu.memory_space<vmem>>) dst(%dma_wait3A_250 : memref<10240x128xf32, #tpu.memory_space<vmem_shared>>)
      %dma_wait3A_251 = arith.constant 1 : i32
      %dma_wait3A_252 = arith.constant 0 : i32
      %dma_wait3A_253 = arith.constant 0 : i32
      %dma_wait3A_254 = tpu.memref_slice %arg14[%dma_wait3A_251, %dma_wait3A_252, %dma_wait3A_253] : memref<2x64x128xf32, #tpu.memory_space<vmem>> -> memref<1x64x128xf32, #tpu.memory_space<vmem>>
      %dma_wait3A_255 = tpu.memref_squeeze %dma_wait3A_254 : memref<1x64x128xf32, #tpu.memory_space<vmem>> -> memref<64x128xf32, #tpu.memory_space<vmem>>
      %dma_wait3A_256 = arith.constant 0 : i32
      %dma_wait3A_257 = tpu.memref_slice %arg13[%add3A_228, %dma_wait3A_256] : memref<206x64xi32, #tpu.memory_space<vmem>> -> memref<1x64xi32, #tpu.memory_space<vmem>>
      %dma_wait3A_258 = tpu.memref_squeeze %dma_wait3A_257 : memref<1x64xi32, #tpu.memory_space<vmem>> -> memref<64xi32, #tpu.memory_space<vmem>>
      %dma_wait3A_259 = arith.constant 0 : i32
      %dma_wait3A_260 = arith.constant 0 : i32
      %dma_wait3A_261 = tpu.memref_slice %arg10[%dma_wait3A_259, %dma_wait3A_260] : memref<10240x128xf32, #tpu.memory_space<vmem_shared>> -> memref<10240x128xf32, #tpu.memory_space<vmem_shared>>
      tpu.wait_indirect_dma semaphore(%arg19 : memref<!tpu.dma_semaphore, #tpu.memory_space<semaphore_mem>>) src(%dma_wait3A_255 : memref<64x128xf32, #tpu.memory_space<vmem>>) dst(%dma_wait3A_261 : memref<10240x128xf32, #tpu.memory_space<vmem_shared>>)
      "tpu.region"() ({
        %run_scoped3A_264 = tpu.sem_alloc : memref<!tpu.dma_semaphore, #tpu.memory_space<semaphore_mem>>
        %dma_start3A_265 = arith.constant 0 : i32
        %dma_start3A_266 = tpu.memref_slice %arg13[%mul3A_171, %dma_start3A_265] : memref<206x64xi32, #tpu.memory_space<vmem>> -> memref<1x64xi32, #tpu.memory_space<vmem>>
        %dma_start3A_267 = tpu.memref_squeeze %dma_start3A_266 : memref<1x64xi32, #tpu.memory_space<vmem>> -> memref<64xi32, #tpu.memory_space<vmem>>
        %dma_start3A_268 = arith.constant 0 : i32
        %dma_start3A_269 = arith.constant 0 : i32
        %dma_start3A_270 = tpu.memref_slice %arg11[%dma_start3A_268, %dma_start3A_269] : memref<10240x8xf32, #tpu.memory_space<vmem_shared>> -> memref<10240x8xf32, #tpu.memory_space<vmem_shared>>
        tpu.enqueue_indirect_dma source(%arg15 : memref<64x8xf32, #tpu.memory_space<vmem>>) target(%dma_start3A_270 : memref<10240x8xf32, #tpu.memory_space<vmem_shared>>) offsets(%dma_start3A_267 : memref<64xi32, #tpu.memory_space<vmem>>) semaphore(%run_scoped3A_264 : memref<!tpu.dma_semaphore, #tpu.memory_space<semaphore_mem>>) {add = true}
        %dma_wait3A_271 = arith.constant 0 : i32
        %dma_wait3A_272 = tpu.memref_slice %arg13[%mul3A_171, %dma_wait3A_271] : memref<206x64xi32, #tpu.memory_space<vmem>> -> memref<1x64xi32, #tpu.memory_space<vmem>>
        %dma_wait3A_273 = tpu.memref_squeeze %dma_wait3A_272 : memref<1x64xi32, #tpu.memory_space<vmem>> -> memref<64xi32, #tpu.memory_space<vmem>>
        %dma_wait3A_274 = arith.constant 0 : i32
        %dma_wait3A_275 = arith.constant 0 : i32
        %dma_wait3A_276 = tpu.memref_slice %arg11[%dma_wait3A_274, %dma_wait3A_275] : memref<10240x8xf32, #tpu.memory_space<vmem_shared>> -> memref<10240x8xf32, #tpu.memory_space<vmem_shared>>
        tpu.wait_indirect_dma semaphore(%run_scoped3A_264 : memref<!tpu.dma_semaphore, #tpu.memory_space<semaphore_mem>>) src(%arg15 : memref<64x8xf32, #tpu.memory_space<vmem>>) dst(%dma_wait3A_276 : memref<10240x8xf32, #tpu.memory_space<vmem_shared>>)
        tpu.yield
      }) : () -> ()
      %add3A_262 = arith.constant 1 : i32
      %add3A_263 = arith.addi %mul3A_171, %add3A_262 : i32
      "tpu.region"() ({
        %run_scoped3A_264 = tpu.sem_alloc : memref<!tpu.dma_semaphore, #tpu.memory_space<semaphore_mem>>
        %dma_start3A_265 = arith.constant 0 : i32
        %dma_start3A_266 = tpu.memref_slice %arg13[%add3A_263, %dma_start3A_265] : memref<206x64xi32, #tpu.memory_space<vmem>> -> memref<1x64xi32, #tpu.memory_space<vmem>>
        %dma_start3A_267 = tpu.memref_squeeze %dma_start3A_266 : memref<1x64xi32, #tpu.memory_space<vmem>> -> memref<64xi32, #tpu.memory_space<vmem>>
        %dma_start3A_268 = arith.constant 0 : i32
        %dma_start3A_269 = arith.constant 0 : i32
        %dma_start3A_270 = tpu.memref_slice %arg11[%dma_start3A_268, %dma_start3A_269] : memref<10240x8xf32, #tpu.memory_space<vmem_shared>> -> memref<10240x8xf32, #tpu.memory_space<vmem_shared>>
        tpu.enqueue_indirect_dma source(%arg15 : memref<64x8xf32, #tpu.memory_space<vmem>>) target(%dma_start3A_270 : memref<10240x8xf32, #tpu.memory_space<vmem_shared>>) offsets(%dma_start3A_267 : memref<64xi32, #tpu.memory_space<vmem>>) semaphore(%run_scoped3A_264 : memref<!tpu.dma_semaphore, #tpu.memory_space<semaphore_mem>>) {add = true}
        %dma_wait3A_271 = arith.constant 0 : i32
        %dma_wait3A_272 = tpu.memref_slice %arg13[%add3A_263, %dma_wait3A_271] : memref<206x64xi32, #tpu.memory_space<vmem>> -> memref<1x64xi32, #tpu.memory_space<vmem>>
        %dma_wait3A_273 = tpu.memref_squeeze %dma_wait3A_272 : memref<1x64xi32, #tpu.memory_space<vmem>> -> memref<64xi32, #tpu.memory_space<vmem>>
        %dma_wait3A_274 = arith.constant 0 : i32
        %dma_wait3A_275 = arith.constant 0 : i32
        %dma_wait3A_276 = tpu.memref_slice %arg11[%dma_wait3A_274, %dma_wait3A_275] : memref<10240x8xf32, #tpu.memory_space<vmem_shared>> -> memref<10240x8xf32, #tpu.memory_space<vmem_shared>>
        tpu.wait_indirect_dma semaphore(%run_scoped3A_264 : memref<!tpu.dma_semaphore, #tpu.memory_space<semaphore_mem>>) src(%arg15 : memref<64x8xf32, #tpu.memory_space<vmem>>) dst(%dma_wait3A_276 : memref<10240x8xf32, #tpu.memory_space<vmem_shared>>)
        tpu.yield
      }) : () -> ()
    }
    %barrier3A_108 = arith.constant 0 : index
    tpu.barrier barrier_id(%barrier3A_108)
    %mul3A_109 = arith.constant 640 : i32
    %mul3A_110 = arith.muli %arg1, %mul3A_109 : i32
    %add3A_111 = arith.constant 0 : i32
    %add3A_112 = arith.addi %mul3A_110, %add3A_111 : i32
    %run_scoped3A_113 = arith.constant 0 : i32
    "tpu.region"() ({
      %run_scoped3A_169 = tpu.sem_alloc : memref<!tpu.dma_semaphore, #tpu.memory_space<semaphore_mem>>
      %dma_start3A = arith.constant 0 : i32
      %dma_start3A_170 = arith.constant 0 : i32
      %dma_start3A_171 = tpu.memref_slice %arg14[%run_scoped3A_113, %dma_start3A, %dma_start3A_170] : memref<2x64x128xf32, #tpu.memory_space<vmem>> -> memref<1x64x128xf32, #tpu.memory_space<vmem>>
      %dma_start3A_172 = tpu.memref_squeeze %dma_start3A_171 : memref<1x64x128xf32, #tpu.memory_space<vmem>> -> memref<64x128xf32, #tpu.memory_space<vmem>>
      %dma_start3A_173 = arith.constant 0 : i32
      %dma_start3A_174 = tpu.memref_slice %arg10[%add3A_112, %dma_start3A_173] : memref<10240x128xf32, #tpu.memory_space<vmem_shared>> -> memref<64x128xf32, #tpu.memory_space<vmem_shared>>
      %dma_start3A_175 = arith.constant 0 : i32
      %dma_start3A_176 = arith.constant 0 : i32
      %dma_start3A_177 = tpu.memref_slice %arg14[%run_scoped3A_113, %dma_start3A_175, %dma_start3A_176] : memref<2x64x128xf32, #tpu.memory_space<vmem>> -> memref<1x64x128xf32, #tpu.memory_space<vmem>>
      %dma_start3A_178 = tpu.memref_squeeze %dma_start3A_177 : memref<1x64x128xf32, #tpu.memory_space<vmem>> -> memref<64x128xf32, #tpu.memory_space<vmem>>
      %dma_start3A_179 = arith.constant 0 : i32
      %dma_start3A_180 = tpu.memref_slice %arg10[%add3A_112, %dma_start3A_179] : memref<10240x128xf32, #tpu.memory_space<vmem_shared>> -> memref<64x128xf32, #tpu.memory_space<vmem_shared>>
      tpu.enqueue_dma source(%dma_start3A_180 : memref<64x128xf32, #tpu.memory_space<vmem_shared>>) target(%dma_start3A_178 : memref<64x128xf32, #tpu.memory_space<vmem>>) target_semaphore(%run_scoped3A_169 : memref<!tpu.dma_semaphore, #tpu.memory_space<semaphore_mem>>)
      %dma_wait3A = arith.constant 0 : i32
      %dma_wait3A_181 = arith.constant 0 : i32
      %dma_wait3A_182 = tpu.memref_slice %arg14[%run_scoped3A_113, %dma_wait3A, %dma_wait3A_181] : memref<2x64x128xf32, #tpu.memory_space<vmem>> -> memref<1x64x128xf32, #tpu.memory_space<vmem>>
      %dma_wait3A_183 = tpu.memref_squeeze %dma_wait3A_182 : memref<1x64x128xf32, #tpu.memory_space<vmem>> -> memref<64x128xf32, #tpu.memory_space<vmem>>
      %dma_wait3A_184 = arith.constant 0 : i32
      %dma_wait3A_185 = tpu.memref_slice %arg10[%add3A_112, %dma_wait3A_184] : memref<10240x128xf32, #tpu.memory_space<vmem_shared>> -> memref<64x128xf32, #tpu.memory_space<vmem_shared>>
      %dma_wait3A_186 = arith.constant 0 : i32
      %dma_wait3A_187 = arith.constant 0 : i32
      %dma_wait3A_188 = tpu.memref_slice %arg14[%run_scoped3A_113, %dma_wait3A_186, %dma_wait3A_187] : memref<2x64x128xf32, #tpu.memory_space<vmem>> -> memref<1x64x128xf32, #tpu.memory_space<vmem>>
      %dma_wait3A_189 = tpu.memref_squeeze %dma_wait3A_188 : memref<1x64x128xf32, #tpu.memory_space<vmem>> -> memref<64x128xf32, #tpu.memory_space<vmem>>
      %dma_wait3A_190 = arith.constant 0 : i32
      %dma_wait3A_191 = tpu.memref_slice %arg10[%add3A_112, %dma_wait3A_190] : memref<10240x128xf32, #tpu.memory_space<vmem_shared>> -> memref<64x128xf32, #tpu.memory_space<vmem_shared>>
      tpu.wait_dma2 semaphore(%run_scoped3A_169 : memref<!tpu.dma_semaphore, #tpu.memory_space<semaphore_mem>>) src(%dma_wait3A_191 : memref<64x128xf32, #tpu.memory_space<vmem_shared>>) dst(%dma_wait3A_189 : memref<64x128xf32, #tpu.memory_space<vmem>>)
      tpu.yield
    }) : () -> ()
    %run_scoped3A_114 = arith.constant 0 : i32
    "tpu.region"() ({
      %run_scoped3A_169 = tpu.sem_alloc : memref<!tpu.dma_semaphore, #tpu.memory_space<semaphore_mem>>
      %dma_start3A = arith.constant 0 : i32
      %dma_start3A_170 = arith.constant 0 : i32
      %dma_start3A_171 = tpu.memref_slice %arg14[%run_scoped3A_114, %dma_start3A, %dma_start3A_170] : memref<2x64x128xf32, #tpu.memory_space<vmem>> -> memref<1x64x128xf32, #tpu.memory_space<vmem>>
      %dma_start3A_172 = tpu.memref_squeeze %dma_start3A_171 : memref<1x64x128xf32, #tpu.memory_space<vmem>> -> memref<64x128xf32, #tpu.memory_space<vmem>>
      %dma_start3A_173 = arith.constant 0 : i32
      %dma_start3A_174 = tpu.memref_slice %arg8[%arg0, %add3A_112, %dma_start3A_173] : memref<2x10240x128xf32, #tpu.memory_space<hbm>> -> memref<1x64x128xf32, #tpu.memory_space<hbm>>
      %dma_start3A_175 = tpu.memref_squeeze %dma_start3A_174 : memref<1x64x128xf32, #tpu.memory_space<hbm>> -> memref<64x128xf32, #tpu.memory_space<hbm>>
      %dma_start3A_176 = arith.constant 0 : i32
      %dma_start3A_177 = tpu.memref_slice %arg8[%arg0, %add3A_112, %dma_start3A_176] : memref<2x10240x128xf32, #tpu.memory_space<hbm>> -> memref<1x64x128xf32, #tpu.memory_space<hbm>>
      %dma_start3A_178 = tpu.memref_squeeze %dma_start3A_177 : memref<1x64x128xf32, #tpu.memory_space<hbm>> -> memref<64x128xf32, #tpu.memory_space<hbm>>
      %dma_start3A_179 = arith.constant 0 : i32
      %dma_start3A_180 = arith.constant 0 : i32
      %dma_start3A_181 = tpu.memref_slice %arg14[%run_scoped3A_114, %dma_start3A_179, %dma_start3A_180] : memref<2x64x128xf32, #tpu.memory_space<vmem>> -> memref<1x64x128xf32, #tpu.memory_space<vmem>>
      %dma_start3A_182 = tpu.memref_squeeze %dma_start3A_181 : memref<1x64x128xf32, #tpu.memory_space<vmem>> -> memref<64x128xf32, #tpu.memory_space<vmem>>
      tpu.enqueue_dma source(%dma_start3A_182 : memref<64x128xf32, #tpu.memory_space<vmem>>) target(%dma_start3A_178 : memref<64x128xf32, #tpu.memory_space<hbm>>) target_semaphore(%run_scoped3A_169 : memref<!tpu.dma_semaphore, #tpu.memory_space<semaphore_mem>>)
      %dma_wait3A = arith.constant 0 : i32
      %dma_wait3A_183 = arith.constant 0 : i32
      %dma_wait3A_184 = tpu.memref_slice %arg14[%run_scoped3A_114, %dma_wait3A, %dma_wait3A_183] : memref<2x64x128xf32, #tpu.memory_space<vmem>> -> memref<1x64x128xf32, #tpu.memory_space<vmem>>
      %dma_wait3A_185 = tpu.memref_squeeze %dma_wait3A_184 : memref<1x64x128xf32, #tpu.memory_space<vmem>> -> memref<64x128xf32, #tpu.memory_space<vmem>>
      %dma_wait3A_186 = arith.constant 0 : i32
      %dma_wait3A_187 = tpu.memref_slice %arg8[%arg0, %add3A_112, %dma_wait3A_186] : memref<2x10240x128xf32, #tpu.memory_space<hbm>> -> memref<1x64x128xf32, #tpu.memory_space<hbm>>
      %dma_wait3A_188 = tpu.memref_squeeze %dma_wait3A_187 : memref<1x64x128xf32, #tpu.memory_space<hbm>> -> memref<64x128xf32, #tpu.memory_space<hbm>>
      %dma_wait3A_189 = arith.constant 0 : i32
      %dma_wait3A_190 = tpu.memref_slice %arg8[%arg0, %add3A_112, %dma_wait3A_189] : memref<2x10240x128xf32, #tpu.memory_space<hbm>> -> memref<1x64x128xf32, #tpu.memory_space<hbm>>
      %dma_wait3A_191 = tpu.memref_squeeze %dma_wait3A_190 : memref<1x64x128xf32, #tpu.memory_space<hbm>> -> memref<64x128xf32, #tpu.memory_space<hbm>>
      %dma_wait3A_192 = arith.constant 0 : i32
      %dma_wait3A_193 = arith.constant 0 : i32
      %dma_wait3A_194 = tpu.memref_slice %arg14[%run_scoped3A_114, %dma_wait3A_192, %dma_wait3A_193] : memref<2x64x128xf32, #tpu.memory_space<vmem>> -> memref<1x64x128xf32, #tpu.memory_space<vmem>>
      %dma_wait3A_195 = tpu.memref_squeeze %dma_wait3A_194 : memref<1x64x128xf32, #tpu.memory_space<vmem>> -> memref<64x128xf32, #tpu.memory_space<vmem>>
      tpu.wait_dma2 semaphore(%run_scoped3A_169 : memref<!tpu.dma_semaphore, #tpu.memory_space<semaphore_mem>>) src(%dma_wait3A_195 : memref<64x128xf32, #tpu.memory_space<vmem>>) dst(%dma_wait3A_191 : memref<64x128xf32, #tpu.memory_space<hbm>>)
      tpu.yield
    }) : () -> ()
    "tpu.region"() ({
      %run_scoped3A_169 = tpu.sem_alloc : memref<!tpu.dma_semaphore, #tpu.memory_space<semaphore_mem>>
      %dma_start3A = arith.constant 0 : i32
      %dma_start3A_170 = tpu.memref_slice %arg11[%add3A_112, %dma_start3A] : memref<10240x8xf32, #tpu.memory_space<vmem_shared>> -> memref<64x8xf32, #tpu.memory_space<vmem_shared>>
      %dma_start3A_171 = arith.constant 0 : i32
      %dma_start3A_172 = tpu.memref_slice %arg11[%add3A_112, %dma_start3A_171] : memref<10240x8xf32, #tpu.memory_space<vmem_shared>> -> memref<64x8xf32, #tpu.memory_space<vmem_shared>>
      tpu.enqueue_dma source(%dma_start3A_172 : memref<64x8xf32, #tpu.memory_space<vmem_shared>>) target(%arg15 : memref<64x8xf32, #tpu.memory_space<vmem>>) target_semaphore(%run_scoped3A_169 : memref<!tpu.dma_semaphore, #tpu.memory_space<semaphore_mem>>)
      %dma_wait3A = arith.constant 0 : i32
      %dma_wait3A_173 = tpu.memref_slice %arg11[%add3A_112, %dma_wait3A] : memref<10240x8xf32, #tpu.memory_space<vmem_shared>> -> memref<64x8xf32, #tpu.memory_space<vmem_shared>>
      %dma_wait3A_174 = arith.constant 0 : i32
      %dma_wait3A_175 = tpu.memref_slice %arg11[%add3A_112, %dma_wait3A_174] : memref<10240x8xf32, #tpu.memory_space<vmem_shared>> -> memref<64x8xf32, #tpu.memory_space<vmem_shared>>
      tpu.wait_dma2 semaphore(%run_scoped3A_169 : memref<!tpu.dma_semaphore, #tpu.memory_space<semaphore_mem>>) src(%dma_wait3A_175 : memref<64x8xf32, #tpu.memory_space<vmem_shared>>) dst(%arg15 : memref<64x8xf32, #tpu.memory_space<vmem>>)
      tpu.yield
    }) : () -> ()
    "tpu.region"() ({
      %run_scoped3A_169 = tpu.sem_alloc : memref<!tpu.dma_semaphore, #tpu.memory_space<semaphore_mem>>
      %dma_start3A = arith.constant 0 : i32
      %dma_start3A_170 = tpu.memref_slice %arg9[%arg0, %add3A_112, %dma_start3A] : memref<2x10240x8xf32, #tpu.memory_space<hbm>> -> memref<1x64x8xf32, #tpu.memory_space<hbm>>
      %dma_start3A_171 = tpu.memref_squeeze %dma_start3A_170 : memref<1x64x8xf32, #tpu.memory_space<hbm>> -> memref<64x8xf32, #tpu.memory_space<hbm>>
      %dma_start3A_172 = arith.constant 0 : i32
      %dma_start3A_173 = tpu.memref_slice %arg9[%arg0, %add3A_112, %dma_start3A_172] : memref<2x10240x8xf32, #tpu.memory_space<hbm>> -> memref<1x64x8xf32, #tpu.memory_space<hbm>>
      %dma_start3A_174 = tpu.memref_squeeze %dma_start3A_173 : memref<1x64x8xf32, #tpu.memory_space<hbm>> -> memref<64x8xf32, #tpu.memory_space<hbm>>
      tpu.enqueue_dma source(%arg15 : memref<64x8xf32, #tpu.memory_space<vmem>>) target(%dma_start3A_174 : memref<64x8xf32, #tpu.memory_space<hbm>>) target_semaphore(%run_scoped3A_169 : memref<!tpu.dma_semaphore, #tpu.memory_space<semaphore_mem>>)
      %dma_wait3A = arith.constant 0 : i32
      %dma_wait3A_175 = tpu.memref_slice %arg9[%arg0, %add3A_112, %dma_wait3A] : memref<2x10240x8xf32, #tpu.memory_space<hbm>> -> memref<1x64x8xf32, #tpu.memory_space<hbm>>
      %dma_wait3A_176 = tpu.memref_squeeze %dma_wait3A_175 : memref<1x64x8xf32, #tpu.memory_space<hbm>> -> memref<64x8xf32, #tpu.memory_space<hbm>>
      %dma_wait3A_177 = arith.constant 0 : i32
      %dma_wait3A_178 = tpu.memref_slice %arg9[%arg0, %add3A_112, %dma_wait3A_177] : memref<2x10240x8xf32, #tpu.memory_space<hbm>> -> memref<1x64x8xf32, #tpu.memory_space<hbm>>
      %dma_wait3A_179 = tpu.memref_squeeze %dma_wait3A_178 : memref<1x64x8xf32, #tpu.memory_space<hbm>> -> memref<64x8xf32, #tpu.memory_space<hbm>>
      tpu.wait_dma2 semaphore(%run_scoped3A_169 : memref<!tpu.dma_semaphore, #tpu.memory_space<semaphore_mem>>) src(%arg15 : memref<64x8xf32, #tpu.memory_space<vmem>>) dst(%dma_wait3A_179 : memref<64x8xf32, #tpu.memory_space<hbm>>)
      tpu.yield
    }) : () -> ()
    %mul3A_115 = arith.constant 640 : i32
    %mul3A_116 = arith.muli %arg1, %mul3A_115 : i32
    %add3A_117 = arith.constant 64 : i32
    %add3A_118 = arith.addi %mul3A_116, %add3A_117 : i32
    %run_scoped3A_119 = arith.constant 0 : i32
    "tpu.region"() ({
      %run_scoped3A_169 = tpu.sem_alloc : memref<!tpu.dma_semaphore, #tpu.memory_space<semaphore_mem>>
      %dma_start3A = arith.constant 0 : i32
      %dma_start3A_170 = arith.constant 0 : i32
      %dma_start3A_171 = tpu.memref_slice %arg14[%run_scoped3A_119, %dma_start3A, %dma_start3A_170] : memref<2x64x128xf32, #tpu.memory_space<vmem>> -> memref<1x64x128xf32, #tpu.memory_space<vmem>>
      %dma_start3A_172 = tpu.memref_squeeze %dma_start3A_171 : memref<1x64x128xf32, #tpu.memory_space<vmem>> -> memref<64x128xf32, #tpu.memory_space<vmem>>
      %dma_start3A_173 = arith.constant 0 : i32
      %dma_start3A_174 = tpu.memref_slice %arg10[%add3A_118, %dma_start3A_173] : memref<10240x128xf32, #tpu.memory_space<vmem_shared>> -> memref<64x128xf32, #tpu.memory_space<vmem_shared>>
      %dma_start3A_175 = arith.constant 0 : i32
      %dma_start3A_176 = arith.constant 0 : i32
      %dma_start3A_177 = tpu.memref_slice %arg14[%run_scoped3A_119, %dma_start3A_175, %dma_start3A_176] : memref<2x64x128xf32, #tpu.memory_space<vmem>> -> memref<1x64x128xf32, #tpu.memory_space<vmem>>
      %dma_start3A_178 = tpu.memref_squeeze %dma_start3A_177 : memref<1x64x128xf32, #tpu.memory_space<vmem>> -> memref<64x128xf32, #tpu.memory_space<vmem>>
      %dma_start3A_179 = arith.constant 0 : i32
      %dma_start3A_180 = tpu.memref_slice %arg10[%add3A_118, %dma_start3A_179] : memref<10240x128xf32, #tpu.memory_space<vmem_shared>> -> memref<64x128xf32, #tpu.memory_space<vmem_shared>>
      tpu.enqueue_dma source(%dma_start3A_180 : memref<64x128xf32, #tpu.memory_space<vmem_shared>>) target(%dma_start3A_178 : memref<64x128xf32, #tpu.memory_space<vmem>>) target_semaphore(%run_scoped3A_169 : memref<!tpu.dma_semaphore, #tpu.memory_space<semaphore_mem>>)
      %dma_wait3A = arith.constant 0 : i32
      %dma_wait3A_181 = arith.constant 0 : i32
      %dma_wait3A_182 = tpu.memref_slice %arg14[%run_scoped3A_119, %dma_wait3A, %dma_wait3A_181] : memref<2x64x128xf32, #tpu.memory_space<vmem>> -> memref<1x64x128xf32, #tpu.memory_space<vmem>>
      %dma_wait3A_183 = tpu.memref_squeeze %dma_wait3A_182 : memref<1x64x128xf32, #tpu.memory_space<vmem>> -> memref<64x128xf32, #tpu.memory_space<vmem>>
      %dma_wait3A_184 = arith.constant 0 : i32
      %dma_wait3A_185 = tpu.memref_slice %arg10[%add3A_118, %dma_wait3A_184] : memref<10240x128xf32, #tpu.memory_space<vmem_shared>> -> memref<64x128xf32, #tpu.memory_space<vmem_shared>>
      %dma_wait3A_186 = arith.constant 0 : i32
      %dma_wait3A_187 = arith.constant 0 : i32
      %dma_wait3A_188 = tpu.memref_slice %arg14[%run_scoped3A_119, %dma_wait3A_186, %dma_wait3A_187] : memref<2x64x128xf32, #tpu.memory_space<vmem>> -> memref<1x64x128xf32, #tpu.memory_space<vmem>>
      %dma_wait3A_189 = tpu.memref_squeeze %dma_wait3A_188 : memref<1x64x128xf32, #tpu.memory_space<vmem>> -> memref<64x128xf32, #tpu.memory_space<vmem>>
      %dma_wait3A_190 = arith.constant 0 : i32
      %dma_wait3A_191 = tpu.memref_slice %arg10[%add3A_118, %dma_wait3A_190] : memref<10240x128xf32, #tpu.memory_space<vmem_shared>> -> memref<64x128xf32, #tpu.memory_space<vmem_shared>>
      tpu.wait_dma2 semaphore(%run_scoped3A_169 : memref<!tpu.dma_semaphore, #tpu.memory_space<semaphore_mem>>) src(%dma_wait3A_191 : memref<64x128xf32, #tpu.memory_space<vmem_shared>>) dst(%dma_wait3A_189 : memref<64x128xf32, #tpu.memory_space<vmem>>)
      tpu.yield
    }) : () -> ()
    %run_scoped3A_120 = arith.constant 0 : i32
    "tpu.region"() ({
      %run_scoped3A_169 = tpu.sem_alloc : memref<!tpu.dma_semaphore, #tpu.memory_space<semaphore_mem>>
      %dma_start3A = arith.constant 0 : i32
      %dma_start3A_170 = arith.constant 0 : i32
      %dma_start3A_171 = tpu.memref_slice %arg14[%run_scoped3A_120, %dma_start3A, %dma_start3A_170] : memref<2x64x128xf32, #tpu.memory_space<vmem>> -> memref<1x64x128xf32, #tpu.memory_space<vmem>>
      %dma_start3A_172 = tpu.memref_squeeze %dma_start3A_171 : memref<1x64x128xf32, #tpu.memory_space<vmem>> -> memref<64x128xf32, #tpu.memory_space<vmem>>
      %dma_start3A_173 = arith.constant 0 : i32
      %dma_start3A_174 = tpu.memref_slice %arg8[%arg0, %add3A_118, %dma_start3A_173] : memref<2x10240x128xf32, #tpu.memory_space<hbm>> -> memref<1x64x128xf32, #tpu.memory_space<hbm>>
      %dma_start3A_175 = tpu.memref_squeeze %dma_start3A_174 : memref<1x64x128xf32, #tpu.memory_space<hbm>> -> memref<64x128xf32, #tpu.memory_space<hbm>>
      %dma_start3A_176 = arith.constant 0 : i32
      %dma_start3A_177 = tpu.memref_slice %arg8[%arg0, %add3A_118, %dma_start3A_176] : memref<2x10240x128xf32, #tpu.memory_space<hbm>> -> memref<1x64x128xf32, #tpu.memory_space<hbm>>
      %dma_start3A_178 = tpu.memref_squeeze %dma_start3A_177 : memref<1x64x128xf32, #tpu.memory_space<hbm>> -> memref<64x128xf32, #tpu.memory_space<hbm>>
      %dma_start3A_179 = arith.constant 0 : i32
      %dma_start3A_180 = arith.constant 0 : i32
      %dma_start3A_181 = tpu.memref_slice %arg14[%run_scoped3A_120, %dma_start3A_179, %dma_start3A_180] : memref<2x64x128xf32, #tpu.memory_space<vmem>> -> memref<1x64x128xf32, #tpu.memory_space<vmem>>
      %dma_start3A_182 = tpu.memref_squeeze %dma_start3A_181 : memref<1x64x128xf32, #tpu.memory_space<vmem>> -> memref<64x128xf32, #tpu.memory_space<vmem>>
      tpu.enqueue_dma source(%dma_start3A_182 : memref<64x128xf32, #tpu.memory_space<vmem>>) target(%dma_start3A_178 : memref<64x128xf32, #tpu.memory_space<hbm>>) target_semaphore(%run_scoped3A_169 : memref<!tpu.dma_semaphore, #tpu.memory_space<semaphore_mem>>)
      %dma_wait3A = arith.constant 0 : i32
      %dma_wait3A_183 = arith.constant 0 : i32
      %dma_wait3A_184 = tpu.memref_slice %arg14[%run_scoped3A_120, %dma_wait3A, %dma_wait3A_183] : memref<2x64x128xf32, #tpu.memory_space<vmem>> -> memref<1x64x128xf32, #tpu.memory_space<vmem>>
      %dma_wait3A_185 = tpu.memref_squeeze %dma_wait3A_184 : memref<1x64x128xf32, #tpu.memory_space<vmem>> -> memref<64x128xf32, #tpu.memory_space<vmem>>
      %dma_wait3A_186 = arith.constant 0 : i32
      %dma_wait3A_187 = tpu.memref_slice %arg8[%arg0, %add3A_118, %dma_wait3A_186] : memref<2x10240x128xf32, #tpu.memory_space<hbm>> -> memref<1x64x128xf32, #tpu.memory_space<hbm>>
      %dma_wait3A_188 = tpu.memref_squeeze %dma_wait3A_187 : memref<1x64x128xf32, #tpu.memory_space<hbm>> -> memref<64x128xf32, #tpu.memory_space<hbm>>
      %dma_wait3A_189 = arith.constant 0 : i32
      %dma_wait3A_190 = tpu.memref_slice %arg8[%arg0, %add3A_118, %dma_wait3A_189] : memref<2x10240x128xf32, #tpu.memory_space<hbm>> -> memref<1x64x128xf32, #tpu.memory_space<hbm>>
      %dma_wait3A_191 = tpu.memref_squeeze %dma_wait3A_190 : memref<1x64x128xf32, #tpu.memory_space<hbm>> -> memref<64x128xf32, #tpu.memory_space<hbm>>
      %dma_wait3A_192 = arith.constant 0 : i32
      %dma_wait3A_193 = arith.constant 0 : i32
      %dma_wait3A_194 = tpu.memref_slice %arg14[%run_scoped3A_120, %dma_wait3A_192, %dma_wait3A_193] : memref<2x64x128xf32, #tpu.memory_space<vmem>> -> memref<1x64x128xf32, #tpu.memory_space<vmem>>
      %dma_wait3A_195 = tpu.memref_squeeze %dma_wait3A_194 : memref<1x64x128xf32, #tpu.memory_space<vmem>> -> memref<64x128xf32, #tpu.memory_space<vmem>>
      tpu.wait_dma2 semaphore(%run_scoped3A_169 : memref<!tpu.dma_semaphore, #tpu.memory_space<semaphore_mem>>) src(%dma_wait3A_195 : memref<64x128xf32, #tpu.memory_space<vmem>>) dst(%dma_wait3A_191 : memref<64x128xf32, #tpu.memory_space<hbm>>)
      tpu.yield
    }) : () -> ()
    "tpu.region"() ({
      %run_scoped3A_169 = tpu.sem_alloc : memref<!tpu.dma_semaphore, #tpu.memory_space<semaphore_mem>>
      %dma_start3A = arith.constant 0 : i32
      %dma_start3A_170 = tpu.memref_slice %arg11[%add3A_118, %dma_start3A] : memref<10240x8xf32, #tpu.memory_space<vmem_shared>> -> memref<64x8xf32, #tpu.memory_space<vmem_shared>>
      %dma_start3A_171 = arith.constant 0 : i32
      %dma_start3A_172 = tpu.memref_slice %arg11[%add3A_118, %dma_start3A_171] : memref<10240x8xf32, #tpu.memory_space<vmem_shared>> -> memref<64x8xf32, #tpu.memory_space<vmem_shared>>
      tpu.enqueue_dma source(%dma_start3A_172 : memref<64x8xf32, #tpu.memory_space<vmem_shared>>) target(%arg15 : memref<64x8xf32, #tpu.memory_space<vmem>>) target_semaphore(%run_scoped3A_169 : memref<!tpu.dma_semaphore, #tpu.memory_space<semaphore_mem>>)
      %dma_wait3A = arith.constant 0 : i32
      %dma_wait3A_173 = tpu.memref_slice %arg11[%add3A_118, %dma_wait3A] : memref<10240x8xf32, #tpu.memory_space<vmem_shared>> -> memref<64x8xf32, #tpu.memory_space<vmem_shared>>
      %dma_wait3A_174 = arith.constant 0 : i32
      %dma_wait3A_175 = tpu.memref_slice %arg11[%add3A_118, %dma_wait3A_174] : memref<10240x8xf32, #tpu.memory_space<vmem_shared>> -> memref<64x8xf32, #tpu.memory_space<vmem_shared>>
      tpu.wait_dma2 semaphore(%run_scoped3A_169 : memref<!tpu.dma_semaphore, #tpu.memory_space<semaphore_mem>>) src(%dma_wait3A_175 : memref<64x8xf32, #tpu.memory_space<vmem_shared>>) dst(%arg15 : memref<64x8xf32, #tpu.memory_space<vmem>>)
      tpu.yield
    }) : () -> ()
    "tpu.region"() ({
      %run_scoped3A_169 = tpu.sem_alloc : memref<!tpu.dma_semaphore, #tpu.memory_space<semaphore_mem>>
      %dma_start3A = arith.constant 0 : i32
      %dma_start3A_170 = tpu.memref_slice %arg9[%arg0, %add3A_118, %dma_start3A] : memref<2x10240x8xf32, #tpu.memory_space<hbm>> -> memref<1x64x8xf32, #tpu.memory_space<hbm>>
      %dma_start3A_171 = tpu.memref_squeeze %dma_start3A_170 : memref<1x64x8xf32, #tpu.memory_space<hbm>> -> memref<64x8xf32, #tpu.memory_space<hbm>>
      %dma_start3A_172 = arith.constant 0 : i32
      %dma_start3A_173 = tpu.memref_slice %arg9[%arg0, %add3A_118, %dma_start3A_172] : memref<2x10240x8xf32, #tpu.memory_space<hbm>> -> memref<1x64x8xf32, #tpu.memory_space<hbm>>
      %dma_start3A_174 = tpu.memref_squeeze %dma_start3A_173 : memref<1x64x8xf32, #tpu.memory_space<hbm>> -> memref<64x8xf32, #tpu.memory_space<hbm>>
      tpu.enqueue_dma source(%arg15 : memref<64x8xf32, #tpu.memory_space<vmem>>) target(%dma_start3A_174 : memref<64x8xf32, #tpu.memory_space<hbm>>) target_semaphore(%run_scoped3A_169 : memref<!tpu.dma_semaphore, #tpu.memory_space<semaphore_mem>>)
      %dma_wait3A = arith.constant 0 : i32
      %dma_wait3A_175 = tpu.memref_slice %arg9[%arg0, %add3A_118, %dma_wait3A] : memref<2x10240x8xf32, #tpu.memory_space<hbm>> -> memref<1x64x8xf32, #tpu.memory_space<hbm>>
      %dma_wait3A_176 = tpu.memref_squeeze %dma_wait3A_175 : memref<1x64x8xf32, #tpu.memory_space<hbm>> -> memref<64x8xf32, #tpu.memory_space<hbm>>
      %dma_wait3A_177 = arith.constant 0 : i32
      %dma_wait3A_178 = tpu.memref_slice %arg9[%arg0, %add3A_118, %dma_wait3A_177] : memref<2x10240x8xf32, #tpu.memory_space<hbm>> -> memref<1x64x8xf32, #tpu.memory_space<hbm>>
      %dma_wait3A_179 = tpu.memref_squeeze %dma_wait3A_178 : memref<1x64x8xf32, #tpu.memory_space<hbm>> -> memref<64x8xf32, #tpu.memory_space<hbm>>
      tpu.wait_dma2 semaphore(%run_scoped3A_169 : memref<!tpu.dma_semaphore, #tpu.memory_space<semaphore_mem>>) src(%arg15 : memref<64x8xf32, #tpu.memory_space<vmem>>) dst(%dma_wait3A_179 : memref<64x8xf32, #tpu.memory_space<hbm>>)
      tpu.yield
    }) : () -> ()
    %mul3A_121 = arith.constant 640 : i32
    %mul3A_122 = arith.muli %arg1, %mul3A_121 : i32
    %add3A_123 = arith.constant 128 : i32
    %add3A_124 = arith.addi %mul3A_122, %add3A_123 : i32
    %run_scoped3A_125 = arith.constant 0 : i32
    "tpu.region"() ({
      %run_scoped3A_169 = tpu.sem_alloc : memref<!tpu.dma_semaphore, #tpu.memory_space<semaphore_mem>>
      %dma_start3A = arith.constant 0 : i32
      %dma_start3A_170 = arith.constant 0 : i32
      %dma_start3A_171 = tpu.memref_slice %arg14[%run_scoped3A_125, %dma_start3A, %dma_start3A_170] : memref<2x64x128xf32, #tpu.memory_space<vmem>> -> memref<1x64x128xf32, #tpu.memory_space<vmem>>
      %dma_start3A_172 = tpu.memref_squeeze %dma_start3A_171 : memref<1x64x128xf32, #tpu.memory_space<vmem>> -> memref<64x128xf32, #tpu.memory_space<vmem>>
      %dma_start3A_173 = arith.constant 0 : i32
      %dma_start3A_174 = tpu.memref_slice %arg10[%add3A_124, %dma_start3A_173] : memref<10240x128xf32, #tpu.memory_space<vmem_shared>> -> memref<64x128xf32, #tpu.memory_space<vmem_shared>>
      %dma_start3A_175 = arith.constant 0 : i32
      %dma_start3A_176 = arith.constant 0 : i32
      %dma_start3A_177 = tpu.memref_slice %arg14[%run_scoped3A_125, %dma_start3A_175, %dma_start3A_176] : memref<2x64x128xf32, #tpu.memory_space<vmem>> -> memref<1x64x128xf32, #tpu.memory_space<vmem>>
      %dma_start3A_178 = tpu.memref_squeeze %dma_start3A_177 : memref<1x64x128xf32, #tpu.memory_space<vmem>> -> memref<64x128xf32, #tpu.memory_space<vmem>>
      %dma_start3A_179 = arith.constant 0 : i32
      %dma_start3A_180 = tpu.memref_slice %arg10[%add3A_124, %dma_start3A_179] : memref<10240x128xf32, #tpu.memory_space<vmem_shared>> -> memref<64x128xf32, #tpu.memory_space<vmem_shared>>
      tpu.enqueue_dma source(%dma_start3A_180 : memref<64x128xf32, #tpu.memory_space<vmem_shared>>) target(%dma_start3A_178 : memref<64x128xf32, #tpu.memory_space<vmem>>) target_semaphore(%run_scoped3A_169 : memref<!tpu.dma_semaphore, #tpu.memory_space<semaphore_mem>>)
      %dma_wait3A = arith.constant 0 : i32
      %dma_wait3A_181 = arith.constant 0 : i32
      %dma_wait3A_182 = tpu.memref_slice %arg14[%run_scoped3A_125, %dma_wait3A, %dma_wait3A_181] : memref<2x64x128xf32, #tpu.memory_space<vmem>> -> memref<1x64x128xf32, #tpu.memory_space<vmem>>
      %dma_wait3A_183 = tpu.memref_squeeze %dma_wait3A_182 : memref<1x64x128xf32, #tpu.memory_space<vmem>> -> memref<64x128xf32, #tpu.memory_space<vmem>>
      %dma_wait3A_184 = arith.constant 0 : i32
      %dma_wait3A_185 = tpu.memref_slice %arg10[%add3A_124, %dma_wait3A_184] : memref<10240x128xf32, #tpu.memory_space<vmem_shared>> -> memref<64x128xf32, #tpu.memory_space<vmem_shared>>
      %dma_wait3A_186 = arith.constant 0 : i32
      %dma_wait3A_187 = arith.constant 0 : i32
      %dma_wait3A_188 = tpu.memref_slice %arg14[%run_scoped3A_125, %dma_wait3A_186, %dma_wait3A_187] : memref<2x64x128xf32, #tpu.memory_space<vmem>> -> memref<1x64x128xf32, #tpu.memory_space<vmem>>
      %dma_wait3A_189 = tpu.memref_squeeze %dma_wait3A_188 : memref<1x64x128xf32, #tpu.memory_space<vmem>> -> memref<64x128xf32, #tpu.memory_space<vmem>>
      %dma_wait3A_190 = arith.constant 0 : i32
      %dma_wait3A_191 = tpu.memref_slice %arg10[%add3A_124, %dma_wait3A_190] : memref<10240x128xf32, #tpu.memory_space<vmem_shared>> -> memref<64x128xf32, #tpu.memory_space<vmem_shared>>
      tpu.wait_dma2 semaphore(%run_scoped3A_169 : memref<!tpu.dma_semaphore, #tpu.memory_space<semaphore_mem>>) src(%dma_wait3A_191 : memref<64x128xf32, #tpu.memory_space<vmem_shared>>) dst(%dma_wait3A_189 : memref<64x128xf32, #tpu.memory_space<vmem>>)
      tpu.yield
    }) : () -> ()
    %run_scoped3A_126 = arith.constant 0 : i32
    "tpu.region"() ({
      %run_scoped3A_169 = tpu.sem_alloc : memref<!tpu.dma_semaphore, #tpu.memory_space<semaphore_mem>>
      %dma_start3A = arith.constant 0 : i32
      %dma_start3A_170 = arith.constant 0 : i32
      %dma_start3A_171 = tpu.memref_slice %arg14[%run_scoped3A_126, %dma_start3A, %dma_start3A_170] : memref<2x64x128xf32, #tpu.memory_space<vmem>> -> memref<1x64x128xf32, #tpu.memory_space<vmem>>
      %dma_start3A_172 = tpu.memref_squeeze %dma_start3A_171 : memref<1x64x128xf32, #tpu.memory_space<vmem>> -> memref<64x128xf32, #tpu.memory_space<vmem>>
      %dma_start3A_173 = arith.constant 0 : i32
      %dma_start3A_174 = tpu.memref_slice %arg8[%arg0, %add3A_124, %dma_start3A_173] : memref<2x10240x128xf32, #tpu.memory_space<hbm>> -> memref<1x64x128xf32, #tpu.memory_space<hbm>>
      %dma_start3A_175 = tpu.memref_squeeze %dma_start3A_174 : memref<1x64x128xf32, #tpu.memory_space<hbm>> -> memref<64x128xf32, #tpu.memory_space<hbm>>
      %dma_start3A_176 = arith.constant 0 : i32
      %dma_start3A_177 = tpu.memref_slice %arg8[%arg0, %add3A_124, %dma_start3A_176] : memref<2x10240x128xf32, #tpu.memory_space<hbm>> -> memref<1x64x128xf32, #tpu.memory_space<hbm>>
      %dma_start3A_178 = tpu.memref_squeeze %dma_start3A_177 : memref<1x64x128xf32, #tpu.memory_space<hbm>> -> memref<64x128xf32, #tpu.memory_space<hbm>>
      %dma_start3A_179 = arith.constant 0 : i32
      %dma_start3A_180 = arith.constant 0 : i32
      %dma_start3A_181 = tpu.memref_slice %arg14[%run_scoped3A_126, %dma_start3A_179, %dma_start3A_180] : memref<2x64x128xf32, #tpu.memory_space<vmem>> -> memref<1x64x128xf32, #tpu.memory_space<vmem>>
      %dma_start3A_182 = tpu.memref_squeeze %dma_start3A_181 : memref<1x64x128xf32, #tpu.memory_space<vmem>> -> memref<64x128xf32, #tpu.memory_space<vmem>>
      tpu.enqueue_dma source(%dma_start3A_182 : memref<64x128xf32, #tpu.memory_space<vmem>>) target(%dma_start3A_178 : memref<64x128xf32, #tpu.memory_space<hbm>>) target_semaphore(%run_scoped3A_169 : memref<!tpu.dma_semaphore, #tpu.memory_space<semaphore_mem>>)
      %dma_wait3A = arith.constant 0 : i32
      %dma_wait3A_183 = arith.constant 0 : i32
      %dma_wait3A_184 = tpu.memref_slice %arg14[%run_scoped3A_126, %dma_wait3A, %dma_wait3A_183] : memref<2x64x128xf32, #tpu.memory_space<vmem>> -> memref<1x64x128xf32, #tpu.memory_space<vmem>>
      %dma_wait3A_185 = tpu.memref_squeeze %dma_wait3A_184 : memref<1x64x128xf32, #tpu.memory_space<vmem>> -> memref<64x128xf32, #tpu.memory_space<vmem>>
      %dma_wait3A_186 = arith.constant 0 : i32
      %dma_wait3A_187 = tpu.memref_slice %arg8[%arg0, %add3A_124, %dma_wait3A_186] : memref<2x10240x128xf32, #tpu.memory_space<hbm>> -> memref<1x64x128xf32, #tpu.memory_space<hbm>>
      %dma_wait3A_188 = tpu.memref_squeeze %dma_wait3A_187 : memref<1x64x128xf32, #tpu.memory_space<hbm>> -> memref<64x128xf32, #tpu.memory_space<hbm>>
      %dma_wait3A_189 = arith.constant 0 : i32
      %dma_wait3A_190 = tpu.memref_slice %arg8[%arg0, %add3A_124, %dma_wait3A_189] : memref<2x10240x128xf32, #tpu.memory_space<hbm>> -> memref<1x64x128xf32, #tpu.memory_space<hbm>>
      %dma_wait3A_191 = tpu.memref_squeeze %dma_wait3A_190 : memref<1x64x128xf32, #tpu.memory_space<hbm>> -> memref<64x128xf32, #tpu.memory_space<hbm>>
      %dma_wait3A_192 = arith.constant 0 : i32
      %dma_wait3A_193 = arith.constant 0 : i32
      %dma_wait3A_194 = tpu.memref_slice %arg14[%run_scoped3A_126, %dma_wait3A_192, %dma_wait3A_193] : memref<2x64x128xf32, #tpu.memory_space<vmem>> -> memref<1x64x128xf32, #tpu.memory_space<vmem>>
      %dma_wait3A_195 = tpu.memref_squeeze %dma_wait3A_194 : memref<1x64x128xf32, #tpu.memory_space<vmem>> -> memref<64x128xf32, #tpu.memory_space<vmem>>
      tpu.wait_dma2 semaphore(%run_scoped3A_169 : memref<!tpu.dma_semaphore, #tpu.memory_space<semaphore_mem>>) src(%dma_wait3A_195 : memref<64x128xf32, #tpu.memory_space<vmem>>) dst(%dma_wait3A_191 : memref<64x128xf32, #tpu.memory_space<hbm>>)
      tpu.yield
    }) : () -> ()
    "tpu.region"() ({
      %run_scoped3A_169 = tpu.sem_alloc : memref<!tpu.dma_semaphore, #tpu.memory_space<semaphore_mem>>
      %dma_start3A = arith.constant 0 : i32
      %dma_start3A_170 = tpu.memref_slice %arg11[%add3A_124, %dma_start3A] : memref<10240x8xf32, #tpu.memory_space<vmem_shared>> -> memref<64x8xf32, #tpu.memory_space<vmem_shared>>
      %dma_start3A_171 = arith.constant 0 : i32
      %dma_start3A_172 = tpu.memref_slice %arg11[%add3A_124, %dma_start3A_171] : memref<10240x8xf32, #tpu.memory_space<vmem_shared>> -> memref<64x8xf32, #tpu.memory_space<vmem_shared>>
      tpu.enqueue_dma source(%dma_start3A_172 : memref<64x8xf32, #tpu.memory_space<vmem_shared>>) target(%arg15 : memref<64x8xf32, #tpu.memory_space<vmem>>) target_semaphore(%run_scoped3A_169 : memref<!tpu.dma_semaphore, #tpu.memory_space<semaphore_mem>>)
      %dma_wait3A = arith.constant 0 : i32
      %dma_wait3A_173 = tpu.memref_slice %arg11[%add3A_124, %dma_wait3A] : memref<10240x8xf32, #tpu.memory_space<vmem_shared>> -> memref<64x8xf32, #tpu.memory_space<vmem_shared>>
      %dma_wait3A_174 = arith.constant 0 : i32
      %dma_wait3A_175 = tpu.memref_slice %arg11[%add3A_124, %dma_wait3A_174] : memref<10240x8xf32, #tpu.memory_space<vmem_shared>> -> memref<64x8xf32, #tpu.memory_space<vmem_shared>>
      tpu.wait_dma2 semaphore(%run_scoped3A_169 : memref<!tpu.dma_semaphore, #tpu.memory_space<semaphore_mem>>) src(%dma_wait3A_175 : memref<64x8xf32, #tpu.memory_space<vmem_shared>>) dst(%arg15 : memref<64x8xf32, #tpu.memory_space<vmem>>)
      tpu.yield
    }) : () -> ()
    "tpu.region"() ({
      %run_scoped3A_169 = tpu.sem_alloc : memref<!tpu.dma_semaphore, #tpu.memory_space<semaphore_mem>>
      %dma_start3A = arith.constant 0 : i32
      %dma_start3A_170 = tpu.memref_slice %arg9[%arg0, %add3A_124, %dma_start3A] : memref<2x10240x8xf32, #tpu.memory_space<hbm>> -> memref<1x64x8xf32, #tpu.memory_space<hbm>>
      %dma_start3A_171 = tpu.memref_squeeze %dma_start3A_170 : memref<1x64x8xf32, #tpu.memory_space<hbm>> -> memref<64x8xf32, #tpu.memory_space<hbm>>
      %dma_start3A_172 = arith.constant 0 : i32
      %dma_start3A_173 = tpu.memref_slice %arg9[%arg0, %add3A_124, %dma_start3A_172] : memref<2x10240x8xf32, #tpu.memory_space<hbm>> -> memref<1x64x8xf32, #tpu.memory_space<hbm>>
      %dma_start3A_174 = tpu.memref_squeeze %dma_start3A_173 : memref<1x64x8xf32, #tpu.memory_space<hbm>> -> memref<64x8xf32, #tpu.memory_space<hbm>>
      tpu.enqueue_dma source(%arg15 : memref<64x8xf32, #tpu.memory_space<vmem>>) target(%dma_start3A_174 : memref<64x8xf32, #tpu.memory_space<hbm>>) target_semaphore(%run_scoped3A_169 : memref<!tpu.dma_semaphore, #tpu.memory_space<semaphore_mem>>)
      %dma_wait3A = arith.constant 0 : i32
      %dma_wait3A_175 = tpu.memref_slice %arg9[%arg0, %add3A_124, %dma_wait3A] : memref<2x10240x8xf32, #tpu.memory_space<hbm>> -> memref<1x64x8xf32, #tpu.memory_space<hbm>>
      %dma_wait3A_176 = tpu.memref_squeeze %dma_wait3A_175 : memref<1x64x8xf32, #tpu.memory_space<hbm>> -> memref<64x8xf32, #tpu.memory_space<hbm>>
      %dma_wait3A_177 = arith.constant 0 : i32
      %dma_wait3A_178 = tpu.memref_slice %arg9[%arg0, %add3A_124, %dma_wait3A_177] : memref<2x10240x8xf32, #tpu.memory_space<hbm>> -> memref<1x64x8xf32, #tpu.memory_space<hbm>>
      %dma_wait3A_179 = tpu.memref_squeeze %dma_wait3A_178 : memref<1x64x8xf32, #tpu.memory_space<hbm>> -> memref<64x8xf32, #tpu.memory_space<hbm>>
      tpu.wait_dma2 semaphore(%run_scoped3A_169 : memref<!tpu.dma_semaphore, #tpu.memory_space<semaphore_mem>>) src(%arg15 : memref<64x8xf32, #tpu.memory_space<vmem>>) dst(%dma_wait3A_179 : memref<64x8xf32, #tpu.memory_space<hbm>>)
      tpu.yield
    }) : () -> ()
    %mul3A_127 = arith.constant 640 : i32
    %mul3A_128 = arith.muli %arg1, %mul3A_127 : i32
    %add3A_129 = arith.constant 192 : i32
    %add3A_130 = arith.addi %mul3A_128, %add3A_129 : i32
    %run_scoped3A_131 = arith.constant 0 : i32
    "tpu.region"() ({
      %run_scoped3A_169 = tpu.sem_alloc : memref<!tpu.dma_semaphore, #tpu.memory_space<semaphore_mem>>
      %dma_start3A = arith.constant 0 : i32
      %dma_start3A_170 = arith.constant 0 : i32
      %dma_start3A_171 = tpu.memref_slice %arg14[%run_scoped3A_131, %dma_start3A, %dma_start3A_170] : memref<2x64x128xf32, #tpu.memory_space<vmem>> -> memref<1x64x128xf32, #tpu.memory_space<vmem>>
      %dma_start3A_172 = tpu.memref_squeeze %dma_start3A_171 : memref<1x64x128xf32, #tpu.memory_space<vmem>> -> memref<64x128xf32, #tpu.memory_space<vmem>>
      %dma_start3A_173 = arith.constant 0 : i32
      %dma_start3A_174 = tpu.memref_slice %arg10[%add3A_130, %dma_start3A_173] : memref<10240x128xf32, #tpu.memory_space<vmem_shared>> -> memref<64x128xf32, #tpu.memory_space<vmem_shared>>
      %dma_start3A_175 = arith.constant 0 : i32
      %dma_start3A_176 = arith.constant 0 : i32
      %dma_start3A_177 = tpu.memref_slice %arg14[%run_scoped3A_131, %dma_start3A_175, %dma_start3A_176] : memref<2x64x128xf32, #tpu.memory_space<vmem>> -> memref<1x64x128xf32, #tpu.memory_space<vmem>>
      %dma_start3A_178 = tpu.memref_squeeze %dma_start3A_177 : memref<1x64x128xf32, #tpu.memory_space<vmem>> -> memref<64x128xf32, #tpu.memory_space<vmem>>
      %dma_start3A_179 = arith.constant 0 : i32
      %dma_start3A_180 = tpu.memref_slice %arg10[%add3A_130, %dma_start3A_179] : memref<10240x128xf32, #tpu.memory_space<vmem_shared>> -> memref<64x128xf32, #tpu.memory_space<vmem_shared>>
      tpu.enqueue_dma source(%dma_start3A_180 : memref<64x128xf32, #tpu.memory_space<vmem_shared>>) target(%dma_start3A_178 : memref<64x128xf32, #tpu.memory_space<vmem>>) target_semaphore(%run_scoped3A_169 : memref<!tpu.dma_semaphore, #tpu.memory_space<semaphore_mem>>)
      %dma_wait3A = arith.constant 0 : i32
      %dma_wait3A_181 = arith.constant 0 : i32
      %dma_wait3A_182 = tpu.memref_slice %arg14[%run_scoped3A_131, %dma_wait3A, %dma_wait3A_181] : memref<2x64x128xf32, #tpu.memory_space<vmem>> -> memref<1x64x128xf32, #tpu.memory_space<vmem>>
      %dma_wait3A_183 = tpu.memref_squeeze %dma_wait3A_182 : memref<1x64x128xf32, #tpu.memory_space<vmem>> -> memref<64x128xf32, #tpu.memory_space<vmem>>
      %dma_wait3A_184 = arith.constant 0 : i32
      %dma_wait3A_185 = tpu.memref_slice %arg10[%add3A_130, %dma_wait3A_184] : memref<10240x128xf32, #tpu.memory_space<vmem_shared>> -> memref<64x128xf32, #tpu.memory_space<vmem_shared>>
      %dma_wait3A_186 = arith.constant 0 : i32
      %dma_wait3A_187 = arith.constant 0 : i32
      %dma_wait3A_188 = tpu.memref_slice %arg14[%run_scoped3A_131, %dma_wait3A_186, %dma_wait3A_187] : memref<2x64x128xf32, #tpu.memory_space<vmem>> -> memref<1x64x128xf32, #tpu.memory_space<vmem>>
      %dma_wait3A_189 = tpu.memref_squeeze %dma_wait3A_188 : memref<1x64x128xf32, #tpu.memory_space<vmem>> -> memref<64x128xf32, #tpu.memory_space<vmem>>
      %dma_wait3A_190 = arith.constant 0 : i32
      %dma_wait3A_191 = tpu.memref_slice %arg10[%add3A_130, %dma_wait3A_190] : memref<10240x128xf32, #tpu.memory_space<vmem_shared>> -> memref<64x128xf32, #tpu.memory_space<vmem_shared>>
      tpu.wait_dma2 semaphore(%run_scoped3A_169 : memref<!tpu.dma_semaphore, #tpu.memory_space<semaphore_mem>>) src(%dma_wait3A_191 : memref<64x128xf32, #tpu.memory_space<vmem_shared>>) dst(%dma_wait3A_189 : memref<64x128xf32, #tpu.memory_space<vmem>>)
      tpu.yield
    }) : () -> ()
    %run_scoped3A_132 = arith.constant 0 : i32
    "tpu.region"() ({
      %run_scoped3A_169 = tpu.sem_alloc : memref<!tpu.dma_semaphore, #tpu.memory_space<semaphore_mem>>
      %dma_start3A = arith.constant 0 : i32
      %dma_start3A_170 = arith.constant 0 : i32
      %dma_start3A_171 = tpu.memref_slice %arg14[%run_scoped3A_132, %dma_start3A, %dma_start3A_170] : memref<2x64x128xf32, #tpu.memory_space<vmem>> -> memref<1x64x128xf32, #tpu.memory_space<vmem>>
      %dma_start3A_172 = tpu.memref_squeeze %dma_start3A_171 : memref<1x64x128xf32, #tpu.memory_space<vmem>> -> memref<64x128xf32, #tpu.memory_space<vmem>>
      %dma_start3A_173 = arith.constant 0 : i32
      %dma_start3A_174 = tpu.memref_slice %arg8[%arg0, %add3A_130, %dma_start3A_173] : memref<2x10240x128xf32, #tpu.memory_space<hbm>> -> memref<1x64x128xf32, #tpu.memory_space<hbm>>
      %dma_start3A_175 = tpu.memref_squeeze %dma_start3A_174 : memref<1x64x128xf32, #tpu.memory_space<hbm>> -> memref<64x128xf32, #tpu.memory_space<hbm>>
      %dma_start3A_176 = arith.constant 0 : i32
      %dma_start3A_177 = tpu.memref_slice %arg8[%arg0, %add3A_130, %dma_start3A_176] : memref<2x10240x128xf32, #tpu.memory_space<hbm>> -> memref<1x64x128xf32, #tpu.memory_space<hbm>>
      %dma_start3A_178 = tpu.memref_squeeze %dma_start3A_177 : memref<1x64x128xf32, #tpu.memory_space<hbm>> -> memref<64x128xf32, #tpu.memory_space<hbm>>
      %dma_start3A_179 = arith.constant 0 : i32
      %dma_start3A_180 = arith.constant 0 : i32
      %dma_start3A_181 = tpu.memref_slice %arg14[%run_scoped3A_132, %dma_start3A_179, %dma_start3A_180] : memref<2x64x128xf32, #tpu.memory_space<vmem>> -> memref<1x64x128xf32, #tpu.memory_space<vmem>>
      %dma_start3A_182 = tpu.memref_squeeze %dma_start3A_181 : memref<1x64x128xf32, #tpu.memory_space<vmem>> -> memref<64x128xf32, #tpu.memory_space<vmem>>
      tpu.enqueue_dma source(%dma_start3A_182 : memref<64x128xf32, #tpu.memory_space<vmem>>) target(%dma_start3A_178 : memref<64x128xf32, #tpu.memory_space<hbm>>) target_semaphore(%run_scoped3A_169 : memref<!tpu.dma_semaphore, #tpu.memory_space<semaphore_mem>>)
      %dma_wait3A = arith.constant 0 : i32
      %dma_wait3A_183 = arith.constant 0 : i32
      %dma_wait3A_184 = tpu.memref_slice %arg14[%run_scoped3A_132, %dma_wait3A, %dma_wait3A_183] : memref<2x64x128xf32, #tpu.memory_space<vmem>> -> memref<1x64x128xf32, #tpu.memory_space<vmem>>
      %dma_wait3A_185 = tpu.memref_squeeze %dma_wait3A_184 : memref<1x64x128xf32, #tpu.memory_space<vmem>> -> memref<64x128xf32, #tpu.memory_space<vmem>>
      %dma_wait3A_186 = arith.constant 0 : i32
      %dma_wait3A_187 = tpu.memref_slice %arg8[%arg0, %add3A_130, %dma_wait3A_186] : memref<2x10240x128xf32, #tpu.memory_space<hbm>> -> memref<1x64x128xf32, #tpu.memory_space<hbm>>
      %dma_wait3A_188 = tpu.memref_squeeze %dma_wait3A_187 : memref<1x64x128xf32, #tpu.memory_space<hbm>> -> memref<64x128xf32, #tpu.memory_space<hbm>>
      %dma_wait3A_189 = arith.constant 0 : i32
      %dma_wait3A_190 = tpu.memref_slice %arg8[%arg0, %add3A_130, %dma_wait3A_189] : memref<2x10240x128xf32, #tpu.memory_space<hbm>> -> memref<1x64x128xf32, #tpu.memory_space<hbm>>
      %dma_wait3A_191 = tpu.memref_squeeze %dma_wait3A_190 : memref<1x64x128xf32, #tpu.memory_space<hbm>> -> memref<64x128xf32, #tpu.memory_space<hbm>>
      %dma_wait3A_192 = arith.constant 0 : i32
      %dma_wait3A_193 = arith.constant 0 : i32
      %dma_wait3A_194 = tpu.memref_slice %arg14[%run_scoped3A_132, %dma_wait3A_192, %dma_wait3A_193] : memref<2x64x128xf32, #tpu.memory_space<vmem>> -> memref<1x64x128xf32, #tpu.memory_space<vmem>>
      %dma_wait3A_195 = tpu.memref_squeeze %dma_wait3A_194 : memref<1x64x128xf32, #tpu.memory_space<vmem>> -> memref<64x128xf32, #tpu.memory_space<vmem>>
      tpu.wait_dma2 semaphore(%run_scoped3A_169 : memref<!tpu.dma_semaphore, #tpu.memory_space<semaphore_mem>>) src(%dma_wait3A_195 : memref<64x128xf32, #tpu.memory_space<vmem>>) dst(%dma_wait3A_191 : memref<64x128xf32, #tpu.memory_space<hbm>>)
      tpu.yield
    }) : () -> ()
    "tpu.region"() ({
      %run_scoped3A_169 = tpu.sem_alloc : memref<!tpu.dma_semaphore, #tpu.memory_space<semaphore_mem>>
      %dma_start3A = arith.constant 0 : i32
      %dma_start3A_170 = tpu.memref_slice %arg11[%add3A_130, %dma_start3A] : memref<10240x8xf32, #tpu.memory_space<vmem_shared>> -> memref<64x8xf32, #tpu.memory_space<vmem_shared>>
      %dma_start3A_171 = arith.constant 0 : i32
      %dma_start3A_172 = tpu.memref_slice %arg11[%add3A_130, %dma_start3A_171] : memref<10240x8xf32, #tpu.memory_space<vmem_shared>> -> memref<64x8xf32, #tpu.memory_space<vmem_shared>>
      tpu.enqueue_dma source(%dma_start3A_172 : memref<64x8xf32, #tpu.memory_space<vmem_shared>>) target(%arg15 : memref<64x8xf32, #tpu.memory_space<vmem>>) target_semaphore(%run_scoped3A_169 : memref<!tpu.dma_semaphore, #tpu.memory_space<semaphore_mem>>)
      %dma_wait3A = arith.constant 0 : i32
      %dma_wait3A_173 = tpu.memref_slice %arg11[%add3A_130, %dma_wait3A] : memref<10240x8xf32, #tpu.memory_space<vmem_shared>> -> memref<64x8xf32, #tpu.memory_space<vmem_shared>>
      %dma_wait3A_174 = arith.constant 0 : i32
      %dma_wait3A_175 = tpu.memref_slice %arg11[%add3A_130, %dma_wait3A_174] : memref<10240x8xf32, #tpu.memory_space<vmem_shared>> -> memref<64x8xf32, #tpu.memory_space<vmem_shared>>
      tpu.wait_dma2 semaphore(%run_scoped3A_169 : memref<!tpu.dma_semaphore, #tpu.memory_space<semaphore_mem>>) src(%dma_wait3A_175 : memref<64x8xf32, #tpu.memory_space<vmem_shared>>) dst(%arg15 : memref<64x8xf32, #tpu.memory_space<vmem>>)
      tpu.yield
    }) : () -> ()
    "tpu.region"() ({
      %run_scoped3A_169 = tpu.sem_alloc : memref<!tpu.dma_semaphore, #tpu.memory_space<semaphore_mem>>
      %dma_start3A = arith.constant 0 : i32
      %dma_start3A_170 = tpu.memref_slice %arg9[%arg0, %add3A_130, %dma_start3A] : memref<2x10240x8xf32, #tpu.memory_space<hbm>> -> memref<1x64x8xf32, #tpu.memory_space<hbm>>
      %dma_start3A_171 = tpu.memref_squeeze %dma_start3A_170 : memref<1x64x8xf32, #tpu.memory_space<hbm>> -> memref<64x8xf32, #tpu.memory_space<hbm>>
      %dma_start3A_172 = arith.constant 0 : i32
      %dma_start3A_173 = tpu.memref_slice %arg9[%arg0, %add3A_130, %dma_start3A_172] : memref<2x10240x8xf32, #tpu.memory_space<hbm>> -> memref<1x64x8xf32, #tpu.memory_space<hbm>>
      %dma_start3A_174 = tpu.memref_squeeze %dma_start3A_173 : memref<1x64x8xf32, #tpu.memory_space<hbm>> -> memref<64x8xf32, #tpu.memory_space<hbm>>
      tpu.enqueue_dma source(%arg15 : memref<64x8xf32, #tpu.memory_space<vmem>>) target(%dma_start3A_174 : memref<64x8xf32, #tpu.memory_space<hbm>>) target_semaphore(%run_scoped3A_169 : memref<!tpu.dma_semaphore, #tpu.memory_space<semaphore_mem>>)
      %dma_wait3A = arith.constant 0 : i32
      %dma_wait3A_175 = tpu.memref_slice %arg9[%arg0, %add3A_130, %dma_wait3A] : memref<2x10240x8xf32, #tpu.memory_space<hbm>> -> memref<1x64x8xf32, #tpu.memory_space<hbm>>
      %dma_wait3A_176 = tpu.memref_squeeze %dma_wait3A_175 : memref<1x64x8xf32, #tpu.memory_space<hbm>> -> memref<64x8xf32, #tpu.memory_space<hbm>>
      %dma_wait3A_177 = arith.constant 0 : i32
      %dma_wait3A_178 = tpu.memref_slice %arg9[%arg0, %add3A_130, %dma_wait3A_177] : memref<2x10240x8xf32, #tpu.memory_space<hbm>> -> memref<1x64x8xf32, #tpu.memory_space<hbm>>
      %dma_wait3A_179 = tpu.memref_squeeze %dma_wait3A_178 : memref<1x64x8xf32, #tpu.memory_space<hbm>> -> memref<64x8xf32, #tpu.memory_space<hbm>>
      tpu.wait_dma2 semaphore(%run_scoped3A_169 : memref<!tpu.dma_semaphore, #tpu.memory_space<semaphore_mem>>) src(%arg15 : memref<64x8xf32, #tpu.memory_space<vmem>>) dst(%dma_wait3A_179 : memref<64x8xf32, #tpu.memory_space<hbm>>)
      tpu.yield
    }) : () -> ()
    %mul3A_133 = arith.constant 640 : i32
    %mul3A_134 = arith.muli %arg1, %mul3A_133 : i32
    %add3A_135 = arith.constant 256 : i32
    %add3A_136 = arith.addi %mul3A_134, %add3A_135 : i32
    %run_scoped3A_137 = arith.constant 0 : i32
    "tpu.region"() ({
      %run_scoped3A_169 = tpu.sem_alloc : memref<!tpu.dma_semaphore, #tpu.memory_space<semaphore_mem>>
      %dma_start3A = arith.constant 0 : i32
      %dma_start3A_170 = arith.constant 0 : i32
      %dma_start3A_171 = tpu.memref_slice %arg14[%run_scoped3A_137, %dma_start3A, %dma_start3A_170] : memref<2x64x128xf32, #tpu.memory_space<vmem>> -> memref<1x64x128xf32, #tpu.memory_space<vmem>>
      %dma_start3A_172 = tpu.memref_squeeze %dma_start3A_171 : memref<1x64x128xf32, #tpu.memory_space<vmem>> -> memref<64x128xf32, #tpu.memory_space<vmem>>
      %dma_start3A_173 = arith.constant 0 : i32
      %dma_start3A_174 = tpu.memref_slice %arg10[%add3A_136, %dma_start3A_173] : memref<10240x128xf32, #tpu.memory_space<vmem_shared>> -> memref<64x128xf32, #tpu.memory_space<vmem_shared>>
      %dma_start3A_175 = arith.constant 0 : i32
      %dma_start3A_176 = arith.constant 0 : i32
      %dma_start3A_177 = tpu.memref_slice %arg14[%run_scoped3A_137, %dma_start3A_175, %dma_start3A_176] : memref<2x64x128xf32, #tpu.memory_space<vmem>> -> memref<1x64x128xf32, #tpu.memory_space<vmem>>
      %dma_start3A_178 = tpu.memref_squeeze %dma_start3A_177 : memref<1x64x128xf32, #tpu.memory_space<vmem>> -> memref<64x128xf32, #tpu.memory_space<vmem>>
      %dma_start3A_179 = arith.constant 0 : i32
      %dma_start3A_180 = tpu.memref_slice %arg10[%add3A_136, %dma_start3A_179] : memref<10240x128xf32, #tpu.memory_space<vmem_shared>> -> memref<64x128xf32, #tpu.memory_space<vmem_shared>>
      tpu.enqueue_dma source(%dma_start3A_180 : memref<64x128xf32, #tpu.memory_space<vmem_shared>>) target(%dma_start3A_178 : memref<64x128xf32, #tpu.memory_space<vmem>>) target_semaphore(%run_scoped3A_169 : memref<!tpu.dma_semaphore, #tpu.memory_space<semaphore_mem>>)
      %dma_wait3A = arith.constant 0 : i32
      %dma_wait3A_181 = arith.constant 0 : i32
      %dma_wait3A_182 = tpu.memref_slice %arg14[%run_scoped3A_137, %dma_wait3A, %dma_wait3A_181] : memref<2x64x128xf32, #tpu.memory_space<vmem>> -> memref<1x64x128xf32, #tpu.memory_space<vmem>>
      %dma_wait3A_183 = tpu.memref_squeeze %dma_wait3A_182 : memref<1x64x128xf32, #tpu.memory_space<vmem>> -> memref<64x128xf32, #tpu.memory_space<vmem>>
      %dma_wait3A_184 = arith.constant 0 : i32
      %dma_wait3A_185 = tpu.memref_slice %arg10[%add3A_136, %dma_wait3A_184] : memref<10240x128xf32, #tpu.memory_space<vmem_shared>> -> memref<64x128xf32, #tpu.memory_space<vmem_shared>>
      %dma_wait3A_186 = arith.constant 0 : i32
      %dma_wait3A_187 = arith.constant 0 : i32
      %dma_wait3A_188 = tpu.memref_slice %arg14[%run_scoped3A_137, %dma_wait3A_186, %dma_wait3A_187] : memref<2x64x128xf32, #tpu.memory_space<vmem>> -> memref<1x64x128xf32, #tpu.memory_space<vmem>>
      %dma_wait3A_189 = tpu.memref_squeeze %dma_wait3A_188 : memref<1x64x128xf32, #tpu.memory_space<vmem>> -> memref<64x128xf32, #tpu.memory_space<vmem>>
      %dma_wait3A_190 = arith.constant 0 : i32
      %dma_wait3A_191 = tpu.memref_slice %arg10[%add3A_136, %dma_wait3A_190] : memref<10240x128xf32, #tpu.memory_space<vmem_shared>> -> memref<64x128xf32, #tpu.memory_space<vmem_shared>>
      tpu.wait_dma2 semaphore(%run_scoped3A_169 : memref<!tpu.dma_semaphore, #tpu.memory_space<semaphore_mem>>) src(%dma_wait3A_191 : memref<64x128xf32, #tpu.memory_space<vmem_shared>>) dst(%dma_wait3A_189 : memref<64x128xf32, #tpu.memory_space<vmem>>)
      tpu.yield
    }) : () -> ()
    %run_scoped3A_138 = arith.constant 0 : i32
    "tpu.region"() ({
      %run_scoped3A_169 = tpu.sem_alloc : memref<!tpu.dma_semaphore, #tpu.memory_space<semaphore_mem>>
      %dma_start3A = arith.constant 0 : i32
      %dma_start3A_170 = arith.constant 0 : i32
      %dma_start3A_171 = tpu.memref_slice %arg14[%run_scoped3A_138, %dma_start3A, %dma_start3A_170] : memref<2x64x128xf32, #tpu.memory_space<vmem>> -> memref<1x64x128xf32, #tpu.memory_space<vmem>>
      %dma_start3A_172 = tpu.memref_squeeze %dma_start3A_171 : memref<1x64x128xf32, #tpu.memory_space<vmem>> -> memref<64x128xf32, #tpu.memory_space<vmem>>
      %dma_start3A_173 = arith.constant 0 : i32
      %dma_start3A_174 = tpu.memref_slice %arg8[%arg0, %add3A_136, %dma_start3A_173] : memref<2x10240x128xf32, #tpu.memory_space<hbm>> -> memref<1x64x128xf32, #tpu.memory_space<hbm>>
      %dma_start3A_175 = tpu.memref_squeeze %dma_start3A_174 : memref<1x64x128xf32, #tpu.memory_space<hbm>> -> memref<64x128xf32, #tpu.memory_space<hbm>>
      %dma_start3A_176 = arith.constant 0 : i32
      %dma_start3A_177 = tpu.memref_slice %arg8[%arg0, %add3A_136, %dma_start3A_176] : memref<2x10240x128xf32, #tpu.memory_space<hbm>> -> memref<1x64x128xf32, #tpu.memory_space<hbm>>
      %dma_start3A_178 = tpu.memref_squeeze %dma_start3A_177 : memref<1x64x128xf32, #tpu.memory_space<hbm>> -> memref<64x128xf32, #tpu.memory_space<hbm>>
      %dma_start3A_179 = arith.constant 0 : i32
      %dma_start3A_180 = arith.constant 0 : i32
      %dma_start3A_181 = tpu.memref_slice %arg14[%run_scoped3A_138, %dma_start3A_179, %dma_start3A_180] : memref<2x64x128xf32, #tpu.memory_space<vmem>> -> memref<1x64x128xf32, #tpu.memory_space<vmem>>
      %dma_start3A_182 = tpu.memref_squeeze %dma_start3A_181 : memref<1x64x128xf32, #tpu.memory_space<vmem>> -> memref<64x128xf32, #tpu.memory_space<vmem>>
      tpu.enqueue_dma source(%dma_start3A_182 : memref<64x128xf32, #tpu.memory_space<vmem>>) target(%dma_start3A_178 : memref<64x128xf32, #tpu.memory_space<hbm>>) target_semaphore(%run_scoped3A_169 : memref<!tpu.dma_semaphore, #tpu.memory_space<semaphore_mem>>)
      %dma_wait3A = arith.constant 0 : i32
      %dma_wait3A_183 = arith.constant 0 : i32
      %dma_wait3A_184 = tpu.memref_slice %arg14[%run_scoped3A_138, %dma_wait3A, %dma_wait3A_183] : memref<2x64x128xf32, #tpu.memory_space<vmem>> -> memref<1x64x128xf32, #tpu.memory_space<vmem>>
      %dma_wait3A_185 = tpu.memref_squeeze %dma_wait3A_184 : memref<1x64x128xf32, #tpu.memory_space<vmem>> -> memref<64x128xf32, #tpu.memory_space<vmem>>
      %dma_wait3A_186 = arith.constant 0 : i32
      %dma_wait3A_187 = tpu.memref_slice %arg8[%arg0, %add3A_136, %dma_wait3A_186] : memref<2x10240x128xf32, #tpu.memory_space<hbm>> -> memref<1x64x128xf32, #tpu.memory_space<hbm>>
      %dma_wait3A_188 = tpu.memref_squeeze %dma_wait3A_187 : memref<1x64x128xf32, #tpu.memory_space<hbm>> -> memref<64x128xf32, #tpu.memory_space<hbm>>
      %dma_wait3A_189 = arith.constant 0 : i32
      %dma_wait3A_190 = tpu.memref_slice %arg8[%arg0, %add3A_136, %dma_wait3A_189] : memref<2x10240x128xf32, #tpu.memory_space<hbm>> -> memref<1x64x128xf32, #tpu.memory_space<hbm>>
      %dma_wait3A_191 = tpu.memref_squeeze %dma_wait3A_190 : memref<1x64x128xf32, #tpu.memory_space<hbm>> -> memref<64x128xf32, #tpu.memory_space<hbm>>
      %dma_wait3A_192 = arith.constant 0 : i32
      %dma_wait3A_193 = arith.constant 0 : i32
      %dma_wait3A_194 = tpu.memref_slice %arg14[%run_scoped3A_138, %dma_wait3A_192, %dma_wait3A_193] : memref<2x64x128xf32, #tpu.memory_space<vmem>> -> memref<1x64x128xf32, #tpu.memory_space<vmem>>
      %dma_wait3A_195 = tpu.memref_squeeze %dma_wait3A_194 : memref<1x64x128xf32, #tpu.memory_space<vmem>> -> memref<64x128xf32, #tpu.memory_space<vmem>>
      tpu.wait_dma2 semaphore(%run_scoped3A_169 : memref<!tpu.dma_semaphore, #tpu.memory_space<semaphore_mem>>) src(%dma_wait3A_195 : memref<64x128xf32, #tpu.memory_space<vmem>>) dst(%dma_wait3A_191 : memref<64x128xf32, #tpu.memory_space<hbm>>)
      tpu.yield
    }) : () -> ()
    "tpu.region"() ({
      %run_scoped3A_169 = tpu.sem_alloc : memref<!tpu.dma_semaphore, #tpu.memory_space<semaphore_mem>>
      %dma_start3A = arith.constant 0 : i32
      %dma_start3A_170 = tpu.memref_slice %arg11[%add3A_136, %dma_start3A] : memref<10240x8xf32, #tpu.memory_space<vmem_shared>> -> memref<64x8xf32, #tpu.memory_space<vmem_shared>>
      %dma_start3A_171 = arith.constant 0 : i32
      %dma_start3A_172 = tpu.memref_slice %arg11[%add3A_136, %dma_start3A_171] : memref<10240x8xf32, #tpu.memory_space<vmem_shared>> -> memref<64x8xf32, #tpu.memory_space<vmem_shared>>
      tpu.enqueue_dma source(%dma_start3A_172 : memref<64x8xf32, #tpu.memory_space<vmem_shared>>) target(%arg15 : memref<64x8xf32, #tpu.memory_space<vmem>>) target_semaphore(%run_scoped3A_169 : memref<!tpu.dma_semaphore, #tpu.memory_space<semaphore_mem>>)
      %dma_wait3A = arith.constant 0 : i32
      %dma_wait3A_173 = tpu.memref_slice %arg11[%add3A_136, %dma_wait3A] : memref<10240x8xf32, #tpu.memory_space<vmem_shared>> -> memref<64x8xf32, #tpu.memory_space<vmem_shared>>
      %dma_wait3A_174 = arith.constant 0 : i32
      %dma_wait3A_175 = tpu.memref_slice %arg11[%add3A_136, %dma_wait3A_174] : memref<10240x8xf32, #tpu.memory_space<vmem_shared>> -> memref<64x8xf32, #tpu.memory_space<vmem_shared>>
      tpu.wait_dma2 semaphore(%run_scoped3A_169 : memref<!tpu.dma_semaphore, #tpu.memory_space<semaphore_mem>>) src(%dma_wait3A_175 : memref<64x8xf32, #tpu.memory_space<vmem_shared>>) dst(%arg15 : memref<64x8xf32, #tpu.memory_space<vmem>>)
      tpu.yield
    }) : () -> ()
    "tpu.region"() ({
      %run_scoped3A_169 = tpu.sem_alloc : memref<!tpu.dma_semaphore, #tpu.memory_space<semaphore_mem>>
      %dma_start3A = arith.constant 0 : i32
      %dma_start3A_170 = tpu.memref_slice %arg9[%arg0, %add3A_136, %dma_start3A] : memref<2x10240x8xf32, #tpu.memory_space<hbm>> -> memref<1x64x8xf32, #tpu.memory_space<hbm>>
      %dma_start3A_171 = tpu.memref_squeeze %dma_start3A_170 : memref<1x64x8xf32, #tpu.memory_space<hbm>> -> memref<64x8xf32, #tpu.memory_space<hbm>>
      %dma_start3A_172 = arith.constant 0 : i32
      %dma_start3A_173 = tpu.memref_slice %arg9[%arg0, %add3A_136, %dma_start3A_172] : memref<2x10240x8xf32, #tpu.memory_space<hbm>> -> memref<1x64x8xf32, #tpu.memory_space<hbm>>
      %dma_start3A_174 = tpu.memref_squeeze %dma_start3A_173 : memref<1x64x8xf32, #tpu.memory_space<hbm>> -> memref<64x8xf32, #tpu.memory_space<hbm>>
      tpu.enqueue_dma source(%arg15 : memref<64x8xf32, #tpu.memory_space<vmem>>) target(%dma_start3A_174 : memref<64x8xf32, #tpu.memory_space<hbm>>) target_semaphore(%run_scoped3A_169 : memref<!tpu.dma_semaphore, #tpu.memory_space<semaphore_mem>>)
      %dma_wait3A = arith.constant 0 : i32
      %dma_wait3A_175 = tpu.memref_slice %arg9[%arg0, %add3A_136, %dma_wait3A] : memref<2x10240x8xf32, #tpu.memory_space<hbm>> -> memref<1x64x8xf32, #tpu.memory_space<hbm>>
      %dma_wait3A_176 = tpu.memref_squeeze %dma_wait3A_175 : memref<1x64x8xf32, #tpu.memory_space<hbm>> -> memref<64x8xf32, #tpu.memory_space<hbm>>
      %dma_wait3A_177 = arith.constant 0 : i32
      %dma_wait3A_178 = tpu.memref_slice %arg9[%arg0, %add3A_136, %dma_wait3A_177] : memref<2x10240x8xf32, #tpu.memory_space<hbm>> -> memref<1x64x8xf32, #tpu.memory_space<hbm>>
      %dma_wait3A_179 = tpu.memref_squeeze %dma_wait3A_178 : memref<1x64x8xf32, #tpu.memory_space<hbm>> -> memref<64x8xf32, #tpu.memory_space<hbm>>
      tpu.wait_dma2 semaphore(%run_scoped3A_169 : memref<!tpu.dma_semaphore, #tpu.memory_space<semaphore_mem>>) src(%arg15 : memref<64x8xf32, #tpu.memory_space<vmem>>) dst(%dma_wait3A_179 : memref<64x8xf32, #tpu.memory_space<hbm>>)
      tpu.yield
    }) : () -> ()
    %mul3A_139 = arith.constant 640 : i32
    %mul3A_140 = arith.muli %arg1, %mul3A_139 : i32
    %add3A_141 = arith.constant 320 : i32
    %add3A_142 = arith.addi %mul3A_140, %add3A_141 : i32
    %run_scoped3A_143 = arith.constant 0 : i32
    "tpu.region"() ({
      %run_scoped3A_169 = tpu.sem_alloc : memref<!tpu.dma_semaphore, #tpu.memory_space<semaphore_mem>>
      %dma_start3A = arith.constant 0 : i32
      %dma_start3A_170 = arith.constant 0 : i32
      %dma_start3A_171 = tpu.memref_slice %arg14[%run_scoped3A_143, %dma_start3A, %dma_start3A_170] : memref<2x64x128xf32, #tpu.memory_space<vmem>> -> memref<1x64x128xf32, #tpu.memory_space<vmem>>
      %dma_start3A_172 = tpu.memref_squeeze %dma_start3A_171 : memref<1x64x128xf32, #tpu.memory_space<vmem>> -> memref<64x128xf32, #tpu.memory_space<vmem>>
      %dma_start3A_173 = arith.constant 0 : i32
      %dma_start3A_174 = tpu.memref_slice %arg10[%add3A_142, %dma_start3A_173] : memref<10240x128xf32, #tpu.memory_space<vmem_shared>> -> memref<64x128xf32, #tpu.memory_space<vmem_shared>>
      %dma_start3A_175 = arith.constant 0 : i32
      %dma_start3A_176 = arith.constant 0 : i32
      %dma_start3A_177 = tpu.memref_slice %arg14[%run_scoped3A_143, %dma_start3A_175, %dma_start3A_176] : memref<2x64x128xf32, #tpu.memory_space<vmem>> -> memref<1x64x128xf32, #tpu.memory_space<vmem>>
      %dma_start3A_178 = tpu.memref_squeeze %dma_start3A_177 : memref<1x64x128xf32, #tpu.memory_space<vmem>> -> memref<64x128xf32, #tpu.memory_space<vmem>>
      %dma_start3A_179 = arith.constant 0 : i32
      %dma_start3A_180 = tpu.memref_slice %arg10[%add3A_142, %dma_start3A_179] : memref<10240x128xf32, #tpu.memory_space<vmem_shared>> -> memref<64x128xf32, #tpu.memory_space<vmem_shared>>
      tpu.enqueue_dma source(%dma_start3A_180 : memref<64x128xf32, #tpu.memory_space<vmem_shared>>) target(%dma_start3A_178 : memref<64x128xf32, #tpu.memory_space<vmem>>) target_semaphore(%run_scoped3A_169 : memref<!tpu.dma_semaphore, #tpu.memory_space<semaphore_mem>>)
      %dma_wait3A = arith.constant 0 : i32
      %dma_wait3A_181 = arith.constant 0 : i32
      %dma_wait3A_182 = tpu.memref_slice %arg14[%run_scoped3A_143, %dma_wait3A, %dma_wait3A_181] : memref<2x64x128xf32, #tpu.memory_space<vmem>> -> memref<1x64x128xf32, #tpu.memory_space<vmem>>
      %dma_wait3A_183 = tpu.memref_squeeze %dma_wait3A_182 : memref<1x64x128xf32, #tpu.memory_space<vmem>> -> memref<64x128xf32, #tpu.memory_space<vmem>>
      %dma_wait3A_184 = arith.constant 0 : i32
      %dma_wait3A_185 = tpu.memref_slice %arg10[%add3A_142, %dma_wait3A_184] : memref<10240x128xf32, #tpu.memory_space<vmem_shared>> -> memref<64x128xf32, #tpu.memory_space<vmem_shared>>
      %dma_wait3A_186 = arith.constant 0 : i32
      %dma_wait3A_187 = arith.constant 0 : i32
      %dma_wait3A_188 = tpu.memref_slice %arg14[%run_scoped3A_143, %dma_wait3A_186, %dma_wait3A_187] : memref<2x64x128xf32, #tpu.memory_space<vmem>> -> memref<1x64x128xf32, #tpu.memory_space<vmem>>
      %dma_wait3A_189 = tpu.memref_squeeze %dma_wait3A_188 : memref<1x64x128xf32, #tpu.memory_space<vmem>> -> memref<64x128xf32, #tpu.memory_space<vmem>>
      %dma_wait3A_190 = arith.constant 0 : i32
      %dma_wait3A_191 = tpu.memref_slice %arg10[%add3A_142, %dma_wait3A_190] : memref<10240x128xf32, #tpu.memory_space<vmem_shared>> -> memref<64x128xf32, #tpu.memory_space<vmem_shared>>
      tpu.wait_dma2 semaphore(%run_scoped3A_169 : memref<!tpu.dma_semaphore, #tpu.memory_space<semaphore_mem>>) src(%dma_wait3A_191 : memref<64x128xf32, #tpu.memory_space<vmem_shared>>) dst(%dma_wait3A_189 : memref<64x128xf32, #tpu.memory_space<vmem>>)
      tpu.yield
    }) : () -> ()
    %run_scoped3A_144 = arith.constant 0 : i32
    "tpu.region"() ({
      %run_scoped3A_169 = tpu.sem_alloc : memref<!tpu.dma_semaphore, #tpu.memory_space<semaphore_mem>>
      %dma_start3A = arith.constant 0 : i32
      %dma_start3A_170 = arith.constant 0 : i32
      %dma_start3A_171 = tpu.memref_slice %arg14[%run_scoped3A_144, %dma_start3A, %dma_start3A_170] : memref<2x64x128xf32, #tpu.memory_space<vmem>> -> memref<1x64x128xf32, #tpu.memory_space<vmem>>
      %dma_start3A_172 = tpu.memref_squeeze %dma_start3A_171 : memref<1x64x128xf32, #tpu.memory_space<vmem>> -> memref<64x128xf32, #tpu.memory_space<vmem>>
      %dma_start3A_173 = arith.constant 0 : i32
      %dma_start3A_174 = tpu.memref_slice %arg8[%arg0, %add3A_142, %dma_start3A_173] : memref<2x10240x128xf32, #tpu.memory_space<hbm>> -> memref<1x64x128xf32, #tpu.memory_space<hbm>>
      %dma_start3A_175 = tpu.memref_squeeze %dma_start3A_174 : memref<1x64x128xf32, #tpu.memory_space<hbm>> -> memref<64x128xf32, #tpu.memory_space<hbm>>
      %dma_start3A_176 = arith.constant 0 : i32
      %dma_start3A_177 = tpu.memref_slice %arg8[%arg0, %add3A_142, %dma_start3A_176] : memref<2x10240x128xf32, #tpu.memory_space<hbm>> -> memref<1x64x128xf32, #tpu.memory_space<hbm>>
      %dma_start3A_178 = tpu.memref_squeeze %dma_start3A_177 : memref<1x64x128xf32, #tpu.memory_space<hbm>> -> memref<64x128xf32, #tpu.memory_space<hbm>>
      %dma_start3A_179 = arith.constant 0 : i32
      %dma_start3A_180 = arith.constant 0 : i32
      %dma_start3A_181 = tpu.memref_slice %arg14[%run_scoped3A_144, %dma_start3A_179, %dma_start3A_180] : memref<2x64x128xf32, #tpu.memory_space<vmem>> -> memref<1x64x128xf32, #tpu.memory_space<vmem>>
      %dma_start3A_182 = tpu.memref_squeeze %dma_start3A_181 : memref<1x64x128xf32, #tpu.memory_space<vmem>> -> memref<64x128xf32, #tpu.memory_space<vmem>>
      tpu.enqueue_dma source(%dma_start3A_182 : memref<64x128xf32, #tpu.memory_space<vmem>>) target(%dma_start3A_178 : memref<64x128xf32, #tpu.memory_space<hbm>>) target_semaphore(%run_scoped3A_169 : memref<!tpu.dma_semaphore, #tpu.memory_space<semaphore_mem>>)
      %dma_wait3A = arith.constant 0 : i32
      %dma_wait3A_183 = arith.constant 0 : i32
      %dma_wait3A_184 = tpu.memref_slice %arg14[%run_scoped3A_144, %dma_wait3A, %dma_wait3A_183] : memref<2x64x128xf32, #tpu.memory_space<vmem>> -> memref<1x64x128xf32, #tpu.memory_space<vmem>>
      %dma_wait3A_185 = tpu.memref_squeeze %dma_wait3A_184 : memref<1x64x128xf32, #tpu.memory_space<vmem>> -> memref<64x128xf32, #tpu.memory_space<vmem>>
      %dma_wait3A_186 = arith.constant 0 : i32
      %dma_wait3A_187 = tpu.memref_slice %arg8[%arg0, %add3A_142, %dma_wait3A_186] : memref<2x10240x128xf32, #tpu.memory_space<hbm>> -> memref<1x64x128xf32, #tpu.memory_space<hbm>>
      %dma_wait3A_188 = tpu.memref_squeeze %dma_wait3A_187 : memref<1x64x128xf32, #tpu.memory_space<hbm>> -> memref<64x128xf32, #tpu.memory_space<hbm>>
      %dma_wait3A_189 = arith.constant 0 : i32
      %dma_wait3A_190 = tpu.memref_slice %arg8[%arg0, %add3A_142, %dma_wait3A_189] : memref<2x10240x128xf32, #tpu.memory_space<hbm>> -> memref<1x64x128xf32, #tpu.memory_space<hbm>>
      %dma_wait3A_191 = tpu.memref_squeeze %dma_wait3A_190 : memref<1x64x128xf32, #tpu.memory_space<hbm>> -> memref<64x128xf32, #tpu.memory_space<hbm>>
      %dma_wait3A_192 = arith.constant 0 : i32
      %dma_wait3A_193 = arith.constant 0 : i32
      %dma_wait3A_194 = tpu.memref_slice %arg14[%run_scoped3A_144, %dma_wait3A_192, %dma_wait3A_193] : memref<2x64x128xf32, #tpu.memory_space<vmem>> -> memref<1x64x128xf32, #tpu.memory_space<vmem>>
      %dma_wait3A_195 = tpu.memref_squeeze %dma_wait3A_194 : memref<1x64x128xf32, #tpu.memory_space<vmem>> -> memref<64x128xf32, #tpu.memory_space<vmem>>
      tpu.wait_dma2 semaphore(%run_scoped3A_169 : memref<!tpu.dma_semaphore, #tpu.memory_space<semaphore_mem>>) src(%dma_wait3A_195 : memref<64x128xf32, #tpu.memory_space<vmem>>) dst(%dma_wait3A_191 : memref<64x128xf32, #tpu.memory_space<hbm>>)
      tpu.yield
    }) : () -> ()
    "tpu.region"() ({
      %run_scoped3A_169 = tpu.sem_alloc : memref<!tpu.dma_semaphore, #tpu.memory_space<semaphore_mem>>
      %dma_start3A = arith.constant 0 : i32
      %dma_start3A_170 = tpu.memref_slice %arg11[%add3A_142, %dma_start3A] : memref<10240x8xf32, #tpu.memory_space<vmem_shared>> -> memref<64x8xf32, #tpu.memory_space<vmem_shared>>
      %dma_start3A_171 = arith.constant 0 : i32
      %dma_start3A_172 = tpu.memref_slice %arg11[%add3A_142, %dma_start3A_171] : memref<10240x8xf32, #tpu.memory_space<vmem_shared>> -> memref<64x8xf32, #tpu.memory_space<vmem_shared>>
      tpu.enqueue_dma source(%dma_start3A_172 : memref<64x8xf32, #tpu.memory_space<vmem_shared>>) target(%arg15 : memref<64x8xf32, #tpu.memory_space<vmem>>) target_semaphore(%run_scoped3A_169 : memref<!tpu.dma_semaphore, #tpu.memory_space<semaphore_mem>>)
      %dma_wait3A = arith.constant 0 : i32
      %dma_wait3A_173 = tpu.memref_slice %arg11[%add3A_142, %dma_wait3A] : memref<10240x8xf32, #tpu.memory_space<vmem_shared>> -> memref<64x8xf32, #tpu.memory_space<vmem_shared>>
      %dma_wait3A_174 = arith.constant 0 : i32
      %dma_wait3A_175 = tpu.memref_slice %arg11[%add3A_142, %dma_wait3A_174] : memref<10240x8xf32, #tpu.memory_space<vmem_shared>> -> memref<64x8xf32, #tpu.memory_space<vmem_shared>>
      tpu.wait_dma2 semaphore(%run_scoped3A_169 : memref<!tpu.dma_semaphore, #tpu.memory_space<semaphore_mem>>) src(%dma_wait3A_175 : memref<64x8xf32, #tpu.memory_space<vmem_shared>>) dst(%arg15 : memref<64x8xf32, #tpu.memory_space<vmem>>)
      tpu.yield
    }) : () -> ()
    "tpu.region"() ({
      %run_scoped3A_169 = tpu.sem_alloc : memref<!tpu.dma_semaphore, #tpu.memory_space<semaphore_mem>>
      %dma_start3A = arith.constant 0 : i32
      %dma_start3A_170 = tpu.memref_slice %arg9[%arg0, %add3A_142, %dma_start3A] : memref<2x10240x8xf32, #tpu.memory_space<hbm>> -> memref<1x64x8xf32, #tpu.memory_space<hbm>>
      %dma_start3A_171 = tpu.memref_squeeze %dma_start3A_170 : memref<1x64x8xf32, #tpu.memory_space<hbm>> -> memref<64x8xf32, #tpu.memory_space<hbm>>
      %dma_start3A_172 = arith.constant 0 : i32
      %dma_start3A_173 = tpu.memref_slice %arg9[%arg0, %add3A_142, %dma_start3A_172] : memref<2x10240x8xf32, #tpu.memory_space<hbm>> -> memref<1x64x8xf32, #tpu.memory_space<hbm>>
      %dma_start3A_174 = tpu.memref_squeeze %dma_start3A_173 : memref<1x64x8xf32, #tpu.memory_space<hbm>> -> memref<64x8xf32, #tpu.memory_space<hbm>>
      tpu.enqueue_dma source(%arg15 : memref<64x8xf32, #tpu.memory_space<vmem>>) target(%dma_start3A_174 : memref<64x8xf32, #tpu.memory_space<hbm>>) target_semaphore(%run_scoped3A_169 : memref<!tpu.dma_semaphore, #tpu.memory_space<semaphore_mem>>)
      %dma_wait3A = arith.constant 0 : i32
      %dma_wait3A_175 = tpu.memref_slice %arg9[%arg0, %add3A_142, %dma_wait3A] : memref<2x10240x8xf32, #tpu.memory_space<hbm>> -> memref<1x64x8xf32, #tpu.memory_space<hbm>>
      %dma_wait3A_176 = tpu.memref_squeeze %dma_wait3A_175 : memref<1x64x8xf32, #tpu.memory_space<hbm>> -> memref<64x8xf32, #tpu.memory_space<hbm>>
      %dma_wait3A_177 = arith.constant 0 : i32
      %dma_wait3A_178 = tpu.memref_slice %arg9[%arg0, %add3A_142, %dma_wait3A_177] : memref<2x10240x8xf32, #tpu.memory_space<hbm>> -> memref<1x64x8xf32, #tpu.memory_space<hbm>>
      %dma_wait3A_179 = tpu.memref_squeeze %dma_wait3A_178 : memref<1x64x8xf32, #tpu.memory_space<hbm>> -> memref<64x8xf32, #tpu.memory_space<hbm>>
      tpu.wait_dma2 semaphore(%run_scoped3A_169 : memref<!tpu.dma_semaphore, #tpu.memory_space<semaphore_mem>>) src(%arg15 : memref<64x8xf32, #tpu.memory_space<vmem>>) dst(%dma_wait3A_179 : memref<64x8xf32, #tpu.memory_space<hbm>>)
      tpu.yield
    }) : () -> ()
    %mul3A_145 = arith.constant 640 : i32
    %mul3A_146 = arith.muli %arg1, %mul3A_145 : i32
    %add3A_147 = arith.constant 384 : i32
    %add3A_148 = arith.addi %mul3A_146, %add3A_147 : i32
    %run_scoped3A_149 = arith.constant 0 : i32
    "tpu.region"() ({
      %run_scoped3A_169 = tpu.sem_alloc : memref<!tpu.dma_semaphore, #tpu.memory_space<semaphore_mem>>
      %dma_start3A = arith.constant 0 : i32
      %dma_start3A_170 = arith.constant 0 : i32
      %dma_start3A_171 = tpu.memref_slice %arg14[%run_scoped3A_149, %dma_start3A, %dma_start3A_170] : memref<2x64x128xf32, #tpu.memory_space<vmem>> -> memref<1x64x128xf32, #tpu.memory_space<vmem>>
      %dma_start3A_172 = tpu.memref_squeeze %dma_start3A_171 : memref<1x64x128xf32, #tpu.memory_space<vmem>> -> memref<64x128xf32, #tpu.memory_space<vmem>>
      %dma_start3A_173 = arith.constant 0 : i32
      %dma_start3A_174 = tpu.memref_slice %arg10[%add3A_148, %dma_start3A_173] : memref<10240x128xf32, #tpu.memory_space<vmem_shared>> -> memref<64x128xf32, #tpu.memory_space<vmem_shared>>
      %dma_start3A_175 = arith.constant 0 : i32
      %dma_start3A_176 = arith.constant 0 : i32
      %dma_start3A_177 = tpu.memref_slice %arg14[%run_scoped3A_149, %dma_start3A_175, %dma_start3A_176] : memref<2x64x128xf32, #tpu.memory_space<vmem>> -> memref<1x64x128xf32, #tpu.memory_space<vmem>>
      %dma_start3A_178 = tpu.memref_squeeze %dma_start3A_177 : memref<1x64x128xf32, #tpu.memory_space<vmem>> -> memref<64x128xf32, #tpu.memory_space<vmem>>
      %dma_start3A_179 = arith.constant 0 : i32
      %dma_start3A_180 = tpu.memref_slice %arg10[%add3A_148, %dma_start3A_179] : memref<10240x128xf32, #tpu.memory_space<vmem_shared>> -> memref<64x128xf32, #tpu.memory_space<vmem_shared>>
      tpu.enqueue_dma source(%dma_start3A_180 : memref<64x128xf32, #tpu.memory_space<vmem_shared>>) target(%dma_start3A_178 : memref<64x128xf32, #tpu.memory_space<vmem>>) target_semaphore(%run_scoped3A_169 : memref<!tpu.dma_semaphore, #tpu.memory_space<semaphore_mem>>)
      %dma_wait3A = arith.constant 0 : i32
      %dma_wait3A_181 = arith.constant 0 : i32
      %dma_wait3A_182 = tpu.memref_slice %arg14[%run_scoped3A_149, %dma_wait3A, %dma_wait3A_181] : memref<2x64x128xf32, #tpu.memory_space<vmem>> -> memref<1x64x128xf32, #tpu.memory_space<vmem>>
      %dma_wait3A_183 = tpu.memref_squeeze %dma_wait3A_182 : memref<1x64x128xf32, #tpu.memory_space<vmem>> -> memref<64x128xf32, #tpu.memory_space<vmem>>
      %dma_wait3A_184 = arith.constant 0 : i32
      %dma_wait3A_185 = tpu.memref_slice %arg10[%add3A_148, %dma_wait3A_184] : memref<10240x128xf32, #tpu.memory_space<vmem_shared>> -> memref<64x128xf32, #tpu.memory_space<vmem_shared>>
      %dma_wait3A_186 = arith.constant 0 : i32
      %dma_wait3A_187 = arith.constant 0 : i32
      %dma_wait3A_188 = tpu.memref_slice %arg14[%run_scoped3A_149, %dma_wait3A_186, %dma_wait3A_187] : memref<2x64x128xf32, #tpu.memory_space<vmem>> -> memref<1x64x128xf32, #tpu.memory_space<vmem>>
      %dma_wait3A_189 = tpu.memref_squeeze %dma_wait3A_188 : memref<1x64x128xf32, #tpu.memory_space<vmem>> -> memref<64x128xf32, #tpu.memory_space<vmem>>
      %dma_wait3A_190 = arith.constant 0 : i32
      %dma_wait3A_191 = tpu.memref_slice %arg10[%add3A_148, %dma_wait3A_190] : memref<10240x128xf32, #tpu.memory_space<vmem_shared>> -> memref<64x128xf32, #tpu.memory_space<vmem_shared>>
      tpu.wait_dma2 semaphore(%run_scoped3A_169 : memref<!tpu.dma_semaphore, #tpu.memory_space<semaphore_mem>>) src(%dma_wait3A_191 : memref<64x128xf32, #tpu.memory_space<vmem_shared>>) dst(%dma_wait3A_189 : memref<64x128xf32, #tpu.memory_space<vmem>>)
      tpu.yield
    }) : () -> ()
    %run_scoped3A_150 = arith.constant 0 : i32
    "tpu.region"() ({
      %run_scoped3A_169 = tpu.sem_alloc : memref<!tpu.dma_semaphore, #tpu.memory_space<semaphore_mem>>
      %dma_start3A = arith.constant 0 : i32
      %dma_start3A_170 = arith.constant 0 : i32
      %dma_start3A_171 = tpu.memref_slice %arg14[%run_scoped3A_150, %dma_start3A, %dma_start3A_170] : memref<2x64x128xf32, #tpu.memory_space<vmem>> -> memref<1x64x128xf32, #tpu.memory_space<vmem>>
      %dma_start3A_172 = tpu.memref_squeeze %dma_start3A_171 : memref<1x64x128xf32, #tpu.memory_space<vmem>> -> memref<64x128xf32, #tpu.memory_space<vmem>>
      %dma_start3A_173 = arith.constant 0 : i32
      %dma_start3A_174 = tpu.memref_slice %arg8[%arg0, %add3A_148, %dma_start3A_173] : memref<2x10240x128xf32, #tpu.memory_space<hbm>> -> memref<1x64x128xf32, #tpu.memory_space<hbm>>
      %dma_start3A_175 = tpu.memref_squeeze %dma_start3A_174 : memref<1x64x128xf32, #tpu.memory_space<hbm>> -> memref<64x128xf32, #tpu.memory_space<hbm>>
      %dma_start3A_176 = arith.constant 0 : i32
      %dma_start3A_177 = tpu.memref_slice %arg8[%arg0, %add3A_148, %dma_start3A_176] : memref<2x10240x128xf32, #tpu.memory_space<hbm>> -> memref<1x64x128xf32, #tpu.memory_space<hbm>>
      %dma_start3A_178 = tpu.memref_squeeze %dma_start3A_177 : memref<1x64x128xf32, #tpu.memory_space<hbm>> -> memref<64x128xf32, #tpu.memory_space<hbm>>
      %dma_start3A_179 = arith.constant 0 : i32
      %dma_start3A_180 = arith.constant 0 : i32
      %dma_start3A_181 = tpu.memref_slice %arg14[%run_scoped3A_150, %dma_start3A_179, %dma_start3A_180] : memref<2x64x128xf32, #tpu.memory_space<vmem>> -> memref<1x64x128xf32, #tpu.memory_space<vmem>>
      %dma_start3A_182 = tpu.memref_squeeze %dma_start3A_181 : memref<1x64x128xf32, #tpu.memory_space<vmem>> -> memref<64x128xf32, #tpu.memory_space<vmem>>
      tpu.enqueue_dma source(%dma_start3A_182 : memref<64x128xf32, #tpu.memory_space<vmem>>) target(%dma_start3A_178 : memref<64x128xf32, #tpu.memory_space<hbm>>) target_semaphore(%run_scoped3A_169 : memref<!tpu.dma_semaphore, #tpu.memory_space<semaphore_mem>>)
      %dma_wait3A = arith.constant 0 : i32
      %dma_wait3A_183 = arith.constant 0 : i32
      %dma_wait3A_184 = tpu.memref_slice %arg14[%run_scoped3A_150, %dma_wait3A, %dma_wait3A_183] : memref<2x64x128xf32, #tpu.memory_space<vmem>> -> memref<1x64x128xf32, #tpu.memory_space<vmem>>
      %dma_wait3A_185 = tpu.memref_squeeze %dma_wait3A_184 : memref<1x64x128xf32, #tpu.memory_space<vmem>> -> memref<64x128xf32, #tpu.memory_space<vmem>>
      %dma_wait3A_186 = arith.constant 0 : i32
      %dma_wait3A_187 = tpu.memref_slice %arg8[%arg0, %add3A_148, %dma_wait3A_186] : memref<2x10240x128xf32, #tpu.memory_space<hbm>> -> memref<1x64x128xf32, #tpu.memory_space<hbm>>
      %dma_wait3A_188 = tpu.memref_squeeze %dma_wait3A_187 : memref<1x64x128xf32, #tpu.memory_space<hbm>> -> memref<64x128xf32, #tpu.memory_space<hbm>>
      %dma_wait3A_189 = arith.constant 0 : i32
      %dma_wait3A_190 = tpu.memref_slice %arg8[%arg0, %add3A_148, %dma_wait3A_189] : memref<2x10240x128xf32, #tpu.memory_space<hbm>> -> memref<1x64x128xf32, #tpu.memory_space<hbm>>
      %dma_wait3A_191 = tpu.memref_squeeze %dma_wait3A_190 : memref<1x64x128xf32, #tpu.memory_space<hbm>> -> memref<64x128xf32, #tpu.memory_space<hbm>>
      %dma_wait3A_192 = arith.constant 0 : i32
      %dma_wait3A_193 = arith.constant 0 : i32
      %dma_wait3A_194 = tpu.memref_slice %arg14[%run_scoped3A_150, %dma_wait3A_192, %dma_wait3A_193] : memref<2x64x128xf32, #tpu.memory_space<vmem>> -> memref<1x64x128xf32, #tpu.memory_space<vmem>>
      %dma_wait3A_195 = tpu.memref_squeeze %dma_wait3A_194 : memref<1x64x128xf32, #tpu.memory_space<vmem>> -> memref<64x128xf32, #tpu.memory_space<vmem>>
      tpu.wait_dma2 semaphore(%run_scoped3A_169 : memref<!tpu.dma_semaphore, #tpu.memory_space<semaphore_mem>>) src(%dma_wait3A_195 : memref<64x128xf32, #tpu.memory_space<vmem>>) dst(%dma_wait3A_191 : memref<64x128xf32, #tpu.memory_space<hbm>>)
      tpu.yield
    }) : () -> ()
    "tpu.region"() ({
      %run_scoped3A_169 = tpu.sem_alloc : memref<!tpu.dma_semaphore, #tpu.memory_space<semaphore_mem>>
      %dma_start3A = arith.constant 0 : i32
      %dma_start3A_170 = tpu.memref_slice %arg11[%add3A_148, %dma_start3A] : memref<10240x8xf32, #tpu.memory_space<vmem_shared>> -> memref<64x8xf32, #tpu.memory_space<vmem_shared>>
      %dma_start3A_171 = arith.constant 0 : i32
      %dma_start3A_172 = tpu.memref_slice %arg11[%add3A_148, %dma_start3A_171] : memref<10240x8xf32, #tpu.memory_space<vmem_shared>> -> memref<64x8xf32, #tpu.memory_space<vmem_shared>>
      tpu.enqueue_dma source(%dma_start3A_172 : memref<64x8xf32, #tpu.memory_space<vmem_shared>>) target(%arg15 : memref<64x8xf32, #tpu.memory_space<vmem>>) target_semaphore(%run_scoped3A_169 : memref<!tpu.dma_semaphore, #tpu.memory_space<semaphore_mem>>)
      %dma_wait3A = arith.constant 0 : i32
      %dma_wait3A_173 = tpu.memref_slice %arg11[%add3A_148, %dma_wait3A] : memref<10240x8xf32, #tpu.memory_space<vmem_shared>> -> memref<64x8xf32, #tpu.memory_space<vmem_shared>>
      %dma_wait3A_174 = arith.constant 0 : i32
      %dma_wait3A_175 = tpu.memref_slice %arg11[%add3A_148, %dma_wait3A_174] : memref<10240x8xf32, #tpu.memory_space<vmem_shared>> -> memref<64x8xf32, #tpu.memory_space<vmem_shared>>
      tpu.wait_dma2 semaphore(%run_scoped3A_169 : memref<!tpu.dma_semaphore, #tpu.memory_space<semaphore_mem>>) src(%dma_wait3A_175 : memref<64x8xf32, #tpu.memory_space<vmem_shared>>) dst(%arg15 : memref<64x8xf32, #tpu.memory_space<vmem>>)
      tpu.yield
    }) : () -> ()
    "tpu.region"() ({
      %run_scoped3A_169 = tpu.sem_alloc : memref<!tpu.dma_semaphore, #tpu.memory_space<semaphore_mem>>
      %dma_start3A = arith.constant 0 : i32
      %dma_start3A_170 = tpu.memref_slice %arg9[%arg0, %add3A_148, %dma_start3A] : memref<2x10240x8xf32, #tpu.memory_space<hbm>> -> memref<1x64x8xf32, #tpu.memory_space<hbm>>
      %dma_start3A_171 = tpu.memref_squeeze %dma_start3A_170 : memref<1x64x8xf32, #tpu.memory_space<hbm>> -> memref<64x8xf32, #tpu.memory_space<hbm>>
      %dma_start3A_172 = arith.constant 0 : i32
      %dma_start3A_173 = tpu.memref_slice %arg9[%arg0, %add3A_148, %dma_start3A_172] : memref<2x10240x8xf32, #tpu.memory_space<hbm>> -> memref<1x64x8xf32, #tpu.memory_space<hbm>>
      %dma_start3A_174 = tpu.memref_squeeze %dma_start3A_173 : memref<1x64x8xf32, #tpu.memory_space<hbm>> -> memref<64x8xf32, #tpu.memory_space<hbm>>
      tpu.enqueue_dma source(%arg15 : memref<64x8xf32, #tpu.memory_space<vmem>>) target(%dma_start3A_174 : memref<64x8xf32, #tpu.memory_space<hbm>>) target_semaphore(%run_scoped3A_169 : memref<!tpu.dma_semaphore, #tpu.memory_space<semaphore_mem>>)
      %dma_wait3A = arith.constant 0 : i32
      %dma_wait3A_175 = tpu.memref_slice %arg9[%arg0, %add3A_148, %dma_wait3A] : memref<2x10240x8xf32, #tpu.memory_space<hbm>> -> memref<1x64x8xf32, #tpu.memory_space<hbm>>
      %dma_wait3A_176 = tpu.memref_squeeze %dma_wait3A_175 : memref<1x64x8xf32, #tpu.memory_space<hbm>> -> memref<64x8xf32, #tpu.memory_space<hbm>>
      %dma_wait3A_177 = arith.constant 0 : i32
      %dma_wait3A_178 = tpu.memref_slice %arg9[%arg0, %add3A_148, %dma_wait3A_177] : memref<2x10240x8xf32, #tpu.memory_space<hbm>> -> memref<1x64x8xf32, #tpu.memory_space<hbm>>
      %dma_wait3A_179 = tpu.memref_squeeze %dma_wait3A_178 : memref<1x64x8xf32, #tpu.memory_space<hbm>> -> memref<64x8xf32, #tpu.memory_space<hbm>>
      tpu.wait_dma2 semaphore(%run_scoped3A_169 : memref<!tpu.dma_semaphore, #tpu.memory_space<semaphore_mem>>) src(%arg15 : memref<64x8xf32, #tpu.memory_space<vmem>>) dst(%dma_wait3A_179 : memref<64x8xf32, #tpu.memory_space<hbm>>)
      tpu.yield
    }) : () -> ()
    %mul3A_151 = arith.constant 640 : i32
    %mul3A_152 = arith.muli %arg1, %mul3A_151 : i32
    %add3A_153 = arith.constant 448 : i32
    %add3A_154 = arith.addi %mul3A_152, %add3A_153 : i32
    %run_scoped3A_155 = arith.constant 0 : i32
    "tpu.region"() ({
      %run_scoped3A_169 = tpu.sem_alloc : memref<!tpu.dma_semaphore, #tpu.memory_space<semaphore_mem>>
      %dma_start3A = arith.constant 0 : i32
      %dma_start3A_170 = arith.constant 0 : i32
      %dma_start3A_171 = tpu.memref_slice %arg14[%run_scoped3A_155, %dma_start3A, %dma_start3A_170] : memref<2x64x128xf32, #tpu.memory_space<vmem>> -> memref<1x64x128xf32, #tpu.memory_space<vmem>>
      %dma_start3A_172 = tpu.memref_squeeze %dma_start3A_171 : memref<1x64x128xf32, #tpu.memory_space<vmem>> -> memref<64x128xf32, #tpu.memory_space<vmem>>
      %dma_start3A_173 = arith.constant 0 : i32
      %dma_start3A_174 = tpu.memref_slice %arg10[%add3A_154, %dma_start3A_173] : memref<10240x128xf32, #tpu.memory_space<vmem_shared>> -> memref<64x128xf32, #tpu.memory_space<vmem_shared>>
      %dma_start3A_175 = arith.constant 0 : i32
      %dma_start3A_176 = arith.constant 0 : i32
      %dma_start3A_177 = tpu.memref_slice %arg14[%run_scoped3A_155, %dma_start3A_175, %dma_start3A_176] : memref<2x64x128xf32, #tpu.memory_space<vmem>> -> memref<1x64x128xf32, #tpu.memory_space<vmem>>
      %dma_start3A_178 = tpu.memref_squeeze %dma_start3A_177 : memref<1x64x128xf32, #tpu.memory_space<vmem>> -> memref<64x128xf32, #tpu.memory_space<vmem>>
      %dma_start3A_179 = arith.constant 0 : i32
      %dma_start3A_180 = tpu.memref_slice %arg10[%add3A_154, %dma_start3A_179] : memref<10240x128xf32, #tpu.memory_space<vmem_shared>> -> memref<64x128xf32, #tpu.memory_space<vmem_shared>>
      tpu.enqueue_dma source(%dma_start3A_180 : memref<64x128xf32, #tpu.memory_space<vmem_shared>>) target(%dma_start3A_178 : memref<64x128xf32, #tpu.memory_space<vmem>>) target_semaphore(%run_scoped3A_169 : memref<!tpu.dma_semaphore, #tpu.memory_space<semaphore_mem>>)
      %dma_wait3A = arith.constant 0 : i32
      %dma_wait3A_181 = arith.constant 0 : i32
      %dma_wait3A_182 = tpu.memref_slice %arg14[%run_scoped3A_155, %dma_wait3A, %dma_wait3A_181] : memref<2x64x128xf32, #tpu.memory_space<vmem>> -> memref<1x64x128xf32, #tpu.memory_space<vmem>>
      %dma_wait3A_183 = tpu.memref_squeeze %dma_wait3A_182 : memref<1x64x128xf32, #tpu.memory_space<vmem>> -> memref<64x128xf32, #tpu.memory_space<vmem>>
      %dma_wait3A_184 = arith.constant 0 : i32
      %dma_wait3A_185 = tpu.memref_slice %arg10[%add3A_154, %dma_wait3A_184] : memref<10240x128xf32, #tpu.memory_space<vmem_shared>> -> memref<64x128xf32, #tpu.memory_space<vmem_shared>>
      %dma_wait3A_186 = arith.constant 0 : i32
      %dma_wait3A_187 = arith.constant 0 : i32
      %dma_wait3A_188 = tpu.memref_slice %arg14[%run_scoped3A_155, %dma_wait3A_186, %dma_wait3A_187] : memref<2x64x128xf32, #tpu.memory_space<vmem>> -> memref<1x64x128xf32, #tpu.memory_space<vmem>>
      %dma_wait3A_189 = tpu.memref_squeeze %dma_wait3A_188 : memref<1x64x128xf32, #tpu.memory_space<vmem>> -> memref<64x128xf32, #tpu.memory_space<vmem>>
      %dma_wait3A_190 = arith.constant 0 : i32
      %dma_wait3A_191 = tpu.memref_slice %arg10[%add3A_154, %dma_wait3A_190] : memref<10240x128xf32, #tpu.memory_space<vmem_shared>> -> memref<64x128xf32, #tpu.memory_space<vmem_shared>>
      tpu.wait_dma2 semaphore(%run_scoped3A_169 : memref<!tpu.dma_semaphore, #tpu.memory_space<semaphore_mem>>) src(%dma_wait3A_191 : memref<64x128xf32, #tpu.memory_space<vmem_shared>>) dst(%dma_wait3A_189 : memref<64x128xf32, #tpu.memory_space<vmem>>)
      tpu.yield
    }) : () -> ()
    %run_scoped3A_156 = arith.constant 0 : i32
    "tpu.region"() ({
      %run_scoped3A_169 = tpu.sem_alloc : memref<!tpu.dma_semaphore, #tpu.memory_space<semaphore_mem>>
      %dma_start3A = arith.constant 0 : i32
      %dma_start3A_170 = arith.constant 0 : i32
      %dma_start3A_171 = tpu.memref_slice %arg14[%run_scoped3A_156, %dma_start3A, %dma_start3A_170] : memref<2x64x128xf32, #tpu.memory_space<vmem>> -> memref<1x64x128xf32, #tpu.memory_space<vmem>>
      %dma_start3A_172 = tpu.memref_squeeze %dma_start3A_171 : memref<1x64x128xf32, #tpu.memory_space<vmem>> -> memref<64x128xf32, #tpu.memory_space<vmem>>
      %dma_start3A_173 = arith.constant 0 : i32
      %dma_start3A_174 = tpu.memref_slice %arg8[%arg0, %add3A_154, %dma_start3A_173] : memref<2x10240x128xf32, #tpu.memory_space<hbm>> -> memref<1x64x128xf32, #tpu.memory_space<hbm>>
      %dma_start3A_175 = tpu.memref_squeeze %dma_start3A_174 : memref<1x64x128xf32, #tpu.memory_space<hbm>> -> memref<64x128xf32, #tpu.memory_space<hbm>>
      %dma_start3A_176 = arith.constant 0 : i32
      %dma_start3A_177 = tpu.memref_slice %arg8[%arg0, %add3A_154, %dma_start3A_176] : memref<2x10240x128xf32, #tpu.memory_space<hbm>> -> memref<1x64x128xf32, #tpu.memory_space<hbm>>
      %dma_start3A_178 = tpu.memref_squeeze %dma_start3A_177 : memref<1x64x128xf32, #tpu.memory_space<hbm>> -> memref<64x128xf32, #tpu.memory_space<hbm>>
      %dma_start3A_179 = arith.constant 0 : i32
      %dma_start3A_180 = arith.constant 0 : i32
      %dma_start3A_181 = tpu.memref_slice %arg14[%run_scoped3A_156, %dma_start3A_179, %dma_start3A_180] : memref<2x64x128xf32, #tpu.memory_space<vmem>> -> memref<1x64x128xf32, #tpu.memory_space<vmem>>
      %dma_start3A_182 = tpu.memref_squeeze %dma_start3A_181 : memref<1x64x128xf32, #tpu.memory_space<vmem>> -> memref<64x128xf32, #tpu.memory_space<vmem>>
      tpu.enqueue_dma source(%dma_start3A_182 : memref<64x128xf32, #tpu.memory_space<vmem>>) target(%dma_start3A_178 : memref<64x128xf32, #tpu.memory_space<hbm>>) target_semaphore(%run_scoped3A_169 : memref<!tpu.dma_semaphore, #tpu.memory_space<semaphore_mem>>)
      %dma_wait3A = arith.constant 0 : i32
      %dma_wait3A_183 = arith.constant 0 : i32
      %dma_wait3A_184 = tpu.memref_slice %arg14[%run_scoped3A_156, %dma_wait3A, %dma_wait3A_183] : memref<2x64x128xf32, #tpu.memory_space<vmem>> -> memref<1x64x128xf32, #tpu.memory_space<vmem>>
      %dma_wait3A_185 = tpu.memref_squeeze %dma_wait3A_184 : memref<1x64x128xf32, #tpu.memory_space<vmem>> -> memref<64x128xf32, #tpu.memory_space<vmem>>
      %dma_wait3A_186 = arith.constant 0 : i32
      %dma_wait3A_187 = tpu.memref_slice %arg8[%arg0, %add3A_154, %dma_wait3A_186] : memref<2x10240x128xf32, #tpu.memory_space<hbm>> -> memref<1x64x128xf32, #tpu.memory_space<hbm>>
      %dma_wait3A_188 = tpu.memref_squeeze %dma_wait3A_187 : memref<1x64x128xf32, #tpu.memory_space<hbm>> -> memref<64x128xf32, #tpu.memory_space<hbm>>
      %dma_wait3A_189 = arith.constant 0 : i32
      %dma_wait3A_190 = tpu.memref_slice %arg8[%arg0, %add3A_154, %dma_wait3A_189] : memref<2x10240x128xf32, #tpu.memory_space<hbm>> -> memref<1x64x128xf32, #tpu.memory_space<hbm>>
      %dma_wait3A_191 = tpu.memref_squeeze %dma_wait3A_190 : memref<1x64x128xf32, #tpu.memory_space<hbm>> -> memref<64x128xf32, #tpu.memory_space<hbm>>
      %dma_wait3A_192 = arith.constant 0 : i32
      %dma_wait3A_193 = arith.constant 0 : i32
      %dma_wait3A_194 = tpu.memref_slice %arg14[%run_scoped3A_156, %dma_wait3A_192, %dma_wait3A_193] : memref<2x64x128xf32, #tpu.memory_space<vmem>> -> memref<1x64x128xf32, #tpu.memory_space<vmem>>
      %dma_wait3A_195 = tpu.memref_squeeze %dma_wait3A_194 : memref<1x64x128xf32, #tpu.memory_space<vmem>> -> memref<64x128xf32, #tpu.memory_space<vmem>>
      tpu.wait_dma2 semaphore(%run_scoped3A_169 : memref<!tpu.dma_semaphore, #tpu.memory_space<semaphore_mem>>) src(%dma_wait3A_195 : memref<64x128xf32, #tpu.memory_space<vmem>>) dst(%dma_wait3A_191 : memref<64x128xf32, #tpu.memory_space<hbm>>)
      tpu.yield
    }) : () -> ()
    "tpu.region"() ({
      %run_scoped3A_169 = tpu.sem_alloc : memref<!tpu.dma_semaphore, #tpu.memory_space<semaphore_mem>>
      %dma_start3A = arith.constant 0 : i32
      %dma_start3A_170 = tpu.memref_slice %arg11[%add3A_154, %dma_start3A] : memref<10240x8xf32, #tpu.memory_space<vmem_shared>> -> memref<64x8xf32, #tpu.memory_space<vmem_shared>>
      %dma_start3A_171 = arith.constant 0 : i32
      %dma_start3A_172 = tpu.memref_slice %arg11[%add3A_154, %dma_start3A_171] : memref<10240x8xf32, #tpu.memory_space<vmem_shared>> -> memref<64x8xf32, #tpu.memory_space<vmem_shared>>
      tpu.enqueue_dma source(%dma_start3A_172 : memref<64x8xf32, #tpu.memory_space<vmem_shared>>) target(%arg15 : memref<64x8xf32, #tpu.memory_space<vmem>>) target_semaphore(%run_scoped3A_169 : memref<!tpu.dma_semaphore, #tpu.memory_space<semaphore_mem>>)
      %dma_wait3A = arith.constant 0 : i32
      %dma_wait3A_173 = tpu.memref_slice %arg11[%add3A_154, %dma_wait3A] : memref<10240x8xf32, #tpu.memory_space<vmem_shared>> -> memref<64x8xf32, #tpu.memory_space<vmem_shared>>
      %dma_wait3A_174 = arith.constant 0 : i32
      %dma_wait3A_175 = tpu.memref_slice %arg11[%add3A_154, %dma_wait3A_174] : memref<10240x8xf32, #tpu.memory_space<vmem_shared>> -> memref<64x8xf32, #tpu.memory_space<vmem_shared>>
      tpu.wait_dma2 semaphore(%run_scoped3A_169 : memref<!tpu.dma_semaphore, #tpu.memory_space<semaphore_mem>>) src(%dma_wait3A_175 : memref<64x8xf32, #tpu.memory_space<vmem_shared>>) dst(%arg15 : memref<64x8xf32, #tpu.memory_space<vmem>>)
      tpu.yield
    }) : () -> ()
    "tpu.region"() ({
      %run_scoped3A_169 = tpu.sem_alloc : memref<!tpu.dma_semaphore, #tpu.memory_space<semaphore_mem>>
      %dma_start3A = arith.constant 0 : i32
      %dma_start3A_170 = tpu.memref_slice %arg9[%arg0, %add3A_154, %dma_start3A] : memref<2x10240x8xf32, #tpu.memory_space<hbm>> -> memref<1x64x8xf32, #tpu.memory_space<hbm>>
      %dma_start3A_171 = tpu.memref_squeeze %dma_start3A_170 : memref<1x64x8xf32, #tpu.memory_space<hbm>> -> memref<64x8xf32, #tpu.memory_space<hbm>>
      %dma_start3A_172 = arith.constant 0 : i32
      %dma_start3A_173 = tpu.memref_slice %arg9[%arg0, %add3A_154, %dma_start3A_172] : memref<2x10240x8xf32, #tpu.memory_space<hbm>> -> memref<1x64x8xf32, #tpu.memory_space<hbm>>
      %dma_start3A_174 = tpu.memref_squeeze %dma_start3A_173 : memref<1x64x8xf32, #tpu.memory_space<hbm>> -> memref<64x8xf32, #tpu.memory_space<hbm>>
      tpu.enqueue_dma source(%arg15 : memref<64x8xf32, #tpu.memory_space<vmem>>) target(%dma_start3A_174 : memref<64x8xf32, #tpu.memory_space<hbm>>) target_semaphore(%run_scoped3A_169 : memref<!tpu.dma_semaphore, #tpu.memory_space<semaphore_mem>>)
      %dma_wait3A = arith.constant 0 : i32
      %dma_wait3A_175 = tpu.memref_slice %arg9[%arg0, %add3A_154, %dma_wait3A] : memref<2x10240x8xf32, #tpu.memory_space<hbm>> -> memref<1x64x8xf32, #tpu.memory_space<hbm>>
      %dma_wait3A_176 = tpu.memref_squeeze %dma_wait3A_175 : memref<1x64x8xf32, #tpu.memory_space<hbm>> -> memref<64x8xf32, #tpu.memory_space<hbm>>
      %dma_wait3A_177 = arith.constant 0 : i32
      %dma_wait3A_178 = tpu.memref_slice %arg9[%arg0, %add3A_154, %dma_wait3A_177] : memref<2x10240x8xf32, #tpu.memory_space<hbm>> -> memref<1x64x8xf32, #tpu.memory_space<hbm>>
      %dma_wait3A_179 = tpu.memref_squeeze %dma_wait3A_178 : memref<1x64x8xf32, #tpu.memory_space<hbm>> -> memref<64x8xf32, #tpu.memory_space<hbm>>
      tpu.wait_dma2 semaphore(%run_scoped3A_169 : memref<!tpu.dma_semaphore, #tpu.memory_space<semaphore_mem>>) src(%arg15 : memref<64x8xf32, #tpu.memory_space<vmem>>) dst(%dma_wait3A_179 : memref<64x8xf32, #tpu.memory_space<hbm>>)
      tpu.yield
    }) : () -> ()
    %mul3A_157 = arith.constant 640 : i32
    %mul3A_158 = arith.muli %arg1, %mul3A_157 : i32
    %add3A_159 = arith.constant 512 : i32
    %add3A_160 = arith.addi %mul3A_158, %add3A_159 : i32
    %run_scoped3A_161 = arith.constant 0 : i32
    "tpu.region"() ({
      %run_scoped3A_169 = tpu.sem_alloc : memref<!tpu.dma_semaphore, #tpu.memory_space<semaphore_mem>>
      %dma_start3A = arith.constant 0 : i32
      %dma_start3A_170 = arith.constant 0 : i32
      %dma_start3A_171 = tpu.memref_slice %arg14[%run_scoped3A_161, %dma_start3A, %dma_start3A_170] : memref<2x64x128xf32, #tpu.memory_space<vmem>> -> memref<1x64x128xf32, #tpu.memory_space<vmem>>
      %dma_start3A_172 = tpu.memref_squeeze %dma_start3A_171 : memref<1x64x128xf32, #tpu.memory_space<vmem>> -> memref<64x128xf32, #tpu.memory_space<vmem>>
      %dma_start3A_173 = arith.constant 0 : i32
      %dma_start3A_174 = tpu.memref_slice %arg10[%add3A_160, %dma_start3A_173] : memref<10240x128xf32, #tpu.memory_space<vmem_shared>> -> memref<64x128xf32, #tpu.memory_space<vmem_shared>>
      %dma_start3A_175 = arith.constant 0 : i32
      %dma_start3A_176 = arith.constant 0 : i32
      %dma_start3A_177 = tpu.memref_slice %arg14[%run_scoped3A_161, %dma_start3A_175, %dma_start3A_176] : memref<2x64x128xf32, #tpu.memory_space<vmem>> -> memref<1x64x128xf32, #tpu.memory_space<vmem>>
      %dma_start3A_178 = tpu.memref_squeeze %dma_start3A_177 : memref<1x64x128xf32, #tpu.memory_space<vmem>> -> memref<64x128xf32, #tpu.memory_space<vmem>>
      %dma_start3A_179 = arith.constant 0 : i32
      %dma_start3A_180 = tpu.memref_slice %arg10[%add3A_160, %dma_start3A_179] : memref<10240x128xf32, #tpu.memory_space<vmem_shared>> -> memref<64x128xf32, #tpu.memory_space<vmem_shared>>
      tpu.enqueue_dma source(%dma_start3A_180 : memref<64x128xf32, #tpu.memory_space<vmem_shared>>) target(%dma_start3A_178 : memref<64x128xf32, #tpu.memory_space<vmem>>) target_semaphore(%run_scoped3A_169 : memref<!tpu.dma_semaphore, #tpu.memory_space<semaphore_mem>>)
      %dma_wait3A = arith.constant 0 : i32
      %dma_wait3A_181 = arith.constant 0 : i32
      %dma_wait3A_182 = tpu.memref_slice %arg14[%run_scoped3A_161, %dma_wait3A, %dma_wait3A_181] : memref<2x64x128xf32, #tpu.memory_space<vmem>> -> memref<1x64x128xf32, #tpu.memory_space<vmem>>
      %dma_wait3A_183 = tpu.memref_squeeze %dma_wait3A_182 : memref<1x64x128xf32, #tpu.memory_space<vmem>> -> memref<64x128xf32, #tpu.memory_space<vmem>>
      %dma_wait3A_184 = arith.constant 0 : i32
      %dma_wait3A_185 = tpu.memref_slice %arg10[%add3A_160, %dma_wait3A_184] : memref<10240x128xf32, #tpu.memory_space<vmem_shared>> -> memref<64x128xf32, #tpu.memory_space<vmem_shared>>
      %dma_wait3A_186 = arith.constant 0 : i32
      %dma_wait3A_187 = arith.constant 0 : i32
      %dma_wait3A_188 = tpu.memref_slice %arg14[%run_scoped3A_161, %dma_wait3A_186, %dma_wait3A_187] : memref<2x64x128xf32, #tpu.memory_space<vmem>> -> memref<1x64x128xf32, #tpu.memory_space<vmem>>
      %dma_wait3A_189 = tpu.memref_squeeze %dma_wait3A_188 : memref<1x64x128xf32, #tpu.memory_space<vmem>> -> memref<64x128xf32, #tpu.memory_space<vmem>>
      %dma_wait3A_190 = arith.constant 0 : i32
      %dma_wait3A_191 = tpu.memref_slice %arg10[%add3A_160, %dma_wait3A_190] : memref<10240x128xf32, #tpu.memory_space<vmem_shared>> -> memref<64x128xf32, #tpu.memory_space<vmem_shared>>
      tpu.wait_dma2 semaphore(%run_scoped3A_169 : memref<!tpu.dma_semaphore, #tpu.memory_space<semaphore_mem>>) src(%dma_wait3A_191 : memref<64x128xf32, #tpu.memory_space<vmem_shared>>) dst(%dma_wait3A_189 : memref<64x128xf32, #tpu.memory_space<vmem>>)
      tpu.yield
    }) : () -> ()
    %run_scoped3A_162 = arith.constant 0 : i32
    "tpu.region"() ({
      %run_scoped3A_169 = tpu.sem_alloc : memref<!tpu.dma_semaphore, #tpu.memory_space<semaphore_mem>>
      %dma_start3A = arith.constant 0 : i32
      %dma_start3A_170 = arith.constant 0 : i32
      %dma_start3A_171 = tpu.memref_slice %arg14[%run_scoped3A_162, %dma_start3A, %dma_start3A_170] : memref<2x64x128xf32, #tpu.memory_space<vmem>> -> memref<1x64x128xf32, #tpu.memory_space<vmem>>
      %dma_start3A_172 = tpu.memref_squeeze %dma_start3A_171 : memref<1x64x128xf32, #tpu.memory_space<vmem>> -> memref<64x128xf32, #tpu.memory_space<vmem>>
      %dma_start3A_173 = arith.constant 0 : i32
      %dma_start3A_174 = tpu.memref_slice %arg8[%arg0, %add3A_160, %dma_start3A_173] : memref<2x10240x128xf32, #tpu.memory_space<hbm>> -> memref<1x64x128xf32, #tpu.memory_space<hbm>>
      %dma_start3A_175 = tpu.memref_squeeze %dma_start3A_174 : memref<1x64x128xf32, #tpu.memory_space<hbm>> -> memref<64x128xf32, #tpu.memory_space<hbm>>
      %dma_start3A_176 = arith.constant 0 : i32
      %dma_start3A_177 = tpu.memref_slice %arg8[%arg0, %add3A_160, %dma_start3A_176] : memref<2x10240x128xf32, #tpu.memory_space<hbm>> -> memref<1x64x128xf32, #tpu.memory_space<hbm>>
      %dma_start3A_178 = tpu.memref_squeeze %dma_start3A_177 : memref<1x64x128xf32, #tpu.memory_space<hbm>> -> memref<64x128xf32, #tpu.memory_space<hbm>>
      %dma_start3A_179 = arith.constant 0 : i32
      %dma_start3A_180 = arith.constant 0 : i32
      %dma_start3A_181 = tpu.memref_slice %arg14[%run_scoped3A_162, %dma_start3A_179, %dma_start3A_180] : memref<2x64x128xf32, #tpu.memory_space<vmem>> -> memref<1x64x128xf32, #tpu.memory_space<vmem>>
      %dma_start3A_182 = tpu.memref_squeeze %dma_start3A_181 : memref<1x64x128xf32, #tpu.memory_space<vmem>> -> memref<64x128xf32, #tpu.memory_space<vmem>>
      tpu.enqueue_dma source(%dma_start3A_182 : memref<64x128xf32, #tpu.memory_space<vmem>>) target(%dma_start3A_178 : memref<64x128xf32, #tpu.memory_space<hbm>>) target_semaphore(%run_scoped3A_169 : memref<!tpu.dma_semaphore, #tpu.memory_space<semaphore_mem>>)
      %dma_wait3A = arith.constant 0 : i32
      %dma_wait3A_183 = arith.constant 0 : i32
      %dma_wait3A_184 = tpu.memref_slice %arg14[%run_scoped3A_162, %dma_wait3A, %dma_wait3A_183] : memref<2x64x128xf32, #tpu.memory_space<vmem>> -> memref<1x64x128xf32, #tpu.memory_space<vmem>>
      %dma_wait3A_185 = tpu.memref_squeeze %dma_wait3A_184 : memref<1x64x128xf32, #tpu.memory_space<vmem>> -> memref<64x128xf32, #tpu.memory_space<vmem>>
      %dma_wait3A_186 = arith.constant 0 : i32
      %dma_wait3A_187 = tpu.memref_slice %arg8[%arg0, %add3A_160, %dma_wait3A_186] : memref<2x10240x128xf32, #tpu.memory_space<hbm>> -> memref<1x64x128xf32, #tpu.memory_space<hbm>>
      %dma_wait3A_188 = tpu.memref_squeeze %dma_wait3A_187 : memref<1x64x128xf32, #tpu.memory_space<hbm>> -> memref<64x128xf32, #tpu.memory_space<hbm>>
      %dma_wait3A_189 = arith.constant 0 : i32
      %dma_wait3A_190 = tpu.memref_slice %arg8[%arg0, %add3A_160, %dma_wait3A_189] : memref<2x10240x128xf32, #tpu.memory_space<hbm>> -> memref<1x64x128xf32, #tpu.memory_space<hbm>>
      %dma_wait3A_191 = tpu.memref_squeeze %dma_wait3A_190 : memref<1x64x128xf32, #tpu.memory_space<hbm>> -> memref<64x128xf32, #tpu.memory_space<hbm>>
      %dma_wait3A_192 = arith.constant 0 : i32
      %dma_wait3A_193 = arith.constant 0 : i32
      %dma_wait3A_194 = tpu.memref_slice %arg14[%run_scoped3A_162, %dma_wait3A_192, %dma_wait3A_193] : memref<2x64x128xf32, #tpu.memory_space<vmem>> -> memref<1x64x128xf32, #tpu.memory_space<vmem>>
      %dma_wait3A_195 = tpu.memref_squeeze %dma_wait3A_194 : memref<1x64x128xf32, #tpu.memory_space<vmem>> -> memref<64x128xf32, #tpu.memory_space<vmem>>
      tpu.wait_dma2 semaphore(%run_scoped3A_169 : memref<!tpu.dma_semaphore, #tpu.memory_space<semaphore_mem>>) src(%dma_wait3A_195 : memref<64x128xf32, #tpu.memory_space<vmem>>) dst(%dma_wait3A_191 : memref<64x128xf32, #tpu.memory_space<hbm>>)
      tpu.yield
    }) : () -> ()
    "tpu.region"() ({
      %run_scoped3A_169 = tpu.sem_alloc : memref<!tpu.dma_semaphore, #tpu.memory_space<semaphore_mem>>
      %dma_start3A = arith.constant 0 : i32
      %dma_start3A_170 = tpu.memref_slice %arg11[%add3A_160, %dma_start3A] : memref<10240x8xf32, #tpu.memory_space<vmem_shared>> -> memref<64x8xf32, #tpu.memory_space<vmem_shared>>
      %dma_start3A_171 = arith.constant 0 : i32
      %dma_start3A_172 = tpu.memref_slice %arg11[%add3A_160, %dma_start3A_171] : memref<10240x8xf32, #tpu.memory_space<vmem_shared>> -> memref<64x8xf32, #tpu.memory_space<vmem_shared>>
      tpu.enqueue_dma source(%dma_start3A_172 : memref<64x8xf32, #tpu.memory_space<vmem_shared>>) target(%arg15 : memref<64x8xf32, #tpu.memory_space<vmem>>) target_semaphore(%run_scoped3A_169 : memref<!tpu.dma_semaphore, #tpu.memory_space<semaphore_mem>>)
      %dma_wait3A = arith.constant 0 : i32
      %dma_wait3A_173 = tpu.memref_slice %arg11[%add3A_160, %dma_wait3A] : memref<10240x8xf32, #tpu.memory_space<vmem_shared>> -> memref<64x8xf32, #tpu.memory_space<vmem_shared>>
      %dma_wait3A_174 = arith.constant 0 : i32
      %dma_wait3A_175 = tpu.memref_slice %arg11[%add3A_160, %dma_wait3A_174] : memref<10240x8xf32, #tpu.memory_space<vmem_shared>> -> memref<64x8xf32, #tpu.memory_space<vmem_shared>>
      tpu.wait_dma2 semaphore(%run_scoped3A_169 : memref<!tpu.dma_semaphore, #tpu.memory_space<semaphore_mem>>) src(%dma_wait3A_175 : memref<64x8xf32, #tpu.memory_space<vmem_shared>>) dst(%arg15 : memref<64x8xf32, #tpu.memory_space<vmem>>)
      tpu.yield
    }) : () -> ()
    "tpu.region"() ({
      %run_scoped3A_169 = tpu.sem_alloc : memref<!tpu.dma_semaphore, #tpu.memory_space<semaphore_mem>>
      %dma_start3A = arith.constant 0 : i32
      %dma_start3A_170 = tpu.memref_slice %arg9[%arg0, %add3A_160, %dma_start3A] : memref<2x10240x8xf32, #tpu.memory_space<hbm>> -> memref<1x64x8xf32, #tpu.memory_space<hbm>>
      %dma_start3A_171 = tpu.memref_squeeze %dma_start3A_170 : memref<1x64x8xf32, #tpu.memory_space<hbm>> -> memref<64x8xf32, #tpu.memory_space<hbm>>
      %dma_start3A_172 = arith.constant 0 : i32
      %dma_start3A_173 = tpu.memref_slice %arg9[%arg0, %add3A_160, %dma_start3A_172] : memref<2x10240x8xf32, #tpu.memory_space<hbm>> -> memref<1x64x8xf32, #tpu.memory_space<hbm>>
      %dma_start3A_174 = tpu.memref_squeeze %dma_start3A_173 : memref<1x64x8xf32, #tpu.memory_space<hbm>> -> memref<64x8xf32, #tpu.memory_space<hbm>>
      tpu.enqueue_dma source(%arg15 : memref<64x8xf32, #tpu.memory_space<vmem>>) target(%dma_start3A_174 : memref<64x8xf32, #tpu.memory_space<hbm>>) target_semaphore(%run_scoped3A_169 : memref<!tpu.dma_semaphore, #tpu.memory_space<semaphore_mem>>)
      %dma_wait3A = arith.constant 0 : i32
      %dma_wait3A_175 = tpu.memref_slice %arg9[%arg0, %add3A_160, %dma_wait3A] : memref<2x10240x8xf32, #tpu.memory_space<hbm>> -> memref<1x64x8xf32, #tpu.memory_space<hbm>>
      %dma_wait3A_176 = tpu.memref_squeeze %dma_wait3A_175 : memref<1x64x8xf32, #tpu.memory_space<hbm>> -> memref<64x8xf32, #tpu.memory_space<hbm>>
      %dma_wait3A_177 = arith.constant 0 : i32
      %dma_wait3A_178 = tpu.memref_slice %arg9[%arg0, %add3A_160, %dma_wait3A_177] : memref<2x10240x8xf32, #tpu.memory_space<hbm>> -> memref<1x64x8xf32, #tpu.memory_space<hbm>>
      %dma_wait3A_179 = tpu.memref_squeeze %dma_wait3A_178 : memref<1x64x8xf32, #tpu.memory_space<hbm>> -> memref<64x8xf32, #tpu.memory_space<hbm>>
      tpu.wait_dma2 semaphore(%run_scoped3A_169 : memref<!tpu.dma_semaphore, #tpu.memory_space<semaphore_mem>>) src(%arg15 : memref<64x8xf32, #tpu.memory_space<vmem>>) dst(%dma_wait3A_179 : memref<64x8xf32, #tpu.memory_space<hbm>>)
      tpu.yield
    }) : () -> ()
    %mul3A_163 = arith.constant 640 : i32
    %mul3A_164 = arith.muli %arg1, %mul3A_163 : i32
    %add3A_165 = arith.constant 576 : i32
    %add3A_166 = arith.addi %mul3A_164, %add3A_165 : i32
    %run_scoped3A_167 = arith.constant 0 : i32
    "tpu.region"() ({
      %run_scoped3A_169 = tpu.sem_alloc : memref<!tpu.dma_semaphore, #tpu.memory_space<semaphore_mem>>
      %dma_start3A = arith.constant 0 : i32
      %dma_start3A_170 = arith.constant 0 : i32
      %dma_start3A_171 = tpu.memref_slice %arg14[%run_scoped3A_167, %dma_start3A, %dma_start3A_170] : memref<2x64x128xf32, #tpu.memory_space<vmem>> -> memref<1x64x128xf32, #tpu.memory_space<vmem>>
      %dma_start3A_172 = tpu.memref_squeeze %dma_start3A_171 : memref<1x64x128xf32, #tpu.memory_space<vmem>> -> memref<64x128xf32, #tpu.memory_space<vmem>>
      %dma_start3A_173 = arith.constant 0 : i32
      %dma_start3A_174 = tpu.memref_slice %arg10[%add3A_166, %dma_start3A_173] : memref<10240x128xf32, #tpu.memory_space<vmem_shared>> -> memref<64x128xf32, #tpu.memory_space<vmem_shared>>
      %dma_start3A_175 = arith.constant 0 : i32
      %dma_start3A_176 = arith.constant 0 : i32
      %dma_start3A_177 = tpu.memref_slice %arg14[%run_scoped3A_167, %dma_start3A_175, %dma_start3A_176] : memref<2x64x128xf32, #tpu.memory_space<vmem>> -> memref<1x64x128xf32, #tpu.memory_space<vmem>>
      %dma_start3A_178 = tpu.memref_squeeze %dma_start3A_177 : memref<1x64x128xf32, #tpu.memory_space<vmem>> -> memref<64x128xf32, #tpu.memory_space<vmem>>
      %dma_start3A_179 = arith.constant 0 : i32
      %dma_start3A_180 = tpu.memref_slice %arg10[%add3A_166, %dma_start3A_179] : memref<10240x128xf32, #tpu.memory_space<vmem_shared>> -> memref<64x128xf32, #tpu.memory_space<vmem_shared>>
      tpu.enqueue_dma source(%dma_start3A_180 : memref<64x128xf32, #tpu.memory_space<vmem_shared>>) target(%dma_start3A_178 : memref<64x128xf32, #tpu.memory_space<vmem>>) target_semaphore(%run_scoped3A_169 : memref<!tpu.dma_semaphore, #tpu.memory_space<semaphore_mem>>)
      %dma_wait3A = arith.constant 0 : i32
      %dma_wait3A_181 = arith.constant 0 : i32
      %dma_wait3A_182 = tpu.memref_slice %arg14[%run_scoped3A_167, %dma_wait3A, %dma_wait3A_181] : memref<2x64x128xf32, #tpu.memory_space<vmem>> -> memref<1x64x128xf32, #tpu.memory_space<vmem>>
      %dma_wait3A_183 = tpu.memref_squeeze %dma_wait3A_182 : memref<1x64x128xf32, #tpu.memory_space<vmem>> -> memref<64x128xf32, #tpu.memory_space<vmem>>
      %dma_wait3A_184 = arith.constant 0 : i32
      %dma_wait3A_185 = tpu.memref_slice %arg10[%add3A_166, %dma_wait3A_184] : memref<10240x128xf32, #tpu.memory_space<vmem_shared>> -> memref<64x128xf32, #tpu.memory_space<vmem_shared>>
      %dma_wait3A_186 = arith.constant 0 : i32
      %dma_wait3A_187 = arith.constant 0 : i32
      %dma_wait3A_188 = tpu.memref_slice %arg14[%run_scoped3A_167, %dma_wait3A_186, %dma_wait3A_187] : memref<2x64x128xf32, #tpu.memory_space<vmem>> -> memref<1x64x128xf32, #tpu.memory_space<vmem>>
      %dma_wait3A_189 = tpu.memref_squeeze %dma_wait3A_188 : memref<1x64x128xf32, #tpu.memory_space<vmem>> -> memref<64x128xf32, #tpu.memory_space<vmem>>
      %dma_wait3A_190 = arith.constant 0 : i32
      %dma_wait3A_191 = tpu.memref_slice %arg10[%add3A_166, %dma_wait3A_190] : memref<10240x128xf32, #tpu.memory_space<vmem_shared>> -> memref<64x128xf32, #tpu.memory_space<vmem_shared>>
      tpu.wait_dma2 semaphore(%run_scoped3A_169 : memref<!tpu.dma_semaphore, #tpu.memory_space<semaphore_mem>>) src(%dma_wait3A_191 : memref<64x128xf32, #tpu.memory_space<vmem_shared>>) dst(%dma_wait3A_189 : memref<64x128xf32, #tpu.memory_space<vmem>>)
      tpu.yield
    }) : () -> ()
    %run_scoped3A_168 = arith.constant 0 : i32
    "tpu.region"() ({
      %run_scoped3A_169 = tpu.sem_alloc : memref<!tpu.dma_semaphore, #tpu.memory_space<semaphore_mem>>
      %dma_start3A = arith.constant 0 : i32
      %dma_start3A_170 = arith.constant 0 : i32
      %dma_start3A_171 = tpu.memref_slice %arg14[%run_scoped3A_168, %dma_start3A, %dma_start3A_170] : memref<2x64x128xf32, #tpu.memory_space<vmem>> -> memref<1x64x128xf32, #tpu.memory_space<vmem>>
      %dma_start3A_172 = tpu.memref_squeeze %dma_start3A_171 : memref<1x64x128xf32, #tpu.memory_space<vmem>> -> memref<64x128xf32, #tpu.memory_space<vmem>>
      %dma_start3A_173 = arith.constant 0 : i32
      %dma_start3A_174 = tpu.memref_slice %arg8[%arg0, %add3A_166, %dma_start3A_173] : memref<2x10240x128xf32, #tpu.memory_space<hbm>> -> memref<1x64x128xf32, #tpu.memory_space<hbm>>
      %dma_start3A_175 = tpu.memref_squeeze %dma_start3A_174 : memref<1x64x128xf32, #tpu.memory_space<hbm>> -> memref<64x128xf32, #tpu.memory_space<hbm>>
      %dma_start3A_176 = arith.constant 0 : i32
      %dma_start3A_177 = tpu.memref_slice %arg8[%arg0, %add3A_166, %dma_start3A_176] : memref<2x10240x128xf32, #tpu.memory_space<hbm>> -> memref<1x64x128xf32, #tpu.memory_space<hbm>>
      %dma_start3A_178 = tpu.memref_squeeze %dma_start3A_177 : memref<1x64x128xf32, #tpu.memory_space<hbm>> -> memref<64x128xf32, #tpu.memory_space<hbm>>
      %dma_start3A_179 = arith.constant 0 : i32
      %dma_start3A_180 = arith.constant 0 : i32
      %dma_start3A_181 = tpu.memref_slice %arg14[%run_scoped3A_168, %dma_start3A_179, %dma_start3A_180] : memref<2x64x128xf32, #tpu.memory_space<vmem>> -> memref<1x64x128xf32, #tpu.memory_space<vmem>>
      %dma_start3A_182 = tpu.memref_squeeze %dma_start3A_181 : memref<1x64x128xf32, #tpu.memory_space<vmem>> -> memref<64x128xf32, #tpu.memory_space<vmem>>
      tpu.enqueue_dma source(%dma_start3A_182 : memref<64x128xf32, #tpu.memory_space<vmem>>) target(%dma_start3A_178 : memref<64x128xf32, #tpu.memory_space<hbm>>) target_semaphore(%run_scoped3A_169 : memref<!tpu.dma_semaphore, #tpu.memory_space<semaphore_mem>>)
      %dma_wait3A = arith.constant 0 : i32
      %dma_wait3A_183 = arith.constant 0 : i32
      %dma_wait3A_184 = tpu.memref_slice %arg14[%run_scoped3A_168, %dma_wait3A, %dma_wait3A_183] : memref<2x64x128xf32, #tpu.memory_space<vmem>> -> memref<1x64x128xf32, #tpu.memory_space<vmem>>
      %dma_wait3A_185 = tpu.memref_squeeze %dma_wait3A_184 : memref<1x64x128xf32, #tpu.memory_space<vmem>> -> memref<64x128xf32, #tpu.memory_space<vmem>>
      %dma_wait3A_186 = arith.constant 0 : i32
      %dma_wait3A_187 = tpu.memref_slice %arg8[%arg0, %add3A_166, %dma_wait3A_186] : memref<2x10240x128xf32, #tpu.memory_space<hbm>> -> memref<1x64x128xf32, #tpu.memory_space<hbm>>
      %dma_wait3A_188 = tpu.memref_squeeze %dma_wait3A_187 : memref<1x64x128xf32, #tpu.memory_space<hbm>> -> memref<64x128xf32, #tpu.memory_space<hbm>>
      %dma_wait3A_189 = arith.constant 0 : i32
      %dma_wait3A_190 = tpu.memref_slice %arg8[%arg0, %add3A_166, %dma_wait3A_189] : memref<2x10240x128xf32, #tpu.memory_space<hbm>> -> memref<1x64x128xf32, #tpu.memory_space<hbm>>
      %dma_wait3A_191 = tpu.memref_squeeze %dma_wait3A_190 : memref<1x64x128xf32, #tpu.memory_space<hbm>> -> memref<64x128xf32, #tpu.memory_space<hbm>>
      %dma_wait3A_192 = arith.constant 0 : i32
      %dma_wait3A_193 = arith.constant 0 : i32
      %dma_wait3A_194 = tpu.memref_slice %arg14[%run_scoped3A_168, %dma_wait3A_192, %dma_wait3A_193] : memref<2x64x128xf32, #tpu.memory_space<vmem>> -> memref<1x64x128xf32, #tpu.memory_space<vmem>>
      %dma_wait3A_195 = tpu.memref_squeeze %dma_wait3A_194 : memref<1x64x128xf32, #tpu.memory_space<vmem>> -> memref<64x128xf32, #tpu.memory_space<vmem>>
      tpu.wait_dma2 semaphore(%run_scoped3A_169 : memref<!tpu.dma_semaphore, #tpu.memory_space<semaphore_mem>>) src(%dma_wait3A_195 : memref<64x128xf32, #tpu.memory_space<vmem>>) dst(%dma_wait3A_191 : memref<64x128xf32, #tpu.memory_space<hbm>>)
      tpu.yield
    }) : () -> ()
    "tpu.region"() ({
      %run_scoped3A_169 = tpu.sem_alloc : memref<!tpu.dma_semaphore, #tpu.memory_space<semaphore_mem>>
      %dma_start3A = arith.constant 0 : i32
      %dma_start3A_170 = tpu.memref_slice %arg11[%add3A_166, %dma_start3A] : memref<10240x8xf32, #tpu.memory_space<vmem_shared>> -> memref<64x8xf32, #tpu.memory_space<vmem_shared>>
      %dma_start3A_171 = arith.constant 0 : i32
      %dma_start3A_172 = tpu.memref_slice %arg11[%add3A_166, %dma_start3A_171] : memref<10240x8xf32, #tpu.memory_space<vmem_shared>> -> memref<64x8xf32, #tpu.memory_space<vmem_shared>>
      tpu.enqueue_dma source(%dma_start3A_172 : memref<64x8xf32, #tpu.memory_space<vmem_shared>>) target(%arg15 : memref<64x8xf32, #tpu.memory_space<vmem>>) target_semaphore(%run_scoped3A_169 : memref<!tpu.dma_semaphore, #tpu.memory_space<semaphore_mem>>)
      %dma_wait3A = arith.constant 0 : i32
      %dma_wait3A_173 = tpu.memref_slice %arg11[%add3A_166, %dma_wait3A] : memref<10240x8xf32, #tpu.memory_space<vmem_shared>> -> memref<64x8xf32, #tpu.memory_space<vmem_shared>>
      %dma_wait3A_174 = arith.constant 0 : i32
      %dma_wait3A_175 = tpu.memref_slice %arg11[%add3A_166, %dma_wait3A_174] : memref<10240x8xf32, #tpu.memory_space<vmem_shared>> -> memref<64x8xf32, #tpu.memory_space<vmem_shared>>
      tpu.wait_dma2 semaphore(%run_scoped3A_169 : memref<!tpu.dma_semaphore, #tpu.memory_space<semaphore_mem>>) src(%dma_wait3A_175 : memref<64x8xf32, #tpu.memory_space<vmem_shared>>) dst(%arg15 : memref<64x8xf32, #tpu.memory_space<vmem>>)
      tpu.yield
    }) : () -> ()
    "tpu.region"() ({
      %run_scoped3A_169 = tpu.sem_alloc : memref<!tpu.dma_semaphore, #tpu.memory_space<semaphore_mem>>
      %dma_start3A = arith.constant 0 : i32
      %dma_start3A_170 = tpu.memref_slice %arg9[%arg0, %add3A_166, %dma_start3A] : memref<2x10240x8xf32, #tpu.memory_space<hbm>> -> memref<1x64x8xf32, #tpu.memory_space<hbm>>
      %dma_start3A_171 = tpu.memref_squeeze %dma_start3A_170 : memref<1x64x8xf32, #tpu.memory_space<hbm>> -> memref<64x8xf32, #tpu.memory_space<hbm>>
      %dma_start3A_172 = arith.constant 0 : i32
      %dma_start3A_173 = tpu.memref_slice %arg9[%arg0, %add3A_166, %dma_start3A_172] : memref<2x10240x8xf32, #tpu.memory_space<hbm>> -> memref<1x64x8xf32, #tpu.memory_space<hbm>>
      %dma_start3A_174 = tpu.memref_squeeze %dma_start3A_173 : memref<1x64x8xf32, #tpu.memory_space<hbm>> -> memref<64x8xf32, #tpu.memory_space<hbm>>
      tpu.enqueue_dma source(%arg15 : memref<64x8xf32, #tpu.memory_space<vmem>>) target(%dma_start3A_174 : memref<64x8xf32, #tpu.memory_space<hbm>>) target_semaphore(%run_scoped3A_169 : memref<!tpu.dma_semaphore, #tpu.memory_space<semaphore_mem>>)
      %dma_wait3A = arith.constant 0 : i32
      %dma_wait3A_175 = tpu.memref_slice %arg9[%arg0, %add3A_166, %dma_wait3A] : memref<2x10240x8xf32, #tpu.memory_space<hbm>> -> memref<1x64x8xf32, #tpu.memory_space<hbm>>
      %dma_wait3A_176 = tpu.memref_squeeze %dma_wait3A_175 : memref<1x64x8xf32, #tpu.memory_space<hbm>> -> memref<64x8xf32, #tpu.memory_space<hbm>>
      %dma_wait3A_177 = arith.constant 0 : i32
      %dma_wait3A_178 = tpu.memref_slice %arg9[%arg0, %add3A_166, %dma_wait3A_177] : memref<2x10240x8xf32, #tpu.memory_space<hbm>> -> memref<1x64x8xf32, #tpu.memory_space<hbm>>
      %dma_wait3A_179 = tpu.memref_squeeze %dma_wait3A_178 : memref<1x64x8xf32, #tpu.memory_space<hbm>> -> memref<64x8xf32, #tpu.memory_space<hbm>>
      tpu.wait_dma2 semaphore(%run_scoped3A_169 : memref<!tpu.dma_semaphore, #tpu.memory_space<semaphore_mem>>) src(%arg15 : memref<64x8xf32, #tpu.memory_space<vmem>>) dst(%dma_wait3A_179 : memref<64x8xf32, #tpu.memory_space<hbm>>)
      tpu.yield
    }) : () -> ()
    return
  }
}

module attributes {stable_mosaic.version = 14 : i64} {
  func.func @_tc_dense_body(%arg0: i32, %arg1: memref<1x1000x128xf32, #tpu.memory_space<vmem>>, %arg2: memref<1x1000x128xf32, #tpu.memory_space<vmem>>, %arg3: memref<1x1000x8xf32, #tpu.memory_space<vmem>>, %arg4: memref<1x1000x8xf32, #tpu.memory_space<vmem>>, %arg5: memref<1000x128xf32, #tpu.memory_space<vmem>>, %arg6: memref<128x128xf32, #tpu.memory_space<vmem>>, %arg7: memref<128x128xf32, #tpu.memory_space<vmem>>, %arg8: memref<1x128xf32, #tpu.memory_space<vmem>>, %arg9: memref<1000x128xf32, #tpu.memory_space<vmem>>) attributes {dimension_semantics = [#tpu.dimension_semantics<arbitrary>], iteration_bounds = array<i64: 10>, scalar_prefetch = 0 : i64, scratch_operands = 0 : i64, tpu.core_type = #tpu.core_type<tc>, window_params = [{transform_indices = @transform_0, window_bounds = array<i64: 1, 1000, 128>}, {transform_indices = @transform_1, window_bounds = array<i64: 1, 1000, 128>}, {transform_indices = @transform_2, window_bounds = array<i64: 1, 1000, 8>}, {transform_indices = @transform_3, window_bounds = array<i64: 1, 1000, 8>}, {transform_indices = @transform_4, window_bounds = array<i64: 1000, 128>}, {pipeline_mode = #tpu.pipeline_mode<synchronous>, transform_indices = @transform_5, window_bounds = array<i64: 128, 128>}, {pipeline_mode = #tpu.pipeline_mode<synchronous>, transform_indices = @transform_6, window_bounds = array<i64: 128, 128>}, {pipeline_mode = #tpu.pipeline_mode<synchronous>, transform_indices = @transform_7, window_bounds = array<i64: 1, 128>}, {transform_indices = @transform_8, window_bounds = array<i64: 1000, 128>}]} {
    %get3A = arith.constant 0 : index
    %get3A_0 = arith.constant 0 : index
    %get3A_1 = arith.constant 0 : index
    %get3A_2 = vector.load %arg1[%get3A, %get3A_0, %get3A_1] : memref<1x1000x128xf32, #tpu.memory_space<vmem>>, vector<1x1000x128xf32>
    %get3A_3 = vector.shape_cast %get3A_2 : vector<1x1000x128xf32> to vector<1000x128xf32>
    %get3A_4 = arith.constant 0 : index
    %get3A_5 = arith.constant 0 : index
    %get3A_6 = arith.constant 0 : index
    %get3A_7 = vector.load %arg2[%get3A_4, %get3A_5, %get3A_6] : memref<1x1000x128xf32, #tpu.memory_space<vmem>>, vector<1x1000x128xf32>
    %get3A_8 = vector.shape_cast %get3A_7 : vector<1x1000x128xf32> to vector<1000x128xf32>
    %add3A = arith.addf %get3A_3, %get3A_8 : vector<1000x128xf32>
    %get3A_9 = arith.constant 0 : index
    %get3A_10 = arith.constant 0 : index
    %get3A_11 = arith.constant 0 : index
    %get3A_12 = vector.load %arg3[%get3A_9, %get3A_10, %get3A_11] : memref<1x1000x8xf32, #tpu.memory_space<vmem>>, vector<1x1000x8xf32>
    %get3A_13 = vector.shape_cast %get3A_12 : vector<1x1000x8xf32> to vector<1000x8xf32>
    %slice3A = vector.extract_strided_slice %get3A_13 {offsets = [0, 0], sizes = [1000, 1], strides = [1, 1]} : vector<1000x8xf32> to vector<1000x1xf32>
    %get3A_14 = arith.constant 0 : index
    %get3A_15 = arith.constant 0 : index
    %get3A_16 = arith.constant 0 : index
    %get3A_17 = vector.load %arg4[%get3A_14, %get3A_15, %get3A_16] : memref<1x1000x8xf32, #tpu.memory_space<vmem>>, vector<1x1000x8xf32>
    %get3A_18 = vector.shape_cast %get3A_17 : vector<1x1000x8xf32> to vector<1000x8xf32>
    %slice3A_19 = vector.extract_strided_slice %get3A_18 {offsets = [0, 0], sizes = [1000, 1], strides = [1, 1]} : vector<1000x8xf32> to vector<1000x1xf32>
    %add3A_20 = arith.addf %slice3A, %slice3A_19 : vector<1000x1xf32>
    %max3A = arith.constant 1.000000e+00 : f32
    %max3A_21 = vector.broadcast %max3A : f32 to vector<1000x1xf32>
    %max3A_22 = arith.maximumf %add3A_20, %max3A_21 : vector<1000x1xf32>
    %div3A = arith.constant 1.000000e+00 : f32
    %div3A_23 = vector.broadcast %div3A : f32 to vector<1000x1xf32>
    %div3A_24 = arith.divf %div3A_23, %max3A_22 : vector<1000x1xf32>
    %get3A_25 = arith.constant 0 : index
    %get3A_26 = arith.constant 0 : index
    %get3A_27 = vector.load %arg6[%get3A_25, %get3A_26] : memref<128x128xf32, #tpu.memory_space<vmem>>, vector<128x128xf32>
    %dot_general3A = arith.constant dense<0.000000e+00> : vector<1000x128xf32>
    %dot_general3A_28 = tpu.matmul %add3A, %get3A_27, %dot_general3A {dimension_numbers = #tpu.dot_dimension_numbers<[1], [0], [0], [1], [0, 0, 1, 1], [], []>, transpose_lhs_hint = false} : vector<1000x128xf32>, vector<128x128xf32>, vector<1000x128xf32> -> vector<1000x128xf32>
    %get3A_29 = arith.constant 0 : index
    %get3A_30 = arith.constant 0 : index
    %get3A_31 = vector.load %arg5[%get3A_29, %get3A_30] : memref<1000x128xf32, #tpu.memory_space<vmem>>, vector<1000x128xf32>
    %get3A_32 = arith.constant 0 : index
    %get3A_33 = arith.constant 0 : index
    %get3A_34 = vector.load %arg7[%get3A_32, %get3A_33] : memref<128x128xf32, #tpu.memory_space<vmem>>, vector<128x128xf32>
    %dot_general3A_35 = arith.constant dense<0.000000e+00> : vector<1000x128xf32>
    %dot_general3A_36 = tpu.matmul %get3A_31, %get3A_34, %dot_general3A_35 {dimension_numbers = #tpu.dot_dimension_numbers<[1], [0], [0], [1], [0, 0, 1, 1], [], []>, transpose_lhs_hint = false} : vector<1000x128xf32>, vector<128x128xf32>, vector<1000x128xf32> -> vector<1000x128xf32>
    %mul3A = vector.broadcast %div3A_24 : vector<1000x1xf32> to vector<1000x128xf32>
    %mul3A_37 = arith.mulf %dot_general3A_28, %mul3A : vector<1000x128xf32>
    %add3A_38 = arith.addf %mul3A_37, %dot_general3A_36 : vector<1000x128xf32>
    %get3A_39 = arith.constant 0 : index
    %get3A_40 = arith.constant 0 : index
    %get3A_41 = vector.load %arg8[%get3A_39, %get3A_40] : memref<1x128xf32, #tpu.memory_space<vmem>>, vector<1x128xf32>
    %add3A_42 = vector.broadcast %get3A_41 : vector<1x128xf32> to vector<1000x128xf32>
    %add3A_43 = arith.addf %add3A_38, %add3A_42 : vector<1000x128xf32>
    %max3A_44 = arith.constant 0.000000e+00 : f32
    %max3A_45 = vector.broadcast %max3A_44 : f32 to vector<1000x128xf32>
    %max3A_46 = arith.maximumf %add3A_43, %max3A_45 : vector<1000x128xf32>
    %swap3A = arith.constant 0 : index
    %swap3A_47 = arith.constant 0 : index
    %swap3A_48 = vector.load %arg9[%swap3A, %swap3A_47] : memref<1000x128xf32, #tpu.memory_space<vmem>>, vector<1000x128xf32>
    tpu.vector_store %arg9[%swap3A, %swap3A_47], %max3A_46 {strides = array<i32>} : memref<1000x128xf32, #tpu.memory_space<vmem>>, vector<1000x128xf32>,
    return
  }
  func.func @transform_0(%arg0: i32) -> (i32, i32, i32) {
    %c0_i32 = arith.constant 0 : i32
    %c0_i32_0 = arith.constant 0 : i32
    %c0_i32_1 = arith.constant 0 : i32
    return %c0_i32, %arg0, %c0_i32_0 : i32, i32, i32
  }
  func.func @transform_1(%arg0: i32) -> (i32, i32, i32) {
    %c1_i32 = arith.constant 1 : i32
    %c0_i32 = arith.constant 0 : i32
    %c0_i32_0 = arith.constant 0 : i32
    return %c1_i32, %arg0, %c0_i32 : i32, i32, i32
  }
  func.func @transform_2(%arg0: i32) -> (i32, i32, i32) {
    %c0_i32 = arith.constant 0 : i32
    %c0_i32_0 = arith.constant 0 : i32
    %c0_i32_1 = arith.constant 0 : i32
    return %c0_i32, %arg0, %c0_i32_0 : i32, i32, i32
  }
  func.func @transform_3(%arg0: i32) -> (i32, i32, i32) {
    %c1_i32 = arith.constant 1 : i32
    %c0_i32 = arith.constant 0 : i32
    %c0_i32_0 = arith.constant 0 : i32
    return %c1_i32, %arg0, %c0_i32 : i32, i32, i32
  }
  func.func @transform_4(%arg0: i32) -> (i32, i32) {
    %c0_i32 = arith.constant 0 : i32
    %c0_i32_0 = arith.constant 0 : i32
    return %arg0, %c0_i32 : i32, i32
  }
  func.func @transform_5(%arg0: i32) -> (i32, i32) {
    %c0_i32 = arith.constant 0 : i32
    %c0_i32_0 = arith.constant 0 : i32
    %c0_i32_1 = arith.constant 0 : i32
    return %c0_i32, %c0_i32_0 : i32, i32
  }
  func.func @transform_6(%arg0: i32) -> (i32, i32) {
    %c0_i32 = arith.constant 0 : i32
    %c0_i32_0 = arith.constant 0 : i32
    %c0_i32_1 = arith.constant 0 : i32
    return %c0_i32, %c0_i32_0 : i32, i32
  }
  func.func @transform_7(%arg0: i32) -> (i32, i32) {
    %c0_i32 = arith.constant 0 : i32
    %c0_i32_0 = arith.constant 0 : i32
    %c0_i32_1 = arith.constant 0 : i32
    return %c0_i32, %c0_i32_0 : i32, i32
  }
  func.func @transform_8(%arg0: i32) -> (i32, i32) {
    %c0_i32 = arith.constant 0 : i32
    %c0_i32_0 = arith.constant 0 : i32
    return %arg0, %c0_i32 : i32, i32
  }
}

module attributes {stable_mosaic.version = 14 : i64} {
  func.func @_tc_dense_body(%arg0: i32, %arg1: memref<1x1000x128xf32, #tpu.memory_space<vmem>>, %arg2: memref<1x1000x128xf32, #tpu.memory_space<vmem>>, %arg3: memref<1x1000x8xf32, #tpu.memory_space<vmem>>, %arg4: memref<1x1000x8xf32, #tpu.memory_space<vmem>>, %arg5: memref<1000x128xf32, #tpu.memory_space<vmem>>, %arg6: memref<128x128xf32, #tpu.memory_space<vmem>>, %arg7: memref<128x128xf32, #tpu.memory_space<vmem>>, %arg8: memref<1x128xf32, #tpu.memory_space<vmem>>, %arg9: memref<1000x128xf32, #tpu.memory_space<vmem>>) attributes {dimension_semantics = [#tpu.dimension_semantics<arbitrary>], iteration_bounds = array<i64: 10>, scalar_prefetch = 0 : i64, scratch_operands = 0 : i64, tpu.core_type = #tpu.core_type<tc>, window_params = [{transform_indices = @transform_0, window_bounds = array<i64: 1, 1000, 128>}, {transform_indices = @transform_1, window_bounds = array<i64: 1, 1000, 128>}, {transform_indices = @transform_2, window_bounds = array<i64: 1, 1000, 8>}, {transform_indices = @transform_3, window_bounds = array<i64: 1, 1000, 8>}, {transform_indices = @transform_4, window_bounds = array<i64: 1000, 128>}, {pipeline_mode = #tpu.pipeline_mode<synchronous>, transform_indices = @transform_5, window_bounds = array<i64: 128, 128>}, {pipeline_mode = #tpu.pipeline_mode<synchronous>, transform_indices = @transform_6, window_bounds = array<i64: 128, 128>}, {pipeline_mode = #tpu.pipeline_mode<synchronous>, transform_indices = @transform_7, window_bounds = array<i64: 1, 128>}, {transform_indices = @transform_8, window_bounds = array<i64: 1000, 128>}]} {
    %get3A = arith.constant 0 : index
    %get3A_0 = arith.constant 0 : index
    %get3A_1 = arith.constant 0 : index
    %get3A_2 = vector.load %arg1[%get3A, %get3A_0, %get3A_1] : memref<1x1000x128xf32, #tpu.memory_space<vmem>>, vector<1x1000x128xf32>
    %get3A_3 = vector.shape_cast %get3A_2 : vector<1x1000x128xf32> to vector<1000x128xf32>
    %get3A_4 = arith.constant 0 : index
    %get3A_5 = arith.constant 0 : index
    %get3A_6 = arith.constant 0 : index
    %get3A_7 = vector.load %arg2[%get3A_4, %get3A_5, %get3A_6] : memref<1x1000x128xf32, #tpu.memory_space<vmem>>, vector<1x1000x128xf32>
    %get3A_8 = vector.shape_cast %get3A_7 : vector<1x1000x128xf32> to vector<1000x128xf32>
    %add3A = arith.addf %get3A_3, %get3A_8 : vector<1000x128xf32>
    %get3A_9 = arith.constant 0 : index
    %get3A_10 = arith.constant 0 : index
    %get3A_11 = arith.constant 0 : index
    %get3A_12 = vector.load %arg3[%get3A_9, %get3A_10, %get3A_11] : memref<1x1000x8xf32, #tpu.memory_space<vmem>>, vector<1x1000x8xf32>
    %get3A_13 = vector.shape_cast %get3A_12 : vector<1x1000x8xf32> to vector<1000x8xf32>
    %slice3A = vector.extract_strided_slice %get3A_13 {offsets = [0, 0], sizes = [1000, 1], strides = [1, 1]} : vector<1000x8xf32> to vector<1000x1xf32>
    %get3A_14 = arith.constant 0 : index
    %get3A_15 = arith.constant 0 : index
    %get3A_16 = arith.constant 0 : index
    %get3A_17 = vector.load %arg4[%get3A_14, %get3A_15, %get3A_16] : memref<1x1000x8xf32, #tpu.memory_space<vmem>>, vector<1x1000x8xf32>
    %get3A_18 = vector.shape_cast %get3A_17 : vector<1x1000x8xf32> to vector<1000x8xf32>
    %slice3A_19 = vector.extract_strided_slice %get3A_18 {offsets = [0, 0], sizes = [1000, 1], strides = [1, 1]} : vector<1000x8xf32> to vector<1000x1xf32>
    %add3A_20 = arith.addf %slice3A, %slice3A_19 : vector<1000x1xf32>
    %max3A = arith.constant 1.000000e+00 : f32
    %max3A_21 = vector.broadcast %max3A : f32 to vector<1000x1xf32>
    %max3A_22 = arith.maximumf %add3A_20, %max3A_21 : vector<1000x1xf32>
    %div3A = arith.constant 1.000000e+00 : f32
    %div3A_23 = vector.broadcast %div3A : f32 to vector<1000x1xf32>
    %div3A_24 = arith.divf %div3A_23, %max3A_22 : vector<1000x1xf32>
    %get3A_25 = arith.constant 0 : index
    %get3A_26 = arith.constant 0 : index
    %get3A_27 = vector.load %arg6[%get3A_25, %get3A_26] : memref<128x128xf32, #tpu.memory_space<vmem>>, vector<128x128xf32>
    %dot_general3A = arith.constant dense<0.000000e+00> : vector<1000x128xf32>
    %dot_general3A_28 = tpu.matmul %add3A, %get3A_27, %dot_general3A {dimension_numbers = #tpu.dot_dimension_numbers<[1], [0], [0], [1], [0, 0, 1, 1], [], []>, transpose_lhs_hint = false} : vector<1000x128xf32>, vector<128x128xf32>, vector<1000x128xf32> -> vector<1000x128xf32>
    %get3A_29 = arith.constant 0 : index
    %get3A_30 = arith.constant 0 : index
    %get3A_31 = vector.load %arg5[%get3A_29, %get3A_30] : memref<1000x128xf32, #tpu.memory_space<vmem>>, vector<1000x128xf32>
    %get3A_32 = arith.constant 0 : index
    %get3A_33 = arith.constant 0 : index
    %get3A_34 = vector.load %arg7[%get3A_32, %get3A_33] : memref<128x128xf32, #tpu.memory_space<vmem>>, vector<128x128xf32>
    %dot_general3A_35 = arith.constant dense<0.000000e+00> : vector<1000x128xf32>
    %dot_general3A_36 = tpu.matmul %get3A_31, %get3A_34, %dot_general3A_35 {dimension_numbers = #tpu.dot_dimension_numbers<[1], [0], [0], [1], [0, 0, 1, 1], [], []>, transpose_lhs_hint = false} : vector<1000x128xf32>, vector<128x128xf32>, vector<1000x128xf32> -> vector<1000x128xf32>
    %mul3A = vector.broadcast %div3A_24 : vector<1000x1xf32> to vector<1000x128xf32>
    %mul3A_37 = arith.mulf %dot_general3A_28, %mul3A : vector<1000x128xf32>
    %add3A_38 = arith.addf %mul3A_37, %dot_general3A_36 : vector<1000x128xf32>
    %get3A_39 = arith.constant 0 : index
    %get3A_40 = arith.constant 0 : index
    %get3A_41 = vector.load %arg8[%get3A_39, %get3A_40] : memref<1x128xf32, #tpu.memory_space<vmem>>, vector<1x128xf32>
    %add3A_42 = vector.broadcast %get3A_41 : vector<1x128xf32> to vector<1000x128xf32>
    %add3A_43 = arith.addf %add3A_38, %add3A_42 : vector<1000x128xf32>
    %max3A_44 = arith.constant 0.000000e+00 : f32
    %max3A_45 = vector.broadcast %max3A_44 : f32 to vector<1000x128xf32>
    %max3A_46 = arith.maximumf %add3A_43, %max3A_45 : vector<1000x128xf32>
    %swap3A = arith.constant 0 : index
    %swap3A_47 = arith.constant 0 : index
    %swap3A_48 = vector.load %arg9[%swap3A, %swap3A_47] : memref<1000x128xf32, #tpu.memory_space<vmem>>, vector<1000x128xf32>
    tpu.vector_store %arg9[%swap3A, %swap3A_47], %max3A_46 {strides = array<i32>} : memref<1000x128xf32, #tpu.memory_space<vmem>>, vector<1000x128xf32>,
    return
  }
  func.func @transform_0(%arg0: i32) -> (i32, i32, i32) {
    %c0_i32 = arith.constant 0 : i32
    %c0_i32_0 = arith.constant 0 : i32
    %c0_i32_1 = arith.constant 0 : i32
    return %c0_i32, %arg0, %c0_i32_0 : i32, i32, i32
  }
  func.func @transform_1(%arg0: i32) -> (i32, i32, i32) {
    %c1_i32 = arith.constant 1 : i32
    %c0_i32 = arith.constant 0 : i32
    %c0_i32_0 = arith.constant 0 : i32
    return %c1_i32, %arg0, %c0_i32 : i32, i32, i32
  }
  func.func @transform_2(%arg0: i32) -> (i32, i32, i32) {
    %c0_i32 = arith.constant 0 : i32
    %c0_i32_0 = arith.constant 0 : i32
    %c0_i32_1 = arith.constant 0 : i32
    return %c0_i32, %arg0, %c0_i32_0 : i32, i32, i32
  }
  func.func @transform_3(%arg0: i32) -> (i32, i32, i32) {
    %c1_i32 = arith.constant 1 : i32
    %c0_i32 = arith.constant 0 : i32
    %c0_i32_0 = arith.constant 0 : i32
    return %c1_i32, %arg0, %c0_i32 : i32, i32, i32
  }
  func.func @transform_4(%arg0: i32) -> (i32, i32) {
    %c0_i32 = arith.constant 0 : i32
    %c0_i32_0 = arith.constant 0 : i32
    return %arg0, %c0_i32 : i32, i32
  }
  func.func @transform_5(%arg0: i32) -> (i32, i32) {
    %c0_i32 = arith.constant 0 : i32
    %c0_i32_0 = arith.constant 0 : i32
    %c0_i32_1 = arith.constant 0 : i32
    return %c0_i32, %c0_i32_0 : i32, i32
  }
  func.func @transform_6(%arg0: i32) -> (i32, i32) {
    %c0_i32 = arith.constant 0 : i32
    %c0_i32_0 = arith.constant 0 : i32
    %c0_i32_1 = arith.constant 0 : i32
    return %c0_i32, %c0_i32_0 : i32, i32
  }
  func.func @transform_7(%arg0: i32) -> (i32, i32) {
    %c0_i32 = arith.constant 0 : i32
    %c0_i32_0 = arith.constant 0 : i32
    %c0_i32_1 = arith.constant 0 : i32
    return %c0_i32, %c0_i32_0 : i32, i32
  }
  func.func @transform_8(%arg0: i32) -> (i32, i32) {
    %c0_i32 = arith.constant 0 : i32
    %c0_i32_0 = arith.constant 0 : i32
    return %arg0, %c0_i32 : i32, i32
  }
}

</mosaic_0001>

<sc_bundles>
// kernel: sage_sc_agg_cnt0.3.cloned.1.call-start
scs
__scs_entry_jumppad:
0x0: {  	(pc) =	sbr.rel $0x88, $3  }
0x1: {  	(tag) =	ssettag $0x0;
	lr =	simm.s32 $0x1  }
0x2: {  	[smem:$0x3F99] =	sst lr;
	_ =	strace $0xD0000000  }
0x3: {  	_ = 	snop  }
0x4: {  	_ = 	snop  }
0x5: {  	_ = 	snop  }
0x6: {  	_ = 	snop  }
0x7: {  	_ = 	snop  }
__scs_overlays_trampoline_lowered:
0x8: {  	[smem:$0x3FA8] =	sst s0  }
0x9: {  	[smem:$0x3FA9] =	sst s1  }
0xa: {  	[smem:$0x3FAA] =	sst s2  }
0xb: {  	[smem:$0x3FAB] =	sst s3  }
0xc: {  	[smem:$0x3FAC] =	sst s4  }
0xd: {  	[smem:$0x3FAD] =	sst s5  }
0xe: {  	[smem:$0x3FAE] =	sst s6  }
0xf: {  	[smem:$0x3FAF] =	sst s7  }
0x10: {  	[smem:$0x3FB0] =	sst s8  }
0x11: {  	[smem:$0x3FB1] =	sst s9;
	s0 =	simm.s32 @!p0 $0x0  }
0x12: {  	s1 =	sld [smem:$0x3F97];
	s0 =	simm.s32 @p0 $0x1  }
0x13: {  	[smem:$0x3FB2] =	sst s0;
	s0 =	simm.s32 @!p1 $0x0  }
0x14: {  	s2 =	sld [smem:$0x3F96];
	s0 =	simm.s32 @p1 $0x1  }
0x15: {  	[smem:$0x3FB3] =	sst s0;
	s0 =	simm.s32 @!p2 $0x0  }
0x16: {  	s3 =	sld [smem:$0x3FDB];
	s0 =	simm.s32 @p2 $0x1  }
0x17: {  	s4 =	simm.s32 $0x1BF5;
	[smem:$0x3FB5] =	sst s0  }
0x18: {  	s0 =	sld [smem:$0x3F98];
	_ =	swait.ge [sflag:s4], $0x0  }
0x19: {  	s7 =	sld [smem:$0x3F99]  }
0x1a: {  	s8 =	sadd.s32 $0xFFFFE003, lr  }
0x1b: {  	s9 =	sadd.s32 $0xFFFFFEF7, lr;
	s5 =	simm.s32 $0xFFFFFFFF;
	p2 =	slt.u32 s8, $0xFFFFF086  }
0x1c: {  	p1 =	slt.u32 s9, $0xF7A;
	s5 =	simm.s32 @!p2 $0x0  }
0x1d: {  	s5 =	simm.s32 @p1 $0x1;
	p0 =	seq.s32 s7, s2  }
0x1e: {  	s7 =	smul.u32 @!p0 $0xF7A, s2;
	p2 =	seq.s32 @!p0 s5, $0x0  }
0x1f: {  	s9 =	smul.u32 $0xF7A, s1;
	s8 =	simm.s32 @!p0 $0x1BF5;
	p2 =	por !p2, p0  }
0x20: {  	[sflag:s8] =	ssyncset.s32 @!p0 $0xFFFFF086;
	s6 =	sadd.s32 @!p0 s3, s7;
	s7 =	simm.s32 @!p0 $0x108  }
0x21: {  	s3 =	sadd.s32 s3, s9;
	s6 =	sadd.s32 @!p0 $0x88, s6;
	s7 =	simm.s32 @p2 $0x1082  }
0x22: {  	[simem:s7], [sflag:s8] =	dma.local @!p0 [hbm:s6], $0xF7A  }
0x23: {  	s9 =	sor.u32 $0xD0000000, s2;
	s6 =	simm.s32 $0x108;
	_ =	swait.ge @!p0 [sflag:s8], $0x0  }
0x24: {  	s3 =	sadd.s32 $0x88, s3;
	s6 =	simm.s32 @!p1 $0x1082;
	[sflag:s4] =	ssyncset.s32 $0xFFFFF086  }
0x25: {  	[simem:s6], [sflag:s4] =	dma.local [hbm:s3], $0xF7A  }
0x26: {  	[smem:$0x3F99] =	sst s1;
	(tag) =	ssettag s2;
	_ =	strace s9  }
0x27: {  	s1 =	sld [smem:$0x3FA9]  }
0x28: {  	s2 =	sld [smem:$0x3FAA]  }
0x29: {  	s4 =	sld [smem:$0x3FAC]  }
0x2a: {  	p0 =	seq.s32 s5, $0x0;
	s5 =	sld [smem:$0x3FAD]  }
0x2b: {  	s6 =	sld [smem:$0x3FAE]  }
0x2c: {  	s7 =	sld [smem:$0x3FAF]  }
0x2d: {  	s3 =	simm.s32 $0x108;
	s8 =	sld [smem:$0x3FB0]  }
0x2e: {  	s3 =	simm.s32 @!p0 $0x1082;
	s9 =	sld [smem:$0x3FB1]  }
0x2f: {  	lr =	sadd.s32 s0, s3;
	s0 =	sld [smem:$0x3FA8]  }
0x30: {  	s3 =	sld [smem:$0x3FAB]  }
0x31: {  	[smem:$0x3FB4] =	sst s10  }
0x32: {  	s10 =	sld [smem:$0x3FB2];
	_ =	sdelay $0x3  }
0x33: {  	p0 =	seq.s32 s10, $0x1;
	s10 =	sld [smem:$0x3FB4];
	_ =	sdelay $0x3  }
0x34: {  	[smem:$0x3FB4] =	sst s10  }
0x35: {  	s10 =	sld [smem:$0x3FB3];
	_ =	sdelay $0x3  }
0x36: {  	p1 =	seq.s32 s10, $0x1;
	s10 =	sld [smem:$0x3FB4];
	_ =	sdelay $0x3  }
0x37: {  	[smem:$0x3FB4] =	sst s10  }
0x38: {  	s10 =	sld [smem:$0x3FB5]  }
0x39: {  	_ = 	snop;
	(pc) =	sbr.ind lr, $3  }
0x3a: {  	_ = 	snop  }
0x3b: {  	_ = 	snop  }
0x3c: {  	p2 =	seq.s32 s10, $0x1;
	s10 =	sld [smem:$0x3FB4]  }
0x3d: {  	_ =	shalt  }
0x3e: {  	_ =	shalt  }
0x3f: {  	_ =	shalt  }
0x40: {  	_ =	shalt  }
0x41: {  	_ =	shalt  }
0x42: {  	_ =	shalt  }
0x43: {  	_ =	shalt  }
0x44: {  	_ =	shalt  }
0x45: {  	_ =	shalt  }
0x46: {  	_ =	shalt  }
0x47: {  	_ =	shalt  }
0x48: {  	_ =	shalt  }
0x49: {  	_ =	shalt  }
0x4a: {  	_ =	shalt  }
0x4b: {  	_ =	shalt  }
0x4c: {  	_ =	shalt  }
0x4d: {  	_ =	shalt  }
0x4e: {  	_ =	shalt  }
0x4f: {  	_ =	shalt  }
0x50: {  	_ =	shalt  }
0x51: {  	_ =	shalt  }
0x52: {  	_ =	shalt  }
0x53: {  	_ =	shalt  }
0x54: {  	_ =	shalt  }
0x55: {  	_ =	shalt  }
0x56: {  	_ =	shalt  }
0x57: {  	_ =	shalt  }
0x58: {  	_ =	shalt  }
0x59: {  	_ =	shalt  }
0x5a: {  	_ =	shalt  }
0x5b: {  	_ =	shalt  }
0x5c: {  	_ =	shalt  }
0x5d: {  	_ =	shalt  }
0x5e: {  	_ =	shalt  }
0x5f: {  	_ =	shalt  }
0x60: {  	_ =	shalt  }
0x61: {  	_ =	shalt  }
0x62: {  	_ =	shalt  }
0x63: {  	_ =	shalt  }
0x64: {  	_ =	shalt  }
0x65: {  	_ =	shalt  }
0x66: {  	_ =	shalt  }
0x67: {  	_ =	shalt  }
0x68: {  	_ =	shalt  }
0x69: {  	_ =	shalt  }
0x6a: {  	_ =	shalt  }
0x6b: {  	_ =	shalt  }
0x6c: {  	_ =	shalt  }
0x6d: {  	_ =	shalt  }
0x6e: {  	_ =	shalt  }
0x6f: {  	_ =	shalt  }
0x70: {  	_ =	shalt  }
0x71: {  	_ =	shalt  }
0x72: {  	_ =	shalt  }
0x73: {  	_ =	shalt  }
0x74: {  	_ =	shalt  }
0x75: {  	_ =	shalt  }
0x76: {  	_ =	shalt  }
0x77: {  	_ =	shalt  }
0x78: {  	_ =	shalt  }
0x79: {  	_ =	shalt  }
0x7a: {  	_ =	shalt  }
0x7b: {  	_ =	shalt  }
0x7c: {  	_ =	shalt  }
0x7d: {  	_ =	shalt  }
0x7e: {  	_ =	shalt  }
0x7f: {  	_ =	shalt  }
0x80: {  	_ =	shalt  }
0x81: {  	_ =	shalt  }
0x82: {  	_ =	shalt  }
0x83: {  	_ =	shalt  }
0x84: {  	_ =	shalt  }
0x85: {  	_ =	shalt  }
0x86: {  	_ =	shalt  }
0x87: {  	_ =	shalt  }
.Lfunc_end0:
.L_simem_size_0:
called_computation.1_lowered:
.L_overlay_start_0:
0x88: {  	s2 =	sld [smem:$0x3FD9]  }
0x89: {  	s3 =	sld [smem:$0x3FFE];
	_ =	sdelay $0x1  }
0x8a: {  	s1 =	srdreg.scid  }
0x8b: {  	s0 =	sand.u32 $0x1, s1  }
0x8c: {  	s17 =	sshll.u32 s0, $0xA;
	s2 =	sadd.s32 s3, s2  }
0x8d: {  	s2 =	sadd.s32 s2, s17  }
0x8e: {  	[smem:$0x3FC0] =	sst s2  }
0x8f: {  	_ = 	snop  }
0x90: {  	s2 =	sld [smem:$0x3FD0];
	(tm) =	ssettm $0x1  }
0x91: {  	s18 =	sld [smem:$0x3FFB];
	_ =	sdelay $0x3  }
0x92: {  	_ =	strace s18  }
0x93: {  	s3 =	sld [smem:$0x3FFC];
	_ =	sdelay $0x3  }
0x94: {  	_ =	strace s3  }
0x95: {  	s3 =	sld [smem:$0x3FFD];
	_ =	sdelay $0x3  }
0x96: {  	_ =	strace s3  }
0x97: {  	_ =	strace $0x8FFFFFFF  }
0x98: {  	s19 =	sld [smem:$0x3FDB];
	_ =	sdelay $0x1  }
0x99: {  	s4 =	simm.s32 $_scs_section_size  }
0x9a: {  	s5 =	simm.s32 $_size__tile_overlayer_lowered;
	s6 =	simm.s32 $_tile_overlayer_lowered  }
0x9b: {  	s22 =	simm.s32 $0x1BFF;
	s21 =	sshll.u32 s6, $0x1;
	s3 =	sadd.s32 s4, s19  }
0x9c: {  	s7 =	simm.s32 $0x0;
	s20 =	sshll.u32 s5, $0x1;
	s5 =	sadd.s32 s21, s3  }
0x9d: {  	[timem:s7], [sflag:s22] =	dma.local [hbm:s5], s20  }
0x9e: {  	_ =	swait.ge [sflag:s22], s20  }
0x9f: {  	s4 =	ssub.s32 $0x0, s20;
	[sflag:s22] =	ssyncset.done $0x0  }
0xa0: {  	[sflag:s22] =	ssyncadd.s32 s4;
	_ =	sdelay $0x1  }
0xa1: {  	s23 =	simm.s32 $0x1B8B  }
0xa2: {  	_ =	swait.ge [sflag:s23], $0x1  }
0xa3: {  	[sflag:s23] =	ssyncset.done $0x0  }
0xa4: {  	s25 =	simm.s32 $0x1B8E;
	s24 =	sld [smem:$0x3FFE];
	[sflag:s23] =	ssyncadd.s32 $0xFFFFFFFF  }
0xa5: {  	s26 =	simm.s32 $execute0_lowered;
	[smem:$0x3FD2] =	sst s25  }
0xa6: {  	s5 =	sshll.u32 s26, $0x1;
	_ =	strace $0x80000049;
	[dreg:$0x1] =	wrdreg $0xFFFFFFFF  }
0xa7: {  	s28 =	simm.s32 $_size_execute0_lowered;
	s3 =	sadd.s32 s3, s5;
	[dreg:$0x0] =	wrdreg $0x0  }
0xa8: {  	s5 =	sshll.u32 s28, $0x1;
	[dreg:$0x2] =	wrdreg s3  }
0xa9: {  	[dreg:$0x3] =	wrdreg s5  }
0xaa: {  	[dreg:$0x4] =	wrdreg $0xC0  }
0xab: {  	_ =	task [dreg:s7], $0x5FFFF  }
0xac: {  	[dreg:$0x1] =	wrdreg $0xFFFFFFFF  }
0xad: {  	[dreg:$0x0] =	wrdreg $0x60  }
0xae: {  	[dreg:$0x2] =	wrdreg s2  }
0xaf: {  	[dreg:$0x3] =	wrdreg s24  }
0xb0: {  	[dreg:$0x4] =	wrdreg $0x0  }
0xb1: {  	[dreg:$0x5] =	wrdreg $0x9  }
0xb2: {  	_ =	task.clear_ibuf [dreg:s7], $0x6FFFF;
	_ =	strace $0x90000049  }
0xb3: {  	s29 =	simm.s32 $0x9;
	_ =	strace $0x8000004B  }
0xb4: {  	_ =	swait.ge [sflag:s29], $0x1  }
0xb5: {  	[sflag:s29] =	ssyncadd.s32 $0xFFFFFFFF  }
0xb6: {  	_ =	strace $0x9000004B  }
0xb7: {  	_ =	sfence  }
0xb8: {  	s30 =	sld [smem:$0x0];
	_ =	sdelay $0x2  }
0xb9: {  	s31 =	sshll.u32 s1, $0xD;
	s1 =	sshrl.u32 s1, $0x2  }
0xba: {  	s3 =	sand.u32 $0x4000, s31;
	s1 =	sadd.s32 s1, s30  }
0xbb: {  	s0 =	sor.u32 s3, s0;
	s1 =	sshll.u32 s1, $0x11  }
0xbc: {  	s0 =	sor.u32 s1, s0  }
0xbd: {  	s0 =	sadd.s32 $0x8F2B, s0  }
0xbe: {  	[sflag:s0] =	ssyncadd.remote.s32 $0x1  }
0xbf: {  	_ =	sfence.sel $0xFFFF  }
0xc0: {  	[dreg:$0x0] =	wrdreg $0xFFFFFFFF;
	(pc) =	sbr.abs _section_cstart, $3  }
0xc1: {  	[dreg:$0x1] =	wrdreg $0xFFFFFFFF  }
0xc2: {  	_ =	task.clear_ibuf [dreg:s7], $0x2FFFF;
	_ =	strace $0x9FFFFFFF  }
0xc3: {  	(tm) =	ssettm $0x7FFFFFFF  }
tec
execute0_lowered:
.L_overlay_start_1:
0x0: {  	(tag) =	ssettag $0x1  }
0x1: {  	s0 =	rddreg [dreg:$0x1]  }
0x2: {  	s1 =	simm.s32 $0x0;
	s2 =	srdreg.scid;
	s12 =	stileid.u32  }
0x3: {  	[smem:$0x7FF] =	sst s1;
	s3 =	sand.u32 $0x1, s2;
	s5 =	smul.u32 $0x14000, s12  }
0x4: {  	s4 =	sadd.s32 $0xC400, s0;
	s6 =	sadd.s32 $0x2600, s0;
	s9 =	smul.u32 $0x4F00, s12  }
0x5: {  	s7 =	sadd.s32 $0x16A00, s0;
	s12 =	smul.u32 $0x9E0, s12;
	s2 =	ssub.s32 $0x2, s3  }
0x6: {  	s16 =	smul.u32 $0x140000, s3;
	p0 =	sne.s32 s3, $0x0;
	s3 =	simm.s32 $0x1CE00  }
0x7: {  	s8 =	sshrl.u32 s2, $0x1;
	s10 =	sadd.s32 $0x4000, s5;
	s11 =	sadd.s32 $0x6000, s5  }
0x8: {  	s15 =	sadd.s32 $0x8000, s5;
	s25 =	sadd.s32 $0xA000, s5;
	s9 =	sshrl.u32 s9, $0x3  }
0x9: {  	s26 =	sadd.s32 $0xC000, s5;
	s28 =	sadd.s32 $0xE000, s5;
	s2 =	ssub.s32 s2, s8  }
0xa: {  	s8 =	sor.u32 $0x2000, s5;
	s9 =	sadd.s32 $0x6E0, s9;
	s22 =	sadd.s32 s5, s16  }
0xb: {  	s14 =	sadd.s32 s16, s15;
	s20 =	sadd.s32 s16, s25;
	s21 =	sadd.s32 s16, s26  }
0xc: {  	s13 =	sadd.s32 s4, s9;
	s18 =	sshrl.u32 s14, $0x3;
	s14 =	rddreg [dreg:$0x0]  }
0xd: {  	s9 =	sadd.s32 s6, s9;
	s4 =	sadd.s32 s4, s12;
	[dreg:$0x4] =	wrdreg s13  }
0xe: {  	s23 =	sadd.s32 s16, s8;
	s6 =	sadd.s32 s6, s12;
	[dreg:$0x5] =	wrdreg s9  }
0xf: {  	s12 =	sadd.s32 s16, s10;
	s31 =	smax.u32 s2, $0x1;
	[dreg:$0x6] =	wrdreg s4  }
0x10: {  	s2 =	simm.s32 $0x40;
	[dreg:$0x7] =	wrdreg s6;
	s4 =	sshrl.u32 s22, $0x3  }
0x11: {  	s24 =	sshrl.u32 s23, $0x3;
	s13 =	sadd.s32 s16, s11;
	s19 =	sadd.s32 s7, s18  }
0x12: {  	s22 =	sadd.s32 s16, s28;
	s23 =	sshrl.u32 s21, $0x3;
	s6 =	sadd.s32 $0x10000, s5  }
0x13: {  	s4 =	sadd.s32 s7, s4;
	s9 =	sadd.s32 s7, s24;
	[dreg:$0xc] =	wrdreg s19  }
0x14: {  	s17 =	sshrl.u32 s13, $0x3;
	[dreg:$0x8] =	wrdreg s4;
	s4 =	sshrl.u32 s12, $0x3  }
0x15: {  	s24 =	sshrl.u32 s22, $0x3;
	s19 =	sadd.s32 $0x16600, s0;
	s4 =	sadd.s32 s7, s4  }
0x16: {  	s0 =	simm.s32 $0x5;
	[dreg:$0xa] =	wrdreg s4;
	s4 =	sadd.s32 s7, s17  }
0x17: {  	s12 =	sadd.s32 $0x12000, s5;
	[dreg:$0xb] =	wrdreg s4;
	s4 =	sshrl.u32 s20, $0x3  }
0x18: {  	[dreg:$0x9] =	wrdreg s9;
	s18 =	sadd.s32 s16, s12;
	s4 =	sadd.s32 s7, s4  }
0x19: {  	s13 =	sadd.s32 s7, s24;
	s24 =	sshrl.u32 s18, $0x3;
	[dreg:$0xd] =	wrdreg s4  }
0x1a: {  	s4 =	sadd.s32 s7, s23;
	s23 =	sadd.s32 s16, s6;
	s16 =	rddreg [dreg:$0x2]  }
0x1b: {  	s18 =	sadd.s32 s7, s24;
	[dreg:$0xe] =	wrdreg s4;
	s9 =	sshrl.u32 s23, $0x3  }
0x1c: {  	s20 =	sadd.s32 s5, s16;
	s21 =	sadd.s32 s8, s16;
	s22 =	sadd.s32 s10, s16  }
0x1d: {  	s23 =	sadd.s32 s11, s16;
	s24 =	sadd.s32 s15, s16;
	s25 =	sadd.s32 s25, s16  }
0x1e: {  	s26 =	sadd.s32 s26, s16;
	s28 =	sadd.s32 s28, s16;
	s29 =	sadd.s32 s6, s16  }
0x1f: {  	s30 =	sadd.s32 s12, s16;
	s15 =	simm.s32 $0x1AE00;
	s4 =	simm.s32 $0x1  }
0x20: {  	s5 =	simm.s32 $0x2;
	s6 =	simm.s32 $0x3;
	s8 =	simm.s32 $0x0  }
0x21: {  	s17 =	sadd.s32 s7, s9;
	_ =	strace $0x8000004A;
	s7 =	simm.s32 $0x4  }
.LBB2_1:
0x22: {  	[tilespmem:s15], [sflag:$0x5] =	stream.linear.gather [hbm4b:s19+s1], $0x2000, $0x38;
	[tilespmem:$0x1EE00] =	vst v63  }
0x23: {  	_ =	swait.ge [sflag:s0], $0x2000  }
0x24: {  	[sflag:s0] =	ssyncset.done $0x0  }
0x25: {  	[sflag:s0] =	ssyncadd.s32 $0xFFFFE000  }
0x26: {  	[spmem:s20] =	stream.linear.scatter [tilespmem:s15], [sflag:$0x5], $0x2000, $0x38;
	[tilespmem:$0x1EE00] =	vst v63  }
0x27: {  	_ =	swait.ge [sflag:s0], $0x2000  }
0x28: {  	[sflag:s0] =	ssyncset.done $0x0  }
0x29: {  	[sflag:s0] =	ssyncadd.s32 $0xFFFFE000  }
0x2a: {  	[spmem:s21] =	stream.linear.scatter [tilespmem:s15], [sflag:$0x5], $0x2000, $0x38;
	[tilespmem:$0x1EE00] =	vst v63  }
0x2b: {  	_ =	swait.ge [sflag:s0], $0x2000  }
0x2c: {  	[sflag:s0] =	ssyncset.done $0x0  }
0x2d: {  	[sflag:s0] =	ssyncadd.s32 $0xFFFFE000  }
0x2e: {  	[spmem:s22] =	stream.linear.scatter [tilespmem:s15], [sflag:$0x5], $0x2000, $0x38;
	[tilespmem:$0x1EE00] =	vst v63  }
0x2f: {  	_ =	swait.ge [sflag:s0], $0x2000  }
0x30: {  	[sflag:s0] =	ssyncset.done $0x0  }
0x31: {  	[sflag:s0] =	ssyncadd.s32 $0xFFFFE000  }
0x32: {  	[spmem:s23] =	stream.linear.scatter [tilespmem:s15], [sflag:$0x5], $0x2000, $0x38;
	[tilespmem:$0x1EE00] =	vst v63  }
0x33: {  	_ =	swait.ge [sflag:s0], $0x2000  }
0x34: {  	[sflag:s0] =	ssyncset.done $0x0  }
0x35: {  	[sflag:s0] =	ssyncadd.s32 $0xFFFFE000  }
0x36: {  	[spmem:s24] =	stream.linear.scatter [tilespmem:s15], [sflag:$0x5], $0x2000, $0x38;
	[tilespmem:$0x1EE00] =	vst v63  }
0x37: {  	_ =	swait.ge [sflag:s0], $0x2000  }
0x38: {  	[sflag:s0] =	ssyncset.done $0x0  }
0x39: {  	[sflag:s0] =	ssyncadd.s32 $0xFFFFE000  }
0x3a: {  	[spmem:s25] =	stream.linear.scatter [tilespmem:s15], [sflag:$0x5], $0x2000, $0x38;
	[tilespmem:$0x1EE00] =	vst v63  }
0x3b: {  	_ =	swait.ge [sflag:s0], $0x2000  }
0x3c: {  	[sflag:s0] =	ssyncset.done $0x0  }
0x3d: {  	[sflag:s0] =	ssyncadd.s32 $0xFFFFE000  }
0x3e: {  	[spmem:s26] =	stream.linear.scatter [tilespmem:s15], [sflag:$0x5], $0x2000, $0x38;
	[tilespmem:$0x1EE00] =	vst v63  }
0x3f: {  	_ =	swait.ge [sflag:s0], $0x2000  }
0x40: {  	[sflag:s0] =	ssyncset.done $0x0  }
0x41: {  	[sflag:s0] =	ssyncadd.s32 $0xFFFFE000  }
0x42: {  	[spmem:s28] =	stream.linear.scatter [tilespmem:s15], [sflag:$0x5], $0x2000, $0x38;
	[tilespmem:$0x1EE00] =	vst v63  }
0x43: {  	_ =	swait.ge [sflag:s0], $0x2000  }
0x44: {  	[sflag:s0] =	ssyncset.done $0x0  }
0x45: {  	[sflag:s0] =	ssyncadd.s32 $0xFFFFE000  }
0x46: {  	[spmem:s29] =	stream.linear.scatter [tilespmem:s15], [sflag:$0x5], $0x2000, $0x38;
	[tilespmem:$0x1EE00] =	vst v63  }
0x47: {  	_ =	swait.ge [sflag:s0], $0x2000  }
0x48: {  	[sflag:s0] =	ssyncset.done $0x0  }
0x49: {  	[sflag:s0] =	ssyncadd.s32 $0xFFFFE000  }
0x4a: {  	[spmem:s30] =	stream.linear.scatter [tilespmem:s15], [sflag:$0x5], $0x2000, $0x38;
	[tilespmem:$0x1EE00] =	vst v63  }
0x4b: {  	_ =	swait.ge [sflag:s0], $0x2000  }
0x4c: {  	s9 =	simm.s32 @p0 $0x0;
	[sflag:s0] =	ssyncset.done $0x0  }
0x4d: {  	s10 =	simm.s32 @p0 $0x14000;
	s11 =	rddreg [dreg:$0x4];
	[sflag:s0] =	ssyncadd.s32 $0xFFFFE000  }
0x4e: {  	[tilespmem:s10], [sflag:$0x5] =	stream.linear.gather @p0 [hbm4b:s11+s9], $0x1800, $0x38;
	[tilespmem:$0x1EE00] =	vst v63  }
0x4f: {  	s10 =	simm.s32 @p0 $0x5  }
0x50: {  	_ =	swait.ge @p0 [sflag:s10], $0x1800  }
0x51: {  	[sflag:s10] =	ssyncset.done @p0 $0x0  }
0x52: {  	s11 =	simm.s32 @p0 $0x17700;
	s12 =	rddreg [dreg:$0x5];
	[sflag:s10] =	ssyncadd.s32 @p0 $0xFFFFE800  }
0x53: {  	[tilespmem:s11], [sflag:$0x5] =	stream.linear.gather @p0 [hbm4b:s12+s9], $0x1800, $0x38;
	[tilespmem:$0x1EE00] =	vst v63  }
0x54: {  	_ =	swait.ge @p0 [sflag:s10], $0x1800  }
0x55: {  	s9 =	simm.s32 @!p0 $0x0;
	[sflag:s10] =	ssyncset.done @p0 $0x0  }
0x56: {  	s11 =	rddreg [dreg:$0x6];
	[sflag:s10] =	ssyncadd.s32 @p0 $0xFFFFE800;
	s10 =	simm.s32 @!p0 $0x14000  }
0x57: {  	[tilespmem:s10], [sflag:$0x5] =	stream.linear.gather @!p0 [hbm4b:s11+s9], $0x3700, $0x38;
	[tilespmem:$0x1EE00] =	vst v63  }
0x58: {  	s10 =	simm.s32 @!p0 $0x5  }
0x59: {  	_ =	swait.ge @!p0 [sflag:s10], $0x3700  }
0x5a: {  	[sflag:s10] =	ssyncset.done @!p0 $0x0  }
0x5b: {  	s11 =	simm.s32 @!p0 $0x17700;
	s12 =	rddreg [dreg:$0x7];
	[sflag:s10] =	ssyncadd.s32 @!p0 $0xFFFFC900  }
0x5c: {  	[tilespmem:s11], [sflag:$0x5] =	stream.linear.gather @!p0 [hbm4b:s12+s9], $0x3700, $0x38;
	[tilespmem:$0x1EE00] =	vst v63  }
0x5d: {  	_ =	swait.ge @!p0 [sflag:s10], $0x3700  }
0x5e: {  	[sflag:s10] =	ssyncset.done @!p0 $0x0  }
0x5f: {  	[sflag:s10] =	ssyncadd.s32 @!p0 $0xFFFFC900  }
0x60: {  	s9 =	simm.s32 $0x14000;
	[bflag:$0x0] =	sbarrier.arrive $0xFFFF  }
0x61: {  	[tilespmem:s15], [sflag:$0x1] =	stream.indirect.gather [hbm4b:s14+s2], $0x80, s9, s2, $0xb8;
	[tilespmem:$0x1EE00] =	vst v63  }
0x62: {  	s11 =	simm.s32 $0x14040  }
0x63: {  	[tilespmem:s3], [sflag:$0x2] =	stream.indirect.gather [hbm4b:s14+s2], $0x80, s11, s2, $0xb8;
	[tilespmem:$0x1EE00] =	vst v63  }
0x64: {  	_ =	swait.ge [sflag:s4], $0x2000  }
0x65: {  	[sflag:s4] =	ssyncset.done $0x0  }
0x66: {  	[sflag:s4] =	ssyncadd.s32 $0xFFFFE000  }
0x67: {  	_ =	swait.ge [sflag:s5], $0x2000  }
0x68: {  	s11 =	simm.s32 @!p0 $0x6E;
	[sflag:s5] =	ssyncset.done $0x0  }
0x69: {  	s10 =	simm.s32 $0x17700;
	s11 =	simm.s32 @p0 $0x30;
	[sflag:s5] =	ssyncadd.s32 $0xFFFFE000  }
0x6a: {  	[spmem:s16] =	stream.indirect.scatter.add.f32 [tilespmem:s15], [sflag:$0x3], $0x80, s10, s2, $0xb8;
	[tilespmem:$0x1EE00] =	vst v63  }
0x6b: {  	s12 =	simm.s32 $0x17740;
	p1 =	sne.s32 s11, $0x1  }
0x6c: {  	[spmem:s16] =	stream.indirect.scatter.add.f32 [tilespmem:s3], [sflag:$0x4], $0x80, s12, s2, $0xb8;
	[tilespmem:$0x1EE00] =	vst v63  }
.Ltmp0:
0x6d: {  	_ =	swait.ge [sflag:s6], $0x2000;
	(pc) =	sbr.rel @!p1 .LBB2_3-.Ltmp0, $4  }
0x6e: {  	[sflag:s6] =	ssyncset.done $0x0  }
0x6f: {  	[sflag:s6] =	ssyncadd.s32 $0xFFFFE000  }
0x70: {  	_ =	swait.ge [sflag:s7], $0x2000  }
0x71: {  	s11 =	sadd.s32 $0xFFFFFFFF, s11;
	[sflag:s7] =	ssyncset.done $0x0  }
.LBB2_2:
0x72: {  	[sflag:s7] =	ssyncadd.s32 $0xFFFFE000;
	s9 =	sadd.s32 $0x80, s9;
	s10 =	sadd.s32 $0x80, s10  }
0x73: {  	[tilespmem:s15], [sflag:$0x1] =	stream.indirect.gather [hbm4b:s14+s2], $0x80, s9, s2, $0xb8;
	[tilespmem:$0x1EE00] =	vst v63  }
0x74: {  	p1 =	sne.s32 s11, $0x1;
	s11 =	sadd.s32 $0xFFFFFFFF, s11;
	s12 =	sadd.s32 $0x40, s9  }
0x75: {  	[tilespmem:s3], [sflag:$0x2] =	stream.indirect.gather [hbm4b:s14+s2], $0x80, s12, s2, $0xb8;
	[tilespmem:$0x1EE00] =	vst v63  }
0x76: {  	_ =	swait.ge [sflag:s4], $0x2000  }
0x77: {  	[sflag:s4] =	ssyncset.done $0x0  }
0x78: {  	[sflag:s4] =	ssyncadd.s32 $0xFFFFE000  }
0x79: {  	_ =	swait.ge [sflag:s5], $0x2000  }
0x7a: {  	[sflag:s5] =	ssyncset.done $0x0  }
0x7b: {  	[sflag:s5] =	ssyncadd.s32 $0xFFFFE000  }
0x7c: {  	[spmem:s16] =	stream.indirect.scatter.add.f32 [tilespmem:s15], [sflag:$0x3], $0x80, s10, s2, $0xb8;
	[tilespmem:$0x1EE00] =	vst v63  }
0x7d: {  	s12 =	sadd.s32 $0x40, s10  }
0x7e: {  	[spmem:s16] =	stream.indirect.scatter.add.f32 [tilespmem:s3], [sflag:$0x4], $0x80, s12, s2, $0xb8;
	[tilespmem:$0x1EE00] =	vst v63  }
.Ltmp1:
0x7f: {  	_ =	swait.ge [sflag:s6], $0x2000;
	(pc) =	sbr.rel @p1 .LBB2_2-.Ltmp1, $4  }
0x80: {  	[sflag:s6] =	ssyncset.done $0x0  }
0x81: {  	[sflag:s6] =	ssyncadd.s32 $0xFFFFE000  }
0x82: {  	_ =	swait.ge [sflag:s7], $0x2000  }
0x83: {  	[sflag:s7] =	ssyncset.done $0x0  }
.LBB2_3:
0x84: {  	[sflag:s7] =	ssyncadd.s32 $0xFFFFE000  }
0x85: {  	[bflag:$0x0] =	sbarrier.arrive $0xFFFF  }
0x86: {  	[tilespmem:s15], [sflag:$0x5] =	stream.linear.gather [spmem:s20], $0x2000, $0x38;
	[tilespmem:$0x1EE00] =	vst v63  }
0x87: {  	_ =	swait.ge [sflag:s0], $0x2000  }
0x88: {  	[sflag:s0] =	ssyncset.done $0x0  }
0x89: {  	s9 =	rddreg [dreg:$0x8];
	[sflag:s0] =	ssyncadd.s32 $0xFFFFE000  }
0x8a: {  	[hbm4b:s9+s1] =	stream.linear.scatter [tilespmem:s15], [sflag:$0x5], $0x2000, $0x38;
	[tilespmem:$0x1EE00] =	vst v63  }
0x8b: {  	_ =	swait.ge [sflag:s0], $0x2000  }
0x8c: {  	[sflag:s0] =	ssyncset.done $0x0  }
0x8d: {  	[sflag:s0] =	ssyncadd.s32 $0xFFFFE000  }
0x8e: {  	[tilespmem:s15], [sflag:$0x5] =	stream.linear.gather [spmem:s21], $0x2000, $0x38;
	[tilespmem:$0x1EE00] =	vst v63  }
0x8f: {  	_ =	swait.ge [sflag:s0], $0x2000  }
0x90: {  	[sflag:s0] =	ssyncset.done $0x0  }
0x91: {  	s10 =	rddreg [dreg:$0x9];
	[sflag:s0] =	ssyncadd.s32 $0xFFFFE000  }
0x92: {  	[hbm4b:s10+s1] =	stream.linear.scatter [tilespmem:s15], [sflag:$0x5], $0x2000, $0x38;
	[tilespmem:$0x1EE00] =	vst v63  }
0x93: {  	_ =	swait.ge [sflag:s0], $0x2000  }
0x94: {  	[sflag:s0] =	ssyncset.done $0x0  }
0x95: {  	[sflag:s0] =	ssyncadd.s32 $0xFFFFE000  }
0x96: {  	[tilespmem:s15], [sflag:$0x5] =	stream.linear.gather [spmem:s22], $0x2000, $0x38;
	[tilespmem:$0x1EE00] =	vst v63  }
0x97: {  	_ =	swait.ge [sflag:s0], $0x2000  }
0x98: {  	[sflag:s0] =	ssyncset.done $0x0  }
0x99: {  	s11 =	rddreg [dreg:$0xa];
	[sflag:s0] =	ssyncadd.s32 $0xFFFFE000  }
0x9a: {  	[hbm4b:s11+s1] =	stream.linear.scatter [tilespmem:s15], [sflag:$0x5], $0x2000, $0x38;
	[tilespmem:$0x1EE00] =	vst v63  }
0x9b: {  	_ =	swait.ge [sflag:s0], $0x2000  }
0x9c: {  	[sflag:s0] =	ssyncset.done $0x0  }
0x9d: {  	[sflag:s0] =	ssyncadd.s32 $0xFFFFE000  }
0x9e: {  	[tilespmem:s15], [sflag:$0x5] =	stream.linear.gather [spmem:s23], $0x2000, $0x38;
	[tilespmem:$0x1EE00] =	vst v63  }
0x9f: {  	_ =	swait.ge [sflag:s0], $0x2000  }
0xa0: {  	[sflag:s0] =	ssyncset.done $0x0  }
0xa1: {  	s12 =	rddreg [dreg:$0xb];
	[sflag:s0] =	ssyncadd.s32 $0xFFFFE000  }
0xa2: {  	[hbm4b:s12+s1] =	stream.linear.scatter [tilespmem:s15], [sflag:$0x5], $0x2000, $0x38;
	[tilespmem:$0x1EE00] =	vst v63  }
0xa3: {  	_ =	swait.ge [sflag:s0], $0x2000  }
0xa4: {  	[sflag:s0] =	ssyncset.done $0x0  }
0xa5: {  	[sflag:s0] =	ssyncadd.s32 $0xFFFFE000  }
0xa6: {  	[tilespmem:s15], [sflag:$0x5] =	stream.linear.gather [spmem:s24], $0x2000, $0x38;
	[tilespmem:$0x1EE00] =	vst v63  }
0xa7: {  	_ =	swait.ge [sflag:s0], $0x2000  }
0xa8: {  	[sflag:s0] =	ssyncset.done $0x0  }
0xa9: {  	s10 =	rddreg [dreg:$0xc];
	[sflag:s0] =	ssyncadd.s32 $0xFFFFE000  }
0xaa: {  	[hbm4b:s10+s1] =	stream.linear.scatter [tilespmem:s15], [sflag:$0x5], $0x2000, $0x38;
	[tilespmem:$0x1EE00] =	vst v63  }
0xab: {  	_ =	swait.ge [sflag:s0], $0x2000  }
0xac: {  	[sflag:s0] =	ssyncset.done $0x0  }
0xad: {  	[sflag:s0] =	ssyncadd.s32 $0xFFFFE000  }
0xae: {  	[tilespmem:s15], [sflag:$0x5] =	stream.linear.gather [spmem:s25], $0x2000, $0x38;
	[tilespmem:$0x1EE00] =	vst v63  }
0xaf: {  	_ =	swait.ge [sflag:s0], $0x2000  }
0xb0: {  	[sflag:s0] =	ssyncset.done $0x0  }
0xb1: {  	s11 =	rddreg [dreg:$0xd];
	[sflag:s0] =	ssyncadd.s32 $0xFFFFE000  }
0xb2: {  	[hbm4b:s11+s1] =	stream.linear.scatter [tilespmem:s15], [sflag:$0x5], $0x2000, $0x38;
	[tilespmem:$0x1EE00] =	vst v63  }
0xb3: {  	_ =	swait.ge [sflag:s0], $0x2000  }
0xb4: {  	[sflag:s0] =	ssyncset.done $0x0  }
0xb5: {  	[sflag:s0] =	ssyncadd.s32 $0xFFFFE000  }
0xb6: {  	[tilespmem:s15], [sflag:$0x5] =	stream.linear.gather [spmem:s26], $0x2000, $0x38;
	[tilespmem:$0x1EE00] =	vst v63  }
0xb7: {  	_ =	swait.ge [sflag:s0], $0x2000  }
0xb8: {  	[sflag:s0] =	ssyncset.done $0x0  }
0xb9: {  	s12 =	rddreg [dreg:$0xe];
	[sflag:s0] =	ssyncadd.s32 $0xFFFFE000  }
0xba: {  	[hbm4b:s12+s1] =	stream.linear.scatter [tilespmem:s15], [sflag:$0x5], $0x2000, $0x38;
	[tilespmem:$0x1EE00] =	vst v63  }
0xbb: {  	_ =	swait.ge [sflag:s0], $0x2000  }
0xbc: {  	[sflag:s0] =	ssyncset.done $0x0  }
0xbd: {  	[sflag:s0] =	ssyncadd.s32 $0xFFFFE000  }
0xbe: {  	[tilespmem:s15], [sflag:$0x5] =	stream.linear.gather [spmem:s28], $0x2000, $0x38;
	[tilespmem:$0x1EE00] =	vst v63  }
0xbf: {  	_ =	swait.ge [sflag:s0], $0x2000  }
0xc0: {  	[sflag:s0] =	ssyncset.done $0x0  }
0xc1: {  	[sflag:s0] =	ssyncadd.s32 $0xFFFFE000  }
0xc2: {  	[hbm4b:s13+s1] =	stream.linear.scatter [tilespmem:s15], [sflag:$0x5], $0x2000, $0x38;
	[tilespmem:$0x1EE00] =	vst v63  }
0xc3: {  	_ =	swait.ge [sflag:s0], $0x2000  }
0xc4: {  	[sflag:s0] =	ssyncset.done $0x0  }
0xc5: {  	[sflag:s0] =	ssyncadd.s32 $0xFFFFE000  }
0xc6: {  	[tilespmem:s15], [sflag:$0x5] =	stream.linear.gather [spmem:s29], $0x2000, $0x38;
	[tilespmem:$0x1EE00] =	vst v63  }
0xc7: {  	_ =	swait.ge [sflag:s0], $0x2000  }
0xc8: {  	[sflag:s0] =	ssyncset.done $0x0  }
0xc9: {  	[sflag:s0] =	ssyncadd.s32 $0xFFFFE000  }
0xca: {  	[hbm4b:s17+s1] =	stream.linear.scatter [tilespmem:s15], [sflag:$0x5], $0x2000, $0x38;
	[tilespmem:$0x1EE00] =	vst v63  }
0xcb: {  	_ =	swait.ge [sflag:s0], $0x2000  }
0xcc: {  	[sflag:s0] =	ssyncset.done $0x0  }
0xcd: {  	[sflag:s0] =	ssyncadd.s32 $0xFFFFE000  }
0xce: {  	[tilespmem:s15], [sflag:$0x5] =	stream.linear.gather [spmem:s30], $0x2000, $0x38;
	[tilespmem:$0x1EE00] =	vst v63  }
0xcf: {  	s8 =	sadd.s32 $0x1, s8;
	_ =	swait.ge [sflag:s0], $0x2000  }
0xd0: {  	p1 =	sne.s32 s8, s31;
	[sflag:s0] =	ssyncset.done $0x0  }
.Ltmp2:
0xd1: {  	[sflag:s0] =	ssyncadd.s32 $0xFFFFE000;
	(pc) =	sbr.rel @p1 .LBB2_1-.Ltmp2, $4  }
0xd2: {  	[hbm4b:s18+s1] =	stream.linear.scatter [tilespmem:s15], [sflag:$0x5], $0x2000, $0x38;
	[tilespmem:$0x1EE00] =	vst v63  }
0xd3: {  	_ =	swait.ge [sflag:s0], $0x2000  }
0xd4: {  	[sflag:s0] =	ssyncset.done $0x0  }
0xd5: {  	[sflag:s0] =	ssyncadd.s32 $0xFFFFE000  }
0xd6: {  	_ =	sfence.sel $0x180000  }
0xd7: {  	[bflag:$0x0] =	sbarrier.arrive $0xFFFF  }
0xd8: {  	_ =	strace $0x9000004A  }
0xd9: {  	s0 =	stileid.u32;
	[bflag:$0x2] =	sbarrier.arrive $0xFFFF  }
0xda: {  	p0 =	sne.s32 s0, $0x0;
	s0 =	rddreg [dreg:$0x3]  }
0xdb: {  	s0 =	sadd.s32 @!p0 $0x100000, s0  }
0xdc: {  	[sflag:s0] =	ssyncadd.tile.s32 @!p0 $0x1;
	_ =	shalt  }
.Lfunc_end2:
_tile_overlayer_lowered:
.L_overlay_start_2:
0xdd: {  	(tag) =	ssettag $0x2  }
0xde: {  	s0 =	rddreg [dreg:$0x0];
	s2 =	stileid.u32  }
0xdf: {  	s1 =	rddreg [dreg:$0x1];
	p0 =	sne.s32 s2, $0x0  }
0xe0: {  	s3 =	rddreg [dreg:$0x2];
	[bflag:$0x3] =	sbarrier.arrive $0xFFFF;
	s2 =	simm.s32 @!p0 $0x1C05  }
0xe1: {  	[timem:s3], [sflag:s2] =	dma.local @!p0 [hbm:s0], s1  }
0xe2: {  	s0 =	simm.s32 @!p0 $0x5  }
0xe3: {  	_ =	swait.ge @!p0 [sflag:s0], s1  }
0xe4: {  	s1 =	ssub.s32 @!p0 $0x0, s1;
	[sflag:s0] =	ssyncset.done @!p0 $0x0  }
0xe5: {  	[sflag:s0] =	ssyncadd.s32 @!p0 s1  }
0xe6: {  	[bflag:$0x3] =	sbarrier.arrive $0xFFFF  }
0xe7: {  	_ =	shalt  }

// kernel: sage_sc_agg_cnt1.3.cloned.1.call-start
scs
__scs_entry_jumppad:
0x0: {  	(pc) =	sbr.rel $0x88, $3  }
0x1: {  	(tag) =	ssettag $0x0;
	lr =	simm.s32 $0x1  }
0x2: {  	[smem:$0x3F99] =	sst lr;
	_ =	strace $0xD0000000  }
0x3: {  	_ = 	snop  }
0x4: {  	_ = 	snop  }
0x5: {  	_ = 	snop  }
0x6: {  	_ = 	snop  }
0x7: {  	_ = 	snop  }
__scs_overlays_trampoline_lowered:
0x8: {  	[smem:$0x3FA8] =	sst s0  }
0x9: {  	[smem:$0x3FA9] =	sst s1  }
0xa: {  	[smem:$0x3FAA] =	sst s2  }
0xb: {  	[smem:$0x3FAB] =	sst s3  }
0xc: {  	[smem:$0x3FAC] =	sst s4  }
0xd: {  	[smem:$0x3FAD] =	sst s5  }
0xe: {  	[smem:$0x3FAE] =	sst s6  }
0xf: {  	[smem:$0x3FAF] =	sst s7  }
0x10: {  	[smem:$0x3FB0] =	sst s8  }
0x11: {  	[smem:$0x3FB1] =	sst s9;
	s0 =	simm.s32 @!p0 $0x0  }
0x12: {  	s1 =	sld [smem:$0x3F97];
	s0 =	simm.s32 @p0 $0x1  }
0x13: {  	[smem:$0x3FB2] =	sst s0;
	s0 =	simm.s32 @!p1 $0x0  }
0x14: {  	s2 =	sld [smem:$0x3F96];
	s0 =	simm.s32 @p1 $0x1  }
0x15: {  	[smem:$0x3FB3] =	sst s0;
	s0 =	simm.s32 @!p2 $0x0  }
0x16: {  	s3 =	sld [smem:$0x3FDB];
	s0 =	simm.s32 @p2 $0x1  }
0x17: {  	s4 =	simm.s32 $0x1BF5;
	[smem:$0x3FB5] =	sst s0  }
0x18: {  	s0 =	sld [smem:$0x3F98];
	_ =	swait.ge [sflag:s4], $0x0  }
0x19: {  	s7 =	sld [smem:$0x3F99]  }
0x1a: {  	s8 =	sadd.s32 $0xFFFFE003, lr  }
0x1b: {  	s9 =	sadd.s32 $0xFFFFFEF7, lr;
	s5 =	simm.s32 $0xFFFFFFFF;
	p2 =	slt.u32 s8, $0xFFFFF086  }
0x1c: {  	p1 =	slt.u32 s9, $0xF7A;
	s5 =	simm.s32 @!p2 $0x0  }
0x1d: {  	s5 =	simm.s32 @p1 $0x1;
	p0 =	seq.s32 s7, s2  }
0x1e: {  	s7 =	smul.u32 @!p0 $0xF7A, s2;
	p2 =	seq.s32 @!p0 s5, $0x0  }
0x1f: {  	s9 =	smul.u32 $0xF7A, s1;
	s8 =	simm.s32 @!p0 $0x1BF5;
	p2 =	por !p2, p0  }
0x20: {  	[sflag:s8] =	ssyncset.s32 @!p0 $0xFFFFF086;
	s6 =	sadd.s32 @!p0 s3, s7;
	s7 =	simm.s32 @!p0 $0x108  }
0x21: {  	s3 =	sadd.s32 s3, s9;
	s6 =	sadd.s32 @!p0 $0x88, s6;
	s7 =	simm.s32 @p2 $0x1082  }
0x22: {  	[simem:s7], [sflag:s8] =	dma.local @!p0 [hbm:s6], $0xF7A  }
0x23: {  	s9 =	sor.u32 $0xD0000000, s2;
	s6 =	simm.s32 $0x108;
	_ =	swait.ge @!p0 [sflag:s8], $0x0  }
0x24: {  	s3 =	sadd.s32 $0x88, s3;
	s6 =	simm.s32 @!p1 $0x1082;
	[sflag:s4] =	ssyncset.s32 $0xFFFFF086  }
0x25: {  	[simem:s6], [sflag:s4] =	dma.local [hbm:s3], $0xF7A  }
0x26: {  	[smem:$0x3F99] =	sst s1;
	(tag) =	ssettag s2;
	_ =	strace s9  }
0x27: {  	s1 =	sld [smem:$0x3FA9]  }
0x28: {  	s2 =	sld [smem:$0x3FAA]  }
0x29: {  	s4 =	sld [smem:$0x3FAC]  }
0x2a: {  	p0 =	seq.s32 s5, $0x0;
	s5 =	sld [smem:$0x3FAD]  }
0x2b: {  	s6 =	sld [smem:$0x3FAE]  }
0x2c: {  	s7 =	sld [smem:$0x3FAF]  }
0x2d: {  	s3 =	simm.s32 $0x108;
	s8 =	sld [smem:$0x3FB0]  }
0x2e: {  	s3 =	simm.s32 @!p0 $0x1082;
	s9 =	sld [smem:$0x3FB1]  }
0x2f: {  	lr =	sadd.s32 s0, s3;
	s0 =	sld [smem:$0x3FA8]  }
0x30: {  	s3 =	sld [smem:$0x3FAB]  }
0x31: {  	[smem:$0x3FB4] =	sst s10  }
0x32: {  	s10 =	sld [smem:$0x3FB2];
	_ =	sdelay $0x3  }
0x33: {  	p0 =	seq.s32 s10, $0x1;
	s10 =	sld [smem:$0x3FB4];
	_ =	sdelay $0x3  }
0x34: {  	[smem:$0x3FB4] =	sst s10  }
0x35: {  	s10 =	sld [smem:$0x3FB3];
	_ =	sdelay $0x3  }
0x36: {  	p1 =	seq.s32 s10, $0x1;
	s10 =	sld [smem:$0x3FB4];
	_ =	sdelay $0x3  }
0x37: {  	[smem:$0x3FB4] =	sst s10  }
0x38: {  	s10 =	sld [smem:$0x3FB5]  }
0x39: {  	_ = 	snop;
	(pc) =	sbr.ind lr, $3  }
0x3a: {  	_ = 	snop  }
0x3b: {  	_ = 	snop  }
0x3c: {  	p2 =	seq.s32 s10, $0x1;
	s10 =	sld [smem:$0x3FB4]  }
0x3d: {  	_ =	shalt  }
0x3e: {  	_ =	shalt  }
0x3f: {  	_ =	shalt  }
0x40: {  	_ =	shalt  }
0x41: {  	_ =	shalt  }
0x42: {  	_ =	shalt  }
0x43: {  	_ =	shalt  }
0x44: {  	_ =	shalt  }
0x45: {  	_ =	shalt  }
0x46: {  	_ =	shalt  }
0x47: {  	_ =	shalt  }
0x48: {  	_ =	shalt  }
0x49: {  	_ =	shalt  }
0x4a: {  	_ =	shalt  }
0x4b: {  	_ =	shalt  }
0x4c: {  	_ =	shalt  }
0x4d: {  	_ =	shalt  }
0x4e: {  	_ =	shalt  }
0x4f: {  	_ =	shalt  }
0x50: {  	_ =	shalt  }
0x51: {  	_ =	shalt  }
0x52: {  	_ =	shalt  }
0x53: {  	_ =	shalt  }
0x54: {  	_ =	shalt  }
0x55: {  	_ =	shalt  }
0x56: {  	_ =	shalt  }
0x57: {  	_ =	shalt  }
0x58: {  	_ =	shalt  }
0x59: {  	_ =	shalt  }
0x5a: {  	_ =	shalt  }
0x5b: {  	_ =	shalt  }
0x5c: {  	_ =	shalt  }
0x5d: {  	_ =	shalt  }
0x5e: {  	_ =	shalt  }
0x5f: {  	_ =	shalt  }
0x60: {  	_ =	shalt  }
0x61: {  	_ =	shalt  }
0x62: {  	_ =	shalt  }
0x63: {  	_ =	shalt  }
0x64: {  	_ =	shalt  }
0x65: {  	_ =	shalt  }
0x66: {  	_ =	shalt  }
0x67: {  	_ =	shalt  }
0x68: {  	_ =	shalt  }
0x69: {  	_ =	shalt  }
0x6a: {  	_ =	shalt  }
0x6b: {  	_ =	shalt  }
0x6c: {  	_ =	shalt  }
0x6d: {  	_ =	shalt  }
0x6e: {  	_ =	shalt  }
0x6f: {  	_ =	shalt  }
0x70: {  	_ =	shalt  }
0x71: {  	_ =	shalt  }
0x72: {  	_ =	shalt  }
0x73: {  	_ =	shalt  }
0x74: {  	_ =	shalt  }
0x75: {  	_ =	shalt  }
0x76: {  	_ =	shalt  }
0x77: {  	_ =	shalt  }
0x78: {  	_ =	shalt  }
0x79: {  	_ =	shalt  }
0x7a: {  	_ =	shalt  }
0x7b: {  	_ =	shalt  }
0x7c: {  	_ =	shalt  }
0x7d: {  	_ =	shalt  }
0x7e: {  	_ =	shalt  }
0x7f: {  	_ =	shalt  }
0x80: {  	_ =	shalt  }
0x81: {  	_ =	shalt  }
0x82: {  	_ =	shalt  }
0x83: {  	_ =	shalt  }
0x84: {  	_ =	shalt  }
0x85: {  	_ =	shalt  }
0x86: {  	_ =	shalt  }
0x87: {  	_ =	shalt  }
.Lfunc_end0:
.L_simem_size_0:
called_computation_lowered:
.L_overlay_start_0:
0x88: {  	s2 =	sld [smem:$0x3FD9]  }
0x89: {  	s3 =	sld [smem:$0x3FFE];
	_ =	sdelay $0x1  }
0x8a: {  	s1 =	srdreg.scid  }
0x8b: {  	s0 =	sand.u32 $0x1, s1  }
0x8c: {  	s17 =	sshll.u32 s0, $0xA;
	s2 =	sadd.s32 s3, s2  }
0x8d: {  	s2 =	sadd.s32 s2, s17  }
0x8e: {  	[smem:$0x3FC0] =	sst s2  }
0x8f: {  	_ = 	snop  }
0x90: {  	s2 =	sld [smem:$0x3FC9]  }
0x91: {  	s18 =	sld [smem:$0x3FD0];
	(tm) =	ssettm $0x1  }
0x92: {  	s4 =	sld [smem:$0x3FFB];
	_ =	sdelay $0x3  }
0x93: {  	_ =	strace s4  }
0x94: {  	s4 =	sld [smem:$0x3FFC];
	_ =	sdelay $0x3  }
0x95: {  	_ =	strace s4  }
0x96: {  	s4 =	sld [smem:$0x3FFD];
	_ =	sdelay $0x3  }
0x97: {  	_ =	strace s4  }
0x98: {  	_ =	strace $0x8FFFFFFF  }
0x99: {  	s19 =	sld [smem:$0x3FDB];
	_ =	sdelay $0x1  }
0x9a: {  	s5 =	simm.s32 $_scs_section_size  }
0x9b: {  	s6 =	simm.s32 $_size__tile_overlayer_lowered;
	s7 =	simm.s32 $_tile_overlayer_lowered  }
0x9c: {  	s22 =	simm.s32 $0x1BFF;
	s21 =	sshll.u32 s7, $0x1;
	s4 =	sadd.s32 s5, s19  }
0x9d: {  	s8 =	simm.s32 $0x0;
	s20 =	sshll.u32 s6, $0x1;
	s6 =	sadd.s32 s21, s4  }
0x9e: {  	[timem:s8], [sflag:s22] =	dma.local [hbm:s6], s20  }
0x9f: {  	_ =	swait.ge [sflag:s22], s20  }
0xa0: {  	s5 =	ssub.s32 $0x0, s20;
	[sflag:s22] =	ssyncset.done $0x0  }
0xa1: {  	[sflag:s22] =	ssyncadd.s32 s5;
	_ =	sdelay $0x1  }
0xa2: {  	s23 =	simm.s32 $0x1B8B  }
0xa3: {  	_ =	swait.ge [sflag:s23], $0x1  }
0xa4: {  	[sflag:s23] =	ssyncset.done $0x0  }
0xa5: {  	s25 =	simm.s32 $0x1B8E;
	s24 =	sld [smem:$0x3FFE];
	[sflag:s23] =	ssyncadd.s32 $0xFFFFFFFF  }
0xa6: {  	s26 =	simm.s32 $execute0_lowered;
	[smem:$0x3FD2] =	sst s25  }
0xa7: {  	s6 =	sshll.u32 s26, $0x1;
	_ =	strace $0x80000046;
	[dreg:$0x1] =	wrdreg $0xFFFFFFFF  }
0xa8: {  	s28 =	simm.s32 $_size_execute0_lowered;
	s4 =	sadd.s32 s4, s6;
	[dreg:$0x0] =	wrdreg $0x0  }
0xa9: {  	s6 =	sshll.u32 s28, $0x1;
	[dreg:$0x2] =	wrdreg s4  }
0xaa: {  	[dreg:$0x3] =	wrdreg s6  }
0xab: {  	[dreg:$0x4] =	wrdreg $0xC0  }
0xac: {  	_ =	task [dreg:s8], $0x5FFFF  }
0xad: {  	[dreg:$0x1] =	wrdreg $0xFFFFFFFF  }
0xae: {  	[dreg:$0x0] =	wrdreg $0x60  }
0xaf: {  	[dreg:$0x2] =	wrdreg s2  }
0xb0: {  	[dreg:$0x3] =	wrdreg s24  }
0xb1: {  	[dreg:$0x4] =	wrdreg s18  }
0xb2: {  	[dreg:$0x5] =	wrdreg $0x0  }
0xb3: {  	[dreg:$0x6] =	wrdreg $0x140000  }
0xb4: {  	[dreg:$0x7] =	wrdreg $0x9  }
0xb5: {  	_ =	task.clear_ibuf [dreg:s8], $0x8FFFF;
	_ =	strace $0x90000046  }
0xb6: {  	s29 =	simm.s32 $0x9;
	_ =	strace $0x80000048  }
0xb7: {  	_ =	swait.ge [sflag:s29], $0x1  }
0xb8: {  	[sflag:s29] =	ssyncadd.s32 $0xFFFFFFFF  }
0xb9: {  	_ =	strace $0x90000048  }
0xba: {  	_ =	sfence  }
0xbb: {  	s30 =	sld [smem:$0x0];
	_ =	sdelay $0x2  }
0xbc: {  	s31 =	sshll.u32 s1, $0xD;
	s1 =	sshrl.u32 s1, $0x2  }
0xbd: {  	s3 =	sand.u32 $0x4000, s31;
	s1 =	sadd.s32 s1, s30  }
0xbe: {  	s0 =	sor.u32 s3, s0;
	s1 =	sshll.u32 s1, $0x11  }
0xbf: {  	s0 =	sor.u32 s1, s0  }
0xc0: {  	s0 =	sadd.s32 $0x8F2B, s0  }
0xc1: {  	[sflag:s0] =	ssyncadd.remote.s32 $0x1  }
0xc2: {  	_ =	sfence.sel $0xFFFF  }
0xc3: {  	[dreg:$0x0] =	wrdreg $0xFFFFFFFF;
	(pc) =	sbr.abs _section_cstart, $3  }
0xc4: {  	[dreg:$0x1] =	wrdreg $0xFFFFFFFF  }
0xc5: {  	_ =	task.clear_ibuf [dreg:s8], $0x2FFFF;
	_ =	strace $0x9FFFFFFF  }
0xc6: {  	(tm) =	ssettm $0x7FFFFFFF  }
0xc7: {  	_ =	shalt  }
tec
execute0_lowered:
.L_overlay_start_1:
0x0: {  	(tag) =	ssettag $0x1  }
0x1: {  	s25 =	stileid.u32  }
0x2: {  	s2 =	rddreg [dreg:$0x1];
	s10 =	smul.u32 $0x280, s25  }
0x3: {  	s21 =	simm.s32 $0x0;
	s0 =	srdreg.scid;
	s6 =	smul.u32 $0x14000, s25  }
0x4: {  	[smem:$0x7FF] =	sst s21;
	s15 =	smul.u32 $0x4F00, s25  }
0x5: {  	s5 =	sand.u32 $0x1, s0;
	s12 =	sadd.s32 $0xC400, s2;
	s24 =	smul.u32 $0x9E0, s25  }
0x6: {  	s14 =	sadd.s32 $0x2600, s2;
	s25 =	smul.u32 $0x1400, s25;
	s0 =	ssub.s32 $0x2, s5  }
0x7: {  	s11 =	sadd.s32 $0x16A00, s2;
	s22 =	smul.u32 $0x140000, s5;
	s4 =	sshrl.u32 s0, $0x1  }
0x8: {  	s13 =	sor.u32 $0x40, s10;
	s3 =	sadd.s32 $0x80, s10;
	s1 =	sadd.s32 $0xC0, s10  }
0x9: {  	s16 =	sadd.s32 $0x100, s10;
	s19 =	sadd.s32 $0x140, s10;
	s15 =	sshrl.u32 s15, $0x3  }
0xa: {  	s17 =	sadd.s32 $0x180, s10;
	s18 =	sadd.s32 $0x1C0, s10;
	s20 =	sadd.s32 $0x200, s10  }
0xb: {  	s0 =	ssub.s32 s0, s4;
	s7 =	sshll.u32 s13, $0x7;
	s8 =	sshll.u32 s3, $0x7  }
0xc: {  	s9 =	sshll.u32 s1, $0x7;
	s15 =	sadd.s32 $0x670, s15;
	[smem:$0x7EC] =	sst s19  }
0xd: {  	s26 =	sadd.s32 s6, s22;
	[smem:$0x7EE] =	sst s0;
	s23 =	sadd.s32 s12, s15  }
0xe: {  	s31 =	sshll.u32 s17, $0x7;
	s15 =	sadd.s32 s14, s15;
	[dreg:$0x6] =	wrdreg s23  }
0xf: {  	s12 =	sadd.s32 s12, s24;
	s14 =	sadd.s32 s14, s24;
	[dreg:$0x7] =	wrdreg s15  }
0x10: {  	s4 =	sadd.s32 s22, s7;
	s0 =	sadd.s32 $0x240, s10;
	[dreg:$0x8] =	wrdreg s12  }
0x11: {  	s24 =	sadd.s32 s22, s8;
	[dreg:$0x9] =	wrdreg s14;
	s12 =	sshrl.u32 s26, $0x3  }
0x12: {  	s23 =	sshrl.u32 s4, $0x3;
	s26 =	sadd.s32 s22, s9;
	s4 =	sshrl.u32 s24, $0x3  }
0x13: {  	s24 =	sadd.s32 s22, s31;
	s15 =	sadd.s32 s11, s12;
	s10 =	sadd.s32 s11, s23  }
0x14: {  	s12 =	sshrl.u32 s26, $0x3;
	s14 =	sadd.s32 s11, s4;
	[dreg:$0xa] =	wrdreg s15  }
0x15: {  	[dreg:$0xb] =	wrdreg s10;
	s15 =	smov.u32 s16;
	s10 =	sshll.u32 s16, $0x7  }
0x16: {  	[dreg:$0xc] =	wrdreg s14;
	s12 =	sadd.s32 s11, s12;
	s16 =	sadd.s32 s22, s10  }
0x17: {  	s14 =	sshll.u32 s19, $0x7;
	[dreg:$0xd] =	wrdreg s12;
	s12 =	sshrl.u32 s16, $0x3  }
0x18: {  	s29 =	sshll.u32 s0, $0x7;
	s23 =	sadd.s32 s22, s14;
	s12 =	sadd.s32 s11, s12  }
0x19: {  	s16 =	smov.u32 s18;
	[dreg:$0xe] =	wrdreg s12;
	s12 =	sshrl.u32 s23, $0x3  }
0x1a: {  	s23 =	sshrl.u32 s24, $0x3;
	s24 =	sshll.u32 s18, $0x7;
	s12 =	sadd.s32 s11, s12  }
0x1b: {  	s26 =	sadd.s32 s11, s23;
	s4 =	sadd.s32 s22, s24;
	[dreg:$0xf] =	wrdreg s12  }
0x1c: {  	s23 =	sshll.u32 s20, $0x7;
	[dreg:$0x10] =	wrdreg s26;
	s12 =	sshrl.u32 s4, $0x3  }
0x1d: {  	s26 =	smul.u32 $0x14000, s5;
	s28 =	sadd.s32 s22, s23;
	s22 =	sadd.s32 s22, s29  }
0x1e: {  	s12 =	sadd.s32 s11, s12;
	s18 =	sshrl.u32 s28, $0x3;
	s28 =	rddreg [dreg:$0x4]  }
0x1f: {  	s4 =	sshrl.u32 s22, $0x3;
	[dreg:$0x11] =	wrdreg s12;
	s12 =	sadd.s32 s11, s18  }
0x20: {  	s11 =	sadd.s32 s11, s4;
	[dreg:$0x12] =	wrdreg s12  }
0x21: {  	s18 =	sadd.s32 s25, s26;
	s30 =	sshrl.u32 s26, $0x3;
	[dreg:$0x13] =	wrdreg s11  }
0x22: {  	s22 =	sshrl.u32 s18, $0x3;
	s12 =	rddreg [dreg:$0x2];
	s18 =	smov.u32 s13  }
0x23: {  	s26 =	sadd.s32 s12, s13;
	s4 =	sadd.s32 s12, s3;
	s11 =	sadd.s32 s12, s22  }
0x24: {  	[dreg:$0x14] =	wrdreg s11;
	s13 =	sadd.s32 s30, s26;
	s22 =	sadd.s32 s30, s4  }
0x25: {  	s26 =	sadd.s32 s12, s1;
	s4 =	smov.u32 s15;
	[dreg:$0x15] =	wrdreg s13  }
0x26: {  	[dreg:$0x16] =	wrdreg s22;
	s13 =	sadd.s32 s12, s15;
	s11 =	sadd.s32 s30, s26  }
0x27: {  	s15 =	sadd.s32 s12, s19;
	s26 =	sadd.s32 s12, s17;
	[dreg:$0x17] =	wrdreg s11  }
0x28: {  	s19 =	sadd.s32 s30, s13;
	s11 =	sadd.s32 s30, s26;
	s26 =	rddreg [dreg:$0x3]  }
0x29: {  	s22 =	sadd.s32 s30, s15;
	[dreg:$0x18] =	wrdreg s19  }
0x2a: {  	s13 =	smov.u32 s17;
	[dreg:$0x19] =	wrdreg s22  }
0x2b: {  	s15 =	smov.u32 s16;
	s17 =	sadd.s32 s12, s20;
	s22 =	rddreg [dreg:$0x0]  }
0x2c: {  	s19 =	sadd.s32 s12, s16;
	[dreg:$0x1a] =	wrdreg s11;
	s11 =	sadd.s32 s30, s17  }
0x2d: {  	s12 =	sadd.s32 s12, s0;
	s16 =	sadd.s32 s30, s19;
	[dreg:$0x1c] =	wrdreg s11  }
0x2e: {  	s19 =	sadd.s32 s30, s12;
	[dreg:$0x1b] =	wrdreg s16  }
0x2f: {  	s12 =	sadd.s32 $0x16600, s2;
	[dreg:$0x1d] =	wrdreg s19  }
0x30: {  	s16 =	sadd.s32 $0x16400, s2;
	_ =	strace $0x80000047;
	[dreg:$0x1e] =	wrdreg s12  }
0x31: {  	s2 =	sadd.s32 $0x16200, s2;
	[dreg:$0x1f] =	wrdreg s16  }
0x32: {  	s3 =	sshll.u32 s3, $0x3;
	s17 =	sadd.s32 s7, s26;
	[smem:$0x7E9] =	sst s2  }
0x33: {  	s8 =	sadd.s32 s8, s26;
	s19 =	sadd.s32 s29, s26;
	[smem:$0x7EA] =	sst s17  }
0x34: {  	s7 =	sadd.s32 s31, s26;
	s11 =	sadd.s32 s24, s26;
	[smem:$0x7F1] =	sst s19  }
0x35: {  	s13 =	sshll.u32 s13, $0x3;
	s24 =	sshll.u32 s1, $0x3;
	[smem:$0x7F3] =	sst s11  }
0x36: {  	s1 =	sadd.s32 s13, s28;
	s12 =	sadd.s32 s9, s26;
	[smem:$0x7F4] =	sst s7  }
0x37: {  	s9 =	sadd.s32 s10, s26;
	s10 =	sadd.s32 s14, s26;
	[smem:$0x7F8] =	sst s1  }
0x38: {  	s14 =	sadd.s32 s23, s26;
	s23 =	sadd.s32 s3, s28;
	[smem:$0x7FC] =	sst s8  }
0x39: {  	p0 =	sne.s32 s5, $0x0;
	[smem:$0x7EB] =	sst s23  }
0x3a: {  	s17 =	sadd.s32 s25, s28;
	s25 =	sshll.u32 s4, $0x3;
	s3 =	sld [smem:$0x7EC]  }
0x3b: {  	s18 =	sshll.u32 s18, $0x3;
	s5 =	sadd.s32 s25, s28;
	s25 =	sld [smem:$0x7EE]  }
0x3c: {  	s18 =	sadd.s32 s18, s28;
	s6 =	sadd.s32 s6, s26;
	[smem:$0x7F2] =	sst s14  }
0x3d: {  	s15 =	sshll.u32 s15, $0x3;
	s31 =	simm.s32 $0x40;
	[smem:$0x7F5] =	sst s9  }
0x3e: {  	s30 =	simm.s32 $0x1FB00;
	s29 =	simm.s32 $0x5;
	[smem:$0x7F6] =	sst s12  }
0x3f: {  	s16 =	sadd.s32 s24, s28;
	s24 =	sshll.u32 s0, $0x3;
	[smem:$0x7FD] =	sst s10  }
0x40: {  	s23 =	sshll.u32 s20, $0x3;
	s20 =	sadd.s32 s15, s28;
	[smem:$0x7ED] =	sst s5  }
0x41: {  	s2 =	simm.s32 $0x3;
	s13 =	sadd.s32 s24, s28;
	[smem:$0x7F9] =	sst s20  }
0x42: {  	s24 =	simm.s32 $0x1BB00;
	s5 =	simm.s32 $0x0;
	[smem:$0x7FB] =	sst s13  }
0x43: {  	s15 =	sadd.s32 s23, s28;
	s23 =	simm.s32 $0x2;
	[smem:$0x7F0] =	sst s5  }
0x44: {  	[smem:$0x7FA] =	sst s15;
	s4 =	sshll.u32 s3, $0x3;
	s0 =	smax.u32 s25, $0x1  }
0x45: {  	s25 =	simm.s32 $0x1DB00;
	s4 =	sadd.s32 s4, s28;
	[smem:$0x7EF] =	sst s0  }
0x46: {  	s3 =	simm.s32 $0x4;
	s0 =	simm.s32 $0x1;
	[smem:$0x7F7] =	sst s4  }
.LBB2_1:
0x47: {  	s5 =	rddreg [dreg:$0x1e]  }
0x48: {  	[tilespmem:s24], [sflag:$0x5] =	stream.linear.gather [hbm4b:s5+s21], $0x2000, $0x38;
	[tilespmem:$0x1FD00] =	vst v63  }
0x49: {  	_ =	swait.ge [sflag:s29], $0x2000  }
0x4a: {  	[sflag:s29] =	ssyncset.done $0x0  }
0x4b: {  	s5 =	smov.u32 s12;
	[sflag:s29] =	ssyncadd.s32 $0xFFFFE000  }
0x4c: {  	[spmem:s6] =	stream.linear.scatter [tilespmem:s24], [sflag:$0x5], $0x2000, $0x38;
	[tilespmem:$0x1FD00] =	vst v63  }
0x4d: {  	s12 =	smov.u32 s13;
	s13 =	smov.u32 s9;
	_ =	swait.ge [sflag:s29], $0x2000  }
0x4e: {  	s9 =	smov.u32 s6;
	s6 =	smov.u32 s7;
	s7 =	sld [smem:$0x7EA]  }
0x4f: {  	[sflag:s29] =	ssyncset.done $0x0  }
0x50: {  	[sflag:s29] =	ssyncadd.s32 $0xFFFFE000  }
0x51: {  	[spmem:s7] =	stream.linear.scatter [tilespmem:s24], [sflag:$0x5], $0x2000, $0x38;
	[tilespmem:$0x1FD00] =	vst v63  }
0x52: {  	_ =	swait.ge [sflag:s29], $0x2000  }
0x53: {  	[sflag:s29] =	ssyncset.done $0x0  }
0x54: {  	[sflag:s29] =	ssyncadd.s32 $0xFFFFE000  }
0x55: {  	[spmem:s8] =	stream.linear.scatter [tilespmem:s24], [sflag:$0x5], $0x2000, $0x38;
	[tilespmem:$0x1FD00] =	vst v63  }
0x56: {  	_ =	swait.ge [sflag:s29], $0x2000  }
0x57: {  	[sflag:s29] =	ssyncset.done $0x0  }
0x58: {  	[sflag:s29] =	ssyncadd.s32 $0xFFFFE000  }
0x59: {  	[spmem:s5] =	stream.linear.scatter [tilespmem:s24], [sflag:$0x5], $0x2000, $0x38;
	[tilespmem:$0x1FD00] =	vst v63  }
0x5a: {  	_ =	swait.ge [sflag:s29], $0x2000  }
0x5b: {  	[sflag:s29] =	ssyncset.done $0x0  }
0x5c: {  	[sflag:s29] =	ssyncadd.s32 $0xFFFFE000  }
0x5d: {  	[spmem:s13] =	stream.linear.scatter [tilespmem:s24], [sflag:$0x5], $0x2000, $0x38;
	[tilespmem:$0x1FD00] =	vst v63  }
0x5e: {  	_ =	swait.ge [sflag:s29], $0x2000  }
0x5f: {  	[sflag:s29] =	ssyncset.done $0x0  }
0x60: {  	[sflag:s29] =	ssyncadd.s32 $0xFFFFE000  }
0x61: {  	[spmem:s10] =	stream.linear.scatter [tilespmem:s24], [sflag:$0x5], $0x2000, $0x38;
	[tilespmem:$0x1FD00] =	vst v63  }
0x62: {  	_ =	swait.ge [sflag:s29], $0x2000  }
0x63: {  	[sflag:s29] =	ssyncset.done $0x0  }
0x64: {  	[sflag:s29] =	ssyncadd.s32 $0xFFFFE000  }
0x65: {  	[spmem:s6] =	stream.linear.scatter [tilespmem:s24], [sflag:$0x5], $0x2000, $0x38;
	[tilespmem:$0x1FD00] =	vst v63  }
0x66: {  	_ =	swait.ge [sflag:s29], $0x2000  }
0x67: {  	[sflag:s29] =	ssyncset.done $0x0  }
0x68: {  	[sflag:s29] =	ssyncadd.s32 $0xFFFFE000  }
0x69: {  	[spmem:s11] =	stream.linear.scatter [tilespmem:s24], [sflag:$0x5], $0x2000, $0x38;
	[tilespmem:$0x1FD00] =	vst v63  }
0x6a: {  	_ =	swait.ge [sflag:s29], $0x2000  }
0x6b: {  	[sflag:s29] =	ssyncset.done $0x0  }
0x6c: {  	[sflag:s29] =	ssyncadd.s32 $0xFFFFE000  }
0x6d: {  	[spmem:s14] =	stream.linear.scatter [tilespmem:s24], [sflag:$0x5], $0x2000, $0x38;
	[tilespmem:$0x1FD00] =	vst v63  }
0x6e: {  	_ =	swait.ge [sflag:s29], $0x2000  }
0x6f: {  	[sflag:s29] =	ssyncset.done $0x0  }
0x70: {  	[sflag:s29] =	ssyncadd.s32 $0xFFFFE000  }
0x71: {  	[spmem:s19] =	stream.linear.scatter [tilespmem:s24], [sflag:$0x5], $0x2000, $0x38;
	[tilespmem:$0x1FD00] =	vst v63  }
0x72: {  	_ =	swait.ge [sflag:s29], $0x2000  }
0x73: {  	[sflag:s29] =	ssyncset.done $0x0  }
0x74: {  	s7 =	rddreg [dreg:$0x1f];
	[sflag:s29] =	ssyncadd.s32 $0xFFFFE000  }
0x75: {  	[tilespmem:s30], [sflag:$0x5] =	stream.linear.gather [hbm4b:s7+s21], $0x200, $0x38;
	[tilespmem:$0x1FD00] =	vst v63  }
0x76: {  	_ =	swait.ge [sflag:s29], $0x200  }
0x77: {  	[sflag:s29] =	ssyncset.done $0x0  }
0x78: {  	[sflag:s29] =	ssyncadd.s32 $0xFFFFFE00  }
0x79: {  	[spmem:s17] =	stream.linear.scatter [tilespmem:s30], [sflag:$0x5], $0x200, $0x38;
	[tilespmem:$0x1FD00] =	vst v63  }
0x7a: {  	_ =	swait.ge [sflag:s29], $0x200  }
0x7b: {  	[sflag:s29] =	ssyncset.done $0x0  }
0x7c: {  	[sflag:s29] =	ssyncadd.s32 $0xFFFFFE00  }
0x7d: {  	[spmem:s18] =	stream.linear.scatter [tilespmem:s30], [sflag:$0x5], $0x200, $0x38;
	[tilespmem:$0x1FD00] =	vst v63  }
0x7e: {  	_ =	swait.ge [sflag:s29], $0x200  }
0x7f: {  	s14 =	sld [smem:$0x7EB]  }
0x80: {  	[sflag:s29] =	ssyncset.done $0x0  }
0x81: {  	[sflag:s29] =	ssyncadd.s32 $0xFFFFFE00  }
0x82: {  	[spmem:s14] =	stream.linear.scatter [tilespmem:s30], [sflag:$0x5], $0x200, $0x38;
	[tilespmem:$0x1FD00] =	vst v63  }
0x83: {  	s8 =	sld [smem:$0x7ED];
	_ =	swait.ge [sflag:s29], $0x200  }
0x84: {  	[sflag:s29] =	ssyncset.done $0x0  }
0x85: {  	[sflag:s29] =	ssyncadd.s32 $0xFFFFFE00  }
0x86: {  	[spmem:s16] =	stream.linear.scatter [tilespmem:s30], [sflag:$0x5], $0x200, $0x38;
	[tilespmem:$0x1FD00] =	vst v63  }
0x87: {  	_ =	swait.ge [sflag:s29], $0x200  }
0x88: {  	[sflag:s29] =	ssyncset.done $0x0  }
0x89: {  	[sflag:s29] =	ssyncadd.s32 $0xFFFFFE00  }
0x8a: {  	[spmem:s8] =	stream.linear.scatter [tilespmem:s30], [sflag:$0x5], $0x200, $0x38;
	[tilespmem:$0x1FD00] =	vst v63  }
0x8b: {  	_ =	swait.ge [sflag:s29], $0x200  }
0x8c: {  	[sflag:s29] =	ssyncset.done $0x0  }
0x8d: {  	[sflag:s29] =	ssyncadd.s32 $0xFFFFFE00  }
0x8e: {  	[spmem:s4] =	stream.linear.scatter [tilespmem:s30], [sflag:$0x5], $0x200, $0x38;
	[tilespmem:$0x1FD00] =	vst v63  }
0x8f: {  	_ =	swait.ge [sflag:s29], $0x200  }
0x90: {  	[sflag:s29] =	ssyncset.done $0x0  }
0x91: {  	[sflag:s29] =	ssyncadd.s32 $0xFFFFFE00  }
0x92: {  	[spmem:s1] =	stream.linear.scatter [tilespmem:s30], [sflag:$0x5], $0x200, $0x38;
	[tilespmem:$0x1FD00] =	vst v63  }
0x93: {  	_ =	swait.ge [sflag:s29], $0x200  }
0x94: {  	[sflag:s29] =	ssyncset.done $0x0  }
0x95: {  	[sflag:s29] =	ssyncadd.s32 $0xFFFFFE00  }
0x96: {  	[spmem:s20] =	stream.linear.scatter [tilespmem:s30], [sflag:$0x5], $0x200, $0x38;
	[tilespmem:$0x1FD00] =	vst v63  }
0x97: {  	_ =	swait.ge [sflag:s29], $0x200  }
0x98: {  	[sflag:s29] =	ssyncset.done $0x0  }
0x99: {  	[sflag:s29] =	ssyncadd.s32 $0xFFFFFE00  }
0x9a: {  	[spmem:s15] =	stream.linear.scatter [tilespmem:s30], [sflag:$0x5], $0x200, $0x38;
	[tilespmem:$0x1FD00] =	vst v63  }
0x9b: {  	_ =	swait.ge [sflag:s29], $0x200  }
0x9c: {  	[sflag:s29] =	ssyncset.done $0x0  }
0x9d: {  	[sflag:s29] =	ssyncadd.s32 $0xFFFFFE00  }
0x9e: {  	[spmem:s12] =	stream.linear.scatter [tilespmem:s30], [sflag:$0x5], $0x200, $0x38;
	[tilespmem:$0x1FD00] =	vst v63  }
0x9f: {  	_ =	swait.ge [sflag:s29], $0x200  }
0xa0: {  	s19 =	sld [smem:$0x7E9]  }
0xa1: {  	[sflag:s29] =	ssyncset.done $0x0  }
0xa2: {  	[sflag:s29] =	ssyncadd.s32 $0xFFFFFE00  }
0xa3: {  	[tilespmem:s30], [sflag:$0x5] =	stream.linear.gather [hbm4b:s19+s21], $0x200, $0x38;
	[tilespmem:$0x1FD00] =	vst v63  }
0xa4: {  	_ =	swait.ge [sflag:s29], $0x200  }
0xa5: {  	s5 =	simm.s32 @p0 $0x0;
	[sflag:s29] =	ssyncset.done $0x0  }
0xa6: {  	s6 =	simm.s32 @p0 $0x15400;
	s7 =	rddreg [dreg:$0x6];
	[sflag:s29] =	ssyncadd.s32 $0xFFFFFE00  }
0xa7: {  	[tilespmem:s6], [sflag:$0x5] =	stream.linear.gather @p0 [hbm4b:s7+s5], $0x1B80, $0x38;
	[tilespmem:$0x1FD00] =	vst v63  }
0xa8: {  	s6 =	simm.s32 @p0 $0x5  }
0xa9: {  	_ =	swait.ge @p0 [sflag:s6], $0x1B80  }
0xaa: {  	s11 =	smov.u32 s8;
	[sflag:s6] =	ssyncset.done @p0 $0x0  }
0xab: {  	s7 =	simm.s32 @p0 $0x18780;
	s8 =	rddreg [dreg:$0x7];
	[sflag:s6] =	ssyncadd.s32 @p0 $0xFFFFE480  }
0xac: {  	[tilespmem:s7], [sflag:$0x5] =	stream.linear.gather @p0 [hbm4b:s8+s5], $0x1B80, $0x38;
	[tilespmem:$0x1FD00] =	vst v63  }
0xad: {  	_ =	swait.ge @p0 [sflag:s6], $0x1B80  }
0xae: {  	s5 =	simm.s32 @!p0 $0x0;
	[sflag:s6] =	ssyncset.done @p0 $0x0  }
0xaf: {  	s7 =	rddreg [dreg:$0x8];
	[sflag:s6] =	ssyncadd.s32 @p0 $0xFFFFE480;
	s6 =	simm.s32 @!p0 $0x15400  }
0xb0: {  	[tilespmem:s6], [sflag:$0x5] =	stream.linear.gather @!p0 [hbm4b:s7+s5], $0x3380, $0x38;
	[tilespmem:$0x1FD00] =	vst v63  }
0xb1: {  	s6 =	simm.s32 @!p0 $0x5  }
0xb2: {  	_ =	swait.ge @!p0 [sflag:s6], $0x3380  }
0xb3: {  	[sflag:s6] =	ssyncset.done @!p0 $0x0  }
0xb4: {  	s7 =	simm.s32 @!p0 $0x18780;
	s8 =	rddreg [dreg:$0x9];
	[sflag:s6] =	ssyncadd.s32 @!p0 $0xFFFFCC80  }
0xb5: {  	[tilespmem:s7], [sflag:$0x5] =	stream.linear.gather @!p0 [hbm4b:s8+s5], $0x3380, $0x38;
	[tilespmem:$0x1FD00] =	vst v63  }
0xb6: {  	_ =	swait.ge @!p0 [sflag:s6], $0x3380  }
0xb7: {  	[sflag:s6] =	ssyncset.done @!p0 $0x0  }
0xb8: {  	[sflag:s6] =	ssyncadd.s32 @!p0 $0xFFFFCC80  }
0xb9: {  	s5 =	simm.s32 $0x15400;
	[bflag:$0x0] =	sbarrier.arrive $0xFFFF  }
0xba: {  	[tilespmem:s24], [sflag:$0x1] =	stream.indirect.gather [hbm4b:s22+s31], $0x80, s5, s31, $0xb8;
	[tilespmem:$0x1FD00] =	vst v63  }
0xbb: {  	s20 =	simm.s32 $0x15440  }
0xbc: {  	[tilespmem:s25], [sflag:$0x2] =	stream.indirect.gather [hbm4b:s22+s31], $0x80, s20, s31, $0xb8;
	[tilespmem:$0x1FD00] =	vst v63  }
0xbd: {  	_ =	swait.ge [sflag:s0], $0x2000  }
0xbe: {  	[sflag:s0] =	ssyncset.done $0x0  }
0xbf: {  	[sflag:s0] =	ssyncadd.s32 $0xFFFFE000  }
0xc0: {  	_ =	swait.ge [sflag:s23], $0x2000  }
0xc1: {  	[sflag:s23] =	ssyncset.done $0x0  }
0xc2: {  	s6 =	simm.s32 $0x18780;
	[sflag:s23] =	ssyncadd.s32 $0xFFFFE000  }
0xc3: {  	[spmem:s26] =	stream.indirect.scatter.add.f32 [tilespmem:s24], [sflag:$0x3], $0x80, s6, s31, $0xb8;
	[tilespmem:$0x1FD00] =	vst v63  }
0xc4: {  	s21 =	simm.s32 $0x187C0  }
0xc5: {  	[spmem:s26] =	stream.indirect.scatter.add.f32 [tilespmem:s25], [sflag:$0x4], $0x80, s21, s31, $0xb8;
	[tilespmem:$0x1FD00] =	vst v63  }
0xc6: {  	_ =	swait.ge [sflag:s2], $0x2000  }
0xc7: {  	[sflag:s2] =	ssyncset.done $0x0  }
0xc8: {  	[sflag:s2] =	ssyncadd.s32 $0xFFFFE000  }
0xc9: {  	_ =	swait.ge [sflag:s3], $0x2000  }
0xca: {  	s7 =	simm.s32 @!p0 $0x67;
	[sflag:s3] =	ssyncset.done $0x0  }
0xcb: {  	s7 =	simm.s32 @p0 $0x37;
	[sflag:s3] =	ssyncadd.s32 $0xFFFFE000  }
0xcc: {  	[spmem:s28] =	stream.indirect.scatter.add.f32 [tilespmem:s30], [sflag:$0x5], $0x8, s6, s31, $0xb8;
	[tilespmem:$0x1FD00] =	vst v63  }
0xcd: {  	p1 =	sne.s32 s7, $0x1;
	_ =	swait.ge [sflag:s29], $0x200  }
.Ltmp0:
0xce: {  	[sflag:s29] =	ssyncset.done $0x0;
	(pc) =	sbr.rel @!p1 .LBB2_3-.Ltmp0, $4  }
0xcf: {  	s13 =	smov.u32 s17;
	s17 =	smov.u32 s14;
	[sflag:s29] =	ssyncadd.s32 $0xFFFFFE00  }
0xd0: {  	[spmem:s28] =	stream.indirect.scatter.add.f32 [tilespmem:s30], [sflag:$0x5], $0x8, s21, s31, $0xb8;
	[tilespmem:$0x1FD00] =	vst v63  }
0xd1: {  	s14 =	smov.u32 s16;
	s4 =	smov.u32 s10;
	_ =	swait.ge [sflag:s29], $0x200  }
0xd2: {  	s1 =	simm.s32 $0x0;
	s7 =	sadd.s32 $0xFFFFFFFF, s7;
	[sflag:s29] =	ssyncset.done $0x0  }
.LBB2_2:
0xd3: {  	[sflag:s29] =	ssyncadd.s32 $0xFFFFFE00;
	s5 =	sadd.s32 $0x80, s5;
	s6 =	sadd.s32 $0x80, s6  }
0xd4: {  	[tilespmem:s24], [sflag:$0x1] =	stream.indirect.gather [hbm4b:s22+s31], $0x80, s5, s31, $0xb8;
	[tilespmem:$0x1FD00] =	vst v63  }
0xd5: {  	p1 =	sne.s32 s7, $0x1;
	s7 =	sadd.s32 $0xFFFFFFFF, s7;
	s8 =	sadd.s32 $0x40, s5  }
0xd6: {  	[tilespmem:s25], [sflag:$0x2] =	stream.indirect.gather [hbm4b:s22+s31], $0x80, s8, s31, $0xb8;
	[tilespmem:$0x1FD00] =	vst v63  }
0xd7: {  	_ =	swait.ge [sflag:s0], $0x2000  }
0xd8: {  	[sflag:s0] =	ssyncset.done $0x0  }
0xd9: {  	[sflag:s0] =	ssyncadd.s32 $0xFFFFE000  }
0xda: {  	_ =	swait.ge [sflag:s23], $0x2000  }
0xdb: {  	[sflag:s23] =	ssyncset.done $0x0  }
0xdc: {  	[sflag:s23] =	ssyncadd.s32 $0xFFFFE000  }
0xdd: {  	[spmem:s26] =	stream.indirect.scatter.add.f32 [tilespmem:s24], [sflag:$0x3], $0x80, s6, s31, $0xb8;
	[tilespmem:$0x1FD00] =	vst v63  }
0xde: {  	s8 =	sadd.s32 $0x40, s6  }
0xdf: {  	[spmem:s26] =	stream.indirect.scatter.add.f32 [tilespmem:s25], [sflag:$0x4], $0x80, s8, s31, $0xb8;
	[tilespmem:$0x1FD00] =	vst v63  }
0xe0: {  	_ =	swait.ge [sflag:s2], $0x2000  }
0xe1: {  	[sflag:s2] =	ssyncset.done $0x0  }
0xe2: {  	[sflag:s2] =	ssyncadd.s32 $0xFFFFE000  }
0xe3: {  	_ =	swait.ge [sflag:s3], $0x2000  }
0xe4: {  	[sflag:s3] =	ssyncset.done $0x0  }
0xe5: {  	[sflag:s3] =	ssyncadd.s32 $0xFFFFE000  }
0xe6: {  	[spmem:s28] =	stream.indirect.scatter.add.f32 [tilespmem:s30], [sflag:$0x5], $0x8, s6, s31, $0xb8;
	[tilespmem:$0x1FD00] =	vst v63  }
0xe7: {  	_ =	swait.ge [sflag:s29], $0x200  }
.Ltmp1:
0xe8: {  	[sflag:s29] =	ssyncset.done $0x0;
	(pc) =	sbr.rel @p1 .LBB2_2-.Ltmp1, $4  }
0xe9: {  	[sflag:s29] =	ssyncadd.s32 $0xFFFFFE00  }
0xea: {  	[spmem:s28] =	stream.indirect.scatter.add.f32 [tilespmem:s30], [sflag:$0x5], $0x8, s8, s31, $0xb8;
	[tilespmem:$0x1FD00] =	vst v63  }
0xeb: {  	_ =	swait.ge [sflag:s29], $0x200  }
0xec: {  	[sflag:s29] =	ssyncset.done $0x0  }
.LBB2_3:
0xed: {  	[sflag:s29] =	ssyncadd.s32 $0xFFFFFE00  }
0xee: {  	[bflag:$0x0] =	sbarrier.arrive $0xFFFF  }
0xef: {  	[tilespmem:s24], [sflag:$0x5] =	stream.linear.gather [spmem:s9], $0x2000, $0x38;
	[tilespmem:$0x1FD00] =	vst v63  }
0xf0: {  	_ =	swait.ge [sflag:s29], $0x2000  }
0xf1: {  	[sflag:s29] =	ssyncset.done $0x0  }
0xf2: {  	s5 =	rddreg [dreg:$0xa];
	[sflag:s29] =	ssyncadd.s32 $0xFFFFE000  }
0xf3: {  	[hbm4b:s5+s1] =	stream.linear.scatter [tilespmem:s24], [sflag:$0x5], $0x2000, $0x38;
	[tilespmem:$0x1FD00] =	vst v63  }
0xf4: {  	_ =	swait.ge [sflag:s29], $0x2000  }
0xf5: {  	[sflag:s29] =	ssyncset.done $0x0  }
0xf6: {  	[sflag:s29] =	ssyncadd.s32 $0xFFFFE000  }
0xf7: {  	[tilespmem:s30], [sflag:$0x5] =	stream.linear.gather [spmem:s13], $0x200, $0x38;
	[tilespmem:$0x1FD00] =	vst v63  }
0xf8: {  	_ =	swait.ge [sflag:s29], $0x200  }
0xf9: {  	[sflag:s29] =	ssyncset.done $0x0  }
0xfa: {  	s7 =	rddreg [dreg:$0x14];
	[sflag:s29] =	ssyncadd.s32 $0xFFFFFE00  }
0xfb: {  	[hbm4b:s7+s1] =	stream.linear.scatter [tilespmem:s30], [sflag:$0x5], $0x200, $0x38;
	[tilespmem:$0x1FD00] =	vst v63  }
0xfc: {  	_ =	swait.ge [sflag:s29], $0x200  }
0xfd: {  	s8 =	sld [smem:$0x7EA]  }
0xfe: {  	[sflag:s29] =	ssyncset.done $0x0  }
0xff: {  	[sflag:s29] =	ssyncadd.s32 $0xFFFFFE00  }
0x100: {  	[tilespmem:s24], [sflag:$0x5] =	stream.linear.gather [spmem:s8], $0x2000, $0x38;
	[tilespmem:$0x1FD00] =	vst v63  }
0x101: {  	_ =	swait.ge [sflag:s29], $0x2000  }
0x102: {  	[sflag:s29] =	ssyncset.done $0x0  }
0x103: {  	s10 =	smov.u32 s9;
	s9 =	rddreg [dreg:$0xb];
	[sflag:s29] =	ssyncadd.s32 $0xFFFFE000  }
0x104: {  	[hbm4b:s9+s1] =	stream.linear.scatter [tilespmem:s24], [sflag:$0x5], $0x2000, $0x38;
	[tilespmem:$0x1FD00] =	vst v63  }
0x105: {  	_ =	swait.ge [sflag:s29], $0x2000  }
0x106: {  	[sflag:s29] =	ssyncset.done $0x0  }
0x107: {  	[sflag:s29] =	ssyncadd.s32 $0xFFFFE000  }
0x108: {  	[tilespmem:s30], [sflag:$0x5] =	stream.linear.gather [spmem:s18], $0x200, $0x38;
	[tilespmem:$0x1FD00] =	vst v63  }
0x109: {  	_ =	swait.ge [sflag:s29], $0x200  }
0x10a: {  	[sflag:s29] =	ssyncset.done $0x0  }
0x10b: {  	s12 =	rddreg [dreg:$0x15];
	[sflag:s29] =	ssyncadd.s32 $0xFFFFFE00  }
0x10c: {  	[hbm4b:s12+s1] =	stream.linear.scatter [tilespmem:s30], [sflag:$0x5], $0x200, $0x38;
	[tilespmem:$0x1FD00] =	vst v63  }
0x10d: {  	_ =	swait.ge [sflag:s29], $0x200  }
0x10e: {  	s8 =	sld [smem:$0x7FC]  }
0x10f: {  	[sflag:s29] =	ssyncset.done $0x0  }
0x110: {  	[sflag:s29] =	ssyncadd.s32 $0xFFFFFE00  }
0x111: {  	[tilespmem:s24], [sflag:$0x5] =	stream.linear.gather [spmem:s8], $0x2000, $0x38;
	[tilespmem:$0x1FD00] =	vst v63  }
0x112: {  	_ =	swait.ge [sflag:s29], $0x2000  }
0x113: {  	[sflag:s29] =	ssyncset.done $0x0  }
0x114: {  	s15 =	rddreg [dreg:$0xc];
	[sflag:s29] =	ssyncadd.s32 $0xFFFFE000  }
0x115: {  	[hbm4b:s15+s1] =	stream.linear.scatter [tilespmem:s24], [sflag:$0x5], $0x2000, $0x38;
	[tilespmem:$0x1FD00] =	vst v63  }
0x116: {  	_ =	swait.ge [sflag:s29], $0x2000  }
0x117: {  	[sflag:s29] =	ssyncset.done $0x0  }
0x118: {  	[sflag:s29] =	ssyncadd.s32 $0xFFFFE000  }
0x119: {  	[tilespmem:s30], [sflag:$0x5] =	stream.linear.gather [spmem:s17], $0x200, $0x38;
	[tilespmem:$0x1FD00] =	vst v63  }
0x11a: {  	_ =	swait.ge [sflag:s29], $0x200  }
0x11b: {  	[sflag:s29] =	ssyncset.done $0x0  }
0x11c: {  	s16 =	rddreg [dreg:$0x16];
	[sflag:s29] =	ssyncadd.s32 $0xFFFFFE00  }
0x11d: {  	[hbm4b:s16+s1] =	stream.linear.scatter [tilespmem:s30], [sflag:$0x5], $0x200, $0x38;
	[tilespmem:$0x1FD00] =	vst v63  }
0x11e: {  	_ =	swait.ge [sflag:s29], $0x200  }
0x11f: {  	s12 =	sld [smem:$0x7F6]  }
0x120: {  	[sflag:s29] =	ssyncset.done $0x0  }
0x121: {  	[sflag:s29] =	ssyncadd.s32 $0xFFFFFE00  }
0x122: {  	[tilespmem:s24], [sflag:$0x5] =	stream.linear.gather [spmem:s12], $0x2000, $0x38;
	[tilespmem:$0x1FD00] =	vst v63  }
0x123: {  	_ =	swait.ge [sflag:s29], $0x2000  }
0x124: {  	[sflag:s29] =	ssyncset.done $0x0  }
0x125: {  	s17 =	rddreg [dreg:$0xd];
	[sflag:s29] =	ssyncadd.s32 $0xFFFFE000  }
0x126: {  	[hbm4b:s17+s1] =	stream.linear.scatter [tilespmem:s24], [sflag:$0x5], $0x2000, $0x38;
	[tilespmem:$0x1FD00] =	vst v63  }
0x127: {  	_ =	swait.ge [sflag:s29], $0x2000  }
0x128: {  	[sflag:s29] =	ssyncset.done $0x0  }
0x129: {  	[sflag:s29] =	ssyncadd.s32 $0xFFFFE000  }
0x12a: {  	[tilespmem:s30], [sflag:$0x5] =	stream.linear.gather [spmem:s14], $0x200, $0x38;
	[tilespmem:$0x1FD00] =	vst v63  }
0x12b: {  	_ =	swait.ge [sflag:s29], $0x200  }
0x12c: {  	[sflag:s29] =	ssyncset.done $0x0  }
0x12d: {  	s19 =	rddreg [dreg:$0x17];
	[sflag:s29] =	ssyncadd.s32 $0xFFFFFE00  }
0x12e: {  	[hbm4b:s19+s1] =	stream.linear.scatter [tilespmem:s30], [sflag:$0x5], $0x200, $0x38;
	[tilespmem:$0x1FD00] =	vst v63  }
0x12f: {  	_ =	swait.ge [sflag:s29], $0x200  }
0x130: {  	s9 =	sld [smem:$0x7F5]  }
0x131: {  	[sflag:s29] =	ssyncset.done $0x0  }
0x132: {  	[sflag:s29] =	ssyncadd.s32 $0xFFFFFE00  }
0x133: {  	[tilespmem:s24], [sflag:$0x5] =	stream.linear.gather [spmem:s9], $0x2000, $0x38;
	[tilespmem:$0x1FD00] =	vst v63  }
0x134: {  	_ =	swait.ge [sflag:s29], $0x2000  }
0x135: {  	[sflag:s29] =	ssyncset.done $0x0  }
0x136: {  	s20 =	rddreg [dreg:$0xe];
	[sflag:s29] =	ssyncadd.s32 $0xFFFFE000  }
0x137: {  	[hbm4b:s20+s1] =	stream.linear.scatter [tilespmem:s24], [sflag:$0x5], $0x2000, $0x38;
	[tilespmem:$0x1FD00] =	vst v63  }
0x138: {  	_ =	swait.ge [sflag:s29], $0x2000  }
0x139: {  	[sflag:s29] =	ssyncset.done $0x0  }
0x13a: {  	[sflag:s29] =	ssyncadd.s32 $0xFFFFE000  }
0x13b: {  	[tilespmem:s30], [sflag:$0x5] =	stream.linear.gather [spmem:s11], $0x200, $0x38;
	[tilespmem:$0x1FD00] =	vst v63  }
0x13c: {  	_ =	swait.ge [sflag:s29], $0x200  }
0x13d: {  	[sflag:s29] =	ssyncset.done $0x0  }
0x13e: {  	s21 =	rddreg [dreg:$0x18];
	[sflag:s29] =	ssyncadd.s32 $0xFFFFFE00  }
0x13f: {  	[hbm4b:s21+s1] =	stream.linear.scatter [tilespmem:s30], [sflag:$0x5], $0x200, $0x38;
	[tilespmem:$0x1FD00] =	vst v63  }
0x140: {  	_ =	swait.ge [sflag:s29], $0x200  }
0x141: {  	[sflag:s29] =	ssyncset.done $0x0  }
0x142: {  	[sflag:s29] =	ssyncadd.s32 $0xFFFFFE00  }
0x143: {  	[tilespmem:s24], [sflag:$0x5] =	stream.linear.gather [spmem:s4], $0x2000, $0x38;
	[tilespmem:$0x1FD00] =	vst v63  }
0x144: {  	_ =	swait.ge [sflag:s29], $0x2000  }
0x145: {  	[sflag:s29] =	ssyncset.done $0x0  }
0x146: {  	s6 =	rddreg [dreg:$0xf];
	[sflag:s29] =	ssyncadd.s32 $0xFFFFE000  }
0x147: {  	[hbm4b:s6+s1] =	stream.linear.scatter [tilespmem:s24], [sflag:$0x5], $0x2000, $0x38;
	[tilespmem:$0x1FD00] =	vst v63  }
0x148: {  	_ =	swait.ge [sflag:s29], $0x2000  }
0x149: {  	s4 =	sld [smem:$0x7F7]  }
0x14a: {  	[sflag:s29] =	ssyncset.done $0x0  }
0x14b: {  	[sflag:s29] =	ssyncadd.s32 $0xFFFFE000  }
0x14c: {  	[tilespmem:s30], [sflag:$0x5] =	stream.linear.gather [spmem:s4], $0x200, $0x38;
	[tilespmem:$0x1FD00] =	vst v63  }
0x14d: {  	_ =	swait.ge [sflag:s29], $0x200  }
0x14e: {  	[sflag:s29] =	ssyncset.done $0x0  }
0x14f: {  	s7 =	rddreg [dreg:$0x19];
	[sflag:s29] =	ssyncadd.s32 $0xFFFFFE00  }
0x150: {  	[hbm4b:s7+s1] =	stream.linear.scatter [tilespmem:s30], [sflag:$0x5], $0x200, $0x38;
	[tilespmem:$0x1FD00] =	vst v63  }
0x151: {  	_ =	swait.ge [sflag:s29], $0x200  }
0x152: {  	s7 =	sld [smem:$0x7F4]  }
0x153: {  	[sflag:s29] =	ssyncset.done $0x0  }
0x154: {  	[sflag:s29] =	ssyncadd.s32 $0xFFFFFE00  }
0x155: {  	[tilespmem:s24], [sflag:$0x5] =	stream.linear.gather [spmem:s7], $0x2000, $0x38;
	[tilespmem:$0x1FD00] =	vst v63  }
0x156: {  	_ =	swait.ge [sflag:s29], $0x2000  }
0x157: {  	[sflag:s29] =	ssyncset.done $0x0  }
0x158: {  	s11 =	rddreg [dreg:$0x10];
	[sflag:s29] =	ssyncadd.s32 $0xFFFFE000  }
0x159: {  	[hbm4b:s11+s1] =	stream.linear.scatter [tilespmem:s24], [sflag:$0x5], $0x2000, $0x38;
	[tilespmem:$0x1FD00] =	vst v63  }
0x15a: {  	_ =	swait.ge [sflag:s29], $0x2000  }
0x15b: {  	s1 =	sld [smem:$0x7F8]  }
0x15c: {  	[sflag:s29] =	ssyncset.done $0x0  }
0x15d: {  	[sflag:s29] =	ssyncadd.s32 $0xFFFFE000  }
0x15e: {  	[tilespmem:s30], [sflag:$0x5] =	stream.linear.gather [spmem:s1], $0x200, $0x38;
	[tilespmem:$0x1FD00] =	vst v63  }
0x15f: {  	_ =	swait.ge [sflag:s29], $0x200  }
0x160: {  	s16 =	smov.u32 s14;
	[sflag:s29] =	ssyncset.done $0x0  }
0x161: {  	s21 =	simm.s32 $0x0;
	s14 =	rddreg [dreg:$0x1a];
	[sflag:s29] =	ssyncadd.s32 $0xFFFFFE00  }
0x162: {  	[hbm4b:s14+s21] =	stream.linear.scatter [tilespmem:s30], [sflag:$0x5], $0x200, $0x38;
	[tilespmem:$0x1FD00] =	vst v63  }
0x163: {  	_ =	swait.ge [sflag:s29], $0x200  }
0x164: {  	s11 =	sld [smem:$0x7F3]  }
0x165: {  	[sflag:s29] =	ssyncset.done $0x0  }
0x166: {  	[sflag:s29] =	ssyncadd.s32 $0xFFFFFE00  }
0x167: {  	[tilespmem:s24], [sflag:$0x5] =	stream.linear.gather [spmem:s11], $0x2000, $0x38;
	[tilespmem:$0x1FD00] =	vst v63  }
0x168: {  	_ =	swait.ge [sflag:s29], $0x2000  }
0x169: {  	[sflag:s29] =	ssyncset.done $0x0  }
0x16a: {  	s15 =	rddreg [dreg:$0x11];
	[sflag:s29] =	ssyncadd.s32 $0xFFFFE000  }
0x16b: {  	[hbm4b:s15+s21] =	stream.linear.scatter [tilespmem:s24], [sflag:$0x5], $0x2000, $0x38;
	[tilespmem:$0x1FD00] =	vst v63  }
0x16c: {  	_ =	swait.ge [sflag:s29], $0x2000  }
0x16d: {  	s20 =	sld [smem:$0x7F9]  }
0x16e: {  	[sflag:s29] =	ssyncset.done $0x0  }
0x16f: {  	[sflag:s29] =	ssyncadd.s32 $0xFFFFE000  }
0x170: {  	[tilespmem:s30], [sflag:$0x5] =	stream.linear.gather [spmem:s20], $0x200, $0x38;
	[tilespmem:$0x1FD00] =	vst v63  }
0x171: {  	_ =	swait.ge [sflag:s29], $0x200  }
0x172: {  	[sflag:s29] =	ssyncset.done $0x0  }
0x173: {  	s17 =	rddreg [dreg:$0x1b];
	[sflag:s29] =	ssyncadd.s32 $0xFFFFFE00  }
0x174: {  	[hbm4b:s17+s21] =	stream.linear.scatter [tilespmem:s30], [sflag:$0x5], $0x200, $0x38;
	[tilespmem:$0x1FD00] =	vst v63  }
0x175: {  	_ =	swait.ge [sflag:s29], $0x200  }
0x176: {  	s14 =	sld [smem:$0x7F2]  }
0x177: {  	[sflag:s29] =	ssyncset.done $0x0  }
0x178: {  	[sflag:s29] =	ssyncadd.s32 $0xFFFFFE00  }
0x179: {  	[tilespmem:s24], [sflag:$0x5] =	stream.linear.gather [spmem:s14], $0x2000, $0x38;
	[tilespmem:$0x1FD00] =	vst v63  }
0x17a: {  	_ =	swait.ge [sflag:s29], $0x2000  }
0x17b: {  	[sflag:s29] =	ssyncset.done $0x0  }
0x17c: {  	s19 =	rddreg [dreg:$0x12];
	[sflag:s29] =	ssyncadd.s32 $0xFFFFE000  }
0x17d: {  	[hbm4b:s19+s21] =	stream.linear.scatter [tilespmem:s24], [sflag:$0x5], $0x2000, $0x38;
	[tilespmem:$0x1FD00] =	vst v63  }
0x17e: {  	_ =	swait.ge [sflag:s29], $0x2000  }
0x17f: {  	s15 =	sld [smem:$0x7FA]  }
0x180: {  	[sflag:s29] =	ssyncset.done $0x0  }
0x181: {  	[sflag:s29] =	ssyncadd.s32 $0xFFFFE000  }
0x182: {  	[tilespmem:s30], [sflag:$0x5] =	stream.linear.gather [spmem:s15], $0x200, $0x38;
	[tilespmem:$0x1FD00] =	vst v63  }
0x183: {  	_ =	swait.ge [sflag:s29], $0x200  }
0x184: {  	[sflag:s29] =	ssyncset.done $0x0  }
0x185: {  	s6 =	rddreg [dreg:$0x1c];
	[sflag:s29] =	ssyncadd.s32 $0xFFFFFE00  }
0x186: {  	[hbm4b:s6+s21] =	stream.linear.scatter [tilespmem:s30], [sflag:$0x5], $0x200, $0x38;
	[tilespmem:$0x1FD00] =	vst v63  }
0x187: {  	_ =	swait.ge [sflag:s29], $0x200  }
0x188: {  	s19 =	sld [smem:$0x7F1]  }
0x189: {  	[sflag:s29] =	ssyncset.done $0x0  }
0x18a: {  	[sflag:s29] =	ssyncadd.s32 $0xFFFFFE00  }
0x18b: {  	[tilespmem:s24], [sflag:$0x5] =	stream.linear.gather [spmem:s19], $0x2000, $0x38;
	[tilespmem:$0x1FD00] =	vst v63  }
0x18c: {  	_ =	swait.ge [sflag:s29], $0x2000  }
0x18d: {  	[sflag:s29] =	ssyncset.done $0x0  }
0x18e: {  	s17 =	smov.u32 s13;
	s13 =	rddreg [dreg:$0x13];
	[sflag:s29] =	ssyncadd.s32 $0xFFFFE000  }
0x18f: {  	[hbm4b:s13+s21] =	stream.linear.scatter [tilespmem:s24], [sflag:$0x5], $0x2000, $0x38;
	[tilespmem:$0x1FD00] =	vst v63  }
0x190: {  	_ =	swait.ge [sflag:s29], $0x2000  }
0x191: {  	s13 =	sld [smem:$0x7FB]  }
0x192: {  	[sflag:s29] =	ssyncset.done $0x0  }
0x193: {  	[sflag:s29] =	ssyncadd.s32 $0xFFFFE000  }
0x194: {  	[tilespmem:s30], [sflag:$0x5] =	stream.linear.gather [spmem:s13], $0x200, $0x38;
	[tilespmem:$0x1FD00] =	vst v63  }
0x195: {  	_ =	swait.ge [sflag:s29], $0x200  }
0x196: {  	[sflag:s29] =	ssyncset.done $0x0  }
0x197: {  	s6 =	rddreg [dreg:$0x1d];
	[sflag:s29] =	ssyncadd.s32 $0xFFFFFE00  }
0x198: {  	[hbm4b:s6+s21] =	stream.linear.scatter [tilespmem:s30], [sflag:$0x5], $0x200, $0x38;
	[tilespmem:$0x1FD00] =	vst v63  }
0x199: {  	_ =	swait.ge [sflag:s29], $0x200  }
0x19a: {  	s6 =	sld [smem:$0x7F0]  }
0x19b: {  	s5 =	sld [smem:$0x7EF];
	_ =	sdelay $0x1  }
0x19c: {  	s6 =	sadd.s32 $0x1, s6  }
0x19d: {  	p1 =	sne.s32 s6, s5  }
.Ltmp2:
0x19e: {  	_ = 	snop;
	(pc) =	sbr.rel @p1 .LBB2_1-.Ltmp2, $3  }
0x19f: {  	_ =	sdelay $0x1  }
0x1a0: {  	[sflag:s29] =	ssyncset.done $0x0;
	[smem:$0x7F0] =	sst s6  }
0x1a1: {  	[sflag:s29] =	ssyncadd.s32 $0xFFFFFE00;
	s6 =	smov.u32 s10;
	s10 =	sld [smem:$0x7FD]  }
0x1a2: {  	_ =	sfence.sel $0x180000  }
0x1a3: {  	[bflag:$0x0] =	sbarrier.arrive $0xFFFF  }
0x1a4: {  	_ =	strace $0x90000047  }
0x1a5: {  	s0 =	stileid.u32;
	[bflag:$0x2] =	sbarrier.arrive $0xFFFF  }
0x1a6: {  	p0 =	sne.s32 s0, $0x0;
	s0 =	rddreg [dreg:$0x5]  }
0x1a7: {  	s0 =	sadd.s32 @!p0 $0x100000, s0  }
0x1a8: {  	[sflag:s0] =	ssyncadd.tile.s32 @!p0 $0x1;
	_ =	shalt  }
.Lfunc_end2:
_tile_overlayer_lowered:
.L_overlay_start_2:
0x1a9: {  	(tag) =	ssettag $0x2  }
0x1aa: {  	s0 =	rddreg [dreg:$0x0];
	s2 =	stileid.u32  }
0x1ab: {  	s1 =	rddreg [dreg:$0x1];
	p0 =	sne.s32 s2, $0x0  }
0x1ac: {  	s3 =	rddreg [dreg:$0x2];
	[bflag:$0x3] =	sbarrier.arrive $0xFFFF;
	s2 =	simm.s32 @!p0 $0x1C05  }
0x1ad: {  	[timem:s3], [sflag:s2] =	dma.local @!p0 [hbm:s0], s1  }
0x1ae: {  	s0 =	simm.s32 @!p0 $0x5  }
0x1af: {  	_ =	swait.ge @!p0 [sflag:s0], s1  }
0x1b0: {  	s1 =	ssub.s32 @!p0 $0x0, s1;
	[sflag:s0] =	ssyncset.done @!p0 $0x0  }
0x1b1: {  	[sflag:s0] =	ssyncadd.s32 @!p0 s1  }
0x1b2: {  	[bflag:$0x3] =	sbarrier.arrive $0xFFFF  }
0x1b3: {  	_ =	shalt  }

</sc_bundles>
